<compile_context>
chip_gen: v7x
topology: tpu7x:2x2x1
jax: 0.10.2.dev20260603
libtpu: 0.0.44.dev20260713+nightly
codegen_flags: <defaults>
</compile_context>

<pallas_src>
import jax
import jax.numpy as jnp
from jax import lax
from jax.experimental import pallas as pl
from jax.experimental.pallas import tpu as pltpu
from jax.experimental.pallas import tpu_sc as plsc

NUM_NODES = 10000
NUM_EDGES = 320000
NUM_RELATIONS = 1000
HIDDEN = 128
PACKED = HIDDEN // 2

NC = 2
NS = 16
NW = NC * NS

E_CHUNK = 80
EDGES_PER_W = NUM_EDGES // NW
N_CHUNKS = EDGES_PER_W // E_CHUNK
BLOCK = 16
BLOCKS = E_CHUNK // BLOCK


def _normalize_body(z_ref, zn_ref):
    z = z_ref[...]
    ssq = jnp.sum(z * z, axis=1, keepdims=True)
    norm = jnp.maximum(jnp.sqrt(ssq), 1e-12)
    zn_ref[...] = (z / norm).astype(jnp.bfloat16)


def _normalize(z):
    return pl.pallas_call(
        _normalize_body,
        out_shape=jax.ShapeDtypeStruct((NUM_NODES, HIDDEN), jnp.bfloat16),
    )(z)


def _sc_score_body(zn, relc, src, dst, et, out,
                   sidx, didx, tidx, relv, s0, d0, s1, d1, outv, accm,
                   sem0, sem1):
    wid = lax.axis_index("s") * NC + lax.axis_index("c")
    base = pl.multiple_of(wid * EDGES_PER_W, 8)
    pltpu.sync_copy(src.at[pl.ds(base, EDGES_PER_W)], sidx)
    pltpu.sync_copy(dst.at[pl.ds(base, EDGES_PER_W)], didx)
    pltpu.sync_copy(et.at[pl.ds(base, EDGES_PER_W)], tidx)
    pltpu.sync_copy(relc, relv)

    bufs = ((s0, d0), (s1, d1))
    sems = (sem0, sem1)

    lane = lax.iota(jnp.int32, 16)
    lane16 = lane * 16

    def copies(c, slot):
        off = pl.multiple_of(c * E_CHUNK, 8)
        (sb, db), sem = bufs[slot], sems[slot]
        return (
            pltpu.make_async_copy(zn.at[sidx.at[pl.ds(off, E_CHUNK)]], sb, sem),
            pltpu.make_async_copy(zn.at[didx.at[pl.ds(off, E_CHUNK)]], db, sem),
        )

    def issue(c, slot):
        for cp in copies(c, slot):
            cp.start()

    def bc(v):
        return plsc.bitcast(v, jnp.bfloat16)

    def compute(c, slot):
        for cp in copies(c, slot):
            cp.wait()
        srows, drows = bufs[slot]
        obase = c * E_CHUNK

        def loads(e, etv):
            out_l = []
            for rows in (srows, drows):
                for j in range(4):
                    out_l.append(bc(rows[e, pl.ds(16 * j, 16)]))
            for j in range(4):
                out_l.append(bc(relv[etv, pl.ds(16 * j, 16)]))
            return out_l

        def alu(ld):
            sr0, sr1, si0, si1, dr0, dr1, di0, di1, rr0, rr1, ri0, ri1 = ld
            t0 = (rr0 * (sr0 * dr0 + si0 * di0)
                  + ri0 * (sr0 * di0 - si0 * dr0))
            t1 = (rr1 * (sr1 * dr1 + si1 * di1)
                  + ri1 * (sr1 * di1 - si1 * dr1))
            a0, a1 = plsc.unpack(t0 + t1, format=plsc.PackFormat.INTERLEAVED)
            return a0 + a1

        def edge_block(eb, carry):
            base_e = eb * BLOCK
            etvec = tidx[pl.ds(pl.multiple_of(obase + base_e, 16), 16)]
            ext = [etvec[0], etvec[1], etvec[2]]
            ldq = [loads(base_e, ext[0]), loads(base_e + 1, ext[1])]
            for u in range(BLOCK):
                if u + 3 < BLOCK:
                    ext.append(etvec[u + 3])
                if u + 2 < BLOCK:
                    ldq.append(loads(base_e + u + 2, ext[u + 2]))
                accm[pl.ds(16 * u, 16)] = alu(ldq.pop(0))
            diags = []
            for t in range(16):
                col = (lane + t) & 15
                diags.append(plsc.load_gather(accm, [col + lane16]))
            while len(diags) > 1:
                diags = [a + b for a, b in zip(diags[::2], diags[1::2])]
            outv[pl.ds(pl.multiple_of(obase + eb * BLOCK, 16), 16)] = diags[0]
            return carry

        lax.fori_loop(0, BLOCKS, edge_block, 0)

    issue(0, 0)

    def pair_body(i, carry):
        c0 = 2 * i
        issue(c0 + 1, 1)
        compute(c0, 0)
        issue(c0 + 2, 0)
        compute(c0 + 1, 1)
        return carry

    lax.fori_loop(0, (N_CHUNKS - 1) // 2, pair_body, 0)
    compute(N_CHUNKS - 1, 0)

    pltpu.sync_copy(outv, out.at[pl.ds(base, EDGES_PER_W)])


@jax.jit
def _sc_score(zn, relc, src, dst, et):
    mesh = plsc.VectorSubcoreMesh(core_axis_name="c", subcore_axis_name="s")
    return pl.kernel(
        _sc_score_body,
        mesh=mesh,
        compiler_params=pltpu.CompilerParams(
            needs_layout_passes=False, use_tc_tiling_on_sc=False),
        out_type=jax.ShapeDtypeStruct((NUM_EDGES,), jnp.float32),
        scratch_types=[
            pltpu.VMEM((EDGES_PER_W,), jnp.int32),
            pltpu.VMEM((EDGES_PER_W,), jnp.int32),
            pltpu.VMEM((EDGES_PER_W,), jnp.int32),
            pltpu.VMEM((NUM_RELATIONS, PACKED), jnp.int32),
            pltpu.VMEM((E_CHUNK, PACKED), jnp.int32),
            pltpu.VMEM((E_CHUNK, PACKED), jnp.int32),
            pltpu.VMEM((E_CHUNK, PACKED), jnp.int32),
            pltpu.VMEM((E_CHUNK, PACKED), jnp.int32),
            pltpu.VMEM((EDGES_PER_W,), jnp.float32),
            pltpu.VMEM((256,), jnp.float32),
            pltpu.SemaphoreType.DMA,
            pltpu.SemaphoreType.DMA,
        ],
    )(zn, relc, src, dst, et)


def _pack_rows(x_bf16):
    n, d = x_bf16.shape
    return jax.lax.bitcast_convert_type(
        x_bf16.reshape(n, d // 2, 2), jnp.int32)


def kernel(z, edge_index, edge_type, rel_re, rel_im):
    zn = _normalize(z)
    relc = jnp.concatenate([rel_re, rel_im], axis=1).astype(jnp.bfloat16)
    src = edge_index[0].astype(jnp.int32)
    dst = edge_index[1].astype(jnp.int32)
    et = edge_type.astype(jnp.int32)
    return _sc_score(_pack_rows(zn), _pack_rows(relc), src, dst, et)

# --- scband reference (transcript-rebuilt; emitter-appended) ---
"""Pipeline reference for scband-compl-ex-decoder-30674656428512 (READ-ONLY COPY).

The authoritative reference and input builder live on the scoring server;
editing this copy changes nothing except your own understanding.
"""

import jax, jax.numpy as jnp
import numpy as np

NUM_NODES = 10000
NUM_EDGES = 320000
NUM_RELATIONS = 1000
HIDDEN = 128
HALF = HIDDEN // 2


def _xavier_uniform(key, shape):
    fan_in, fan_out = shape[0], shape[1]
    limit = float(np.sqrt(6.0 / (fan_in + fan_out)))
    return jax.random.uniform(key, shape, dtype=jnp.float32, minval=-limit, maxval=limit)


def setup_inputs(seed: int = 0) -> dict:
    key = jax.random.key(seed)
    k1, k2, k3, k4, k5 = jax.random.split(key, 5)
    z = jax.random.normal(k1, (NUM_NODES, HIDDEN), dtype=jnp.float32)
    edge_index = jax.random.randint(k2, (2, NUM_EDGES), 0, NUM_NODES, dtype=jnp.int64)
    edge_type = jax.random.randint(k3, (NUM_EDGES,), 0, NUM_RELATIONS, dtype=jnp.int64)
    rel_re = _xavier_uniform(k4, (NUM_RELATIONS, HALF))
    rel_im = _xavier_uniform(k5, (NUM_RELATIONS, HALF))
    return {"z": z, "edge_index": edge_index, "edge_type": edge_type, "rel_re": rel_re, "rel_im": rel_im}


def reference(z, edge_index, edge_type, rel_re, rel_im):
    # F.normalize(z, p=2, dim=1) with eps clamp 1e-12
    norm = jnp.maximum(jnp.linalg.norm(z, ord=2, axis=1, keepdims=True), 1e-12)
    zn = z / norm
    z_re, z_im = jnp.split(zn, 2, axis=-1)
    src = edge_index[0]
    dst = edge_index[1]
    z_src_re = jnp.take(z_re, src, axis=0)
    z_src_im = jnp.take(z_im, src, axis=0)
    z_dst_re = jnp.take(z_re, dst, axis=0)
    z_dst_im = jnp.take(z_im, dst, axis=0)
    r_re = jnp.take(rel_re, edge_type, axis=0)
    r_im = jnp.take(rel_im, edge_type, axis=0)
    score = (z_src_re * r_re - z_src_im * r_im) * z_dst_re + (z_src_re * r_im + z_src_im * r_re) * z_dst_im
    return jnp.sum(score, axis=1)

if __name__ == "__main__":
    import jax
    _d = setup_inputs()
    print(jax.jit(kernel)(*tuple(_d.values())))

</pallas_src>

<mosaic_0001>
#map = affine_map<(d0, d1) -> (0, 0)>
#map1 = affine_map<(d0, d1) -> (0)>
module attributes {stable_mosaic.version = 14 : i64} {
  func.func @_sc_score_body(%arg0: i32, %arg1: i32, %arg2: memref<10000x64xi32, #tpu.memory_space<hbm>>, %arg3: memref<1000x64xi32, #tpu.memory_space<hbm>>, %arg4: memref<320000xi32, #tpu.memory_space<hbm>>, %arg5: memref<320000xi32, #tpu.memory_space<hbm>>, %arg6: memref<320000xi32, #tpu.memory_space<hbm>>, %arg7: memref<320000xf32, #tpu.memory_space<hbm>>, %arg8: memref<10000xi32, #tpu.memory_space<vmem>>, %arg9: memref<10000xi32, #tpu.memory_space<vmem>>, %arg10: memref<10000xi32, #tpu.memory_space<vmem>>, %arg11: memref<1000x64xi32, #tpu.memory_space<vmem>>, %arg12: memref<80x64xi32, #tpu.memory_space<vmem>>, %arg13: memref<80x64xi32, #tpu.memory_space<vmem>>, %arg14: memref<80x64xi32, #tpu.memory_space<vmem>>, %arg15: memref<80x64xi32, #tpu.memory_space<vmem>>, %arg16: memref<10000xf32, #tpu.memory_space<vmem>>, %arg17: memref<256xf32, #tpu.memory_space<vmem>>, %arg18: memref<!tpu.dma_semaphore, #tpu.memory_space<semaphore_mem>>, %arg19: memref<!tpu.dma_semaphore, #tpu.memory_space<semaphore_mem>>) attributes {dimension_semantics = [#tpu.dimension_semantics<core_parallel>, #tpu.dimension_semantics<subcore_parallel>], iteration_bounds = array<i64: 2, 16>, scalar_prefetch = 0 : i64, scratch_operands = 12 : i64, tpu.core_type = #tpu.core_type<sc_vector_subcore>, window_params = [{transform_indices = #map}, {transform_indices = #map}, {transform_indices = #map1}, {transform_indices = #map1}, {transform_indices = #map1}, {transform_indices = #map1}]} {
    %mul3A = arith.constant 2 : i32
    %mul3A_0 = arith.muli %arg1, %mul3A : i32
    %add3A = arith.addi %mul3A_0, %arg0 : i32
    %mul3A_1 = arith.constant 10000 : i32
    %mul3A_2 = arith.muli %add3A, %mul3A_1 : i32
    %multiple_of3A = tpu.assume_multiple %mul3A_2, 8 : i32
    "tpu.region"() ({
      %run_scoped3A = tpu.sem_alloc : memref<!tpu.dma_semaphore, #tpu.memory_space<semaphore_mem>>
      %dma_start3A_35 = tpu.memref_slice %arg4[%multiple_of3A] : memref<320000xi32, #tpu.memory_space<hbm>> -> memref<10000xi32, #tpu.memory_space<hbm>>
      %dma_start3A_36 = tpu.memref_slice %arg4[%multiple_of3A] : memref<320000xi32, #tpu.memory_space<hbm>> -> memref<10000xi32, #tpu.memory_space<hbm>>
      tpu.enqueue_dma source(%dma_start3A_36 : memref<10000xi32, #tpu.memory_space<hbm>>) target(%arg8 : memref<10000xi32, #tpu.memory_space<vmem>>) target_semaphore(%run_scoped3A : memref<!tpu.dma_semaphore, #tpu.memory_space<semaphore_mem>>)
      %dma_wait3A_37 = tpu.memref_slice %arg4[%multiple_of3A] : memref<320000xi32, #tpu.memory_space<hbm>> -> memref<10000xi32, #tpu.memory_space<hbm>>
      %dma_wait3A_38 = tpu.memref_slice %arg4[%multiple_of3A] : memref<320000xi32, #tpu.memory_space<hbm>> -> memref<10000xi32, #tpu.memory_space<hbm>>
      tpu.wait_dma2 semaphore(%run_scoped3A : memref<!tpu.dma_semaphore, #tpu.memory_space<semaphore_mem>>) src(%dma_wait3A_38 : memref<10000xi32, #tpu.memory_space<hbm>>) dst(%arg8 : memref<10000xi32, #tpu.memory_space<vmem>>)
      tpu.yield
    }) : () -> ()
    "tpu.region"() ({
      %run_scoped3A = tpu.sem_alloc : memref<!tpu.dma_semaphore, #tpu.memory_space<semaphore_mem>>
      %dma_start3A_35 = tpu.memref_slice %arg5[%multiple_of3A] : memref<320000xi32, #tpu.memory_space<hbm>> -> memref<10000xi32, #tpu.memory_space<hbm>>
      %dma_start3A_36 = tpu.memref_slice %arg5[%multiple_of3A] : memref<320000xi32, #tpu.memory_space<hbm>> -> memref<10000xi32, #tpu.memory_space<hbm>>
      tpu.enqueue_dma source(%dma_start3A_36 : memref<10000xi32, #tpu.memory_space<hbm>>) target(%arg9 : memref<10000xi32, #tpu.memory_space<vmem>>) target_semaphore(%run_scoped3A : memref<!tpu.dma_semaphore, #tpu.memory_space<semaphore_mem>>)
      %dma_wait3A_37 = tpu.memref_slice %arg5[%multiple_of3A] : memref<320000xi32, #tpu.memory_space<hbm>> -> memref<10000xi32, #tpu.memory_space<hbm>>
      %dma_wait3A_38 = tpu.memref_slice %arg5[%multiple_of3A] : memref<320000xi32, #tpu.memory_space<hbm>> -> memref<10000xi32, #tpu.memory_space<hbm>>
      tpu.wait_dma2 semaphore(%run_scoped3A : memref<!tpu.dma_semaphore, #tpu.memory_space<semaphore_mem>>) src(%dma_wait3A_38 : memref<10000xi32, #tpu.memory_space<hbm>>) dst(%arg9 : memref<10000xi32, #tpu.memory_space<vmem>>)
      tpu.yield
    }) : () -> ()
    "tpu.region"() ({
      %run_scoped3A = tpu.sem_alloc : memref<!tpu.dma_semaphore, #tpu.memory_space<semaphore_mem>>
      %dma_start3A_35 = tpu.memref_slice %arg6[%multiple_of3A] : memref<320000xi32, #tpu.memory_space<hbm>> -> memref<10000xi32, #tpu.memory_space<hbm>>
      %dma_start3A_36 = tpu.memref_slice %arg6[%multiple_of3A] : memref<320000xi32, #tpu.memory_space<hbm>> -> memref<10000xi32, #tpu.memory_space<hbm>>
      tpu.enqueue_dma source(%dma_start3A_36 : memref<10000xi32, #tpu.memory_space<hbm>>) target(%arg10 : memref<10000xi32, #tpu.memory_space<vmem>>) target_semaphore(%run_scoped3A : memref<!tpu.dma_semaphore, #tpu.memory_space<semaphore_mem>>)
      %dma_wait3A_37 = tpu.memref_slice %arg6[%multiple_of3A] : memref<320000xi32, #tpu.memory_space<hbm>> -> memref<10000xi32, #tpu.memory_space<hbm>>
      %dma_wait3A_38 = tpu.memref_slice %arg6[%multiple_of3A] : memref<320000xi32, #tpu.memory_space<hbm>> -> memref<10000xi32, #tpu.memory_space<hbm>>
      tpu.wait_dma2 semaphore(%run_scoped3A : memref<!tpu.dma_semaphore, #tpu.memory_space<semaphore_mem>>) src(%dma_wait3A_38 : memref<10000xi32, #tpu.memory_space<hbm>>) dst(%arg10 : memref<10000xi32, #tpu.memory_space<vmem>>)
      tpu.yield
    }) : () -> ()
    "tpu.region"() ({
      %run_scoped3A = tpu.sem_alloc : memref<!tpu.dma_semaphore, #tpu.memory_space<semaphore_mem>>
      tpu.enqueue_dma source(%arg3 : memref<1000x64xi32, #tpu.memory_space<hbm>>) target(%arg11 : memref<1000x64xi32, #tpu.memory_space<vmem>>) target_semaphore(%run_scoped3A : memref<!tpu.dma_semaphore, #tpu.memory_space<semaphore_mem>>)
      tpu.wait_dma2 semaphore(%run_scoped3A : memref<!tpu.dma_semaphore, #tpu.memory_space<semaphore_mem>>) src(%arg3 : memref<1000x64xi32, #tpu.memory_space<hbm>>) dst(%arg11 : memref<1000x64xi32, #tpu.memory_space<vmem>>)
      tpu.yield
    }) : () -> ()
    %iota3A = tpu.iota {dimensions = array<i32: 0>} : vector<16xi32>
    %mul3A_3 = arith.constant 16 : i32
    %mul3A_4 = vector.broadcast %mul3A_3 : i32 to vector<16xi32>
    %mul3A_5 = arith.muli %iota3A, %mul3A_4 : vector<16xi32>
    %multiple_of3A_6 = arith.constant 0 : i32
    %multiple_of3A_7 = tpu.assume_multiple %multiple_of3A_6, 8 : i32
    %dma_start3A = tpu.memref_slice %arg8[%multiple_of3A_7] : memref<10000xi32, #tpu.memory_space<vmem>> -> memref<80xi32, #tpu.memory_space<vmem>>
    %dma_start3A_8 = arith.constant 0 : i32
    %dma_start3A_9 = arith.constant 0 : i32
    %dma_start3A_10 = tpu.memref_slice %arg2[%dma_start3A_8, %dma_start3A_9] : memref<10000x64xi32, #tpu.memory_space<hbm>> -> memref<10000x64xi32, #tpu.memory_space<hbm>>
    tpu.enqueue_indirect_dma source(%dma_start3A_10 : memref<10000x64xi32, #tpu.memory_space<hbm>>) target(%arg12 : memref<80x64xi32, #tpu.memory_space<vmem>>) offsets(%dma_start3A : memref<80xi32, #tpu.memory_space<vmem>>) semaphore(%arg18 : memref<!tpu.dma_semaphore, #tpu.memory_space<semaphore_mem>>)
    %dma_start3A_11 = tpu.memref_slice %arg9[%multiple_of3A_7] : memref<10000xi32, #tpu.memory_space<vmem>> -> memref<80xi32, #tpu.memory_space<vmem>>
    %dma_start3A_12 = arith.constant 0 : i32
    %dma_start3A_13 = arith.constant 0 : i32
    %dma_start3A_14 = tpu.memref_slice %arg2[%dma_start3A_12, %dma_start3A_13] : memref<10000x64xi32, #tpu.memory_space<hbm>> -> memref<10000x64xi32, #tpu.memory_space<hbm>>
    tpu.enqueue_indirect_dma source(%dma_start3A_14 : memref<10000x64xi32, #tpu.memory_space<hbm>>) target(%arg13 : memref<80x64xi32, #tpu.memory_space<vmem>>) offsets(%dma_start3A_11 : memref<80xi32, #tpu.memory_space<vmem>>) semaphore(%arg18 : memref<!tpu.dma_semaphore, #tpu.memory_space<semaphore_mem>>)
    %scan3A = arith.constant 0 : i32
    %scan3A_15 = arith.constant 0 : i32
    %scan3A_16 = arith.constant 62 : i32
    %scan3A_17 = arith.addi %scan3A_15, %scan3A_16 : i32
    %scan3A_18 = arith.constant 1 : i32
    scf.for %scan3A_35 = %scan3A_15 to %scan3A_17 step %scan3A_18  : i32 {
      %mul3A_36 = arith.constant 2 : i32
      %mul3A_37 = arith.muli %mul3A_36, %scan3A_35 : i32
      %add3A_38 = arith.constant 1 : i32
      %add3A_39 = arith.addi %mul3A_37, %add3A_38 : i32
      %mul3A_40 = arith.constant 80 : i32
      %mul3A_41 = arith.muli %add3A_39, %mul3A_40 : i32
      %multiple_of3A_42 = tpu.assume_multiple %mul3A_41, 8 : i32
      %dma_start3A_43 = tpu.memref_slice %arg8[%multiple_of3A_42] : memref<10000xi32, #tpu.memory_space<vmem>> -> memref<80xi32, #tpu.memory_space<vmem>>
      %dma_start3A_44 = arith.constant 0 : i32
      %dma_start3A_45 = arith.constant 0 : i32
      %dma_start3A_46 = tpu.memref_slice %arg2[%dma_start3A_44, %dma_start3A_45] : memref<10000x64xi32, #tpu.memory_space<hbm>> -> memref<10000x64xi32, #tpu.memory_space<hbm>>
      tpu.enqueue_indirect_dma source(%dma_start3A_46 : memref<10000x64xi32, #tpu.memory_space<hbm>>) target(%arg14 : memref<80x64xi32, #tpu.memory_space<vmem>>) offsets(%dma_start3A_43 : memref<80xi32, #tpu.memory_space<vmem>>) semaphore(%arg19 : memref<!tpu.dma_semaphore, #tpu.memory_space<semaphore_mem>>)
      %dma_start3A_47 = tpu.memref_slice %arg9[%multiple_of3A_42] : memref<10000xi32, #tpu.memory_space<vmem>> -> memref<80xi32, #tpu.memory_space<vmem>>
      %dma_start3A_48 = arith.constant 0 : i32
      %dma_start3A_49 = arith.constant 0 : i32
      %dma_start3A_50 = tpu.memref_slice %arg2[%dma_start3A_48, %dma_start3A_49] : memref<10000x64xi32, #tpu.memory_space<hbm>> -> memref<10000x64xi32, #tpu.memory_space<hbm>>
      tpu.enqueue_indirect_dma source(%dma_start3A_50 : memref<10000x64xi32, #tpu.memory_space<hbm>>) target(%arg15 : memref<80x64xi32, #tpu.memory_space<vmem>>) offsets(%dma_start3A_47 : memref<80xi32, #tpu.memory_space<vmem>>) semaphore(%arg19 : memref<!tpu.dma_semaphore, #tpu.memory_space<semaphore_mem>>)
      %mul3A_51 = arith.constant 80 : i32
      %mul3A_52 = arith.muli %mul3A_37, %mul3A_51 : i32
      %multiple_of3A_53 = tpu.assume_multiple %mul3A_52, 8 : i32
      %dma_wait3A_54 = tpu.memref_slice %arg8[%multiple_of3A_53] : memref<10000xi32, #tpu.memory_space<vmem>> -> memref<80xi32, #tpu.memory_space<vmem>>
      %dma_wait3A_55 = arith.constant 0 : i32
      %dma_wait3A_56 = arith.constant 0 : i32
      %dma_wait3A_57 = tpu.memref_slice %arg2[%dma_wait3A_55, %dma_wait3A_56] : memref<10000x64xi32, #tpu.memory_space<hbm>> -> memref<10000x64xi32, #tpu.memory_space<hbm>>
      tpu.wait_indirect_dma semaphore(%arg18 : memref<!tpu.dma_semaphore, #tpu.memory_space<semaphore_mem>>) src(%dma_wait3A_57 : memref<10000x64xi32, #tpu.memory_space<hbm>>) dst(%arg12 : memref<80x64xi32, #tpu.memory_space<vmem>>)
      %dma_wait3A_58 = tpu.memref_slice %arg9[%multiple_of3A_53] : memref<10000xi32, #tpu.memory_space<vmem>> -> memref<80xi32, #tpu.memory_space<vmem>>
      %dma_wait3A_59 = arith.constant 0 : i32
      %dma_wait3A_60 = arith.constant 0 : i32
      %dma_wait3A_61 = tpu.memref_slice %arg2[%dma_wait3A_59, %dma_wait3A_60] : memref<10000x64xi32, #tpu.memory_space<hbm>> -> memref<10000x64xi32, #tpu.memory_space<hbm>>
      tpu.wait_indirect_dma semaphore(%arg18 : memref<!tpu.dma_semaphore, #tpu.memory_space<semaphore_mem>>) src(%dma_wait3A_61 : memref<10000x64xi32, #tpu.memory_space<hbm>>) dst(%arg13 : memref<80x64xi32, #tpu.memory_space<vmem>>)
      %mul3A_62 = arith.constant 80 : i32
      %mul3A_63 = arith.muli %mul3A_37, %mul3A_62 : i32
      %scan3A_64 = arith.constant 0 : i32
      %scan3A_65 = arith.constant 0 : i32
      %scan3A_66 = arith.constant 5 : i32
      %scan3A_67 = arith.addi %scan3A_65, %scan3A_66 : i32
      %scan3A_68 = arith.constant 1 : i32
      scf.for %scan3A_104 = %scan3A_65 to %scan3A_67 step %scan3A_68  : i32 {
        %mul3A_105 = arith.constant 16 : i32
        %mul3A_106 = arith.muli %scan3A_104, %mul3A_105 : i32
        %add3A_107 = arith.addi %mul3A_63, %mul3A_106 : i32
        %multiple_of3A_108 = tpu.assume_multiple %add3A_107, 16 : i32
        %get3A = arith.index_cast %multiple_of3A_108 : i32 to index
        %get3A_109 = tpu.vector_load %arg10[%get3A] {strides = array<i32>} : memref<10000xi32, #tpu.memory_space<vmem>>, vector<16xi32>,
        %slice3A = vector.extract_strided_slice %get3A_109 {offsets = [0], sizes = [1], strides = [1]} : vector<16xi32> to vector<1xi32>
        %squeeze3A = vector.extract %slice3A[0] : i32 from vector<1xi32>
        %slice3A_110 = vector.extract_strided_slice %get3A_109 {offsets = [1], sizes = [1], strides = [1]} : vector<16xi32> to vector<1xi32>
        %squeeze3A_111 = vector.extract %slice3A_110[0] : i32 from vector<1xi32>
        %slice3A_112 = vector.extract_strided_slice %get3A_109 {offsets = [2], sizes = [1], strides = [1]} : vector<16xi32> to vector<1xi32>
        %squeeze3A_113 = vector.extract %slice3A_112[0] : i32 from vector<1xi32>
        %get3A_114 = arith.index_cast %mul3A_106 : i32 to index
        %get3A_115 = arith.constant 0 : index
        %get3A_116 = tpu.vector_load %arg12[%get3A_114, %get3A_115] {strides = array<i32>} : memref<80x64xi32, #tpu.memory_space<vmem>>, vector<16xi32>,
        %bitcast3A = vector.bitcast %get3A_116 : vector<16xi32> to vector<32xbf16>
        %get3A_117 = arith.index_cast %mul3A_106 : i32 to index
        %get3A_118 = arith.constant 16 : index
        %get3A_119 = tpu.vector_load %arg12[%get3A_117, %get3A_118] {strides = array<i32>} : memref<80x64xi32, #tpu.memory_space<vmem>>, vector<16xi32>,
        %bitcast3A_120 = vector.bitcast %get3A_119 : vector<16xi32> to vector<32xbf16>
        %get3A_121 = arith.index_cast %mul3A_106 : i32 to index
        %get3A_122 = arith.constant 32 : index
        %get3A_123 = tpu.vector_load %arg12[%get3A_121, %get3A_122] {strides = array<i32>} : memref<80x64xi32, #tpu.memory_space<vmem>>, vector<16xi32>,
        %bitcast3A_124 = vector.bitcast %get3A_123 : vector<16xi32> to vector<32xbf16>
        %get3A_125 = arith.index_cast %mul3A_106 : i32 to index
        %get3A_126 = arith.constant 48 : index
        %get3A_127 = tpu.vector_load %arg12[%get3A_125, %get3A_126] {strides = array<i32>} : memref<80x64xi32, #tpu.memory_space<vmem>>, vector<16xi32>,
        %bitcast3A_128 = vector.bitcast %get3A_127 : vector<16xi32> to vector<32xbf16>
        %get3A_129 = arith.index_cast %mul3A_106 : i32 to index
        %get3A_130 = arith.constant 0 : index
        %get3A_131 = tpu.vector_load %arg13[%get3A_129, %get3A_130] {strides = array<i32>} : memref<80x64xi32, #tpu.memory_space<vmem>>, vector<16xi32>,
        %bitcast3A_132 = vector.bitcast %get3A_131 : vector<16xi32> to vector<32xbf16>
        %get3A_133 = arith.index_cast %mul3A_106 : i32 to index
        %get3A_134 = arith.constant 16 : index
        %get3A_135 = tpu.vector_load %arg13[%get3A_133, %get3A_134] {strides = array<i32>} : memref<80x64xi32, #tpu.memory_space<vmem>>, vector<16xi32>,
        %bitcast3A_136 = vector.bitcast %get3A_135 : vector<16xi32> to vector<32xbf16>
        %get3A_137 = arith.index_cast %mul3A_106 : i32 to index
        %get3A_138 = arith.constant 32 : index
        %get3A_139 = tpu.vector_load %arg13[%get3A_137, %get3A_138] {strides = array<i32>} : memref<80x64xi32, #tpu.memory_space<vmem>>, vector<16xi32>,
        %bitcast3A_140 = vector.bitcast %get3A_139 : vector<16xi32> to vector<32xbf16>
        %get3A_141 = arith.index_cast %mul3A_106 : i32 to index
        %get3A_142 = arith.constant 48 : index
        %get3A_143 = tpu.vector_load %arg13[%get3A_141, %get3A_142] {strides = array<i32>} : memref<80x64xi32, #tpu.memory_space<vmem>>, vector<16xi32>,
        %bitcast3A_144 = vector.bitcast %get3A_143 : vector<16xi32> to vector<32xbf16>
        %get3A_145 = arith.index_cast %squeeze3A : i32 to index
        %get3A_146 = arith.constant 0 : index
        %get3A_147 = tpu.vector_load %arg11[%get3A_145, %get3A_146] {strides = array<i32>} : memref<1000x64xi32, #tpu.memory_space<vmem>>, vector<16xi32>,
        %bitcast3A_148 = vector.bitcast %get3A_147 : vector<16xi32> to vector<32xbf16>
        %get3A_149 = arith.index_cast %squeeze3A : i32 to index
        %get3A_150 = arith.constant 16 : index
        %get3A_151 = tpu.vector_load %arg11[%get3A_149, %get3A_150] {strides = array<i32>} : memref<1000x64xi32, #tpu.memory_space<vmem>>, vector<16xi32>,
        %bitcast3A_152 = vector.bitcast %get3A_151 : vector<16xi32> to vector<32xbf16>
        %get3A_153 = arith.index_cast %squeeze3A : i32 to index
        %get3A_154 = arith.constant 32 : index
        %get3A_155 = tpu.vector_load %arg11[%get3A_153, %get3A_154] {strides = array<i32>} : memref<1000x64xi32, #tpu.memory_space<vmem>>, vector<16xi32>,
        %bitcast3A_156 = vector.bitcast %get3A_155 : vector<16xi32> to vector<32xbf16>
        %get3A_157 = arith.index_cast %squeeze3A : i32 to index
        %get3A_158 = arith.constant 48 : index
        %get3A_159 = tpu.vector_load %arg11[%get3A_157, %get3A_158] {strides = array<i32>} : memref<1000x64xi32, #tpu.memory_space<vmem>>, vector<16xi32>,
        %bitcast3A_160 = vector.bitcast %get3A_159 : vector<16xi32> to vector<32xbf16>
        %add3A_161 = arith.constant 1 : i32
        %add3A_162 = arith.addi %mul3A_106, %add3A_161 : i32
        %get3A_163 = arith.index_cast %add3A_162 : i32 to index
        %get3A_164 = arith.constant 0 : index
        %get3A_165 = tpu.vector_load %arg12[%get3A_163, %get3A_164] {strides = array<i32>} : memref<80x64xi32, #tpu.memory_space<vmem>>, vector<16xi32>,
        %bitcast3A_166 = vector.bitcast %get3A_165 : vector<16xi32> to vector<32xbf16>
        %get3A_167 = arith.index_cast %add3A_162 : i32 to index
        %get3A_168 = arith.constant 16 : index
        %get3A_169 = tpu.vector_load %arg12[%get3A_167, %get3A_168] {strides = array<i32>} : memref<80x64xi32, #tpu.memory_space<vmem>>, vector<16xi32>,
        %bitcast3A_170 = vector.bitcast %get3A_169 : vector<16xi32> to vector<32xbf16>
        %get3A_171 = arith.index_cast %add3A_162 : i32 to index
        %get3A_172 = arith.constant 32 : index
        %get3A_173 = tpu.vector_load %arg12[%get3A_171, %get3A_172] {strides = array<i32>} : memref<80x64xi32, #tpu.memory_space<vmem>>, vector<16xi32>,
        %bitcast3A_174 = vector.bitcast %get3A_173 : vector<16xi32> to vector<32xbf16>
        %get3A_175 = arith.index_cast %add3A_162 : i32 to index
        %get3A_176 = arith.constant 48 : index
        %get3A_177 = tpu.vector_load %arg12[%get3A_175, %get3A_176] {strides = array<i32>} : memref<80x64xi32, #tpu.memory_space<vmem>>, vector<16xi32>,
        %bitcast3A_178 = vector.bitcast %get3A_177 : vector<16xi32> to vector<32xbf16>
        %get3A_179 = arith.index_cast %add3A_162 : i32 to index
        %get3A_180 = arith.constant 0 : index
        %get3A_181 = tpu.vector_load %arg13[%get3A_179, %get3A_180] {strides = array<i32>} : memref<80x64xi32, #tpu.memory_space<vmem>>, vector<16xi32>,
        %bitcast3A_182 = vector.bitcast %get3A_181 : vector<16xi32> to vector<32xbf16>
        %get3A_183 = arith.index_cast %add3A_162 : i32 to index
        %get3A_184 = arith.constant 16 : index
        %get3A_185 = tpu.vector_load %arg13[%get3A_183, %get3A_184] {strides = array<i32>} : memref<80x64xi32, #tpu.memory_space<vmem>>, vector<16xi32>,
        %bitcast3A_186 = vector.bitcast %get3A_185 : vector<16xi32> to vector<32xbf16>
        %get3A_187 = arith.index_cast %add3A_162 : i32 to index
        %get3A_188 = arith.constant 32 : index
        %get3A_189 = tpu.vector_load %arg13[%get3A_187, %get3A_188] {strides = array<i32>} : memref<80x64xi32, #tpu.memory_space<vmem>>, vector<16xi32>,
        %bitcast3A_190 = vector.bitcast %get3A_189 : vector<16xi32> to vector<32xbf16>
        %get3A_191 = arith.index_cast %add3A_162 : i32 to index
        %get3A_192 = arith.constant 48 : index
        %get3A_193 = tpu.vector_load %arg13[%get3A_191, %get3A_192] {strides = array<i32>} : memref<80x64xi32, #tpu.memory_space<vmem>>, vector<16xi32>,
        %bitcast3A_194 = vector.bitcast %get3A_193 : vector<16xi32> to vector<32xbf16>
        %get3A_195 = arith.index_cast %squeeze3A_111 : i32 to index
        %get3A_196 = arith.constant 0 : index
        %get3A_197 = tpu.vector_load %arg11[%get3A_195, %get3A_196] {strides = array<i32>} : memref<1000x64xi32, #tpu.memory_space<vmem>>, vector<16xi32>,
        %bitcast3A_198 = vector.bitcast %get3A_197 : vector<16xi32> to vector<32xbf16>
        %get3A_199 = arith.index_cast %squeeze3A_111 : i32 to index
        %get3A_200 = arith.constant 16 : index
        %get3A_201 = tpu.vector_load %arg11[%get3A_199, %get3A_200] {strides = array<i32>} : memref<1000x64xi32, #tpu.memory_space<vmem>>, vector<16xi32>,
        %bitcast3A_202 = vector.bitcast %get3A_201 : vector<16xi32> to vector<32xbf16>
        %get3A_203 = arith.index_cast %squeeze3A_111 : i32 to index
        %get3A_204 = arith.constant 32 : index
        %get3A_205 = tpu.vector_load %arg11[%get3A_203, %get3A_204] {strides = array<i32>} : memref<1000x64xi32, #tpu.memory_space<vmem>>, vector<16xi32>,
        %bitcast3A_206 = vector.bitcast %get3A_205 : vector<16xi32> to vector<32xbf16>
        %get3A_207 = arith.index_cast %squeeze3A_111 : i32 to index
        %get3A_208 = arith.constant 48 : index
        %get3A_209 = tpu.vector_load %arg11[%get3A_207, %get3A_208] {strides = array<i32>} : memref<1000x64xi32, #tpu.memory_space<vmem>>, vector<16xi32>,
        %bitcast3A_210 = vector.bitcast %get3A_209 : vector<16xi32> to vector<32xbf16>
        %slice3A_211 = vector.extract_strided_slice %get3A_109 {offsets = [3], sizes = [1], strides = [1]} : vector<16xi32> to vector<1xi32>
        %squeeze3A_212 = vector.extract %slice3A_211[0] : i32 from vector<1xi32>
        %add3A_213 = arith.constant 0 : i32
        %add3A_214 = arith.addi %mul3A_106, %add3A_213 : i32
        %add3A_215 = arith.constant 2 : i32
        %add3A_216 = arith.addi %add3A_214, %add3A_215 : i32
        %get3A_217 = arith.index_cast %add3A_216 : i32 to index
        %get3A_218 = arith.constant 0 : index
        %get3A_219 = tpu.vector_load %arg12[%get3A_217, %get3A_218] {strides = array<i32>} : memref<80x64xi32, #tpu.memory_space<vmem>>, vector<16xi32>,
        %bitcast3A_220 = vector.bitcast %get3A_219 : vector<16xi32> to vector<32xbf16>
        %get3A_221 = arith.index_cast %add3A_216 : i32 to index
        %get3A_222 = arith.constant 16 : index
        %get3A_223 = tpu.vector_load %arg12[%get3A_221, %get3A_222] {strides = array<i32>} : memref<80x64xi32, #tpu.memory_space<vmem>>, vector<16xi32>,
        %bitcast3A_224 = vector.bitcast %get3A_223 : vector<16xi32> to vector<32xbf16>
        %get3A_225 = arith.index_cast %add3A_216 : i32 to index
        %get3A_226 = arith.constant 32 : index
        %get3A_227 = tpu.vector_load %arg12[%get3A_225, %get3A_226] {strides = array<i32>} : memref<80x64xi32, #tpu.memory_space<vmem>>, vector<16xi32>,
        %bitcast3A_228 = vector.bitcast %get3A_227 : vector<16xi32> to vector<32xbf16>
        %get3A_229 = arith.index_cast %add3A_216 : i32 to index
        %get3A_230 = arith.constant 48 : index
        %get3A_231 = tpu.vector_load %arg12[%get3A_229, %get3A_230] {strides = array<i32>} : memref<80x64xi32, #tpu.memory_space<vmem>>, vector<16xi32>,
        %bitcast3A_232 = vector.bitcast %get3A_231 : vector<16xi32> to vector<32xbf16>
        %get3A_233 = arith.index_cast %add3A_216 : i32 to index
        %get3A_234 = arith.constant 0 : index
        %get3A_235 = tpu.vector_load %arg13[%get3A_233, %get3A_234] {strides = array<i32>} : memref<80x64xi32, #tpu.memory_space<vmem>>, vector<16xi32>,
        %bitcast3A_236 = vector.bitcast %get3A_235 : vector<16xi32> to vector<32xbf16>
        %get3A_237 = arith.index_cast %add3A_216 : i32 to index
        %get3A_238 = arith.constant 16 : index
        %get3A_239 = tpu.vector_load %arg13[%get3A_237, %get3A_238] {strides = array<i32>} : memref<80x64xi32, #tpu.memory_space<vmem>>, vector<16xi32>,
        %bitcast3A_240 = vector.bitcast %get3A_239 : vector<16xi32> to vector<32xbf16>
        %get3A_241 = arith.index_cast %add3A_216 : i32 to index
        %get3A_242 = arith.constant 32 : index
        %get3A_243 = tpu.vector_load %arg13[%get3A_241, %get3A_242] {strides = array<i32>} : memref<80x64xi32, #tpu.memory_space<vmem>>, vector<16xi32>,
        %bitcast3A_244 = vector.bitcast %get3A_243 : vector<16xi32> to vector<32xbf16>
        %get3A_245 = arith.index_cast %add3A_216 : i32 to index
        %get3A_246 = arith.constant 48 : index
        %get3A_247 = tpu.vector_load %arg13[%get3A_245, %get3A_246] {strides = array<i32>} : memref<80x64xi32, #tpu.memory_space<vmem>>, vector<16xi32>,
        %bitcast3A_248 = vector.bitcast %get3A_247 : vector<16xi32> to vector<32xbf16>
        %get3A_249 = arith.index_cast %squeeze3A_113 : i32 to index
        %get3A_250 = arith.constant 0 : index
        %get3A_251 = tpu.vector_load %arg11[%get3A_249, %get3A_250] {strides = array<i32>} : memref<1000x64xi32, #tpu.memory_space<vmem>>, vector<16xi32>,
        %bitcast3A_252 = vector.bitcast %get3A_251 : vector<16xi32> to vector<32xbf16>
        %get3A_253 = arith.index_cast %squeeze3A_113 : i32 to index
        %get3A_254 = arith.constant 16 : index
        %get3A_255 = tpu.vector_load %arg11[%get3A_253, %get3A_254] {strides = array<i32>} : memref<1000x64xi32, #tpu.memory_space<vmem>>, vector<16xi32>,
        %bitcast3A_256 = vector.bitcast %get3A_255 : vector<16xi32> to vector<32xbf16>
        %get3A_257 = arith.index_cast %squeeze3A_113 : i32 to index
        %get3A_258 = arith.constant 32 : index
        %get3A_259 = tpu.vector_load %arg11[%get3A_257, %get3A_258] {strides = array<i32>} : memref<1000x64xi32, #tpu.memory_space<vmem>>, vector<16xi32>,
        %bitcast3A_260 = vector.bitcast %get3A_259 : vector<16xi32> to vector<32xbf16>
        %get3A_261 = arith.index_cast %squeeze3A_113 : i32 to index
        %get3A_262 = arith.constant 48 : index
        %get3A_263 = tpu.vector_load %arg11[%get3A_261, %get3A_262] {strides = array<i32>} : memref<1000x64xi32, #tpu.memory_space<vmem>>, vector<16xi32>,
        %bitcast3A_264 = vector.bitcast %get3A_263 : vector<16xi32> to vector<32xbf16>
        %mul3A_265 = arith.mulf %bitcast3A, %bitcast3A_132 : vector<32xbf16>
        %mul3A_266 = arith.mulf %bitcast3A_124, %bitcast3A_140 : vector<32xbf16>
        %add3A_267 = arith.addf %mul3A_265, %mul3A_266 : vector<32xbf16>
        %mul3A_268 = arith.mulf %bitcast3A_148, %add3A_267 : vector<32xbf16>
        %mul3A_269 = arith.mulf %bitcast3A, %bitcast3A_140 : vector<32xbf16>
        %mul3A_270 = arith.mulf %bitcast3A_124, %bitcast3A_132 : vector<32xbf16>
        %sub3A = arith.subf %mul3A_269, %mul3A_270 : vector<32xbf16>
        %mul3A_271 = arith.mulf %bitcast3A_156, %sub3A : vector<32xbf16>
        %add3A_272 = arith.addf %mul3A_268, %mul3A_271 : vector<32xbf16>
        %mul3A_273 = arith.mulf %bitcast3A_120, %bitcast3A_136 : vector<32xbf16>
        %mul3A_274 = arith.mulf %bitcast3A_128, %bitcast3A_144 : vector<32xbf16>
        %add3A_275 = arith.addf %mul3A_273, %mul3A_274 : vector<32xbf16>
        %mul3A_276 = arith.mulf %bitcast3A_152, %add3A_275 : vector<32xbf16>
        %mul3A_277 = arith.mulf %bitcast3A_120, %bitcast3A_144 : vector<32xbf16>
        %mul3A_278 = arith.mulf %bitcast3A_128, %bitcast3A_136 : vector<32xbf16>
        %sub3A_279 = arith.subf %mul3A_277, %mul3A_278 : vector<32xbf16>
        %mul3A_280 = arith.mulf %bitcast3A_160, %sub3A_279 : vector<32xbf16>
        %add3A_281 = arith.addf %mul3A_276, %mul3A_280 : vector<32xbf16>
        %add3A_282 = arith.addf %add3A_272, %add3A_281 : vector<32xbf16>
        %unpack3A = tpu.unpack_subelements %add3A_282, 0 {pack_format = #tpu.pack_format<interleaved>} : vector<32xbf16> -> vector<16xf32>
        %unpack3A_283 = tpu.unpack_subelements %add3A_282, 1 {pack_format = #tpu.pack_format<interleaved>} : vector<32xbf16> -> vector<16xf32>
        %add3A_284 = arith.addf %unpack3A, %unpack3A_283 : vector<16xf32>
        %swap3A = arith.constant 0 : index
        %swap3A_285 = tpu.vector_load %arg17[%swap3A] {strides = array<i32>} : memref<256xf32, #tpu.memory_space<vmem>>, vector<16xf32>,
        tpu.vector_store %arg17[%swap3A], %add3A_284 {strides = array<i32>} : memref<256xf32, #tpu.memory_space<vmem>>, vector<16xf32>,
        %slice3A_286 = vector.extract_strided_slice %get3A_109 {offsets = [4], sizes = [1], strides = [1]} : vector<16xi32> to vector<1xi32>
        %squeeze3A_287 = vector.extract %slice3A_286[0] : i32 from vector<1xi32>
        %add3A_288 = arith.constant 1 : i32
        %add3A_289 = arith.addi %mul3A_106, %add3A_288 : i32
        %add3A_290 = arith.constant 2 : i32
        %add3A_291 = arith.addi %add3A_289, %add3A_290 : i32
        %get3A_292 = arith.index_cast %add3A_291 : i32 to index
        %get3A_293 = arith.constant 0 : index
        %get3A_294 = tpu.vector_load %arg12[%get3A_292, %get3A_293] {strides = array<i32>} : memref<80x64xi32, #tpu.memory_space<vmem>>, vector<16xi32>,
        %bitcast3A_295 = vector.bitcast %get3A_294 : vector<16xi32> to vector<32xbf16>
        %get3A_296 = arith.index_cast %add3A_291 : i32 to index
        %get3A_297 = arith.constant 16 : index
        %get3A_298 = tpu.vector_load %arg12[%get3A_296, %get3A_297] {strides = array<i32>} : memref<80x64xi32, #tpu.memory_space<vmem>>, vector<16xi32>,
        %bitcast3A_299 = vector.bitcast %get3A_298 : vector<16xi32> to vector<32xbf16>
        %get3A_300 = arith.index_cast %add3A_291 : i32 to index
        %get3A_301 = arith.constant 32 : index
        %get3A_302 = tpu.vector_load %arg12[%get3A_300, %get3A_301] {strides = array<i32>} : memref<80x64xi32, #tpu.memory_space<vmem>>, vector<16xi32>,
        %bitcast3A_303 = vector.bitcast %get3A_302 : vector<16xi32> to vector<32xbf16>
        %get3A_304 = arith.index_cast %add3A_291 : i32 to index
        %get3A_305 = arith.constant 48 : index
        %get3A_306 = tpu.vector_load %arg12[%get3A_304, %get3A_305] {strides = array<i32>} : memref<80x64xi32, #tpu.memory_space<vmem>>, vector<16xi32>,
        %bitcast3A_307 = vector.bitcast %get3A_306 : vector<16xi32> to vector<32xbf16>
        %get3A_308 = arith.index_cast %add3A_291 : i32 to index
        %get3A_309 = arith.constant 0 : index
        %get3A_310 = tpu.vector_load %arg13[%get3A_308, %get3A_309] {strides = array<i32>} : memref<80x64xi32, #tpu.memory_space<vmem>>, vector<16xi32>,
        %bitcast3A_311 = vector.bitcast %get3A_310 : vector<16xi32> to vector<32xbf16>
        %get3A_312 = arith.index_cast %add3A_291 : i32 to index
        %get3A_313 = arith.constant 16 : index
        %get3A_314 = tpu.vector_load %arg13[%get3A_312, %get3A_313] {strides = array<i32>} : memref<80x64xi32, #tpu.memory_space<vmem>>, vector<16xi32>,
        %bitcast3A_315 = vector.bitcast %get3A_314 : vector<16xi32> to vector<32xbf16>
        %get3A_316 = arith.index_cast %add3A_291 : i32 to index
        %get3A_317 = arith.constant 32 : index
        %get3A_318 = tpu.vector_load %arg13[%get3A_316, %get3A_317] {strides = array<i32>} : memref<80x64xi32, #tpu.memory_space<vmem>>, vector<16xi32>,
        %bitcast3A_319 = vector.bitcast %get3A_318 : vector<16xi32> to vector<32xbf16>
        %get3A_320 = arith.index_cast %add3A_291 : i32 to index
        %get3A_321 = arith.constant 48 : index
        %get3A_322 = tpu.vector_load %arg13[%get3A_320, %get3A_321] {strides = array<i32>} : memref<80x64xi32, #tpu.memory_space<vmem>>, vector<16xi32>,
        %bitcast3A_323 = vector.bitcast %get3A_322 : vector<16xi32> to vector<32xbf16>
        %get3A_324 = arith.index_cast %squeeze3A_212 : i32 to index
        %get3A_325 = arith.constant 0 : index
        %get3A_326 = tpu.vector_load %arg11[%get3A_324, %get3A_325] {strides = array<i32>} : memref<1000x64xi32, #tpu.memory_space<vmem>>, vector<16xi32>,
        %bitcast3A_327 = vector.bitcast %get3A_326 : vector<16xi32> to vector<32xbf16>
        %get3A_328 = arith.index_cast %squeeze3A_212 : i32 to index
        %get3A_329 = arith.constant 16 : index
        %get3A_330 = tpu.vector_load %arg11[%get3A_328, %get3A_329] {strides = array<i32>} : memref<1000x64xi32, #tpu.memory_space<vmem>>, vector<16xi32>,
        %bitcast3A_331 = vector.bitcast %get3A_330 : vector<16xi32> to vector<32xbf16>
        %get3A_332 = arith.index_cast %squeeze3A_212 : i32 to index
        %get3A_333 = arith.constant 32 : index
        %get3A_334 = tpu.vector_load %arg11[%get3A_332, %get3A_333] {strides = array<i32>} : memref<1000x64xi32, #tpu.memory_space<vmem>>, vector<16xi32>,
        %bitcast3A_335 = vector.bitcast %get3A_334 : vector<16xi32> to vector<32xbf16>
        %get3A_336 = arith.index_cast %squeeze3A_212 : i32 to index
        %get3A_337 = arith.constant 48 : index
        %get3A_338 = tpu.vector_load %arg11[%get3A_336, %get3A_337] {strides = array<i32>} : memref<1000x64xi32, #tpu.memory_space<vmem>>, vector<16xi32>,
        %bitcast3A_339 = vector.bitcast %get3A_338 : vector<16xi32> to vector<32xbf16>
        %mul3A_340 = arith.mulf %bitcast3A_166, %bitcast3A_182 : vector<32xbf16>
        %mul3A_341 = arith.mulf %bitcast3A_174, %bitcast3A_190 : vector<32xbf16>
        %add3A_342 = arith.addf %mul3A_340, %mul3A_341 : vector<32xbf16>
        %mul3A_343 = arith.mulf %bitcast3A_198, %add3A_342 : vector<32xbf16>
        %mul3A_344 = arith.mulf %bitcast3A_166, %bitcast3A_190 : vector<32xbf16>
        %mul3A_345 = arith.mulf %bitcast3A_174, %bitcast3A_182 : vector<32xbf16>
        %sub3A_346 = arith.subf %mul3A_344, %mul3A_345 : vector<32xbf16>
        %mul3A_347 = arith.mulf %bitcast3A_206, %sub3A_346 : vector<32xbf16>
        %add3A_348 = arith.addf %mul3A_343, %mul3A_347 : vector<32xbf16>
        %mul3A_349 = arith.mulf %bitcast3A_170, %bitcast3A_186 : vector<32xbf16>
        %mul3A_350 = arith.mulf %bitcast3A_178, %bitcast3A_194 : vector<32xbf16>
        %add3A_351 = arith.addf %mul3A_349, %mul3A_350 : vector<32xbf16>
        %mul3A_352 = arith.mulf %bitcast3A_202, %add3A_351 : vector<32xbf16>
        %mul3A_353 = arith.mulf %bitcast3A_170, %bitcast3A_194 : vector<32xbf16>
        %mul3A_354 = arith.mulf %bitcast3A_178, %bitcast3A_186 : vector<32xbf16>
        %sub3A_355 = arith.subf %mul3A_353, %mul3A_354 : vector<32xbf16>
        %mul3A_356 = arith.mulf %bitcast3A_210, %sub3A_355 : vector<32xbf16>
        %add3A_357 = arith.addf %mul3A_352, %mul3A_356 : vector<32xbf16>
        %add3A_358 = arith.addf %add3A_348, %add3A_357 : vector<32xbf16>
        %unpack3A_359 = tpu.unpack_subelements %add3A_358, 0 {pack_format = #tpu.pack_format<interleaved>} : vector<32xbf16> -> vector<16xf32>
        %unpack3A_360 = tpu.unpack_subelements %add3A_358, 1 {pack_format = #tpu.pack_format<interleaved>} : vector<32xbf16> -> vector<16xf32>
        %add3A_361 = arith.addf %unpack3A_359, %unpack3A_360 : vector<16xf32>
        %swap3A_362 = arith.constant 16 : index
        %swap3A_363 = tpu.vector_load %arg17[%swap3A_362] {strides = array<i32>} : memref<256xf32, #tpu.memory_space<vmem>>, vector<16xf32>,
        tpu.vector_store %arg17[%swap3A_362], %add3A_361 {strides = array<i32>} : memref<256xf32, #tpu.memory_space<vmem>>, vector<16xf32>,
        %slice3A_364 = vector.extract_strided_slice %get3A_109 {offsets = [5], sizes = [1], strides = [1]} : vector<16xi32> to vector<1xi32>
        %squeeze3A_365 = vector.extract %slice3A_364[0] : i32 from vector<1xi32>
        %add3A_366 = arith.constant 2 : i32
        %add3A_367 = arith.addi %mul3A_106, %add3A_366 : i32
        %add3A_368 = arith.constant 2 : i32
        %add3A_369 = arith.addi %add3A_367, %add3A_368 : i32
        %get3A_370 = arith.index_cast %add3A_369 : i32 to index
        %get3A_371 = arith.constant 0 : index
        %get3A_372 = tpu.vector_load %arg12[%get3A_370, %get3A_371] {strides = array<i32>} : memref<80x64xi32, #tpu.memory_space<vmem>>, vector<16xi32>,
        %bitcast3A_373 = vector.bitcast %get3A_372 : vector<16xi32> to vector<32xbf16>
        %get3A_374 = arith.index_cast %add3A_369 : i32 to index
        %get3A_375 = arith.constant 16 : index
        %get3A_376 = tpu.vector_load %arg12[%get3A_374, %get3A_375] {strides = array<i32>} : memref<80x64xi32, #tpu.memory_space<vmem>>, vector<16xi32>,
        %bitcast3A_377 = vector.bitcast %get3A_376 : vector<16xi32> to vector<32xbf16>
        %get3A_378 = arith.index_cast %add3A_369 : i32 to index
        %get3A_379 = arith.constant 32 : index
        %get3A_380 = tpu.vector_load %arg12[%get3A_378, %get3A_379] {strides = array<i32>} : memref<80x64xi32, #tpu.memory_space<vmem>>, vector<16xi32>,
        %bitcast3A_381 = vector.bitcast %get3A_380 : vector<16xi32> to vector<32xbf16>
        %get3A_382 = arith.index_cast %add3A_369 : i32 to index
        %get3A_383 = arith.constant 48 : index
        %get3A_384 = tpu.vector_load %arg12[%get3A_382, %get3A_383] {strides = array<i32>} : memref<80x64xi32, #tpu.memory_space<vmem>>, vector<16xi32>,
        %bitcast3A_385 = vector.bitcast %get3A_384 : vector<16xi32> to vector<32xbf16>
        %get3A_386 = arith.index_cast %add3A_369 : i32 to index
        %get3A_387 = arith.constant 0 : index
        %get3A_388 = tpu.vector_load %arg13[%get3A_386, %get3A_387] {strides = array<i32>} : memref<80x64xi32, #tpu.memory_space<vmem>>, vector<16xi32>,
        %bitcast3A_389 = vector.bitcast %get3A_388 : vector<16xi32> to vector<32xbf16>
        %get3A_390 = arith.index_cast %add3A_369 : i32 to index
        %get3A_391 = arith.constant 16 : index
        %get3A_392 = tpu.vector_load %arg13[%get3A_390, %get3A_391] {strides = array<i32>} : memref<80x64xi32, #tpu.memory_space<vmem>>, vector<16xi32>,
        %bitcast3A_393 = vector.bitcast %get3A_392 : vector<16xi32> to vector<32xbf16>
        %get3A_394 = arith.index_cast %add3A_369 : i32 to index
        %get3A_395 = arith.constant 32 : index
        %get3A_396 = tpu.vector_load %arg13[%get3A_394, %get3A_395] {strides = array<i32>} : memref<80x64xi32, #tpu.memory_space<vmem>>, vector<16xi32>,
        %bitcast3A_397 = vector.bitcast %get3A_396 : vector<16xi32> to vector<32xbf16>
        %get3A_398 = arith.index_cast %add3A_369 : i32 to index
        %get3A_399 = arith.constant 48 : index
        %get3A_400 = tpu.vector_load %arg13[%get3A_398, %get3A_399] {strides = array<i32>} : memref<80x64xi32, #tpu.memory_space<vmem>>, vector<16xi32>,
        %bitcast3A_401 = vector.bitcast %get3A_400 : vector<16xi32> to vector<32xbf16>
        %get3A_402 = arith.index_cast %squeeze3A_287 : i32 to index
        %get3A_403 = arith.constant 0 : index
        %get3A_404 = tpu.vector_load %arg11[%get3A_402, %get3A_403] {strides = array<i32>} : memref<1000x64xi32, #tpu.memory_space<vmem>>, vector<16xi32>,
        %bitcast3A_405 = vector.bitcast %get3A_404 : vector<16xi32> to vector<32xbf16>
        %get3A_406 = arith.index_cast %squeeze3A_287 : i32 to index
        %get3A_407 = arith.constant 16 : index
        %get3A_408 = tpu.vector_load %arg11[%get3A_406, %get3A_407] {strides = array<i32>} : memref<1000x64xi32, #tpu.memory_space<vmem>>, vector<16xi32>,
        %bitcast3A_409 = vector.bitcast %get3A_408 : vector<16xi32> to vector<32xbf16>
        %get3A_410 = arith.index_cast %squeeze3A_287 : i32 to index
        %get3A_411 = arith.constant 32 : index
        %get3A_412 = tpu.vector_load %arg11[%get3A_410, %get3A_411] {strides = array<i32>} : memref<1000x64xi32, #tpu.memory_space<vmem>>, vector<16xi32>,
        %bitcast3A_413 = vector.bitcast %get3A_412 : vector<16xi32> to vector<32xbf16>
        %get3A_414 = arith.index_cast %squeeze3A_287 : i32 to index
        %get3A_415 = arith.constant 48 : index
        %get3A_416 = tpu.vector_load %arg11[%get3A_414, %get3A_415] {strides = array<i32>} : memref<1000x64xi32, #tpu.memory_space<vmem>>, vector<16xi32>,
        %bitcast3A_417 = vector.bitcast %get3A_416 : vector<16xi32> to vector<32xbf16>
        %mul3A_418 = arith.mulf %bitcast3A_220, %bitcast3A_236 : vector<32xbf16>
        %mul3A_419 = arith.mulf %bitcast3A_228, %bitcast3A_244 : vector<32xbf16>
        %add3A_420 = arith.addf %mul3A_418, %mul3A_419 : vector<32xbf16>
        %mul3A_421 = arith.mulf %bitcast3A_252, %add3A_420 : vector<32xbf16>
        %mul3A_422 = arith.mulf %bitcast3A_220, %bitcast3A_244 : vector<32xbf16>
        %mul3A_423 = arith.mulf %bitcast3A_228, %bitcast3A_236 : vector<32xbf16>
        %sub3A_424 = arith.subf %mul3A_422, %mul3A_423 : vector<32xbf16>
        %mul3A_425 = arith.mulf %bitcast3A_260, %sub3A_424 : vector<32xbf16>
        %add3A_426 = arith.addf %mul3A_421, %mul3A_425 : vector<32xbf16>
        %mul3A_427 = arith.mulf %bitcast3A_224, %bitcast3A_240 : vector<32xbf16>
        %mul3A_428 = arith.mulf %bitcast3A_232, %bitcast3A_248 : vector<32xbf16>
        %add3A_429 = arith.addf %mul3A_427, %mul3A_428 : vector<32xbf16>
        %mul3A_430 = arith.mulf %bitcast3A_256, %add3A_429 : vector<32xbf16>
        %mul3A_431 = arith.mulf %bitcast3A_224, %bitcast3A_248 : vector<32xbf16>
        %mul3A_432 = arith.mulf %bitcast3A_232, %bitcast3A_240 : vector<32xbf16>
        %sub3A_433 = arith.subf %mul3A_431, %mul3A_432 : vector<32xbf16>
        %mul3A_434 = arith.mulf %bitcast3A_264, %sub3A_433 : vector<32xbf16>
        %add3A_435 = arith.addf %mul3A_430, %mul3A_434 : vector<32xbf16>
        %add3A_436 = arith.addf %add3A_426, %add3A_435 : vector<32xbf16>
        %unpack3A_437 = tpu.unpack_subelements %add3A_436, 0 {pack_format = #tpu.pack_format<interleaved>} : vector<32xbf16> -> vector<16xf32>
        %unpack3A_438 = tpu.unpack_subelements %add3A_436, 1 {pack_format = #tpu.pack_format<interleaved>} : vector<32xbf16> -> vector<16xf32>
        %add3A_439 = arith.addf %unpack3A_437, %unpack3A_438 : vector<16xf32>
        %swap3A_440 = arith.constant 32 : index
        %swap3A_441 = tpu.vector_load %arg17[%swap3A_440] {strides = array<i32>} : memref<256xf32, #tpu.memory_space<vmem>>, vector<16xf32>,
        tpu.vector_store %arg17[%swap3A_440], %add3A_439 {strides = array<i32>} : memref<256xf32, #tpu.memory_space<vmem>>, vector<16xf32>,
        %slice3A_442 = vector.extract_strided_slice %get3A_109 {offsets = [6], sizes = [1], strides = [1]} : vector<16xi32> to vector<1xi32>
        %squeeze3A_443 = vector.extract %slice3A_442[0] : i32 from vector<1xi32>
        %add3A_444 = arith.constant 3 : i32
        %add3A_445 = arith.addi %mul3A_106, %add3A_444 : i32
        %add3A_446 = arith.constant 2 : i32
        %add3A_447 = arith.addi %add3A_445, %add3A_446 : i32
        %get3A_448 = arith.index_cast %add3A_447 : i32 to index
        %get3A_449 = arith.constant 0 : index
        %get3A_450 = tpu.vector_load %arg12[%get3A_448, %get3A_449] {strides = array<i32>} : memref<80x64xi32, #tpu.memory_space<vmem>>, vector<16xi32>,
        %bitcast3A_451 = vector.bitcast %get3A_450 : vector<16xi32> to vector<32xbf16>
        %get3A_452 = arith.index_cast %add3A_447 : i32 to index
        %get3A_453 = arith.constant 16 : index
        %get3A_454 = tpu.vector_load %arg12[%get3A_452, %get3A_453] {strides = array<i32>} : memref<80x64xi32, #tpu.memory_space<vmem>>, vector<16xi32>,
        %bitcast3A_455 = vector.bitcast %get3A_454 : vector<16xi32> to vector<32xbf16>
        %get3A_456 = arith.index_cast %add3A_447 : i32 to index
        %get3A_457 = arith.constant 32 : index
        %get3A_458 = tpu.vector_load %arg12[%get3A_456, %get3A_457] {strides = array<i32>} : memref<80x64xi32, #tpu.memory_space<vmem>>, vector<16xi32>,
        %bitcast3A_459 = vector.bitcast %get3A_458 : vector<16xi32> to vector<32xbf16>
        %get3A_460 = arith.index_cast %add3A_447 : i32 to index
        %get3A_461 = arith.constant 48 : index
        %get3A_462 = tpu.vector_load %arg12[%get3A_460, %get3A_461] {strides = array<i32>} : memref<80x64xi32, #tpu.memory_space<vmem>>, vector<16xi32>,
        %bitcast3A_463 = vector.bitcast %get3A_462 : vector<16xi32> to vector<32xbf16>
        %get3A_464 = arith.index_cast %add3A_447 : i32 to index
        %get3A_465 = arith.constant 0 : index
        %get3A_466 = tpu.vector_load %arg13[%get3A_464, %get3A_465] {strides = array<i32>} : memref<80x64xi32, #tpu.memory_space<vmem>>, vector<16xi32>,
        %bitcast3A_467 = vector.bitcast %get3A_466 : vector<16xi32> to vector<32xbf16>
        %get3A_468 = arith.index_cast %add3A_447 : i32 to index
        %get3A_469 = arith.constant 16 : index
        %get3A_470 = tpu.vector_load %arg13[%get3A_468, %get3A_469] {strides = array<i32>} : memref<80x64xi32, #tpu.memory_space<vmem>>, vector<16xi32>,
        %bitcast3A_471 = vector.bitcast %get3A_470 : vector<16xi32> to vector<32xbf16>
        %get3A_472 = arith.index_cast %add3A_447 : i32 to index
        %get3A_473 = arith.constant 32 : index
        %get3A_474 = tpu.vector_load %arg13[%get3A_472, %get3A_473] {strides = array<i32>} : memref<80x64xi32, #tpu.memory_space<vmem>>, vector<16xi32>,
        %bitcast3A_475 = vector.bitcast %get3A_474 : vector<16xi32> to vector<32xbf16>
        %get3A_476 = arith.index_cast %add3A_447 : i32 to index
        %get3A_477 = arith.constant 48 : index
        %get3A_478 = tpu.vector_load %arg13[%get3A_476, %get3A_477] {strides = array<i32>} : memref<80x64xi32, #tpu.memory_space<vmem>>, vector<16xi32>,
        %bitcast3A_479 = vector.bitcast %get3A_478 : vector<16xi32> to vector<32xbf16>
        %get3A_480 = arith.index_cast %squeeze3A_365 : i32 to index
        %get3A_481 = arith.constant 0 : index
        %get3A_482 = tpu.vector_load %arg11[%get3A_480, %get3A_481] {strides = array<i32>} : memref<1000x64xi32, #tpu.memory_space<vmem>>, vector<16xi32>,
        %bitcast3A_483 = vector.bitcast %get3A_482 : vector<16xi32> to vector<32xbf16>
        %get3A_484 = arith.index_cast %squeeze3A_365 : i32 to index
        %get3A_485 = arith.constant 16 : index
        %get3A_486 = tpu.vector_load %arg11[%get3A_484, %get3A_485] {strides = array<i32>} : memref<1000x64xi32, #tpu.memory_space<vmem>>, vector<16xi32>,
        %bitcast3A_487 = vector.bitcast %get3A_486 : vector<16xi32> to vector<32xbf16>
        %get3A_488 = arith.index_cast %squeeze3A_365 : i32 to index
        %get3A_489 = arith.constant 32 : index
        %get3A_490 = tpu.vector_load %arg11[%get3A_488, %get3A_489] {strides = array<i32>} : memref<1000x64xi32, #tpu.memory_space<vmem>>, vector<16xi32>,
        %bitcast3A_491 = vector.bitcast %get3A_490 : vector<16xi32> to vector<32xbf16>
        %get3A_492 = arith.index_cast %squeeze3A_365 : i32 to index
        %get3A_493 = arith.constant 48 : index
        %get3A_494 = tpu.vector_load %arg11[%get3A_492, %get3A_493] {strides = array<i32>} : memref<1000x64xi32, #tpu.memory_space<vmem>>, vector<16xi32>,
        %bitcast3A_495 = vector.bitcast %get3A_494 : vector<16xi32> to vector<32xbf16>
        %mul3A_496 = arith.mulf %bitcast3A_295, %bitcast3A_311 : vector<32xbf16>
        %mul3A_497 = arith.mulf %bitcast3A_303, %bitcast3A_319 : vector<32xbf16>
        %add3A_498 = arith.addf %mul3A_496, %mul3A_497 : vector<32xbf16>
        %mul3A_499 = arith.mulf %bitcast3A_327, %add3A_498 : vector<32xbf16>
        %mul3A_500 = arith.mulf %bitcast3A_295, %bitcast3A_319 : vector<32xbf16>
        %mul3A_501 = arith.mulf %bitcast3A_303, %bitcast3A_311 : vector<32xbf16>
        %sub3A_502 = arith.subf %mul3A_500, %mul3A_501 : vector<32xbf16>
        %mul3A_503 = arith.mulf %bitcast3A_335, %sub3A_502 : vector<32xbf16>
        %add3A_504 = arith.addf %mul3A_499, %mul3A_503 : vector<32xbf16>
        %mul3A_505 = arith.mulf %bitcast3A_299, %bitcast3A_315 : vector<32xbf16>
        %mul3A_506 = arith.mulf %bitcast3A_307, %bitcast3A_323 : vector<32xbf16>
        %add3A_507 = arith.addf %mul3A_505, %mul3A_506 : vector<32xbf16>
        %mul3A_508 = arith.mulf %bitcast3A_331, %add3A_507 : vector<32xbf16>
        %mul3A_509 = arith.mulf %bitcast3A_299, %bitcast3A_323 : vector<32xbf16>
        %mul3A_510 = arith.mulf %bitcast3A_307, %bitcast3A_315 : vector<32xbf16>
        %sub3A_511 = arith.subf %mul3A_509, %mul3A_510 : vector<32xbf16>
        %mul3A_512 = arith.mulf %bitcast3A_339, %sub3A_511 : vector<32xbf16>
        %add3A_513 = arith.addf %mul3A_508, %mul3A_512 : vector<32xbf16>
        %add3A_514 = arith.addf %add3A_504, %add3A_513 : vector<32xbf16>
        %unpack3A_515 = tpu.unpack_subelements %add3A_514, 0 {pack_format = #tpu.pack_format<interleaved>} : vector<32xbf16> -> vector<16xf32>
        %unpack3A_516 = tpu.unpack_subelements %add3A_514, 1 {pack_format = #tpu.pack_format<interleaved>} : vector<32xbf16> -> vector<16xf32>
        %add3A_517 = arith.addf %unpack3A_515, %unpack3A_516 : vector<16xf32>
        %swap3A_518 = arith.constant 48 : index
        %swap3A_519 = tpu.vector_load %arg17[%swap3A_518] {strides = array<i32>} : memref<256xf32, #tpu.memory_space<vmem>>, vector<16xf32>,
        tpu.vector_store %arg17[%swap3A_518], %add3A_517 {strides = array<i32>} : memref<256xf32, #tpu.memory_space<vmem>>, vector<16xf32>,
        %slice3A_520 = vector.extract_strided_slice %get3A_109 {offsets = [7], sizes = [1], strides = [1]} : vector<16xi32> to vector<1xi32>
        %squeeze3A_521 = vector.extract %slice3A_520[0] : i32 from vector<1xi32>
        %add3A_522 = arith.constant 4 : i32
        %add3A_523 = arith.addi %mul3A_106, %add3A_522 : i32
        %add3A_524 = arith.constant 2 : i32
        %add3A_525 = arith.addi %add3A_523, %add3A_524 : i32
        %get3A_526 = arith.index_cast %add3A_525 : i32 to index
        %get3A_527 = arith.constant 0 : index
        %get3A_528 = tpu.vector_load %arg12[%get3A_526, %get3A_527] {strides = array<i32>} : memref<80x64xi32, #tpu.memory_space<vmem>>, vector<16xi32>,
        %bitcast3A_529 = vector.bitcast %get3A_528 : vector<16xi32> to vector<32xbf16>
        %get3A_530 = arith.index_cast %add3A_525 : i32 to index
        %get3A_531 = arith.constant 16 : index
        %get3A_532 = tpu.vector_load %arg12[%get3A_530, %get3A_531] {strides = array<i32>} : memref<80x64xi32, #tpu.memory_space<vmem>>, vector<16xi32>,
        %bitcast3A_533 = vector.bitcast %get3A_532 : vector<16xi32> to vector<32xbf16>
        %get3A_534 = arith.index_cast %add3A_525 : i32 to index
        %get3A_535 = arith.constant 32 : index
        %get3A_536 = tpu.vector_load %arg12[%get3A_534, %get3A_535] {strides = array<i32>} : memref<80x64xi32, #tpu.memory_space<vmem>>, vector<16xi32>,
        %bitcast3A_537 = vector.bitcast %get3A_536 : vector<16xi32> to vector<32xbf16>
        %get3A_538 = arith.index_cast %add3A_525 : i32 to index
        %get3A_539 = arith.constant 48 : index
        %get3A_540 = tpu.vector_load %arg12[%get3A_538, %get3A_539] {strides = array<i32>} : memref<80x64xi32, #tpu.memory_space<vmem>>, vector<16xi32>,
        %bitcast3A_541 = vector.bitcast %get3A_540 : vector<16xi32> to vector<32xbf16>
        %get3A_542 = arith.index_cast %add3A_525 : i32 to index
        %get3A_543 = arith.constant 0 : index
        %get3A_544 = tpu.vector_load %arg13[%get3A_542, %get3A_543] {strides = array<i32>} : memref<80x64xi32, #tpu.memory_space<vmem>>, vector<16xi32>,
        %bitcast3A_545 = vector.bitcast %get3A_544 : vector<16xi32> to vector<32xbf16>
        %get3A_546 = arith.index_cast %add3A_525 : i32 to index
        %get3A_547 = arith.constant 16 : index
        %get3A_548 = tpu.vector_load %arg13[%get3A_546, %get3A_547] {strides = array<i32>} : memref<80x64xi32, #tpu.memory_space<vmem>>, vector<16xi32>,
        %bitcast3A_549 = vector.bitcast %get3A_548 : vector<16xi32> to vector<32xbf16>
        %get3A_550 = arith.index_cast %add3A_525 : i32 to index
        %get3A_551 = arith.constant 32 : index
        %get3A_552 = tpu.vector_load %arg13[%get3A_550, %get3A_551] {strides = array<i32>} : memref<80x64xi32, #tpu.memory_space<vmem>>, vector<16xi32>,
        %bitcast3A_553 = vector.bitcast %get3A_552 : vector<16xi32> to vector<32xbf16>
        %get3A_554 = arith.index_cast %add3A_525 : i32 to index
        %get3A_555 = arith.constant 48 : index
        %get3A_556 = tpu.vector_load %arg13[%get3A_554, %get3A_555] {strides = array<i32>} : memref<80x64xi32, #tpu.memory_space<vmem>>, vector<16xi32>,
        %bitcast3A_557 = vector.bitcast %get3A_556 : vector<16xi32> to vector<32xbf16>
        %get3A_558 = arith.index_cast %squeeze3A_443 : i32 to index
        %get3A_559 = arith.constant 0 : index
        %get3A_560 = tpu.vector_load %arg11[%get3A_558, %get3A_559] {strides = array<i32>} : memref<1000x64xi32, #tpu.memory_space<vmem>>, vector<16xi32>,
        %bitcast3A_561 = vector.bitcast %get3A_560 : vector<16xi32> to vector<32xbf16>
        %get3A_562 = arith.index_cast %squeeze3A_443 : i32 to index
        %get3A_563 = arith.constant 16 : index
        %get3A_564 = tpu.vector_load %arg11[%get3A_562, %get3A_563] {strides = array<i32>} : memref<1000x64xi32, #tpu.memory_space<vmem>>, vector<16xi32>,
        %bitcast3A_565 = vector.bitcast %get3A_564 : vector<16xi32> to vector<32xbf16>
        %get3A_566 = arith.index_cast %squeeze3A_443 : i32 to index
        %get3A_567 = arith.constant 32 : index
        %get3A_568 = tpu.vector_load %arg11[%get3A_566, %get3A_567] {strides = array<i32>} : memref<1000x64xi32, #tpu.memory_space<vmem>>, vector<16xi32>,
        %bitcast3A_569 = vector.bitcast %get3A_568 : vector<16xi32> to vector<32xbf16>
        %get3A_570 = arith.index_cast %squeeze3A_443 : i32 to index
        %get3A_571 = arith.constant 48 : index
        %get3A_572 = tpu.vector_load %arg11[%get3A_570, %get3A_571] {strides = array<i32>} : memref<1000x64xi32, #tpu.memory_space<vmem>>, vector<16xi32>,
        %bitcast3A_573 = vector.bitcast %get3A_572 : vector<16xi32> to vector<32xbf16>
        %mul3A_574 = arith.mulf %bitcast3A_373, %bitcast3A_389 : vector<32xbf16>
        %mul3A_575 = arith.mulf %bitcast3A_381, %bitcast3A_397 : vector<32xbf16>
        %add3A_576 = arith.addf %mul3A_574, %mul3A_575 : vector<32xbf16>
        %mul3A_577 = arith.mulf %bitcast3A_405, %add3A_576 : vector<32xbf16>
        %mul3A_578 = arith.mulf %bitcast3A_373, %bitcast3A_397 : vector<32xbf16>
        %mul3A_579 = arith.mulf %bitcast3A_381, %bitcast3A_389 : vector<32xbf16>
        %sub3A_580 = arith.subf %mul3A_578, %mul3A_579 : vector<32xbf16>
        %mul3A_581 = arith.mulf %bitcast3A_413, %sub3A_580 : vector<32xbf16>
        %add3A_582 = arith.addf %mul3A_577, %mul3A_581 : vector<32xbf16>
        %mul3A_583 = arith.mulf %bitcast3A_377, %bitcast3A_393 : vector<32xbf16>
        %mul3A_584 = arith.mulf %bitcast3A_385, %bitcast3A_401 : vector<32xbf16>
        %add3A_585 = arith.addf %mul3A_583, %mul3A_584 : vector<32xbf16>
        %mul3A_586 = arith.mulf %bitcast3A_409, %add3A_585 : vector<32xbf16>
        %mul3A_587 = arith.mulf %bitcast3A_377, %bitcast3A_401 : vector<32xbf16>
        %mul3A_588 = arith.mulf %bitcast3A_385, %bitcast3A_393 : vector<32xbf16>
        %sub3A_589 = arith.subf %mul3A_587, %mul3A_588 : vector<32xbf16>
        %mul3A_590 = arith.mulf %bitcast3A_417, %sub3A_589 : vector<32xbf16>
        %add3A_591 = arith.addf %mul3A_586, %mul3A_590 : vector<32xbf16>
        %add3A_592 = arith.addf %add3A_582, %add3A_591 : vector<32xbf16>
        %unpack3A_593 = tpu.unpack_subelements %add3A_592, 0 {pack_format = #tpu.pack_format<interleaved>} : vector<32xbf16> -> vector<16xf32>
        %unpack3A_594 = tpu.unpack_subelements %add3A_592, 1 {pack_format = #tpu.pack_format<interleaved>} : vector<32xbf16> -> vector<16xf32>
        %add3A_595 = arith.addf %unpack3A_593, %unpack3A_594 : vector<16xf32>
        %swap3A_596 = arith.constant 64 : index
        %swap3A_597 = tpu.vector_load %arg17[%swap3A_596] {strides = array<i32>} : memref<256xf32, #tpu.memory_space<vmem>>, vector<16xf32>,
        tpu.vector_store %arg17[%swap3A_596], %add3A_595 {strides = array<i32>} : memref<256xf32, #tpu.memory_space<vmem>>, vector<16xf32>,
        %slice3A_598 = vector.extract_strided_slice %get3A_109 {offsets = [8], sizes = [1], strides = [1]} : vector<16xi32> to vector<1xi32>
        %squeeze3A_599 = vector.extract %slice3A_598[0] : i32 from vector<1xi32>
        %add3A_600 = arith.constant 5 : i32
        %add3A_601 = arith.addi %mul3A_106, %add3A_600 : i32
        %add3A_602 = arith.constant 2 : i32
        %add3A_603 = arith.addi %add3A_601, %add3A_602 : i32
        %get3A_604 = arith.index_cast %add3A_603 : i32 to index
        %get3A_605 = arith.constant 0 : index
        %get3A_606 = tpu.vector_load %arg12[%get3A_604, %get3A_605] {strides = array<i32>} : memref<80x64xi32, #tpu.memory_space<vmem>>, vector<16xi32>,
        %bitcast3A_607 = vector.bitcast %get3A_606 : vector<16xi32> to vector<32xbf16>
        %get3A_608 = arith.index_cast %add3A_603 : i32 to index
        %get3A_609 = arith.constant 16 : index
        %get3A_610 = tpu.vector_load %arg12[%get3A_608, %get3A_609] {strides = array<i32>} : memref<80x64xi32, #tpu.memory_space<vmem>>, vector<16xi32>,
        %bitcast3A_611 = vector.bitcast %get3A_610 : vector<16xi32> to vector<32xbf16>
        %get3A_612 = arith.index_cast %add3A_603 : i32 to index
        %get3A_613 = arith.constant 32 : index
        %get3A_614 = tpu.vector_load %arg12[%get3A_612, %get3A_613] {strides = array<i32>} : memref<80x64xi32, #tpu.memory_space<vmem>>, vector<16xi32>,
        %bitcast3A_615 = vector.bitcast %get3A_614 : vector<16xi32> to vector<32xbf16>
        %get3A_616 = arith.index_cast %add3A_603 : i32 to index
        %get3A_617 = arith.constant 48 : index
        %get3A_618 = tpu.vector_load %arg12[%get3A_616, %get3A_617] {strides = array<i32>} : memref<80x64xi32, #tpu.memory_space<vmem>>, vector<16xi32>,
        %bitcast3A_619 = vector.bitcast %get3A_618 : vector<16xi32> to vector<32xbf16>
        %get3A_620 = arith.index_cast %add3A_603 : i32 to index
        %get3A_621 = arith.constant 0 : index
        %get3A_622 = tpu.vector_load %arg13[%get3A_620, %get3A_621] {strides = array<i32>} : memref<80x64xi32, #tpu.memory_space<vmem>>, vector<16xi32>,
        %bitcast3A_623 = vector.bitcast %get3A_622 : vector<16xi32> to vector<32xbf16>
        %get3A_624 = arith.index_cast %add3A_603 : i32 to index
        %get3A_625 = arith.constant 16 : index
        %get3A_626 = tpu.vector_load %arg13[%get3A_624, %get3A_625] {strides = array<i32>} : memref<80x64xi32, #tpu.memory_space<vmem>>, vector<16xi32>,
        %bitcast3A_627 = vector.bitcast %get3A_626 : vector<16xi32> to vector<32xbf16>
        %get3A_628 = arith.index_cast %add3A_603 : i32 to index
        %get3A_629 = arith.constant 32 : index
        %get3A_630 = tpu.vector_load %arg13[%get3A_628, %get3A_629] {strides = array<i32>} : memref<80x64xi32, #tpu.memory_space<vmem>>, vector<16xi32>,
        %bitcast3A_631 = vector.bitcast %get3A_630 : vector<16xi32> to vector<32xbf16>
        %get3A_632 = arith.index_cast %add3A_603 : i32 to index
        %get3A_633 = arith.constant 48 : index
        %get3A_634 = tpu.vector_load %arg13[%get3A_632, %get3A_633] {strides = array<i32>} : memref<80x64xi32, #tpu.memory_space<vmem>>, vector<16xi32>,
        %bitcast3A_635 = vector.bitcast %get3A_634 : vector<16xi32> to vector<32xbf16>
        %get3A_636 = arith.index_cast %squeeze3A_521 : i32 to index
        %get3A_637 = arith.constant 0 : index
        %get3A_638 = tpu.vector_load %arg11[%get3A_636, %get3A_637] {strides = array<i32>} : memref<1000x64xi32, #tpu.memory_space<vmem>>, vector<16xi32>,
        %bitcast3A_639 = vector.bitcast %get3A_638 : vector<16xi32> to vector<32xbf16>
        %get3A_640 = arith.index_cast %squeeze3A_521 : i32 to index
        %get3A_641 = arith.constant 16 : index
        %get3A_642 = tpu.vector_load %arg11[%get3A_640, %get3A_641] {strides = array<i32>} : memref<1000x64xi32, #tpu.memory_space<vmem>>, vector<16xi32>,
        %bitcast3A_643 = vector.bitcast %get3A_642 : vector<16xi32> to vector<32xbf16>
        %get3A_644 = arith.index_cast %squeeze3A_521 : i32 to index
        %get3A_645 = arith.constant 32 : index
        %get3A_646 = tpu.vector_load %arg11[%get3A_644, %get3A_645] {strides = array<i32>} : memref<1000x64xi32, #tpu.memory_space<vmem>>, vector<16xi32>,
        %bitcast3A_647 = vector.bitcast %get3A_646 : vector<16xi32> to vector<32xbf16>
        %get3A_648 = arith.index_cast %squeeze3A_521 : i32 to index
        %get3A_649 = arith.constant 48 : index
        %get3A_650 = tpu.vector_load %arg11[%get3A_648, %get3A_649] {strides = array<i32>} : memref<1000x64xi32, #tpu.memory_space<vmem>>, vector<16xi32>,
        %bitcast3A_651 = vector.bitcast %get3A_650 : vector<16xi32> to vector<32xbf16>
        %mul3A_652 = arith.mulf %bitcast3A_451, %bitcast3A_467 : vector<32xbf16>
        %mul3A_653 = arith.mulf %bitcast3A_459, %bitcast3A_475 : vector<32xbf16>
        %add3A_654 = arith.addf %mul3A_652, %mul3A_653 : vector<32xbf16>
        %mul3A_655 = arith.mulf %bitcast3A_483, %add3A_654 : vector<32xbf16>
        %mul3A_656 = arith.mulf %bitcast3A_451, %bitcast3A_475 : vector<32xbf16>
        %mul3A_657 = arith.mulf %bitcast3A_459, %bitcast3A_467 : vector<32xbf16>
        %sub3A_658 = arith.subf %mul3A_656, %mul3A_657 : vector<32xbf16>
        %mul3A_659 = arith.mulf %bitcast3A_491, %sub3A_658 : vector<32xbf16>
        %add3A_660 = arith.addf %mul3A_655, %mul3A_659 : vector<32xbf16>
        %mul3A_661 = arith.mulf %bitcast3A_455, %bitcast3A_471 : vector<32xbf16>
        %mul3A_662 = arith.mulf %bitcast3A_463, %bitcast3A_479 : vector<32xbf16>
        %add3A_663 = arith.addf %mul3A_661, %mul3A_662 : vector<32xbf16>
        %mul3A_664 = arith.mulf %bitcast3A_487, %add3A_663 : vector<32xbf16>
        %mul3A_665 = arith.mulf %bitcast3A_455, %bitcast3A_479 : vector<32xbf16>
        %mul3A_666 = arith.mulf %bitcast3A_463, %bitcast3A_471 : vector<32xbf16>
        %sub3A_667 = arith.subf %mul3A_665, %mul3A_666 : vector<32xbf16>
        %mul3A_668 = arith.mulf %bitcast3A_495, %sub3A_667 : vector<32xbf16>
        %add3A_669 = arith.addf %mul3A_664, %mul3A_668 : vector<32xbf16>
        %add3A_670 = arith.addf %add3A_660, %add3A_669 : vector<32xbf16>
        %unpack3A_671 = tpu.unpack_subelements %add3A_670, 0 {pack_format = #tpu.pack_format<interleaved>} : vector<32xbf16> -> vector<16xf32>
        %unpack3A_672 = tpu.unpack_subelements %add3A_670, 1 {pack_format = #tpu.pack_format<interleaved>} : vector<32xbf16> -> vector<16xf32>
        %add3A_673 = arith.addf %unpack3A_671, %unpack3A_672 : vector<16xf32>
        %swap3A_674 = arith.constant 80 : index
        %swap3A_675 = tpu.vector_load %arg17[%swap3A_674] {strides = array<i32>} : memref<256xf32, #tpu.memory_space<vmem>>, vector<16xf32>,
        tpu.vector_store %arg17[%swap3A_674], %add3A_673 {strides = array<i32>} : memref<256xf32, #tpu.memory_space<vmem>>, vector<16xf32>,
        %slice3A_676 = vector.extract_strided_slice %get3A_109 {offsets = [9], sizes = [1], strides = [1]} : vector<16xi32> to vector<1xi32>
        %squeeze3A_677 = vector.extract %slice3A_676[0] : i32 from vector<1xi32>
        %add3A_678 = arith.constant 6 : i32
        %add3A_679 = arith.addi %mul3A_106, %add3A_678 : i32
        %add3A_680 = arith.constant 2 : i32
        %add3A_681 = arith.addi %add3A_679, %add3A_680 : i32
        %get3A_682 = arith.index_cast %add3A_681 : i32 to index
        %get3A_683 = arith.constant 0 : index
        %get3A_684 = tpu.vector_load %arg12[%get3A_682, %get3A_683] {strides = array<i32>} : memref<80x64xi32, #tpu.memory_space<vmem>>, vector<16xi32>,
        %bitcast3A_685 = vector.bitcast %get3A_684 : vector<16xi32> to vector<32xbf16>
        %get3A_686 = arith.index_cast %add3A_681 : i32 to index
        %get3A_687 = arith.constant 16 : index
        %get3A_688 = tpu.vector_load %arg12[%get3A_686, %get3A_687] {strides = array<i32>} : memref<80x64xi32, #tpu.memory_space<vmem>>, vector<16xi32>,
        %bitcast3A_689 = vector.bitcast %get3A_688 : vector<16xi32> to vector<32xbf16>
        %get3A_690 = arith.index_cast %add3A_681 : i32 to index
        %get3A_691 = arith.constant 32 : index
        %get3A_692 = tpu.vector_load %arg12[%get3A_690, %get3A_691] {strides = array<i32>} : memref<80x64xi32, #tpu.memory_space<vmem>>, vector<16xi32>,
        %bitcast3A_693 = vector.bitcast %get3A_692 : vector<16xi32> to vector<32xbf16>
        %get3A_694 = arith.index_cast %add3A_681 : i32 to index
        %get3A_695 = arith.constant 48 : index
        %get3A_696 = tpu.vector_load %arg12[%get3A_694, %get3A_695] {strides = array<i32>} : memref<80x64xi32, #tpu.memory_space<vmem>>, vector<16xi32>,
        %bitcast3A_697 = vector.bitcast %get3A_696 : vector<16xi32> to vector<32xbf16>
        %get3A_698 = arith.index_cast %add3A_681 : i32 to index
        %get3A_699 = arith.constant 0 : index
        %get3A_700 = tpu.vector_load %arg13[%get3A_698, %get3A_699] {strides = array<i32>} : memref<80x64xi32, #tpu.memory_space<vmem>>, vector<16xi32>,
        %bitcast3A_701 = vector.bitcast %get3A_700 : vector<16xi32> to vector<32xbf16>
        %get3A_702 = arith.index_cast %add3A_681 : i32 to index
        %get3A_703 = arith.constant 16 : index
        %get3A_704 = tpu.vector_load %arg13[%get3A_702, %get3A_703] {strides = array<i32>} : memref<80x64xi32, #tpu.memory_space<vmem>>, vector<16xi32>,
        %bitcast3A_705 = vector.bitcast %get3A_704 : vector<16xi32> to vector<32xbf16>
        %get3A_706 = arith.index_cast %add3A_681 : i32 to index
        %get3A_707 = arith.constant 32 : index
        %get3A_708 = tpu.vector_load %arg13[%get3A_706, %get3A_707] {strides = array<i32>} : memref<80x64xi32, #tpu.memory_space<vmem>>, vector<16xi32>,
        %bitcast3A_709 = vector.bitcast %get3A_708 : vector<16xi32> to vector<32xbf16>
        %get3A_710 = arith.index_cast %add3A_681 : i32 to index
        %get3A_711 = arith.constant 48 : index
        %get3A_712 = tpu.vector_load %arg13[%get3A_710, %get3A_711] {strides = array<i32>} : memref<80x64xi32, #tpu.memory_space<vmem>>, vector<16xi32>,
        %bitcast3A_713 = vector.bitcast %get3A_712 : vector<16xi32> to vector<32xbf16>
        %get3A_714 = arith.index_cast %squeeze3A_599 : i32 to index
        %get3A_715 = arith.constant 0 : index
        %get3A_716 = tpu.vector_load %arg11[%get3A_714, %get3A_715] {strides = array<i32>} : memref<1000x64xi32, #tpu.memory_space<vmem>>, vector<16xi32>,
        %bitcast3A_717 = vector.bitcast %get3A_716 : vector<16xi32> to vector<32xbf16>
        %get3A_718 = arith.index_cast %squeeze3A_599 : i32 to index
        %get3A_719 = arith.constant 16 : index
        %get3A_720 = tpu.vector_load %arg11[%get3A_718, %get3A_719] {strides = array<i32>} : memref<1000x64xi32, #tpu.memory_space<vmem>>, vector<16xi32>,
        %bitcast3A_721 = vector.bitcast %get3A_720 : vector<16xi32> to vector<32xbf16>
        %get3A_722 = arith.index_cast %squeeze3A_599 : i32 to index
        %get3A_723 = arith.constant 32 : index
        %get3A_724 = tpu.vector_load %arg11[%get3A_722, %get3A_723] {strides = array<i32>} : memref<1000x64xi32, #tpu.memory_space<vmem>>, vector<16xi32>,
        %bitcast3A_725 = vector.bitcast %get3A_724 : vector<16xi32> to vector<32xbf16>
        %get3A_726 = arith.index_cast %squeeze3A_599 : i32 to index
        %get3A_727 = arith.constant 48 : index
        %get3A_728 = tpu.vector_load %arg11[%get3A_726, %get3A_727] {strides = array<i32>} : memref<1000x64xi32, #tpu.memory_space<vmem>>, vector<16xi32>,
        %bitcast3A_729 = vector.bitcast %get3A_728 : vector<16xi32> to vector<32xbf16>
        %mul3A_730 = arith.mulf %bitcast3A_529, %bitcast3A_545 : vector<32xbf16>
        %mul3A_731 = arith.mulf %bitcast3A_537, %bitcast3A_553 : vector<32xbf16>
        %add3A_732 = arith.addf %mul3A_730, %mul3A_731 : vector<32xbf16>
        %mul3A_733 = arith.mulf %bitcast3A_561, %add3A_732 : vector<32xbf16>
        %mul3A_734 = arith.mulf %bitcast3A_529, %bitcast3A_553 : vector<32xbf16>
        %mul3A_735 = arith.mulf %bitcast3A_537, %bitcast3A_545 : vector<32xbf16>
        %sub3A_736 = arith.subf %mul3A_734, %mul3A_735 : vector<32xbf16>
        %mul3A_737 = arith.mulf %bitcast3A_569, %sub3A_736 : vector<32xbf16>
        %add3A_738 = arith.addf %mul3A_733, %mul3A_737 : vector<32xbf16>
        %mul3A_739 = arith.mulf %bitcast3A_533, %bitcast3A_549 : vector<32xbf16>
        %mul3A_740 = arith.mulf %bitcast3A_541, %bitcast3A_557 : vector<32xbf16>
        %add3A_741 = arith.addf %mul3A_739, %mul3A_740 : vector<32xbf16>
        %mul3A_742 = arith.mulf %bitcast3A_565, %add3A_741 : vector<32xbf16>
        %mul3A_743 = arith.mulf %bitcast3A_533, %bitcast3A_557 : vector<32xbf16>
        %mul3A_744 = arith.mulf %bitcast3A_541, %bitcast3A_549 : vector<32xbf16>
        %sub3A_745 = arith.subf %mul3A_743, %mul3A_744 : vector<32xbf16>
        %mul3A_746 = arith.mulf %bitcast3A_573, %sub3A_745 : vector<32xbf16>
        %add3A_747 = arith.addf %mul3A_742, %mul3A_746 : vector<32xbf16>
        %add3A_748 = arith.addf %add3A_738, %add3A_747 : vector<32xbf16>
        %unpack3A_749 = tpu.unpack_subelements %add3A_748, 0 {pack_format = #tpu.pack_format<interleaved>} : vector<32xbf16> -> vector<16xf32>
        %unpack3A_750 = tpu.unpack_subelements %add3A_748, 1 {pack_format = #tpu.pack_format<interleaved>} : vector<32xbf16> -> vector<16xf32>
        %add3A_751 = arith.addf %unpack3A_749, %unpack3A_750 : vector<16xf32>
        %swap3A_752 = arith.constant 96 : index
        %swap3A_753 = tpu.vector_load %arg17[%swap3A_752] {strides = array<i32>} : memref<256xf32, #tpu.memory_space<vmem>>, vector<16xf32>,
        tpu.vector_store %arg17[%swap3A_752], %add3A_751 {strides = array<i32>} : memref<256xf32, #tpu.memory_space<vmem>>, vector<16xf32>,
        %slice3A_754 = vector.extract_strided_slice %get3A_109 {offsets = [10], sizes = [1], strides = [1]} : vector<16xi32> to vector<1xi32>
        %squeeze3A_755 = vector.extract %slice3A_754[0] : i32 from vector<1xi32>
        %add3A_756 = arith.constant 7 : i32
        %add3A_757 = arith.addi %mul3A_106, %add3A_756 : i32
        %add3A_758 = arith.constant 2 : i32
        %add3A_759 = arith.addi %add3A_757, %add3A_758 : i32
        %get3A_760 = arith.index_cast %add3A_759 : i32 to index
        %get3A_761 = arith.constant 0 : index
        %get3A_762 = tpu.vector_load %arg12[%get3A_760, %get3A_761] {strides = array<i32>} : memref<80x64xi32, #tpu.memory_space<vmem>>, vector<16xi32>,
        %bitcast3A_763 = vector.bitcast %get3A_762 : vector<16xi32> to vector<32xbf16>
        %get3A_764 = arith.index_cast %add3A_759 : i32 to index
        %get3A_765 = arith.constant 16 : index
        %get3A_766 = tpu.vector_load %arg12[%get3A_764, %get3A_765] {strides = array<i32>} : memref<80x64xi32, #tpu.memory_space<vmem>>, vector<16xi32>,
        %bitcast3A_767 = vector.bitcast %get3A_766 : vector<16xi32> to vector<32xbf16>
        %get3A_768 = arith.index_cast %add3A_759 : i32 to index
        %get3A_769 = arith.constant 32 : index
        %get3A_770 = tpu.vector_load %arg12[%get3A_768, %get3A_769] {strides = array<i32>} : memref<80x64xi32, #tpu.memory_space<vmem>>, vector<16xi32>,
        %bitcast3A_771 = vector.bitcast %get3A_770 : vector<16xi32> to vector<32xbf16>
        %get3A_772 = arith.index_cast %add3A_759 : i32 to index
        %get3A_773 = arith.constant 48 : index
        %get3A_774 = tpu.vector_load %arg12[%get3A_772, %get3A_773] {strides = array<i32>} : memref<80x64xi32, #tpu.memory_space<vmem>>, vector<16xi32>,
        %bitcast3A_775 = vector.bitcast %get3A_774 : vector<16xi32> to vector<32xbf16>
        %get3A_776 = arith.index_cast %add3A_759 : i32 to index
        %get3A_777 = arith.constant 0 : index
        %get3A_778 = tpu.vector_load %arg13[%get3A_776, %get3A_777] {strides = array<i32>} : memref<80x64xi32, #tpu.memory_space<vmem>>, vector<16xi32>,
        %bitcast3A_779 = vector.bitcast %get3A_778 : vector<16xi32> to vector<32xbf16>
        %get3A_780 = arith.index_cast %add3A_759 : i32 to index
        %get3A_781 = arith.constant 16 : index
        %get3A_782 = tpu.vector_load %arg13[%get3A_780, %get3A_781] {strides = array<i32>} : memref<80x64xi32, #tpu.memory_space<vmem>>, vector<16xi32>,
        %bitcast3A_783 = vector.bitcast %get3A_782 : vector<16xi32> to vector<32xbf16>
        %get3A_784 = arith.index_cast %add3A_759 : i32 to index
        %get3A_785 = arith.constant 32 : index
        %get3A_786 = tpu.vector_load %arg13[%get3A_784, %get3A_785] {strides = array<i32>} : memref<80x64xi32, #tpu.memory_space<vmem>>, vector<16xi32>,
        %bitcast3A_787 = vector.bitcast %get3A_786 : vector<16xi32> to vector<32xbf16>
        %get3A_788 = arith.index_cast %add3A_759 : i32 to index
        %get3A_789 = arith.constant 48 : index
        %get3A_790 = tpu.vector_load %arg13[%get3A_788, %get3A_789] {strides = array<i32>} : memref<80x64xi32, #tpu.memory_space<vmem>>, vector<16xi32>,
        %bitcast3A_791 = vector.bitcast %get3A_790 : vector<16xi32> to vector<32xbf16>
        %get3A_792 = arith.index_cast %squeeze3A_677 : i32 to index
        %get3A_793 = arith.constant 0 : index
        %get3A_794 = tpu.vector_load %arg11[%get3A_792, %get3A_793] {strides = array<i32>} : memref<1000x64xi32, #tpu.memory_space<vmem>>, vector<16xi32>,
        %bitcast3A_795 = vector.bitcast %get3A_794 : vector<16xi32> to vector<32xbf16>
        %get3A_796 = arith.index_cast %squeeze3A_677 : i32 to index
        %get3A_797 = arith.constant 16 : index
        %get3A_798 = tpu.vector_load %arg11[%get3A_796, %get3A_797] {strides = array<i32>} : memref<1000x64xi32, #tpu.memory_space<vmem>>, vector<16xi32>,
        %bitcast3A_799 = vector.bitcast %get3A_798 : vector<16xi32> to vector<32xbf16>
        %get3A_800 = arith.index_cast %squeeze3A_677 : i32 to index
        %get3A_801 = arith.constant 32 : index
        %get3A_802 = tpu.vector_load %arg11[%get3A_800, %get3A_801] {strides = array<i32>} : memref<1000x64xi32, #tpu.memory_space<vmem>>, vector<16xi32>,
        %bitcast3A_803 = vector.bitcast %get3A_802 : vector<16xi32> to vector<32xbf16>
        %get3A_804 = arith.index_cast %squeeze3A_677 : i32 to index
        %get3A_805 = arith.constant 48 : index
        %get3A_806 = tpu.vector_load %arg11[%get3A_804, %get3A_805] {strides = array<i32>} : memref<1000x64xi32, #tpu.memory_space<vmem>>, vector<16xi32>,
        %bitcast3A_807 = vector.bitcast %get3A_806 : vector<16xi32> to vector<32xbf16>
        %mul3A_808 = arith.mulf %bitcast3A_607, %bitcast3A_623 : vector<32xbf16>
        %mul3A_809 = arith.mulf %bitcast3A_615, %bitcast3A_631 : vector<32xbf16>
        %add3A_810 = arith.addf %mul3A_808, %mul3A_809 : vector<32xbf16>
        %mul3A_811 = arith.mulf %bitcast3A_639, %add3A_810 : vector<32xbf16>
        %mul3A_812 = arith.mulf %bitcast3A_607, %bitcast3A_631 : vector<32xbf16>
        %mul3A_813 = arith.mulf %bitcast3A_615, %bitcast3A_623 : vector<32xbf16>
        %sub3A_814 = arith.subf %mul3A_812, %mul3A_813 : vector<32xbf16>
        %mul3A_815 = arith.mulf %bitcast3A_647, %sub3A_814 : vector<32xbf16>
        %add3A_816 = arith.addf %mul3A_811, %mul3A_815 : vector<32xbf16>
        %mul3A_817 = arith.mulf %bitcast3A_611, %bitcast3A_627 : vector<32xbf16>
        %mul3A_818 = arith.mulf %bitcast3A_619, %bitcast3A_635 : vector<32xbf16>
        %add3A_819 = arith.addf %mul3A_817, %mul3A_818 : vector<32xbf16>
        %mul3A_820 = arith.mulf %bitcast3A_643, %add3A_819 : vector<32xbf16>
        %mul3A_821 = arith.mulf %bitcast3A_611, %bitcast3A_635 : vector<32xbf16>
        %mul3A_822 = arith.mulf %bitcast3A_619, %bitcast3A_627 : vector<32xbf16>
        %sub3A_823 = arith.subf %mul3A_821, %mul3A_822 : vector<32xbf16>
        %mul3A_824 = arith.mulf %bitcast3A_651, %sub3A_823 : vector<32xbf16>
        %add3A_825 = arith.addf %mul3A_820, %mul3A_824 : vector<32xbf16>
        %add3A_826 = arith.addf %add3A_816, %add3A_825 : vector<32xbf16>
        %unpack3A_827 = tpu.unpack_subelements %add3A_826, 0 {pack_format = #tpu.pack_format<interleaved>} : vector<32xbf16> -> vector<16xf32>
        %unpack3A_828 = tpu.unpack_subelements %add3A_826, 1 {pack_format = #tpu.pack_format<interleaved>} : vector<32xbf16> -> vector<16xf32>
        %add3A_829 = arith.addf %unpack3A_827, %unpack3A_828 : vector<16xf32>
        %swap3A_830 = arith.constant 112 : index
        %swap3A_831 = tpu.vector_load %arg17[%swap3A_830] {strides = array<i32>} : memref<256xf32, #tpu.memory_space<vmem>>, vector<16xf32>,
        tpu.vector_store %arg17[%swap3A_830], %add3A_829 {strides = array<i32>} : memref<256xf32, #tpu.memory_space<vmem>>, vector<16xf32>,
        %slice3A_832 = vector.extract_strided_slice %get3A_109 {offsets = [11], sizes = [1], strides = [1]} : vector<16xi32> to vector<1xi32>
        %squeeze3A_833 = vector.extract %slice3A_832[0] : i32 from vector<1xi32>
        %add3A_834 = arith.constant 8 : i32
        %add3A_835 = arith.addi %mul3A_106, %add3A_834 : i32
        %add3A_836 = arith.constant 2 : i32
        %add3A_837 = arith.addi %add3A_835, %add3A_836 : i32
        %get3A_838 = arith.index_cast %add3A_837 : i32 to index
        %get3A_839 = arith.constant 0 : index
        %get3A_840 = tpu.vector_load %arg12[%get3A_838, %get3A_839] {strides = array<i32>} : memref<80x64xi32, #tpu.memory_space<vmem>>, vector<16xi32>,
        %bitcast3A_841 = vector.bitcast %get3A_840 : vector<16xi32> to vector<32xbf16>
        %get3A_842 = arith.index_cast %add3A_837 : i32 to index
        %get3A_843 = arith.constant 16 : index
        %get3A_844 = tpu.vector_load %arg12[%get3A_842, %get3A_843] {strides = array<i32>} : memref<80x64xi32, #tpu.memory_space<vmem>>, vector<16xi32>,
        %bitcast3A_845 = vector.bitcast %get3A_844 : vector<16xi32> to vector<32xbf16>
        %get3A_846 = arith.index_cast %add3A_837 : i32 to index
        %get3A_847 = arith.constant 32 : index
        %get3A_848 = tpu.vector_load %arg12[%get3A_846, %get3A_847] {strides = array<i32>} : memref<80x64xi32, #tpu.memory_space<vmem>>, vector<16xi32>,
        %bitcast3A_849 = vector.bitcast %get3A_848 : vector<16xi32> to vector<32xbf16>
        %get3A_850 = arith.index_cast %add3A_837 : i32 to index
        %get3A_851 = arith.constant 48 : index
        %get3A_852 = tpu.vector_load %arg12[%get3A_850, %get3A_851] {strides = array<i32>} : memref<80x64xi32, #tpu.memory_space<vmem>>, vector<16xi32>,
        %bitcast3A_853 = vector.bitcast %get3A_852 : vector<16xi32> to vector<32xbf16>
        %get3A_854 = arith.index_cast %add3A_837 : i32 to index
        %get3A_855 = arith.constant 0 : index
        %get3A_856 = tpu.vector_load %arg13[%get3A_854, %get3A_855] {strides = array<i32>} : memref<80x64xi32, #tpu.memory_space<vmem>>, vector<16xi32>,
        %bitcast3A_857 = vector.bitcast %get3A_856 : vector<16xi32> to vector<32xbf16>
        %get3A_858 = arith.index_cast %add3A_837 : i32 to index
        %get3A_859 = arith.constant 16 : index
        %get3A_860 = tpu.vector_load %arg13[%get3A_858, %get3A_859] {strides = array<i32>} : memref<80x64xi32, #tpu.memory_space<vmem>>, vector<16xi32>,
        %bitcast3A_861 = vector.bitcast %get3A_860 : vector<16xi32> to vector<32xbf16>
        %get3A_862 = arith.index_cast %add3A_837 : i32 to index
        %get3A_863 = arith.constant 32 : index
        %get3A_864 = tpu.vector_load %arg13[%get3A_862, %get3A_863] {strides = array<i32>} : memref<80x64xi32, #tpu.memory_space<vmem>>, vector<16xi32>,
        %bitcast3A_865 = vector.bitcast %get3A_864 : vector<16xi32> to vector<32xbf16>
        %get3A_866 = arith.index_cast %add3A_837 : i32 to index
        %get3A_867 = arith.constant 48 : index
        %get3A_868 = tpu.vector_load %arg13[%get3A_866, %get3A_867] {strides = array<i32>} : memref<80x64xi32, #tpu.memory_space<vmem>>, vector<16xi32>,
        %bitcast3A_869 = vector.bitcast %get3A_868 : vector<16xi32> to vector<32xbf16>
        %get3A_870 = arith.index_cast %squeeze3A_755 : i32 to index
        %get3A_871 = arith.constant 0 : index
        %get3A_872 = tpu.vector_load %arg11[%get3A_870, %get3A_871] {strides = array<i32>} : memref<1000x64xi32, #tpu.memory_space<vmem>>, vector<16xi32>,
        %bitcast3A_873 = vector.bitcast %get3A_872 : vector<16xi32> to vector<32xbf16>
        %get3A_874 = arith.index_cast %squeeze3A_755 : i32 to index
        %get3A_875 = arith.constant 16 : index
        %get3A_876 = tpu.vector_load %arg11[%get3A_874, %get3A_875] {strides = array<i32>} : memref<1000x64xi32, #tpu.memory_space<vmem>>, vector<16xi32>,
        %bitcast3A_877 = vector.bitcast %get3A_876 : vector<16xi32> to vector<32xbf16>
        %get3A_878 = arith.index_cast %squeeze3A_755 : i32 to index
        %get3A_879 = arith.constant 32 : index
        %get3A_880 = tpu.vector_load %arg11[%get3A_878, %get3A_879] {strides = array<i32>} : memref<1000x64xi32, #tpu.memory_space<vmem>>, vector<16xi32>,
        %bitcast3A_881 = vector.bitcast %get3A_880 : vector<16xi32> to vector<32xbf16>
        %get3A_882 = arith.index_cast %squeeze3A_755 : i32 to index
        %get3A_883 = arith.constant 48 : index
        %get3A_884 = tpu.vector_load %arg11[%get3A_882, %get3A_883] {strides = array<i32>} : memref<1000x64xi32, #tpu.memory_space<vmem>>, vector<16xi32>,
        %bitcast3A_885 = vector.bitcast %get3A_884 : vector<16xi32> to vector<32xbf16>
        %mul3A_886 = arith.mulf %bitcast3A_685, %bitcast3A_701 : vector<32xbf16>
        %mul3A_887 = arith.mulf %bitcast3A_693, %bitcast3A_709 : vector<32xbf16>
        %add3A_888 = arith.addf %mul3A_886, %mul3A_887 : vector<32xbf16>
        %mul3A_889 = arith.mulf %bitcast3A_717, %add3A_888 : vector<32xbf16>
        %mul3A_890 = arith.mulf %bitcast3A_685, %bitcast3A_709 : vector<32xbf16>
        %mul3A_891 = arith.mulf %bitcast3A_693, %bitcast3A_701 : vector<32xbf16>
        %sub3A_892 = arith.subf %mul3A_890, %mul3A_891 : vector<32xbf16>
        %mul3A_893 = arith.mulf %bitcast3A_725, %sub3A_892 : vector<32xbf16>
        %add3A_894 = arith.addf %mul3A_889, %mul3A_893 : vector<32xbf16>
        %mul3A_895 = arith.mulf %bitcast3A_689, %bitcast3A_705 : vector<32xbf16>
        %mul3A_896 = arith.mulf %bitcast3A_697, %bitcast3A_713 : vector<32xbf16>
        %add3A_897 = arith.addf %mul3A_895, %mul3A_896 : vector<32xbf16>
        %mul3A_898 = arith.mulf %bitcast3A_721, %add3A_897 : vector<32xbf16>
        %mul3A_899 = arith.mulf %bitcast3A_689, %bitcast3A_713 : vector<32xbf16>
        %mul3A_900 = arith.mulf %bitcast3A_697, %bitcast3A_705 : vector<32xbf16>
        %sub3A_901 = arith.subf %mul3A_899, %mul3A_900 : vector<32xbf16>
        %mul3A_902 = arith.mulf %bitcast3A_729, %sub3A_901 : vector<32xbf16>
        %add3A_903 = arith.addf %mul3A_898, %mul3A_902 : vector<32xbf16>
        %add3A_904 = arith.addf %add3A_894, %add3A_903 : vector<32xbf16>
        %unpack3A_905 = tpu.unpack_subelements %add3A_904, 0 {pack_format = #tpu.pack_format<interleaved>} : vector<32xbf16> -> vector<16xf32>
        %unpack3A_906 = tpu.unpack_subelements %add3A_904, 1 {pack_format = #tpu.pack_format<interleaved>} : vector<32xbf16> -> vector<16xf32>
        %add3A_907 = arith.addf %unpack3A_905, %unpack3A_906 : vector<16xf32>
        %swap3A_908 = arith.constant 128 : index
        %swap3A_909 = tpu.vector_load %arg17[%swap3A_908] {strides = array<i32>} : memref<256xf32, #tpu.memory_space<vmem>>, vector<16xf32>,
        tpu.vector_store %arg17[%swap3A_908], %add3A_907 {strides = array<i32>} : memref<256xf32, #tpu.memory_space<vmem>>, vector<16xf32>,
        %slice3A_910 = vector.extract_strided_slice %get3A_109 {offsets = [12], sizes = [1], strides = [1]} : vector<16xi32> to vector<1xi32>
        %squeeze3A_911 = vector.extract %slice3A_910[0] : i32 from vector<1xi32>
        %add3A_912 = arith.constant 9 : i32
        %add3A_913 = arith.addi %mul3A_106, %add3A_912 : i32
        %add3A_914 = arith.constant 2 : i32
        %add3A_915 = arith.addi %add3A_913, %add3A_914 : i32
        %get3A_916 = arith.index_cast %add3A_915 : i32 to index
        %get3A_917 = arith.constant 0 : index
        %get3A_918 = tpu.vector_load %arg12[%get3A_916, %get3A_917] {strides = array<i32>} : memref<80x64xi32, #tpu.memory_space<vmem>>, vector<16xi32>,
        %bitcast3A_919 = vector.bitcast %get3A_918 : vector<16xi32> to vector<32xbf16>
        %get3A_920 = arith.index_cast %add3A_915 : i32 to index
        %get3A_921 = arith.constant 16 : index
        %get3A_922 = tpu.vector_load %arg12[%get3A_920, %get3A_921] {strides = array<i32>} : memref<80x64xi32, #tpu.memory_space<vmem>>, vector<16xi32>,
        %bitcast3A_923 = vector.bitcast %get3A_922 : vector<16xi32> to vector<32xbf16>
        %get3A_924 = arith.index_cast %add3A_915 : i32 to index
        %get3A_925 = arith.constant 32 : index
        %get3A_926 = tpu.vector_load %arg12[%get3A_924, %get3A_925] {strides = array<i32>} : memref<80x64xi32, #tpu.memory_space<vmem>>, vector<16xi32>,
        %bitcast3A_927 = vector.bitcast %get3A_926 : vector<16xi32> to vector<32xbf16>
        %get3A_928 = arith.index_cast %add3A_915 : i32 to index
        %get3A_929 = arith.constant 48 : index
        %get3A_930 = tpu.vector_load %arg12[%get3A_928, %get3A_929] {strides = array<i32>} : memref<80x64xi32, #tpu.memory_space<vmem>>, vector<16xi32>,
        %bitcast3A_931 = vector.bitcast %get3A_930 : vector<16xi32> to vector<32xbf16>
        %get3A_932 = arith.index_cast %add3A_915 : i32 to index
        %get3A_933 = arith.constant 0 : index
        %get3A_934 = tpu.vector_load %arg13[%get3A_932, %get3A_933] {strides = array<i32>} : memref<80x64xi32, #tpu.memory_space<vmem>>, vector<16xi32>,
        %bitcast3A_935 = vector.bitcast %get3A_934 : vector<16xi32> to vector<32xbf16>
        %get3A_936 = arith.index_cast %add3A_915 : i32 to index
        %get3A_937 = arith.constant 16 : index
        %get3A_938 = tpu.vector_load %arg13[%get3A_936, %get3A_937] {strides = array<i32>} : memref<80x64xi32, #tpu.memory_space<vmem>>, vector<16xi32>,
        %bitcast3A_939 = vector.bitcast %get3A_938 : vector<16xi32> to vector<32xbf16>
        %get3A_940 = arith.index_cast %add3A_915 : i32 to index
        %get3A_941 = arith.constant 32 : index
        %get3A_942 = tpu.vector_load %arg13[%get3A_940, %get3A_941] {strides = array<i32>} : memref<80x64xi32, #tpu.memory_space<vmem>>, vector<16xi32>,
        %bitcast3A_943 = vector.bitcast %get3A_942 : vector<16xi32> to vector<32xbf16>
        %get3A_944 = arith.index_cast %add3A_915 : i32 to index
        %get3A_945 = arith.constant 48 : index
        %get3A_946 = tpu.vector_load %arg13[%get3A_944, %get3A_945] {strides = array<i32>} : memref<80x64xi32, #tpu.memory_space<vmem>>, vector<16xi32>,
        %bitcast3A_947 = vector.bitcast %get3A_946 : vector<16xi32> to vector<32xbf16>
        %get3A_948 = arith.index_cast %squeeze3A_833 : i32 to index
        %get3A_949 = arith.constant 0 : index
        %get3A_950 = tpu.vector_load %arg11[%get3A_948, %get3A_949] {strides = array<i32>} : memref<1000x64xi32, #tpu.memory_space<vmem>>, vector<16xi32>,
        %bitcast3A_951 = vector.bitcast %get3A_950 : vector<16xi32> to vector<32xbf16>
        %get3A_952 = arith.index_cast %squeeze3A_833 : i32 to index
        %get3A_953 = arith.constant 16 : index
        %get3A_954 = tpu.vector_load %arg11[%get3A_952, %get3A_953] {strides = array<i32>} : memref<1000x64xi32, #tpu.memory_space<vmem>>, vector<16xi32>,
        %bitcast3A_955 = vector.bitcast %get3A_954 : vector<16xi32> to vector<32xbf16>
        %get3A_956 = arith.index_cast %squeeze3A_833 : i32 to index
        %get3A_957 = arith.constant 32 : index
        %get3A_958 = tpu.vector_load %arg11[%get3A_956, %get3A_957] {strides = array<i32>} : memref<1000x64xi32, #tpu.memory_space<vmem>>, vector<16xi32>,
        %bitcast3A_959 = vector.bitcast %get3A_958 : vector<16xi32> to vector<32xbf16>
        %get3A_960 = arith.index_cast %squeeze3A_833 : i32 to index
        %get3A_961 = arith.constant 48 : index
        %get3A_962 = tpu.vector_load %arg11[%get3A_960, %get3A_961] {strides = array<i32>} : memref<1000x64xi32, #tpu.memory_space<vmem>>, vector<16xi32>,
        %bitcast3A_963 = vector.bitcast %get3A_962 : vector<16xi32> to vector<32xbf16>
        %mul3A_964 = arith.mulf %bitcast3A_763, %bitcast3A_779 : vector<32xbf16>
        %mul3A_965 = arith.mulf %bitcast3A_771, %bitcast3A_787 : vector<32xbf16>
        %add3A_966 = arith.addf %mul3A_964, %mul3A_965 : vector<32xbf16>
        %mul3A_967 = arith.mulf %bitcast3A_795, %add3A_966 : vector<32xbf16>
        %mul3A_968 = arith.mulf %bitcast3A_763, %bitcast3A_787 : vector<32xbf16>
        %mul3A_969 = arith.mulf %bitcast3A_771, %bitcast3A_779 : vector<32xbf16>
        %sub3A_970 = arith.subf %mul3A_968, %mul3A_969 : vector<32xbf16>
        %mul3A_971 = arith.mulf %bitcast3A_803, %sub3A_970 : vector<32xbf16>
        %add3A_972 = arith.addf %mul3A_967, %mul3A_971 : vector<32xbf16>
        %mul3A_973 = arith.mulf %bitcast3A_767, %bitcast3A_783 : vector<32xbf16>
        %mul3A_974 = arith.mulf %bitcast3A_775, %bitcast3A_791 : vector<32xbf16>
        %add3A_975 = arith.addf %mul3A_973, %mul3A_974 : vector<32xbf16>
        %mul3A_976 = arith.mulf %bitcast3A_799, %add3A_975 : vector<32xbf16>
        %mul3A_977 = arith.mulf %bitcast3A_767, %bitcast3A_791 : vector<32xbf16>
        %mul3A_978 = arith.mulf %bitcast3A_775, %bitcast3A_783 : vector<32xbf16>
        %sub3A_979 = arith.subf %mul3A_977, %mul3A_978 : vector<32xbf16>
        %mul3A_980 = arith.mulf %bitcast3A_807, %sub3A_979 : vector<32xbf16>
        %add3A_981 = arith.addf %mul3A_976, %mul3A_980 : vector<32xbf16>
        %add3A_982 = arith.addf %add3A_972, %add3A_981 : vector<32xbf16>
        %unpack3A_983 = tpu.unpack_subelements %add3A_982, 0 {pack_format = #tpu.pack_format<interleaved>} : vector<32xbf16> -> vector<16xf32>
        %unpack3A_984 = tpu.unpack_subelements %add3A_982, 1 {pack_format = #tpu.pack_format<interleaved>} : vector<32xbf16> -> vector<16xf32>
        %add3A_985 = arith.addf %unpack3A_983, %unpack3A_984 : vector<16xf32>
        %swap3A_986 = arith.constant 144 : index
        %swap3A_987 = tpu.vector_load %arg17[%swap3A_986] {strides = array<i32>} : memref<256xf32, #tpu.memory_space<vmem>>, vector<16xf32>,
        tpu.vector_store %arg17[%swap3A_986], %add3A_985 {strides = array<i32>} : memref<256xf32, #tpu.memory_space<vmem>>, vector<16xf32>,
        %slice3A_988 = vector.extract_strided_slice %get3A_109 {offsets = [13], sizes = [1], strides = [1]} : vector<16xi32> to vector<1xi32>
        %squeeze3A_989 = vector.extract %slice3A_988[0] : i32 from vector<1xi32>
        %add3A_990 = arith.constant 10 : i32
        %add3A_991 = arith.addi %mul3A_106, %add3A_990 : i32
        %add3A_992 = arith.constant 2 : i32
        %add3A_993 = arith.addi %add3A_991, %add3A_992 : i32
        %get3A_994 = arith.index_cast %add3A_993 : i32 to index
        %get3A_995 = arith.constant 0 : index
        %get3A_996 = tpu.vector_load %arg12[%get3A_994, %get3A_995] {strides = array<i32>} : memref<80x64xi32, #tpu.memory_space<vmem>>, vector<16xi32>,
        %bitcast3A_997 = vector.bitcast %get3A_996 : vector<16xi32> to vector<32xbf16>
        %get3A_998 = arith.index_cast %add3A_993 : i32 to index
        %get3A_999 = arith.constant 16 : index
        %get3A_1000 = tpu.vector_load %arg12[%get3A_998, %get3A_999] {strides = array<i32>} : memref<80x64xi32, #tpu.memory_space<vmem>>, vector<16xi32>,
        %bitcast3A_1001 = vector.bitcast %get3A_1000 : vector<16xi32> to vector<32xbf16>
        %get3A_1002 = arith.index_cast %add3A_993 : i32 to index
        %get3A_1003 = arith.constant 32 : index
        %get3A_1004 = tpu.vector_load %arg12[%get3A_1002, %get3A_1003] {strides = array<i32>} : memref<80x64xi32, #tpu.memory_space<vmem>>, vector<16xi32>,
        %bitcast3A_1005 = vector.bitcast %get3A_1004 : vector<16xi32> to vector<32xbf16>
        %get3A_1006 = arith.index_cast %add3A_993 : i32 to index
        %get3A_1007 = arith.constant 48 : index
        %get3A_1008 = tpu.vector_load %arg12[%get3A_1006, %get3A_1007] {strides = array<i32>} : memref<80x64xi32, #tpu.memory_space<vmem>>, vector<16xi32>,
        %bitcast3A_1009 = vector.bitcast %get3A_1008 : vector<16xi32> to vector<32xbf16>
        %get3A_1010 = arith.index_cast %add3A_993 : i32 to index
        %get3A_1011 = arith.constant 0 : index
        %get3A_1012 = tpu.vector_load %arg13[%get3A_1010, %get3A_1011] {strides = array<i32>} : memref<80x64xi32, #tpu.memory_space<vmem>>, vector<16xi32>,
        %bitcast3A_1013 = vector.bitcast %get3A_1012 : vector<16xi32> to vector<32xbf16>
        %get3A_1014 = arith.index_cast %add3A_993 : i32 to index
        %get3A_1015 = arith.constant 16 : index
        %get3A_1016 = tpu.vector_load %arg13[%get3A_1014, %get3A_1015] {strides = array<i32>} : memref<80x64xi32, #tpu.memory_space<vmem>>, vector<16xi32>,
        %bitcast3A_1017 = vector.bitcast %get3A_1016 : vector<16xi32> to vector<32xbf16>
        %get3A_1018 = arith.index_cast %add3A_993 : i32 to index
        %get3A_1019 = arith.constant 32 : index
        %get3A_1020 = tpu.vector_load %arg13[%get3A_1018, %get3A_1019] {strides = array<i32>} : memref<80x64xi32, #tpu.memory_space<vmem>>, vector<16xi32>,
        %bitcast3A_1021 = vector.bitcast %get3A_1020 : vector<16xi32> to vector<32xbf16>
        %get3A_1022 = arith.index_cast %add3A_993 : i32 to index
        %get3A_1023 = arith.constant 48 : index
        %get3A_1024 = tpu.vector_load %arg13[%get3A_1022, %get3A_1023] {strides = array<i32>} : memref<80x64xi32, #tpu.memory_space<vmem>>, vector<16xi32>,
        %bitcast3A_1025 = vector.bitcast %get3A_1024 : vector<16xi32> to vector<32xbf16>
        %get3A_1026 = arith.index_cast %squeeze3A_911 : i32 to index
        %get3A_1027 = arith.constant 0 : index
        %get3A_1028 = tpu.vector_load %arg11[%get3A_1026, %get3A_1027] {strides = array<i32>} : memref<1000x64xi32, #tpu.memory_space<vmem>>, vector<16xi32>,
        %bitcast3A_1029 = vector.bitcast %get3A_1028 : vector<16xi32> to vector<32xbf16>
        %get3A_1030 = arith.index_cast %squeeze3A_911 : i32 to index
        %get3A_1031 = arith.constant 16 : index
        %get3A_1032 = tpu.vector_load %arg11[%get3A_1030, %get3A_1031] {strides = array<i32>} : memref<1000x64xi32, #tpu.memory_space<vmem>>, vector<16xi32>,
        %bitcast3A_1033 = vector.bitcast %get3A_1032 : vector<16xi32> to vector<32xbf16>
        %get3A_1034 = arith.index_cast %squeeze3A_911 : i32 to index
        %get3A_1035 = arith.constant 32 : index
        %get3A_1036 = tpu.vector_load %arg11[%get3A_1034, %get3A_1035] {strides = array<i32>} : memref<1000x64xi32, #tpu.memory_space<vmem>>, vector<16xi32>,
        %bitcast3A_1037 = vector.bitcast %get3A_1036 : vector<16xi32> to vector<32xbf16>
        %get3A_1038 = arith.index_cast %squeeze3A_911 : i32 to index
        %get3A_1039 = arith.constant 48 : index
        %get3A_1040 = tpu.vector_load %arg11[%get3A_1038, %get3A_1039] {strides = array<i32>} : memref<1000x64xi32, #tpu.memory_space<vmem>>, vector<16xi32>,
        %bitcast3A_1041 = vector.bitcast %get3A_1040 : vector<16xi32> to vector<32xbf16>
        %mul3A_1042 = arith.mulf %bitcast3A_841, %bitcast3A_857 : vector<32xbf16>
        %mul3A_1043 = arith.mulf %bitcast3A_849, %bitcast3A_865 : vector<32xbf16>
        %add3A_1044 = arith.addf %mul3A_1042, %mul3A_1043 : vector<32xbf16>
        %mul3A_1045 = arith.mulf %bitcast3A_873, %add3A_1044 : vector<32xbf16>
        %mul3A_1046 = arith.mulf %bitcast3A_841, %bitcast3A_865 : vector<32xbf16>
        %mul3A_1047 = arith.mulf %bitcast3A_849, %bitcast3A_857 : vector<32xbf16>
        %sub3A_1048 = arith.subf %mul3A_1046, %mul3A_1047 : vector<32xbf16>
        %mul3A_1049 = arith.mulf %bitcast3A_881, %sub3A_1048 : vector<32xbf16>
        %add3A_1050 = arith.addf %mul3A_1045, %mul3A_1049 : vector<32xbf16>
        %mul3A_1051 = arith.mulf %bitcast3A_845, %bitcast3A_861 : vector<32xbf16>
        %mul3A_1052 = arith.mulf %bitcast3A_853, %bitcast3A_869 : vector<32xbf16>
        %add3A_1053 = arith.addf %mul3A_1051, %mul3A_1052 : vector<32xbf16>
        %mul3A_1054 = arith.mulf %bitcast3A_877, %add3A_1053 : vector<32xbf16>
        %mul3A_1055 = arith.mulf %bitcast3A_845, %bitcast3A_869 : vector<32xbf16>
        %mul3A_1056 = arith.mulf %bitcast3A_853, %bitcast3A_861 : vector<32xbf16>
        %sub3A_1057 = arith.subf %mul3A_1055, %mul3A_1056 : vector<32xbf16>
        %mul3A_1058 = arith.mulf %bitcast3A_885, %sub3A_1057 : vector<32xbf16>
        %add3A_1059 = arith.addf %mul3A_1054, %mul3A_1058 : vector<32xbf16>
        %add3A_1060 = arith.addf %add3A_1050, %add3A_1059 : vector<32xbf16>
        %unpack3A_1061 = tpu.unpack_subelements %add3A_1060, 0 {pack_format = #tpu.pack_format<interleaved>} : vector<32xbf16> -> vector<16xf32>
        %unpack3A_1062 = tpu.unpack_subelements %add3A_1060, 1 {pack_format = #tpu.pack_format<interleaved>} : vector<32xbf16> -> vector<16xf32>
        %add3A_1063 = arith.addf %unpack3A_1061, %unpack3A_1062 : vector<16xf32>
        %swap3A_1064 = arith.constant 160 : index
        %swap3A_1065 = tpu.vector_load %arg17[%swap3A_1064] {strides = array<i32>} : memref<256xf32, #tpu.memory_space<vmem>>, vector<16xf32>,
        tpu.vector_store %arg17[%swap3A_1064], %add3A_1063 {strides = array<i32>} : memref<256xf32, #tpu.memory_space<vmem>>, vector<16xf32>,
        %slice3A_1066 = vector.extract_strided_slice %get3A_109 {offsets = [14], sizes = [1], strides = [1]} : vector<16xi32> to vector<1xi32>
        %squeeze3A_1067 = vector.extract %slice3A_1066[0] : i32 from vector<1xi32>
        %add3A_1068 = arith.constant 11 : i32
        %add3A_1069 = arith.addi %mul3A_106, %add3A_1068 : i32
        %add3A_1070 = arith.constant 2 : i32
        %add3A_1071 = arith.addi %add3A_1069, %add3A_1070 : i32
        %get3A_1072 = arith.index_cast %add3A_1071 : i32 to index
        %get3A_1073 = arith.constant 0 : index
        %get3A_1074 = tpu.vector_load %arg12[%get3A_1072, %get3A_1073] {strides = array<i32>} : memref<80x64xi32, #tpu.memory_space<vmem>>, vector<16xi32>,
        %bitcast3A_1075 = vector.bitcast %get3A_1074 : vector<16xi32> to vector<32xbf16>
        %get3A_1076 = arith.index_cast %add3A_1071 : i32 to index
        %get3A_1077 = arith.constant 16 : index
        %get3A_1078 = tpu.vector_load %arg12[%get3A_1076, %get3A_1077] {strides = array<i32>} : memref<80x64xi32, #tpu.memory_space<vmem>>, vector<16xi32>,
        %bitcast3A_1079 = vector.bitcast %get3A_1078 : vector<16xi32> to vector<32xbf16>
        %get3A_1080 = arith.index_cast %add3A_1071 : i32 to index
        %get3A_1081 = arith.constant 32 : index
        %get3A_1082 = tpu.vector_load %arg12[%get3A_1080, %get3A_1081] {strides = array<i32>} : memref<80x64xi32, #tpu.memory_space<vmem>>, vector<16xi32>,
        %bitcast3A_1083 = vector.bitcast %get3A_1082 : vector<16xi32> to vector<32xbf16>
        %get3A_1084 = arith.index_cast %add3A_1071 : i32 to index
        %get3A_1085 = arith.constant 48 : index
        %get3A_1086 = tpu.vector_load %arg12[%get3A_1084, %get3A_1085] {strides = array<i32>} : memref<80x64xi32, #tpu.memory_space<vmem>>, vector<16xi32>,
        %bitcast3A_1087 = vector.bitcast %get3A_1086 : vector<16xi32> to vector<32xbf16>
        %get3A_1088 = arith.index_cast %add3A_1071 : i32 to index
        %get3A_1089 = arith.constant 0 : index
        %get3A_1090 = tpu.vector_load %arg13[%get3A_1088, %get3A_1089] {strides = array<i32>} : memref<80x64xi32, #tpu.memory_space<vmem>>, vector<16xi32>,
        %bitcast3A_1091 = vector.bitcast %get3A_1090 : vector<16xi32> to vector<32xbf16>
        %get3A_1092 = arith.index_cast %add3A_1071 : i32 to index
        %get3A_1093 = arith.constant 16 : index
        %get3A_1094 = tpu.vector_load %arg13[%get3A_1092, %get3A_1093] {strides = array<i32>} : memref<80x64xi32, #tpu.memory_space<vmem>>, vector<16xi32>,
        %bitcast3A_1095 = vector.bitcast %get3A_1094 : vector<16xi32> to vector<32xbf16>
        %get3A_1096 = arith.index_cast %add3A_1071 : i32 to index
        %get3A_1097 = arith.constant 32 : index
        %get3A_1098 = tpu.vector_load %arg13[%get3A_1096, %get3A_1097] {strides = array<i32>} : memref<80x64xi32, #tpu.memory_space<vmem>>, vector<16xi32>,
        %bitcast3A_1099 = vector.bitcast %get3A_1098 : vector<16xi32> to vector<32xbf16>
        %get3A_1100 = arith.index_cast %add3A_1071 : i32 to index
        %get3A_1101 = arith.constant 48 : index
        %get3A_1102 = tpu.vector_load %arg13[%get3A_1100, %get3A_1101] {strides = array<i32>} : memref<80x64xi32, #tpu.memory_space<vmem>>, vector<16xi32>,
        %bitcast3A_1103 = vector.bitcast %get3A_1102 : vector<16xi32> to vector<32xbf16>
        %get3A_1104 = arith.index_cast %squeeze3A_989 : i32 to index
        %get3A_1105 = arith.constant 0 : index
        %get3A_1106 = tpu.vector_load %arg11[%get3A_1104, %get3A_1105] {strides = array<i32>} : memref<1000x64xi32, #tpu.memory_space<vmem>>, vector<16xi32>,
        %bitcast3A_1107 = vector.bitcast %get3A_1106 : vector<16xi32> to vector<32xbf16>
        %get3A_1108 = arith.index_cast %squeeze3A_989 : i32 to index
        %get3A_1109 = arith.constant 16 : index
        %get3A_1110 = tpu.vector_load %arg11[%get3A_1108, %get3A_1109] {strides = array<i32>} : memref<1000x64xi32, #tpu.memory_space<vmem>>, vector<16xi32>,
        %bitcast3A_1111 = vector.bitcast %get3A_1110 : vector<16xi32> to vector<32xbf16>
        %get3A_1112 = arith.index_cast %squeeze3A_989 : i32 to index
        %get3A_1113 = arith.constant 32 : index
        %get3A_1114 = tpu.vector_load %arg11[%get3A_1112, %get3A_1113] {strides = array<i32>} : memref<1000x64xi32, #tpu.memory_space<vmem>>, vector<16xi32>,
        %bitcast3A_1115 = vector.bitcast %get3A_1114 : vector<16xi32> to vector<32xbf16>
        %get3A_1116 = arith.index_cast %squeeze3A_989 : i32 to index
        %get3A_1117 = arith.constant 48 : index
        %get3A_1118 = tpu.vector_load %arg11[%get3A_1116, %get3A_1117] {strides = array<i32>} : memref<1000x64xi32, #tpu.memory_space<vmem>>, vector<16xi32>,
        %bitcast3A_1119 = vector.bitcast %get3A_1118 : vector<16xi32> to vector<32xbf16>
        %mul3A_1120 = arith.mulf %bitcast3A_919, %bitcast3A_935 : vector<32xbf16>
        %mul3A_1121 = arith.mulf %bitcast3A_927, %bitcast3A_943 : vector<32xbf16>
        %add3A_1122 = arith.addf %mul3A_1120, %mul3A_1121 : vector<32xbf16>
        %mul3A_1123 = arith.mulf %bitcast3A_951, %add3A_1122 : vector<32xbf16>
        %mul3A_1124 = arith.mulf %bitcast3A_919, %bitcast3A_943 : vector<32xbf16>
        %mul3A_1125 = arith.mulf %bitcast3A_927, %bitcast3A_935 : vector<32xbf16>
        %sub3A_1126 = arith.subf %mul3A_1124, %mul3A_1125 : vector<32xbf16>
        %mul3A_1127 = arith.mulf %bitcast3A_959, %sub3A_1126 : vector<32xbf16>
        %add3A_1128 = arith.addf %mul3A_1123, %mul3A_1127 : vector<32xbf16>
        %mul3A_1129 = arith.mulf %bitcast3A_923, %bitcast3A_939 : vector<32xbf16>
        %mul3A_1130 = arith.mulf %bitcast3A_931, %bitcast3A_947 : vector<32xbf16>
        %add3A_1131 = arith.addf %mul3A_1129, %mul3A_1130 : vector<32xbf16>
        %mul3A_1132 = arith.mulf %bitcast3A_955, %add3A_1131 : vector<32xbf16>
        %mul3A_1133 = arith.mulf %bitcast3A_923, %bitcast3A_947 : vector<32xbf16>
        %mul3A_1134 = arith.mulf %bitcast3A_931, %bitcast3A_939 : vector<32xbf16>
        %sub3A_1135 = arith.subf %mul3A_1133, %mul3A_1134 : vector<32xbf16>
        %mul3A_1136 = arith.mulf %bitcast3A_963, %sub3A_1135 : vector<32xbf16>
        %add3A_1137 = arith.addf %mul3A_1132, %mul3A_1136 : vector<32xbf16>
        %add3A_1138 = arith.addf %add3A_1128, %add3A_1137 : vector<32xbf16>
        %unpack3A_1139 = tpu.unpack_subelements %add3A_1138, 0 {pack_format = #tpu.pack_format<interleaved>} : vector<32xbf16> -> vector<16xf32>
        %unpack3A_1140 = tpu.unpack_subelements %add3A_1138, 1 {pack_format = #tpu.pack_format<interleaved>} : vector<32xbf16> -> vector<16xf32>
        %add3A_1141 = arith.addf %unpack3A_1139, %unpack3A_1140 : vector<16xf32>
        %swap3A_1142 = arith.constant 176 : index
        %swap3A_1143 = tpu.vector_load %arg17[%swap3A_1142] {strides = array<i32>} : memref<256xf32, #tpu.memory_space<vmem>>, vector<16xf32>,
        tpu.vector_store %arg17[%swap3A_1142], %add3A_1141 {strides = array<i32>} : memref<256xf32, #tpu.memory_space<vmem>>, vector<16xf32>,
        %slice3A_1144 = vector.extract_strided_slice %get3A_109 {offsets = [15], sizes = [1], strides = [1]} : vector<16xi32> to vector<1xi32>
        %squeeze3A_1145 = vector.extract %slice3A_1144[0] : i32 from vector<1xi32>
        %add3A_1146 = arith.constant 12 : i32
        %add3A_1147 = arith.addi %mul3A_106, %add3A_1146 : i32
        %add3A_1148 = arith.constant 2 : i32
        %add3A_1149 = arith.addi %add3A_1147, %add3A_1148 : i32
        %get3A_1150 = arith.index_cast %add3A_1149 : i32 to index
        %get3A_1151 = arith.constant 0 : index
        %get3A_1152 = tpu.vector_load %arg12[%get3A_1150, %get3A_1151] {strides = array<i32>} : memref<80x64xi32, #tpu.memory_space<vmem>>, vector<16xi32>,
        %bitcast3A_1153 = vector.bitcast %get3A_1152 : vector<16xi32> to vector<32xbf16>
        %get3A_1154 = arith.index_cast %add3A_1149 : i32 to index
        %get3A_1155 = arith.constant 16 : index
        %get3A_1156 = tpu.vector_load %arg12[%get3A_1154, %get3A_1155] {strides = array<i32>} : memref<80x64xi32, #tpu.memory_space<vmem>>, vector<16xi32>,
        %bitcast3A_1157 = vector.bitcast %get3A_1156 : vector<16xi32> to vector<32xbf16>
        %get3A_1158 = arith.index_cast %add3A_1149 : i32 to index
        %get3A_1159 = arith.constant 32 : index
        %get3A_1160 = tpu.vector_load %arg12[%get3A_1158, %get3A_1159] {strides = array<i32>} : memref<80x64xi32, #tpu.memory_space<vmem>>, vector<16xi32>,
        %bitcast3A_1161 = vector.bitcast %get3A_1160 : vector<16xi32> to vector<32xbf16>
        %get3A_1162 = arith.index_cast %add3A_1149 : i32 to index
        %get3A_1163 = arith.constant 48 : index
        %get3A_1164 = tpu.vector_load %arg12[%get3A_1162, %get3A_1163] {strides = array<i32>} : memref<80x64xi32, #tpu.memory_space<vmem>>, vector<16xi32>,
        %bitcast3A_1165 = vector.bitcast %get3A_1164 : vector<16xi32> to vector<32xbf16>
        %get3A_1166 = arith.index_cast %add3A_1149 : i32 to index
        %get3A_1167 = arith.constant 0 : index
        %get3A_1168 = tpu.vector_load %arg13[%get3A_1166, %get3A_1167] {strides = array<i32>} : memref<80x64xi32, #tpu.memory_space<vmem>>, vector<16xi32>,
        %bitcast3A_1169 = vector.bitcast %get3A_1168 : vector<16xi32> to vector<32xbf16>
        %get3A_1170 = arith.index_cast %add3A_1149 : i32 to index
        %get3A_1171 = arith.constant 16 : index
        %get3A_1172 = tpu.vector_load %arg13[%get3A_1170, %get3A_1171] {strides = array<i32>} : memref<80x64xi32, #tpu.memory_space<vmem>>, vector<16xi32>,
        %bitcast3A_1173 = vector.bitcast %get3A_1172 : vector<16xi32> to vector<32xbf16>
        %get3A_1174 = arith.index_cast %add3A_1149 : i32 to index
        %get3A_1175 = arith.constant 32 : index
        %get3A_1176 = tpu.vector_load %arg13[%get3A_1174, %get3A_1175] {strides = array<i32>} : memref<80x64xi32, #tpu.memory_space<vmem>>, vector<16xi32>,
        %bitcast3A_1177 = vector.bitcast %get3A_1176 : vector<16xi32> to vector<32xbf16>
        %get3A_1178 = arith.index_cast %add3A_1149 : i32 to index
        %get3A_1179 = arith.constant 48 : index
        %get3A_1180 = tpu.vector_load %arg13[%get3A_1178, %get3A_1179] {strides = array<i32>} : memref<80x64xi32, #tpu.memory_space<vmem>>, vector<16xi32>,
        %bitcast3A_1181 = vector.bitcast %get3A_1180 : vector<16xi32> to vector<32xbf16>
        %get3A_1182 = arith.index_cast %squeeze3A_1067 : i32 to index
        %get3A_1183 = arith.constant 0 : index
        %get3A_1184 = tpu.vector_load %arg11[%get3A_1182, %get3A_1183] {strides = array<i32>} : memref<1000x64xi32, #tpu.memory_space<vmem>>, vector<16xi32>,
        %bitcast3A_1185 = vector.bitcast %get3A_1184 : vector<16xi32> to vector<32xbf16>
        %get3A_1186 = arith.index_cast %squeeze3A_1067 : i32 to index
        %get3A_1187 = arith.constant 16 : index
        %get3A_1188 = tpu.vector_load %arg11[%get3A_1186, %get3A_1187] {strides = array<i32>} : memref<1000x64xi32, #tpu.memory_space<vmem>>, vector<16xi32>,
        %bitcast3A_1189 = vector.bitcast %get3A_1188 : vector<16xi32> to vector<32xbf16>
        %get3A_1190 = arith.index_cast %squeeze3A_1067 : i32 to index
        %get3A_1191 = arith.constant 32 : index
        %get3A_1192 = tpu.vector_load %arg11[%get3A_1190, %get3A_1191] {strides = array<i32>} : memref<1000x64xi32, #tpu.memory_space<vmem>>, vector<16xi32>,
        %bitcast3A_1193 = vector.bitcast %get3A_1192 : vector<16xi32> to vector<32xbf16>
        %get3A_1194 = arith.index_cast %squeeze3A_1067 : i32 to index
        %get3A_1195 = arith.constant 48 : index
        %get3A_1196 = tpu.vector_load %arg11[%get3A_1194, %get3A_1195] {strides = array<i32>} : memref<1000x64xi32, #tpu.memory_space<vmem>>, vector<16xi32>,
        %bitcast3A_1197 = vector.bitcast %get3A_1196 : vector<16xi32> to vector<32xbf16>
        %mul3A_1198 = arith.mulf %bitcast3A_997, %bitcast3A_1013 : vector<32xbf16>
        %mul3A_1199 = arith.mulf %bitcast3A_1005, %bitcast3A_1021 : vector<32xbf16>
        %add3A_1200 = arith.addf %mul3A_1198, %mul3A_1199 : vector<32xbf16>
        %mul3A_1201 = arith.mulf %bitcast3A_1029, %add3A_1200 : vector<32xbf16>
        %mul3A_1202 = arith.mulf %bitcast3A_997, %bitcast3A_1021 : vector<32xbf16>
        %mul3A_1203 = arith.mulf %bitcast3A_1005, %bitcast3A_1013 : vector<32xbf16>
        %sub3A_1204 = arith.subf %mul3A_1202, %mul3A_1203 : vector<32xbf16>
        %mul3A_1205 = arith.mulf %bitcast3A_1037, %sub3A_1204 : vector<32xbf16>
        %add3A_1206 = arith.addf %mul3A_1201, %mul3A_1205 : vector<32xbf16>
        %mul3A_1207 = arith.mulf %bitcast3A_1001, %bitcast3A_1017 : vector<32xbf16>
        %mul3A_1208 = arith.mulf %bitcast3A_1009, %bitcast3A_1025 : vector<32xbf16>
        %add3A_1209 = arith.addf %mul3A_1207, %mul3A_1208 : vector<32xbf16>
        %mul3A_1210 = arith.mulf %bitcast3A_1033, %add3A_1209 : vector<32xbf16>
        %mul3A_1211 = arith.mulf %bitcast3A_1001, %bitcast3A_1025 : vector<32xbf16>
        %mul3A_1212 = arith.mulf %bitcast3A_1009, %bitcast3A_1017 : vector<32xbf16>
        %sub3A_1213 = arith.subf %mul3A_1211, %mul3A_1212 : vector<32xbf16>
        %mul3A_1214 = arith.mulf %bitcast3A_1041, %sub3A_1213 : vector<32xbf16>
        %add3A_1215 = arith.addf %mul3A_1210, %mul3A_1214 : vector<32xbf16>
        %add3A_1216 = arith.addf %add3A_1206, %add3A_1215 : vector<32xbf16>
        %unpack3A_1217 = tpu.unpack_subelements %add3A_1216, 0 {pack_format = #tpu.pack_format<interleaved>} : vector<32xbf16> -> vector<16xf32>
        %unpack3A_1218 = tpu.unpack_subelements %add3A_1216, 1 {pack_format = #tpu.pack_format<interleaved>} : vector<32xbf16> -> vector<16xf32>
        %add3A_1219 = arith.addf %unpack3A_1217, %unpack3A_1218 : vector<16xf32>
        %swap3A_1220 = arith.constant 192 : index
        %swap3A_1221 = tpu.vector_load %arg17[%swap3A_1220] {strides = array<i32>} : memref<256xf32, #tpu.memory_space<vmem>>, vector<16xf32>,
        tpu.vector_store %arg17[%swap3A_1220], %add3A_1219 {strides = array<i32>} : memref<256xf32, #tpu.memory_space<vmem>>, vector<16xf32>,
        %add3A_1222 = arith.constant 13 : i32
        %add3A_1223 = arith.addi %mul3A_106, %add3A_1222 : i32
        %add3A_1224 = arith.constant 2 : i32
        %add3A_1225 = arith.addi %add3A_1223, %add3A_1224 : i32
        %get3A_1226 = arith.index_cast %add3A_1225 : i32 to index
        %get3A_1227 = arith.constant 0 : index
        %get3A_1228 = tpu.vector_load %arg12[%get3A_1226, %get3A_1227] {strides = array<i32>} : memref<80x64xi32, #tpu.memory_space<vmem>>, vector<16xi32>,
        %bitcast3A_1229 = vector.bitcast %get3A_1228 : vector<16xi32> to vector<32xbf16>
        %get3A_1230 = arith.index_cast %add3A_1225 : i32 to index
        %get3A_1231 = arith.constant 16 : index
        %get3A_1232 = tpu.vector_load %arg12[%get3A_1230, %get3A_1231] {strides = array<i32>} : memref<80x64xi32, #tpu.memory_space<vmem>>, vector<16xi32>,
        %bitcast3A_1233 = vector.bitcast %get3A_1232 : vector<16xi32> to vector<32xbf16>
        %get3A_1234 = arith.index_cast %add3A_1225 : i32 to index
        %get3A_1235 = arith.constant 32 : index
        %get3A_1236 = tpu.vector_load %arg12[%get3A_1234, %get3A_1235] {strides = array<i32>} : memref<80x64xi32, #tpu.memory_space<vmem>>, vector<16xi32>,
        %bitcast3A_1237 = vector.bitcast %get3A_1236 : vector<16xi32> to vector<32xbf16>
        %get3A_1238 = arith.index_cast %add3A_1225 : i32 to index
        %get3A_1239 = arith.constant 48 : index
        %get3A_1240 = tpu.vector_load %arg12[%get3A_1238, %get3A_1239] {strides = array<i32>} : memref<80x64xi32, #tpu.memory_space<vmem>>, vector<16xi32>,
        %bitcast3A_1241 = vector.bitcast %get3A_1240 : vector<16xi32> to vector<32xbf16>
        %get3A_1242 = arith.index_cast %add3A_1225 : i32 to index
        %get3A_1243 = arith.constant 0 : index
        %get3A_1244 = tpu.vector_load %arg13[%get3A_1242, %get3A_1243] {strides = array<i32>} : memref<80x64xi32, #tpu.memory_space<vmem>>, vector<16xi32>,
        %bitcast3A_1245 = vector.bitcast %get3A_1244 : vector<16xi32> to vector<32xbf16>
        %get3A_1246 = arith.index_cast %add3A_1225 : i32 to index
        %get3A_1247 = arith.constant 16 : index
        %get3A_1248 = tpu.vector_load %arg13[%get3A_1246, %get3A_1247] {strides = array<i32>} : memref<80x64xi32, #tpu.memory_space<vmem>>, vector<16xi32>,
        %bitcast3A_1249 = vector.bitcast %get3A_1248 : vector<16xi32> to vector<32xbf16>
        %get3A_1250 = arith.index_cast %add3A_1225 : i32 to index
        %get3A_1251 = arith.constant 32 : index
        %get3A_1252 = tpu.vector_load %arg13[%get3A_1250, %get3A_1251] {strides = array<i32>} : memref<80x64xi32, #tpu.memory_space<vmem>>, vector<16xi32>,
        %bitcast3A_1253 = vector.bitcast %get3A_1252 : vector<16xi32> to vector<32xbf16>
        %get3A_1254 = arith.index_cast %add3A_1225 : i32 to index
        %get3A_1255 = arith.constant 48 : index
        %get3A_1256 = tpu.vector_load %arg13[%get3A_1254, %get3A_1255] {strides = array<i32>} : memref<80x64xi32, #tpu.memory_space<vmem>>, vector<16xi32>,
        %bitcast3A_1257 = vector.bitcast %get3A_1256 : vector<16xi32> to vector<32xbf16>
        %get3A_1258 = arith.index_cast %squeeze3A_1145 : i32 to index
        %get3A_1259 = arith.constant 0 : index
        %get3A_1260 = tpu.vector_load %arg11[%get3A_1258, %get3A_1259] {strides = array<i32>} : memref<1000x64xi32, #tpu.memory_space<vmem>>, vector<16xi32>,
        %bitcast3A_1261 = vector.bitcast %get3A_1260 : vector<16xi32> to vector<32xbf16>
        %get3A_1262 = arith.index_cast %squeeze3A_1145 : i32 to index
        %get3A_1263 = arith.constant 16 : index
        %get3A_1264 = tpu.vector_load %arg11[%get3A_1262, %get3A_1263] {strides = array<i32>} : memref<1000x64xi32, #tpu.memory_space<vmem>>, vector<16xi32>,
        %bitcast3A_1265 = vector.bitcast %get3A_1264 : vector<16xi32> to vector<32xbf16>
        %get3A_1266 = arith.index_cast %squeeze3A_1145 : i32 to index
        %get3A_1267 = arith.constant 32 : index
        %get3A_1268 = tpu.vector_load %arg11[%get3A_1266, %get3A_1267] {strides = array<i32>} : memref<1000x64xi32, #tpu.memory_space<vmem>>, vector<16xi32>,
        %bitcast3A_1269 = vector.bitcast %get3A_1268 : vector<16xi32> to vector<32xbf16>
        %get3A_1270 = arith.index_cast %squeeze3A_1145 : i32 to index
        %get3A_1271 = arith.constant 48 : index
        %get3A_1272 = tpu.vector_load %arg11[%get3A_1270, %get3A_1271] {strides = array<i32>} : memref<1000x64xi32, #tpu.memory_space<vmem>>, vector<16xi32>,
        %bitcast3A_1273 = vector.bitcast %get3A_1272 : vector<16xi32> to vector<32xbf16>
        %mul3A_1274 = arith.mulf %bitcast3A_1075, %bitcast3A_1091 : vector<32xbf16>
        %mul3A_1275 = arith.mulf %bitcast3A_1083, %bitcast3A_1099 : vector<32xbf16>
        %add3A_1276 = arith.addf %mul3A_1274, %mul3A_1275 : vector<32xbf16>
        %mul3A_1277 = arith.mulf %bitcast3A_1107, %add3A_1276 : vector<32xbf16>
        %mul3A_1278 = arith.mulf %bitcast3A_1075, %bitcast3A_1099 : vector<32xbf16>
        %mul3A_1279 = arith.mulf %bitcast3A_1083, %bitcast3A_1091 : vector<32xbf16>
        %sub3A_1280 = arith.subf %mul3A_1278, %mul3A_1279 : vector<32xbf16>
        %mul3A_1281 = arith.mulf %bitcast3A_1115, %sub3A_1280 : vector<32xbf16>
        %add3A_1282 = arith.addf %mul3A_1277, %mul3A_1281 : vector<32xbf16>
        %mul3A_1283 = arith.mulf %bitcast3A_1079, %bitcast3A_1095 : vector<32xbf16>
        %mul3A_1284 = arith.mulf %bitcast3A_1087, %bitcast3A_1103 : vector<32xbf16>
        %add3A_1285 = arith.addf %mul3A_1283, %mul3A_1284 : vector<32xbf16>
        %mul3A_1286 = arith.mulf %bitcast3A_1111, %add3A_1285 : vector<32xbf16>
        %mul3A_1287 = arith.mulf %bitcast3A_1079, %bitcast3A_1103 : vector<32xbf16>
        %mul3A_1288 = arith.mulf %bitcast3A_1087, %bitcast3A_1095 : vector<32xbf16>
        %sub3A_1289 = arith.subf %mul3A_1287, %mul3A_1288 : vector<32xbf16>
        %mul3A_1290 = arith.mulf %bitcast3A_1119, %sub3A_1289 : vector<32xbf16>
        %add3A_1291 = arith.addf %mul3A_1286, %mul3A_1290 : vector<32xbf16>
        %add3A_1292 = arith.addf %add3A_1282, %add3A_1291 : vector<32xbf16>
        %unpack3A_1293 = tpu.unpack_subelements %add3A_1292, 0 {pack_format = #tpu.pack_format<interleaved>} : vector<32xbf16> -> vector<16xf32>
        %unpack3A_1294 = tpu.unpack_subelements %add3A_1292, 1 {pack_format = #tpu.pack_format<interleaved>} : vector<32xbf16> -> vector<16xf32>
        %add3A_1295 = arith.addf %unpack3A_1293, %unpack3A_1294 : vector<16xf32>
        %swap3A_1296 = arith.constant 208 : index
        %swap3A_1297 = tpu.vector_load %arg17[%swap3A_1296] {strides = array<i32>} : memref<256xf32, #tpu.memory_space<vmem>>, vector<16xf32>,
        tpu.vector_store %arg17[%swap3A_1296], %add3A_1295 {strides = array<i32>} : memref<256xf32, #tpu.memory_space<vmem>>, vector<16xf32>,
        %mul3A_1298 = arith.mulf %bitcast3A_1153, %bitcast3A_1169 : vector<32xbf16>
        %mul3A_1299 = arith.mulf %bitcast3A_1161, %bitcast3A_1177 : vector<32xbf16>
        %add3A_1300 = arith.addf %mul3A_1298, %mul3A_1299 : vector<32xbf16>
        %mul3A_1301 = arith.mulf %bitcast3A_1185, %add3A_1300 : vector<32xbf16>
        %mul3A_1302 = arith.mulf %bitcast3A_1153, %bitcast3A_1177 : vector<32xbf16>
        %mul3A_1303 = arith.mulf %bitcast3A_1161, %bitcast3A_1169 : vector<32xbf16>
        %sub3A_1304 = arith.subf %mul3A_1302, %mul3A_1303 : vector<32xbf16>
        %mul3A_1305 = arith.mulf %bitcast3A_1193, %sub3A_1304 : vector<32xbf16>
        %add3A_1306 = arith.addf %mul3A_1301, %mul3A_1305 : vector<32xbf16>
        %mul3A_1307 = arith.mulf %bitcast3A_1157, %bitcast3A_1173 : vector<32xbf16>
        %mul3A_1308 = arith.mulf %bitcast3A_1165, %bitcast3A_1181 : vector<32xbf16>
        %add3A_1309 = arith.addf %mul3A_1307, %mul3A_1308 : vector<32xbf16>
        %mul3A_1310 = arith.mulf %bitcast3A_1189, %add3A_1309 : vector<32xbf16>
        %mul3A_1311 = arith.mulf %bitcast3A_1157, %bitcast3A_1181 : vector<32xbf16>
        %mul3A_1312 = arith.mulf %bitcast3A_1165, %bitcast3A_1173 : vector<32xbf16>
        %sub3A_1313 = arith.subf %mul3A_1311, %mul3A_1312 : vector<32xbf16>
        %mul3A_1314 = arith.mulf %bitcast3A_1197, %sub3A_1313 : vector<32xbf16>
        %add3A_1315 = arith.addf %mul3A_1310, %mul3A_1314 : vector<32xbf16>
        %add3A_1316 = arith.addf %add3A_1306, %add3A_1315 : vector<32xbf16>
        %unpack3A_1317 = tpu.unpack_subelements %add3A_1316, 0 {pack_format = #tpu.pack_format<interleaved>} : vector<32xbf16> -> vector<16xf32>
        %unpack3A_1318 = tpu.unpack_subelements %add3A_1316, 1 {pack_format = #tpu.pack_format<interleaved>} : vector<32xbf16> -> vector<16xf32>
        %add3A_1319 = arith.addf %unpack3A_1317, %unpack3A_1318 : vector<16xf32>
        %swap3A_1320 = arith.constant 224 : index
        %swap3A_1321 = tpu.vector_load %arg17[%swap3A_1320] {strides = array<i32>} : memref<256xf32, #tpu.memory_space<vmem>>, vector<16xf32>,
        tpu.vector_store %arg17[%swap3A_1320], %add3A_1319 {strides = array<i32>} : memref<256xf32, #tpu.memory_space<vmem>>, vector<16xf32>,
        %mul3A_1322 = arith.mulf %bitcast3A_1229, %bitcast3A_1245 : vector<32xbf16>
        %mul3A_1323 = arith.mulf %bitcast3A_1237, %bitcast3A_1253 : vector<32xbf16>
        %add3A_1324 = arith.addf %mul3A_1322, %mul3A_1323 : vector<32xbf16>
        %mul3A_1325 = arith.mulf %bitcast3A_1261, %add3A_1324 : vector<32xbf16>
        %mul3A_1326 = arith.mulf %bitcast3A_1229, %bitcast3A_1253 : vector<32xbf16>
        %mul3A_1327 = arith.mulf %bitcast3A_1237, %bitcast3A_1245 : vector<32xbf16>
        %sub3A_1328 = arith.subf %mul3A_1326, %mul3A_1327 : vector<32xbf16>
        %mul3A_1329 = arith.mulf %bitcast3A_1269, %sub3A_1328 : vector<32xbf16>
        %add3A_1330 = arith.addf %mul3A_1325, %mul3A_1329 : vector<32xbf16>
        %mul3A_1331 = arith.mulf %bitcast3A_1233, %bitcast3A_1249 : vector<32xbf16>
        %mul3A_1332 = arith.mulf %bitcast3A_1241, %bitcast3A_1257 : vector<32xbf16>
        %add3A_1333 = arith.addf %mul3A_1331, %mul3A_1332 : vector<32xbf16>
        %mul3A_1334 = arith.mulf %bitcast3A_1265, %add3A_1333 : vector<32xbf16>
        %mul3A_1335 = arith.mulf %bitcast3A_1233, %bitcast3A_1257 : vector<32xbf16>
        %mul3A_1336 = arith.mulf %bitcast3A_1241, %bitcast3A_1249 : vector<32xbf16>
        %sub3A_1337 = arith.subf %mul3A_1335, %mul3A_1336 : vector<32xbf16>
        %mul3A_1338 = arith.mulf %bitcast3A_1273, %sub3A_1337 : vector<32xbf16>
        %add3A_1339 = arith.addf %mul3A_1334, %mul3A_1338 : vector<32xbf16>
        %add3A_1340 = arith.addf %add3A_1330, %add3A_1339 : vector<32xbf16>
        %unpack3A_1341 = tpu.unpack_subelements %add3A_1340, 0 {pack_format = #tpu.pack_format<interleaved>} : vector<32xbf16> -> vector<16xf32>
        %unpack3A_1342 = tpu.unpack_subelements %add3A_1340, 1 {pack_format = #tpu.pack_format<interleaved>} : vector<32xbf16> -> vector<16xf32>
        %add3A_1343 = arith.addf %unpack3A_1341, %unpack3A_1342 : vector<16xf32>
        %swap3A_1344 = arith.constant 240 : index
        %swap3A_1345 = tpu.vector_load %arg17[%swap3A_1344] {strides = array<i32>} : memref<256xf32, #tpu.memory_space<vmem>>, vector<16xf32>,
        tpu.vector_store %arg17[%swap3A_1344], %add3A_1343 {strides = array<i32>} : memref<256xf32, #tpu.memory_space<vmem>>, vector<16xf32>,
        %add3A_1346 = arith.constant 0 : i32
        %add3A_1347 = vector.broadcast %add3A_1346 : i32 to vector<16xi32>
        %add3A_1348 = arith.addi %iota3A, %add3A_1347 : vector<16xi32>
        %and3A = arith.constant 15 : i32
        %and3A_1349 = vector.broadcast %and3A : i32 to vector<16xi32>
        %and3A_1350 = arith.andi %add3A_1348, %and3A_1349 : vector<16xi32>
        %add3A_1351 = arith.addi %and3A_1350, %mul3A_5 : vector<16xi32>
        %gather3A = tpu.vector_load_idx %arg17[%add3A_1351] : memref<256xf32, #tpu.memory_space<vmem>>[vector<16xi32>], vector<16xf32>,
        %add3A_1352 = arith.constant 1 : i32
        %add3A_1353 = vector.broadcast %add3A_1352 : i32 to vector<16xi32>
        %add3A_1354 = arith.addi %iota3A, %add3A_1353 : vector<16xi32>
        %and3A_1355 = arith.constant 15 : i32
        %and3A_1356 = vector.broadcast %and3A_1355 : i32 to vector<16xi32>
        %and3A_1357 = arith.andi %add3A_1354, %and3A_1356 : vector<16xi32>
        %add3A_1358 = arith.addi %and3A_1357, %mul3A_5 : vector<16xi32>
        %gather3A_1359 = tpu.vector_load_idx %arg17[%add3A_1358] : memref<256xf32, #tpu.memory_space<vmem>>[vector<16xi32>], vector<16xf32>,
        %add3A_1360 = arith.constant 2 : i32
        %add3A_1361 = vector.broadcast %add3A_1360 : i32 to vector<16xi32>
        %add3A_1362 = arith.addi %iota3A, %add3A_1361 : vector<16xi32>
        %and3A_1363 = arith.constant 15 : i32
        %and3A_1364 = vector.broadcast %and3A_1363 : i32 to vector<16xi32>
        %and3A_1365 = arith.andi %add3A_1362, %and3A_1364 : vector<16xi32>
        %add3A_1366 = arith.addi %and3A_1365, %mul3A_5 : vector<16xi32>
        %gather3A_1367 = tpu.vector_load_idx %arg17[%add3A_1366] : memref<256xf32, #tpu.memory_space<vmem>>[vector<16xi32>], vector<16xf32>,
        %add3A_1368 = arith.constant 3 : i32
        %add3A_1369 = vector.broadcast %add3A_1368 : i32 to vector<16xi32>
        %add3A_1370 = arith.addi %iota3A, %add3A_1369 : vector<16xi32>
        %and3A_1371 = arith.constant 15 : i32
        %and3A_1372 = vector.broadcast %and3A_1371 : i32 to vector<16xi32>
        %and3A_1373 = arith.andi %add3A_1370, %and3A_1372 : vector<16xi32>
        %add3A_1374 = arith.addi %and3A_1373, %mul3A_5 : vector<16xi32>
        %gather3A_1375 = tpu.vector_load_idx %arg17[%add3A_1374] : memref<256xf32, #tpu.memory_space<vmem>>[vector<16xi32>], vector<16xf32>,
        %add3A_1376 = arith.constant 4 : i32
        %add3A_1377 = vector.broadcast %add3A_1376 : i32 to vector<16xi32>
        %add3A_1378 = arith.addi %iota3A, %add3A_1377 : vector<16xi32>
        %and3A_1379 = arith.constant 15 : i32
        %and3A_1380 = vector.broadcast %and3A_1379 : i32 to vector<16xi32>
        %and3A_1381 = arith.andi %add3A_1378, %and3A_1380 : vector<16xi32>
        %add3A_1382 = arith.addi %and3A_1381, %mul3A_5 : vector<16xi32>
        %gather3A_1383 = tpu.vector_load_idx %arg17[%add3A_1382] : memref<256xf32, #tpu.memory_space<vmem>>[vector<16xi32>], vector<16xf32>,
        %add3A_1384 = arith.constant 5 : i32
        %add3A_1385 = vector.broadcast %add3A_1384 : i32 to vector<16xi32>
        %add3A_1386 = arith.addi %iota3A, %add3A_1385 : vector<16xi32>
        %and3A_1387 = arith.constant 15 : i32
        %and3A_1388 = vector.broadcast %and3A_1387 : i32 to vector<16xi32>
        %and3A_1389 = arith.andi %add3A_1386, %and3A_1388 : vector<16xi32>
        %add3A_1390 = arith.addi %and3A_1389, %mul3A_5 : vector<16xi32>
        %gather3A_1391 = tpu.vector_load_idx %arg17[%add3A_1390] : memref<256xf32, #tpu.memory_space<vmem>>[vector<16xi32>], vector<16xf32>,
        %add3A_1392 = arith.constant 6 : i32
        %add3A_1393 = vector.broadcast %add3A_1392 : i32 to vector<16xi32>
        %add3A_1394 = arith.addi %iota3A, %add3A_1393 : vector<16xi32>
        %and3A_1395 = arith.constant 15 : i32
        %and3A_1396 = vector.broadcast %and3A_1395 : i32 to vector<16xi32>
        %and3A_1397 = arith.andi %add3A_1394, %and3A_1396 : vector<16xi32>
        %add3A_1398 = arith.addi %and3A_1397, %mul3A_5 : vector<16xi32>
        %gather3A_1399 = tpu.vector_load_idx %arg17[%add3A_1398] : memref<256xf32, #tpu.memory_space<vmem>>[vector<16xi32>], vector<16xf32>,
        %add3A_1400 = arith.constant 7 : i32
        %add3A_1401 = vector.broadcast %add3A_1400 : i32 to vector<16xi32>
        %add3A_1402 = arith.addi %iota3A, %add3A_1401 : vector<16xi32>
        %and3A_1403 = arith.constant 15 : i32
        %and3A_1404 = vector.broadcast %and3A_1403 : i32 to vector<16xi32>
        %and3A_1405 = arith.andi %add3A_1402, %and3A_1404 : vector<16xi32>
        %add3A_1406 = arith.addi %and3A_1405, %mul3A_5 : vector<16xi32>
        %gather3A_1407 = tpu.vector_load_idx %arg17[%add3A_1406] : memref<256xf32, #tpu.memory_space<vmem>>[vector<16xi32>], vector<16xf32>,
        %add3A_1408 = arith.constant 8 : i32
        %add3A_1409 = vector.broadcast %add3A_1408 : i32 to vector<16xi32>
        %add3A_1410 = arith.addi %iota3A, %add3A_1409 : vector<16xi32>
        %and3A_1411 = arith.constant 15 : i32
        %and3A_1412 = vector.broadcast %and3A_1411 : i32 to vector<16xi32>
        %and3A_1413 = arith.andi %add3A_1410, %and3A_1412 : vector<16xi32>
        %add3A_1414 = arith.addi %and3A_1413, %mul3A_5 : vector<16xi32>
        %gather3A_1415 = tpu.vector_load_idx %arg17[%add3A_1414] : memref<256xf32, #tpu.memory_space<vmem>>[vector<16xi32>], vector<16xf32>,
        %add3A_1416 = arith.constant 9 : i32
        %add3A_1417 = vector.broadcast %add3A_1416 : i32 to vector<16xi32>
        %add3A_1418 = arith.addi %iota3A, %add3A_1417 : vector<16xi32>
        %and3A_1419 = arith.constant 15 : i32
        %and3A_1420 = vector.broadcast %and3A_1419 : i32 to vector<16xi32>
        %and3A_1421 = arith.andi %add3A_1418, %and3A_1420 : vector<16xi32>
        %add3A_1422 = arith.addi %and3A_1421, %mul3A_5 : vector<16xi32>
        %gather3A_1423 = tpu.vector_load_idx %arg17[%add3A_1422] : memref<256xf32, #tpu.memory_space<vmem>>[vector<16xi32>], vector<16xf32>,
        %add3A_1424 = arith.constant 10 : i32
        %add3A_1425 = vector.broadcast %add3A_1424 : i32 to vector<16xi32>
        %add3A_1426 = arith.addi %iota3A, %add3A_1425 : vector<16xi32>
        %and3A_1427 = arith.constant 15 : i32
        %and3A_1428 = vector.broadcast %and3A_1427 : i32 to vector<16xi32>
        %and3A_1429 = arith.andi %add3A_1426, %and3A_1428 : vector<16xi32>
        %add3A_1430 = arith.addi %and3A_1429, %mul3A_5 : vector<16xi32>
        %gather3A_1431 = tpu.vector_load_idx %arg17[%add3A_1430] : memref<256xf32, #tpu.memory_space<vmem>>[vector<16xi32>], vector<16xf32>,
        %add3A_1432 = arith.constant 11 : i32
        %add3A_1433 = vector.broadcast %add3A_1432 : i32 to vector<16xi32>
        %add3A_1434 = arith.addi %iota3A, %add3A_1433 : vector<16xi32>
        %and3A_1435 = arith.constant 15 : i32
        %and3A_1436 = vector.broadcast %and3A_1435 : i32 to vector<16xi32>
        %and3A_1437 = arith.andi %add3A_1434, %and3A_1436 : vector<16xi32>
        %add3A_1438 = arith.addi %and3A_1437, %mul3A_5 : vector<16xi32>
        %gather3A_1439 = tpu.vector_load_idx %arg17[%add3A_1438] : memref<256xf32, #tpu.memory_space<vmem>>[vector<16xi32>], vector<16xf32>,
        %add3A_1440 = arith.constant 12 : i32
        %add3A_1441 = vector.broadcast %add3A_1440 : i32 to vector<16xi32>
        %add3A_1442 = arith.addi %iota3A, %add3A_1441 : vector<16xi32>
        %and3A_1443 = arith.constant 15 : i32
        %and3A_1444 = vector.broadcast %and3A_1443 : i32 to vector<16xi32>
        %and3A_1445 = arith.andi %add3A_1442, %and3A_1444 : vector<16xi32>
        %add3A_1446 = arith.addi %and3A_1445, %mul3A_5 : vector<16xi32>
        %gather3A_1447 = tpu.vector_load_idx %arg17[%add3A_1446] : memref<256xf32, #tpu.memory_space<vmem>>[vector<16xi32>], vector<16xf32>,
        %add3A_1448 = arith.constant 13 : i32
        %add3A_1449 = vector.broadcast %add3A_1448 : i32 to vector<16xi32>
        %add3A_1450 = arith.addi %iota3A, %add3A_1449 : vector<16xi32>
        %and3A_1451 = arith.constant 15 : i32
        %and3A_1452 = vector.broadcast %and3A_1451 : i32 to vector<16xi32>
        %and3A_1453 = arith.andi %add3A_1450, %and3A_1452 : vector<16xi32>
        %add3A_1454 = arith.addi %and3A_1453, %mul3A_5 : vector<16xi32>
        %gather3A_1455 = tpu.vector_load_idx %arg17[%add3A_1454] : memref<256xf32, #tpu.memory_space<vmem>>[vector<16xi32>], vector<16xf32>,
        %add3A_1456 = arith.constant 14 : i32
        %add3A_1457 = vector.broadcast %add3A_1456 : i32 to vector<16xi32>
        %add3A_1458 = arith.addi %iota3A, %add3A_1457 : vector<16xi32>
        %and3A_1459 = arith.constant 15 : i32
        %and3A_1460 = vector.broadcast %and3A_1459 : i32 to vector<16xi32>
        %and3A_1461 = arith.andi %add3A_1458, %and3A_1460 : vector<16xi32>
        %add3A_1462 = arith.addi %and3A_1461, %mul3A_5 : vector<16xi32>
        %gather3A_1463 = tpu.vector_load_idx %arg17[%add3A_1462] : memref<256xf32, #tpu.memory_space<vmem>>[vector<16xi32>], vector<16xf32>,
        %add3A_1464 = arith.constant 15 : i32
        %add3A_1465 = vector.broadcast %add3A_1464 : i32 to vector<16xi32>
        %add3A_1466 = arith.addi %iota3A, %add3A_1465 : vector<16xi32>
        %and3A_1467 = arith.constant 15 : i32
        %and3A_1468 = vector.broadcast %and3A_1467 : i32 to vector<16xi32>
        %and3A_1469 = arith.andi %add3A_1466, %and3A_1468 : vector<16xi32>
        %add3A_1470 = arith.addi %and3A_1469, %mul3A_5 : vector<16xi32>
        %gather3A_1471 = tpu.vector_load_idx %arg17[%add3A_1470] : memref<256xf32, #tpu.memory_space<vmem>>[vector<16xi32>], vector<16xf32>,
        %add3A_1472 = arith.addf %gather3A, %gather3A_1359 : vector<16xf32>
        %add3A_1473 = arith.addf %gather3A_1367, %gather3A_1375 : vector<16xf32>
        %add3A_1474 = arith.addf %gather3A_1383, %gather3A_1391 : vector<16xf32>
        %add3A_1475 = arith.addf %gather3A_1399, %gather3A_1407 : vector<16xf32>
        %add3A_1476 = arith.addf %gather3A_1415, %gather3A_1423 : vector<16xf32>
        %add3A_1477 = arith.addf %gather3A_1431, %gather3A_1439 : vector<16xf32>
        %add3A_1478 = arith.addf %gather3A_1447, %gather3A_1455 : vector<16xf32>
        %add3A_1479 = arith.addf %gather3A_1463, %gather3A_1471 : vector<16xf32>
        %add3A_1480 = arith.addf %add3A_1472, %add3A_1473 : vector<16xf32>
        %add3A_1481 = arith.addf %add3A_1474, %add3A_1475 : vector<16xf32>
        %add3A_1482 = arith.addf %add3A_1476, %add3A_1477 : vector<16xf32>
        %add3A_1483 = arith.addf %add3A_1478, %add3A_1479 : vector<16xf32>
        %add3A_1484 = arith.addf %add3A_1480, %add3A_1481 : vector<16xf32>
        %add3A_1485 = arith.addf %add3A_1482, %add3A_1483 : vector<16xf32>
        %add3A_1486 = arith.addf %add3A_1484, %add3A_1485 : vector<16xf32>
        %mul3A_1487 = arith.constant 16 : i32
        %mul3A_1488 = arith.muli %scan3A_104, %mul3A_1487 : i32
        %add3A_1489 = arith.addi %mul3A_63, %mul3A_1488 : i32
        %multiple_of3A_1490 = tpu.assume_multiple %add3A_1489, 16 : i32
        %swap3A_1491 = arith.index_cast %multiple_of3A_1490 : i32 to index
        %swap3A_1492 = tpu.vector_load %arg16[%swap3A_1491] {strides = array<i32>} : memref<10000xf32, #tpu.memory_space<vmem>>, vector<16xf32>,
        tpu.vector_store %arg16[%swap3A_1491], %add3A_1486 {strides = array<i32>} : memref<10000xf32, #tpu.memory_space<vmem>>, vector<16xf32>,
      }
      %scan3A_69 = arith.constant 5 : i32
      %add3A_70 = arith.constant 2 : i32
      %add3A_71 = arith.addi %mul3A_37, %add3A_70 : i32
      %mul3A_72 = arith.constant 80 : i32
      %mul3A_73 = arith.muli %add3A_71, %mul3A_72 : i32
      %multiple_of3A_74 = tpu.assume_multiple %mul3A_73, 8 : i32
      %dma_start3A_75 = tpu.memref_slice %arg8[%multiple_of3A_74] : memref<10000xi32, #tpu.memory_space<vmem>> -> memref<80xi32, #tpu.memory_space<vmem>>
      %dma_start3A_76 = arith.constant 0 : i32
      %dma_start3A_77 = arith.constant 0 : i32
      %dma_start3A_78 = tpu.memref_slice %arg2[%dma_start3A_76, %dma_start3A_77] : memref<10000x64xi32, #tpu.memory_space<hbm>> -> memref<10000x64xi32, #tpu.memory_space<hbm>>
      tpu.enqueue_indirect_dma source(%dma_start3A_78 : memref<10000x64xi32, #tpu.memory_space<hbm>>) target(%arg12 : memref<80x64xi32, #tpu.memory_space<vmem>>) offsets(%dma_start3A_75 : memref<80xi32, #tpu.memory_space<vmem>>) semaphore(%arg18 : memref<!tpu.dma_semaphore, #tpu.memory_space<semaphore_mem>>)
      %dma_start3A_79 = tpu.memref_slice %arg9[%multiple_of3A_74] : memref<10000xi32, #tpu.memory_space<vmem>> -> memref<80xi32, #tpu.memory_space<vmem>>
      %dma_start3A_80 = arith.constant 0 : i32
      %dma_start3A_81 = arith.constant 0 : i32
      %dma_start3A_82 = tpu.memref_slice %arg2[%dma_start3A_80, %dma_start3A_81] : memref<10000x64xi32, #tpu.memory_space<hbm>> -> memref<10000x64xi32, #tpu.memory_space<hbm>>
      tpu.enqueue_indirect_dma source(%dma_start3A_82 : memref<10000x64xi32, #tpu.memory_space<hbm>>) target(%arg13 : memref<80x64xi32, #tpu.memory_space<vmem>>) offsets(%dma_start3A_79 : memref<80xi32, #tpu.memory_space<vmem>>) semaphore(%arg18 : memref<!tpu.dma_semaphore, #tpu.memory_space<semaphore_mem>>)
      %add3A_83 = arith.constant 1 : i32
      %add3A_84 = arith.addi %mul3A_37, %add3A_83 : i32
      %mul3A_85 = arith.constant 80 : i32
      %mul3A_86 = arith.muli %add3A_84, %mul3A_85 : i32
      %multiple_of3A_87 = tpu.assume_multiple %mul3A_86, 8 : i32
      %dma_wait3A_88 = tpu.memref_slice %arg8[%multiple_of3A_87] : memref<10000xi32, #tpu.memory_space<vmem>> -> memref<80xi32, #tpu.memory_space<vmem>>
      %dma_wait3A_89 = arith.constant 0 : i32
      %dma_wait3A_90 = arith.constant 0 : i32
      %dma_wait3A_91 = tpu.memref_slice %arg2[%dma_wait3A_89, %dma_wait3A_90] : memref<10000x64xi32, #tpu.memory_space<hbm>> -> memref<10000x64xi32, #tpu.memory_space<hbm>>
      tpu.wait_indirect_dma semaphore(%arg19 : memref<!tpu.dma_semaphore, #tpu.memory_space<semaphore_mem>>) src(%dma_wait3A_91 : memref<10000x64xi32, #tpu.memory_space<hbm>>) dst(%arg14 : memref<80x64xi32, #tpu.memory_space<vmem>>)
      %dma_wait3A_92 = tpu.memref_slice %arg9[%multiple_of3A_87] : memref<10000xi32, #tpu.memory_space<vmem>> -> memref<80xi32, #tpu.memory_space<vmem>>
      %dma_wait3A_93 = arith.constant 0 : i32
      %dma_wait3A_94 = arith.constant 0 : i32
      %dma_wait3A_95 = tpu.memref_slice %arg2[%dma_wait3A_93, %dma_wait3A_94] : memref<10000x64xi32, #tpu.memory_space<hbm>> -> memref<10000x64xi32, #tpu.memory_space<hbm>>
      tpu.wait_indirect_dma semaphore(%arg19 : memref<!tpu.dma_semaphore, #tpu.memory_space<semaphore_mem>>) src(%dma_wait3A_95 : memref<10000x64xi32, #tpu.memory_space<hbm>>) dst(%arg15 : memref<80x64xi32, #tpu.memory_space<vmem>>)
      %mul3A_96 = arith.constant 80 : i32
      %mul3A_97 = arith.muli %add3A_84, %mul3A_96 : i32
      %scan3A_98 = arith.constant 0 : i32
      %scan3A_99 = arith.constant 0 : i32
      %scan3A_100 = arith.constant 5 : i32
      %scan3A_101 = arith.addi %scan3A_99, %scan3A_100 : i32
      %scan3A_102 = arith.constant 1 : i32
      scf.for %scan3A_104 = %scan3A_99 to %scan3A_101 step %scan3A_102  : i32 {
        %mul3A_105 = arith.constant 16 : i32
        %mul3A_106 = arith.muli %scan3A_104, %mul3A_105 : i32
        %add3A_107 = arith.addi %mul3A_97, %mul3A_106 : i32
        %multiple_of3A_108 = tpu.assume_multiple %add3A_107, 16 : i32
        %get3A = arith.index_cast %multiple_of3A_108 : i32 to index
        %get3A_109 = tpu.vector_load %arg10[%get3A] {strides = array<i32>} : memref<10000xi32, #tpu.memory_space<vmem>>, vector<16xi32>,
        %slice3A = vector.extract_strided_slice %get3A_109 {offsets = [0], sizes = [1], strides = [1]} : vector<16xi32> to vector<1xi32>
        %squeeze3A = vector.extract %slice3A[0] : i32 from vector<1xi32>
        %slice3A_110 = vector.extract_strided_slice %get3A_109 {offsets = [1], sizes = [1], strides = [1]} : vector<16xi32> to vector<1xi32>
        %squeeze3A_111 = vector.extract %slice3A_110[0] : i32 from vector<1xi32>
        %slice3A_112 = vector.extract_strided_slice %get3A_109 {offsets = [2], sizes = [1], strides = [1]} : vector<16xi32> to vector<1xi32>
        %squeeze3A_113 = vector.extract %slice3A_112[0] : i32 from vector<1xi32>
        %get3A_114 = arith.index_cast %mul3A_106 : i32 to index
        %get3A_115 = arith.constant 0 : index
        %get3A_116 = tpu.vector_load %arg14[%get3A_114, %get3A_115] {strides = array<i32>} : memref<80x64xi32, #tpu.memory_space<vmem>>, vector<16xi32>,
        %bitcast3A = vector.bitcast %get3A_116 : vector<16xi32> to vector<32xbf16>
        %get3A_117 = arith.index_cast %mul3A_106 : i32 to index
        %get3A_118 = arith.constant 16 : index
        %get3A_119 = tpu.vector_load %arg14[%get3A_117, %get3A_118] {strides = array<i32>} : memref<80x64xi32, #tpu.memory_space<vmem>>, vector<16xi32>,
        %bitcast3A_120 = vector.bitcast %get3A_119 : vector<16xi32> to vector<32xbf16>
        %get3A_121 = arith.index_cast %mul3A_106 : i32 to index
        %get3A_122 = arith.constant 32 : index
        %get3A_123 = tpu.vector_load %arg14[%get3A_121, %get3A_122] {strides = array<i32>} : memref<80x64xi32, #tpu.memory_space<vmem>>, vector<16xi32>,
        %bitcast3A_124 = vector.bitcast %get3A_123 : vector<16xi32> to vector<32xbf16>
        %get3A_125 = arith.index_cast %mul3A_106 : i32 to index
        %get3A_126 = arith.constant 48 : index
        %get3A_127 = tpu.vector_load %arg14[%get3A_125, %get3A_126] {strides = array<i32>} : memref<80x64xi32, #tpu.memory_space<vmem>>, vector<16xi32>,
        %bitcast3A_128 = vector.bitcast %get3A_127 : vector<16xi32> to vector<32xbf16>
        %get3A_129 = arith.index_cast %mul3A_106 : i32 to index
        %get3A_130 = arith.constant 0 : index
        %get3A_131 = tpu.vector_load %arg15[%get3A_129, %get3A_130] {strides = array<i32>} : memref<80x64xi32, #tpu.memory_space<vmem>>, vector<16xi32>,
        %bitcast3A_132 = vector.bitcast %get3A_131 : vector<16xi32> to vector<32xbf16>
        %get3A_133 = arith.index_cast %mul3A_106 : i32 to index
        %get3A_134 = arith.constant 16 : index
        %get3A_135 = tpu.vector_load %arg15[%get3A_133, %get3A_134] {strides = array<i32>} : memref<80x64xi32, #tpu.memory_space<vmem>>, vector<16xi32>,
        %bitcast3A_136 = vector.bitcast %get3A_135 : vector<16xi32> to vector<32xbf16>
        %get3A_137 = arith.index_cast %mul3A_106 : i32 to index
        %get3A_138 = arith.constant 32 : index
        %get3A_139 = tpu.vector_load %arg15[%get3A_137, %get3A_138] {strides = array<i32>} : memref<80x64xi32, #tpu.memory_space<vmem>>, vector<16xi32>,
        %bitcast3A_140 = vector.bitcast %get3A_139 : vector<16xi32> to vector<32xbf16>
        %get3A_141 = arith.index_cast %mul3A_106 : i32 to index
        %get3A_142 = arith.constant 48 : index
        %get3A_143 = tpu.vector_load %arg15[%get3A_141, %get3A_142] {strides = array<i32>} : memref<80x64xi32, #tpu.memory_space<vmem>>, vector<16xi32>,
        %bitcast3A_144 = vector.bitcast %get3A_143 : vector<16xi32> to vector<32xbf16>
        %get3A_145 = arith.index_cast %squeeze3A : i32 to index
        %get3A_146 = arith.constant 0 : index
        %get3A_147 = tpu.vector_load %arg11[%get3A_145, %get3A_146] {strides = array<i32>} : memref<1000x64xi32, #tpu.memory_space<vmem>>, vector<16xi32>,
        %bitcast3A_148 = vector.bitcast %get3A_147 : vector<16xi32> to vector<32xbf16>
        %get3A_149 = arith.index_cast %squeeze3A : i32 to index
        %get3A_150 = arith.constant 16 : index
        %get3A_151 = tpu.vector_load %arg11[%get3A_149, %get3A_150] {strides = array<i32>} : memref<1000x64xi32, #tpu.memory_space<vmem>>, vector<16xi32>,
        %bitcast3A_152 = vector.bitcast %get3A_151 : vector<16xi32> to vector<32xbf16>
        %get3A_153 = arith.index_cast %squeeze3A : i32 to index
        %get3A_154 = arith.constant 32 : index
        %get3A_155 = tpu.vector_load %arg11[%get3A_153, %get3A_154] {strides = array<i32>} : memref<1000x64xi32, #tpu.memory_space<vmem>>, vector<16xi32>,
        %bitcast3A_156 = vector.bitcast %get3A_155 : vector<16xi32> to vector<32xbf16>
        %get3A_157 = arith.index_cast %squeeze3A : i32 to index
        %get3A_158 = arith.constant 48 : index
        %get3A_159 = tpu.vector_load %arg11[%get3A_157, %get3A_158] {strides = array<i32>} : memref<1000x64xi32, #tpu.memory_space<vmem>>, vector<16xi32>,
        %bitcast3A_160 = vector.bitcast %get3A_159 : vector<16xi32> to vector<32xbf16>
        %add3A_161 = arith.constant 1 : i32
        %add3A_162 = arith.addi %mul3A_106, %add3A_161 : i32
        %get3A_163 = arith.index_cast %add3A_162 : i32 to index
        %get3A_164 = arith.constant 0 : index
        %get3A_165 = tpu.vector_load %arg14[%get3A_163, %get3A_164] {strides = array<i32>} : memref<80x64xi32, #tpu.memory_space<vmem>>, vector<16xi32>,
        %bitcast3A_166 = vector.bitcast %get3A_165 : vector<16xi32> to vector<32xbf16>
        %get3A_167 = arith.index_cast %add3A_162 : i32 to index
        %get3A_168 = arith.constant 16 : index
        %get3A_169 = tpu.vector_load %arg14[%get3A_167, %get3A_168] {strides = array<i32>} : memref<80x64xi32, #tpu.memory_space<vmem>>, vector<16xi32>,
        %bitcast3A_170 = vector.bitcast %get3A_169 : vector<16xi32> to vector<32xbf16>
        %get3A_171 = arith.index_cast %add3A_162 : i32 to index
        %get3A_172 = arith.constant 32 : index
        %get3A_173 = tpu.vector_load %arg14[%get3A_171, %get3A_172] {strides = array<i32>} : memref<80x64xi32, #tpu.memory_space<vmem>>, vector<16xi32>,
        %bitcast3A_174 = vector.bitcast %get3A_173 : vector<16xi32> to vector<32xbf16>
        %get3A_175 = arith.index_cast %add3A_162 : i32 to index
        %get3A_176 = arith.constant 48 : index
        %get3A_177 = tpu.vector_load %arg14[%get3A_175, %get3A_176] {strides = array<i32>} : memref<80x64xi32, #tpu.memory_space<vmem>>, vector<16xi32>,
        %bitcast3A_178 = vector.bitcast %get3A_177 : vector<16xi32> to vector<32xbf16>
        %get3A_179 = arith.index_cast %add3A_162 : i32 to index
        %get3A_180 = arith.constant 0 : index
        %get3A_181 = tpu.vector_load %arg15[%get3A_179, %get3A_180] {strides = array<i32>} : memref<80x64xi32, #tpu.memory_space<vmem>>, vector<16xi32>,
        %bitcast3A_182 = vector.bitcast %get3A_181 : vector<16xi32> to vector<32xbf16>
        %get3A_183 = arith.index_cast %add3A_162 : i32 to index
        %get3A_184 = arith.constant 16 : index
        %get3A_185 = tpu.vector_load %arg15[%get3A_183, %get3A_184] {strides = array<i32>} : memref<80x64xi32, #tpu.memory_space<vmem>>, vector<16xi32>,
        %bitcast3A_186 = vector.bitcast %get3A_185 : vector<16xi32> to vector<32xbf16>
        %get3A_187 = arith.index_cast %add3A_162 : i32 to index
        %get3A_188 = arith.constant 32 : index
        %get3A_189 = tpu.vector_load %arg15[%get3A_187, %get3A_188] {strides = array<i32>} : memref<80x64xi32, #tpu.memory_space<vmem>>, vector<16xi32>,
        %bitcast3A_190 = vector.bitcast %get3A_189 : vector<16xi32> to vector<32xbf16>
        %get3A_191 = arith.index_cast %add3A_162 : i32 to index
        %get3A_192 = arith.constant 48 : index
        %get3A_193 = tpu.vector_load %arg15[%get3A_191, %get3A_192] {strides = array<i32>} : memref<80x64xi32, #tpu.memory_space<vmem>>, vector<16xi32>,
        %bitcast3A_194 = vector.bitcast %get3A_193 : vector<16xi32> to vector<32xbf16>
        %get3A_195 = arith.index_cast %squeeze3A_111 : i32 to index
        %get3A_196 = arith.constant 0 : index
        %get3A_197 = tpu.vector_load %arg11[%get3A_195, %get3A_196] {strides = array<i32>} : memref<1000x64xi32, #tpu.memory_space<vmem>>, vector<16xi32>,
        %bitcast3A_198 = vector.bitcast %get3A_197 : vector<16xi32> to vector<32xbf16>
        %get3A_199 = arith.index_cast %squeeze3A_111 : i32 to index
        %get3A_200 = arith.constant 16 : index
        %get3A_201 = tpu.vector_load %arg11[%get3A_199, %get3A_200] {strides = array<i32>} : memref<1000x64xi32, #tpu.memory_space<vmem>>, vector<16xi32>,
        %bitcast3A_202 = vector.bitcast %get3A_201 : vector<16xi32> to vector<32xbf16>
        %get3A_203 = arith.index_cast %squeeze3A_111 : i32 to index
        %get3A_204 = arith.constant 32 : index
        %get3A_205 = tpu.vector_load %arg11[%get3A_203, %get3A_204] {strides = array<i32>} : memref<1000x64xi32, #tpu.memory_space<vmem>>, vector<16xi32>,
        %bitcast3A_206 = vector.bitcast %get3A_205 : vector<16xi32> to vector<32xbf16>
        %get3A_207 = arith.index_cast %squeeze3A_111 : i32 to index
        %get3A_208 = arith.constant 48 : index
        %get3A_209 = tpu.vector_load %arg11[%get3A_207, %get3A_208] {strides = array<i32>} : memref<1000x64xi32, #tpu.memory_space<vmem>>, vector<16xi32>,
        %bitcast3A_210 = vector.bitcast %get3A_209 : vector<16xi32> to vector<32xbf16>
        %slice3A_211 = vector.extract_strided_slice %get3A_109 {offsets = [3], sizes = [1], strides = [1]} : vector<16xi32> to vector<1xi32>
        %squeeze3A_212 = vector.extract %slice3A_211[0] : i32 from vector<1xi32>
        %add3A_213 = arith.constant 0 : i32
        %add3A_214 = arith.addi %mul3A_106, %add3A_213 : i32
        %add3A_215 = arith.constant 2 : i32
        %add3A_216 = arith.addi %add3A_214, %add3A_215 : i32
        %get3A_217 = arith.index_cast %add3A_216 : i32 to index
        %get3A_218 = arith.constant 0 : index
        %get3A_219 = tpu.vector_load %arg14[%get3A_217, %get3A_218] {strides = array<i32>} : memref<80x64xi32, #tpu.memory_space<vmem>>, vector<16xi32>,
        %bitcast3A_220 = vector.bitcast %get3A_219 : vector<16xi32> to vector<32xbf16>
        %get3A_221 = arith.index_cast %add3A_216 : i32 to index
        %get3A_222 = arith.constant 16 : index
        %get3A_223 = tpu.vector_load %arg14[%get3A_221, %get3A_222] {strides = array<i32>} : memref<80x64xi32, #tpu.memory_space<vmem>>, vector<16xi32>,
        %bitcast3A_224 = vector.bitcast %get3A_223 : vector<16xi32> to vector<32xbf16>
        %get3A_225 = arith.index_cast %add3A_216 : i32 to index
        %get3A_226 = arith.constant 32 : index
        %get3A_227 = tpu.vector_load %arg14[%get3A_225, %get3A_226] {strides = array<i32>} : memref<80x64xi32, #tpu.memory_space<vmem>>, vector<16xi32>,
        %bitcast3A_228 = vector.bitcast %get3A_227 : vector<16xi32> to vector<32xbf16>
        %get3A_229 = arith.index_cast %add3A_216 : i32 to index
        %get3A_230 = arith.constant 48 : index
        %get3A_231 = tpu.vector_load %arg14[%get3A_229, %get3A_230] {strides = array<i32>} : memref<80x64xi32, #tpu.memory_space<vmem>>, vector<16xi32>,
        %bitcast3A_232 = vector.bitcast %get3A_231 : vector<16xi32> to vector<32xbf16>
        %get3A_233 = arith.index_cast %add3A_216 : i32 to index
        %get3A_234 = arith.constant 0 : index
        %get3A_235 = tpu.vector_load %arg15[%get3A_233, %get3A_234] {strides = array<i32>} : memref<80x64xi32, #tpu.memory_space<vmem>>, vector<16xi32>,
        %bitcast3A_236 = vector.bitcast %get3A_235 : vector<16xi32> to vector<32xbf16>
        %get3A_237 = arith.index_cast %add3A_216 : i32 to index
        %get3A_238 = arith.constant 16 : index
        %get3A_239 = tpu.vector_load %arg15[%get3A_237, %get3A_238] {strides = array<i32>} : memref<80x64xi32, #tpu.memory_space<vmem>>, vector<16xi32>,
        %bitcast3A_240 = vector.bitcast %get3A_239 : vector<16xi32> to vector<32xbf16>
        %get3A_241 = arith.index_cast %add3A_216 : i32 to index
        %get3A_242 = arith.constant 32 : index
        %get3A_243 = tpu.vector_load %arg15[%get3A_241, %get3A_242] {strides = array<i32>} : memref<80x64xi32, #tpu.memory_space<vmem>>, vector<16xi32>,
        %bitcast3A_244 = vector.bitcast %get3A_243 : vector<16xi32> to vector<32xbf16>
        %get3A_245 = arith.index_cast %add3A_216 : i32 to index
        %get3A_246 = arith.constant 48 : index
        %get3A_247 = tpu.vector_load %arg15[%get3A_245, %get3A_246] {strides = array<i32>} : memref<80x64xi32, #tpu.memory_space<vmem>>, vector<16xi32>,
        %bitcast3A_248 = vector.bitcast %get3A_247 : vector<16xi32> to vector<32xbf16>
        %get3A_249 = arith.index_cast %squeeze3A_113 : i32 to index
        %get3A_250 = arith.constant 0 : index
        %get3A_251 = tpu.vector_load %arg11[%get3A_249, %get3A_250] {strides = array<i32>} : memref<1000x64xi32, #tpu.memory_space<vmem>>, vector<16xi32>,
        %bitcast3A_252 = vector.bitcast %get3A_251 : vector<16xi32> to vector<32xbf16>
        %get3A_253 = arith.index_cast %squeeze3A_113 : i32 to index
        %get3A_254 = arith.constant 16 : index
        %get3A_255 = tpu.vector_load %arg11[%get3A_253, %get3A_254] {strides = array<i32>} : memref<1000x64xi32, #tpu.memory_space<vmem>>, vector<16xi32>,
        %bitcast3A_256 = vector.bitcast %get3A_255 : vector<16xi32> to vector<32xbf16>
        %get3A_257 = arith.index_cast %squeeze3A_113 : i32 to index
        %get3A_258 = arith.constant 32 : index
        %get3A_259 = tpu.vector_load %arg11[%get3A_257, %get3A_258] {strides = array<i32>} : memref<1000x64xi32, #tpu.memory_space<vmem>>, vector<16xi32>,
        %bitcast3A_260 = vector.bitcast %get3A_259 : vector<16xi32> to vector<32xbf16>
        %get3A_261 = arith.index_cast %squeeze3A_113 : i32 to index
        %get3A_262 = arith.constant 48 : index
        %get3A_263 = tpu.vector_load %arg11[%get3A_261, %get3A_262] {strides = array<i32>} : memref<1000x64xi32, #tpu.memory_space<vmem>>, vector<16xi32>,
        %bitcast3A_264 = vector.bitcast %get3A_263 : vector<16xi32> to vector<32xbf16>
        %mul3A_265 = arith.mulf %bitcast3A, %bitcast3A_132 : vector<32xbf16>
        %mul3A_266 = arith.mulf %bitcast3A_124, %bitcast3A_140 : vector<32xbf16>
        %add3A_267 = arith.addf %mul3A_265, %mul3A_266 : vector<32xbf16>
        %mul3A_268 = arith.mulf %bitcast3A_148, %add3A_267 : vector<32xbf16>
        %mul3A_269 = arith.mulf %bitcast3A, %bitcast3A_140 : vector<32xbf16>
        %mul3A_270 = arith.mulf %bitcast3A_124, %bitcast3A_132 : vector<32xbf16>
        %sub3A = arith.subf %mul3A_269, %mul3A_270 : vector<32xbf16>
        %mul3A_271 = arith.mulf %bitcast3A_156, %sub3A : vector<32xbf16>
        %add3A_272 = arith.addf %mul3A_268, %mul3A_271 : vector<32xbf16>
        %mul3A_273 = arith.mulf %bitcast3A_120, %bitcast3A_136 : vector<32xbf16>
        %mul3A_274 = arith.mulf %bitcast3A_128, %bitcast3A_144 : vector<32xbf16>
        %add3A_275 = arith.addf %mul3A_273, %mul3A_274 : vector<32xbf16>
        %mul3A_276 = arith.mulf %bitcast3A_152, %add3A_275 : vector<32xbf16>
        %mul3A_277 = arith.mulf %bitcast3A_120, %bitcast3A_144 : vector<32xbf16>
        %mul3A_278 = arith.mulf %bitcast3A_128, %bitcast3A_136 : vector<32xbf16>
        %sub3A_279 = arith.subf %mul3A_277, %mul3A_278 : vector<32xbf16>
        %mul3A_280 = arith.mulf %bitcast3A_160, %sub3A_279 : vector<32xbf16>
        %add3A_281 = arith.addf %mul3A_276, %mul3A_280 : vector<32xbf16>
        %add3A_282 = arith.addf %add3A_272, %add3A_281 : vector<32xbf16>
        %unpack3A = tpu.unpack_subelements %add3A_282, 0 {pack_format = #tpu.pack_format<interleaved>} : vector<32xbf16> -> vector<16xf32>
        %unpack3A_283 = tpu.unpack_subelements %add3A_282, 1 {pack_format = #tpu.pack_format<interleaved>} : vector<32xbf16> -> vector<16xf32>
        %add3A_284 = arith.addf %unpack3A, %unpack3A_283 : vector<16xf32>
        %swap3A = arith.constant 0 : index
        %swap3A_285 = tpu.vector_load %arg17[%swap3A] {strides = array<i32>} : memref<256xf32, #tpu.memory_space<vmem>>, vector<16xf32>,
        tpu.vector_store %arg17[%swap3A], %add3A_284 {strides = array<i32>} : memref<256xf32, #tpu.memory_space<vmem>>, vector<16xf32>,
        %slice3A_286 = vector.extract_strided_slice %get3A_109 {offsets = [4], sizes = [1], strides = [1]} : vector<16xi32> to vector<1xi32>
        %squeeze3A_287 = vector.extract %slice3A_286[0] : i32 from vector<1xi32>
        %add3A_288 = arith.constant 1 : i32
        %add3A_289 = arith.addi %mul3A_106, %add3A_288 : i32
        %add3A_290 = arith.constant 2 : i32
        %add3A_291 = arith.addi %add3A_289, %add3A_290 : i32
        %get3A_292 = arith.index_cast %add3A_291 : i32 to index
        %get3A_293 = arith.constant 0 : index
        %get3A_294 = tpu.vector_load %arg14[%get3A_292, %get3A_293] {strides = array<i32>} : memref<80x64xi32, #tpu.memory_space<vmem>>, vector<16xi32>,
        %bitcast3A_295 = vector.bitcast %get3A_294 : vector<16xi32> to vector<32xbf16>
        %get3A_296 = arith.index_cast %add3A_291 : i32 to index
        %get3A_297 = arith.constant 16 : index
        %get3A_298 = tpu.vector_load %arg14[%get3A_296, %get3A_297] {strides = array<i32>} : memref<80x64xi32, #tpu.memory_space<vmem>>, vector<16xi32>,
        %bitcast3A_299 = vector.bitcast %get3A_298 : vector<16xi32> to vector<32xbf16>
        %get3A_300 = arith.index_cast %add3A_291 : i32 to index
        %get3A_301 = arith.constant 32 : index
        %get3A_302 = tpu.vector_load %arg14[%get3A_300, %get3A_301] {strides = array<i32>} : memref<80x64xi32, #tpu.memory_space<vmem>>, vector<16xi32>,
        %bitcast3A_303 = vector.bitcast %get3A_302 : vector<16xi32> to vector<32xbf16>
        %get3A_304 = arith.index_cast %add3A_291 : i32 to index
        %get3A_305 = arith.constant 48 : index
        %get3A_306 = tpu.vector_load %arg14[%get3A_304, %get3A_305] {strides = array<i32>} : memref<80x64xi32, #tpu.memory_space<vmem>>, vector<16xi32>,
        %bitcast3A_307 = vector.bitcast %get3A_306 : vector<16xi32> to vector<32xbf16>
        %get3A_308 = arith.index_cast %add3A_291 : i32 to index
        %get3A_309 = arith.constant 0 : index
        %get3A_310 = tpu.vector_load %arg15[%get3A_308, %get3A_309] {strides = array<i32>} : memref<80x64xi32, #tpu.memory_space<vmem>>, vector<16xi32>,
        %bitcast3A_311 = vector.bitcast %get3A_310 : vector<16xi32> to vector<32xbf16>
        %get3A_312 = arith.index_cast %add3A_291 : i32 to index
        %get3A_313 = arith.constant 16 : index
        %get3A_314 = tpu.vector_load %arg15[%get3A_312, %get3A_313] {strides = array<i32>} : memref<80x64xi32, #tpu.memory_space<vmem>>, vector<16xi32>,
        %bitcast3A_315 = vector.bitcast %get3A_314 : vector<16xi32> to vector<32xbf16>
        %get3A_316 = arith.index_cast %add3A_291 : i32 to index
        %get3A_317 = arith.constant 32 : index
        %get3A_318 = tpu.vector_load %arg15[%get3A_316, %get3A_317] {strides = array<i32>} : memref<80x64xi32, #tpu.memory_space<vmem>>, vector<16xi32>,
        %bitcast3A_319 = vector.bitcast %get3A_318 : vector<16xi32> to vector<32xbf16>
        %get3A_320 = arith.index_cast %add3A_291 : i32 to index
        %get3A_321 = arith.constant 48 : index
        %get3A_322 = tpu.vector_load %arg15[%get3A_320, %get3A_321] {strides = array<i32>} : memref<80x64xi32, #tpu.memory_space<vmem>>, vector<16xi32>,
        %bitcast3A_323 = vector.bitcast %get3A_322 : vector<16xi32> to vector<32xbf16>
        %get3A_324 = arith.index_cast %squeeze3A_212 : i32 to index
        %get3A_325 = arith.constant 0 : index
        %get3A_326 = tpu.vector_load %arg11[%get3A_324, %get3A_325] {strides = array<i32>} : memref<1000x64xi32, #tpu.memory_space<vmem>>, vector<16xi32>,
        %bitcast3A_327 = vector.bitcast %get3A_326 : vector<16xi32> to vector<32xbf16>
        %get3A_328 = arith.index_cast %squeeze3A_212 : i32 to index
        %get3A_329 = arith.constant 16 : index
        %get3A_330 = tpu.vector_load %arg11[%get3A_328, %get3A_329] {strides = array<i32>} : memref<1000x64xi32, #tpu.memory_space<vmem>>, vector<16xi32>,
        %bitcast3A_331 = vector.bitcast %get3A_330 : vector<16xi32> to vector<32xbf16>
        %get3A_332 = arith.index_cast %squeeze3A_212 : i32 to index
        %get3A_333 = arith.constant 32 : index
        %get3A_334 = tpu.vector_load %arg11[%get3A_332, %get3A_333] {strides = array<i32>} : memref<1000x64xi32, #tpu.memory_space<vmem>>, vector<16xi32>,
        %bitcast3A_335 = vector.bitcast %get3A_334 : vector<16xi32> to vector<32xbf16>
        %get3A_336 = arith.index_cast %squeeze3A_212 : i32 to index
        %get3A_337 = arith.constant 48 : index
        %get3A_338 = tpu.vector_load %arg11[%get3A_336, %get3A_337] {strides = array<i32>} : memref<1000x64xi32, #tpu.memory_space<vmem>>, vector<16xi32>,
        %bitcast3A_339 = vector.bitcast %get3A_338 : vector<16xi32> to vector<32xbf16>
        %mul3A_340 = arith.mulf %bitcast3A_166, %bitcast3A_182 : vector<32xbf16>
        %mul3A_341 = arith.mulf %bitcast3A_174, %bitcast3A_190 : vector<32xbf16>
        %add3A_342 = arith.addf %mul3A_340, %mul3A_341 : vector<32xbf16>
        %mul3A_343 = arith.mulf %bitcast3A_198, %add3A_342 : vector<32xbf16>
        %mul3A_344 = arith.mulf %bitcast3A_166, %bitcast3A_190 : vector<32xbf16>
        %mul3A_345 = arith.mulf %bitcast3A_174, %bitcast3A_182 : vector<32xbf16>
        %sub3A_346 = arith.subf %mul3A_344, %mul3A_345 : vector<32xbf16>
        %mul3A_347 = arith.mulf %bitcast3A_206, %sub3A_346 : vector<32xbf16>
        %add3A_348 = arith.addf %mul3A_343, %mul3A_347 : vector<32xbf16>
        %mul3A_349 = arith.mulf %bitcast3A_170, %bitcast3A_186 : vector<32xbf16>
        %mul3A_350 = arith.mulf %bitcast3A_178, %bitcast3A_194 : vector<32xbf16>
        %add3A_351 = arith.addf %mul3A_349, %mul3A_350 : vector<32xbf16>
        %mul3A_352 = arith.mulf %bitcast3A_202, %add3A_351 : vector<32xbf16>
        %mul3A_353 = arith.mulf %bitcast3A_170, %bitcast3A_194 : vector<32xbf16>
        %mul3A_354 = arith.mulf %bitcast3A_178, %bitcast3A_186 : vector<32xbf16>
        %sub3A_355 = arith.subf %mul3A_353, %mul3A_354 : vector<32xbf16>
        %mul3A_356 = arith.mulf %bitcast3A_210, %sub3A_355 : vector<32xbf16>
        %add3A_357 = arith.addf %mul3A_352, %mul3A_356 : vector<32xbf16>
        %add3A_358 = arith.addf %add3A_348, %add3A_357 : vector<32xbf16>
        %unpack3A_359 = tpu.unpack_subelements %add3A_358, 0 {pack_format = #tpu.pack_format<interleaved>} : vector<32xbf16> -> vector<16xf32>
        %unpack3A_360 = tpu.unpack_subelements %add3A_358, 1 {pack_format = #tpu.pack_format<interleaved>} : vector<32xbf16> -> vector<16xf32>
        %add3A_361 = arith.addf %unpack3A_359, %unpack3A_360 : vector<16xf32>
        %swap3A_362 = arith.constant 16 : index
        %swap3A_363 = tpu.vector_load %arg17[%swap3A_362] {strides = array<i32>} : memref<256xf32, #tpu.memory_space<vmem>>, vector<16xf32>,
        tpu.vector_store %arg17[%swap3A_362], %add3A_361 {strides = array<i32>} : memref<256xf32, #tpu.memory_space<vmem>>, vector<16xf32>,
        %slice3A_364 = vector.extract_strided_slice %get3A_109 {offsets = [5], sizes = [1], strides = [1]} : vector<16xi32> to vector<1xi32>
        %squeeze3A_365 = vector.extract %slice3A_364[0] : i32 from vector<1xi32>
        %add3A_366 = arith.constant 2 : i32
        %add3A_367 = arith.addi %mul3A_106, %add3A_366 : i32
        %add3A_368 = arith.constant 2 : i32
        %add3A_369 = arith.addi %add3A_367, %add3A_368 : i32
        %get3A_370 = arith.index_cast %add3A_369 : i32 to index
        %get3A_371 = arith.constant 0 : index
        %get3A_372 = tpu.vector_load %arg14[%get3A_370, %get3A_371] {strides = array<i32>} : memref<80x64xi32, #tpu.memory_space<vmem>>, vector<16xi32>,
        %bitcast3A_373 = vector.bitcast %get3A_372 : vector<16xi32> to vector<32xbf16>
        %get3A_374 = arith.index_cast %add3A_369 : i32 to index
        %get3A_375 = arith.constant 16 : index
        %get3A_376 = tpu.vector_load %arg14[%get3A_374, %get3A_375] {strides = array<i32>} : memref<80x64xi32, #tpu.memory_space<vmem>>, vector<16xi32>,
        %bitcast3A_377 = vector.bitcast %get3A_376 : vector<16xi32> to vector<32xbf16>
        %get3A_378 = arith.index_cast %add3A_369 : i32 to index
        %get3A_379 = arith.constant 32 : index
        %get3A_380 = tpu.vector_load %arg14[%get3A_378, %get3A_379] {strides = array<i32>} : memref<80x64xi32, #tpu.memory_space<vmem>>, vector<16xi32>,
        %bitcast3A_381 = vector.bitcast %get3A_380 : vector<16xi32> to vector<32xbf16>
        %get3A_382 = arith.index_cast %add3A_369 : i32 to index
        %get3A_383 = arith.constant 48 : index
        %get3A_384 = tpu.vector_load %arg14[%get3A_382, %get3A_383] {strides = array<i32>} : memref<80x64xi32, #tpu.memory_space<vmem>>, vector<16xi32>,
        %bitcast3A_385 = vector.bitcast %get3A_384 : vector<16xi32> to vector<32xbf16>
        %get3A_386 = arith.index_cast %add3A_369 : i32 to index
        %get3A_387 = arith.constant 0 : index
        %get3A_388 = tpu.vector_load %arg15[%get3A_386, %get3A_387] {strides = array<i32>} : memref<80x64xi32, #tpu.memory_space<vmem>>, vector<16xi32>,
        %bitcast3A_389 = vector.bitcast %get3A_388 : vector<16xi32> to vector<32xbf16>
        %get3A_390 = arith.index_cast %add3A_369 : i32 to index
        %get3A_391 = arith.constant 16 : index
        %get3A_392 = tpu.vector_load %arg15[%get3A_390, %get3A_391] {strides = array<i32>} : memref<80x64xi32, #tpu.memory_space<vmem>>, vector<16xi32>,
        %bitcast3A_393 = vector.bitcast %get3A_392 : vector<16xi32> to vector<32xbf16>
        %get3A_394 = arith.index_cast %add3A_369 : i32 to index
        %get3A_395 = arith.constant 32 : index
        %get3A_396 = tpu.vector_load %arg15[%get3A_394, %get3A_395] {strides = array<i32>} : memref<80x64xi32, #tpu.memory_space<vmem>>, vector<16xi32>,
        %bitcast3A_397 = vector.bitcast %get3A_396 : vector<16xi32> to vector<32xbf16>
        %get3A_398 = arith.index_cast %add3A_369 : i32 to index
        %get3A_399 = arith.constant 48 : index
        %get3A_400 = tpu.vector_load %arg15[%get3A_398, %get3A_399] {strides = array<i32>} : memref<80x64xi32, #tpu.memory_space<vmem>>, vector<16xi32>,
        %bitcast3A_401 = vector.bitcast %get3A_400 : vector<16xi32> to vector<32xbf16>
        %get3A_402 = arith.index_cast %squeeze3A_287 : i32 to index
        %get3A_403 = arith.constant 0 : index
        %get3A_404 = tpu.vector_load %arg11[%get3A_402, %get3A_403] {strides = array<i32>} : memref<1000x64xi32, #tpu.memory_space<vmem>>, vector<16xi32>,
        %bitcast3A_405 = vector.bitcast %get3A_404 : vector<16xi32> to vector<32xbf16>
        %get3A_406 = arith.index_cast %squeeze3A_287 : i32 to index
        %get3A_407 = arith.constant 16 : index
        %get3A_408 = tpu.vector_load %arg11[%get3A_406, %get3A_407] {strides = array<i32>} : memref<1000x64xi32, #tpu.memory_space<vmem>>, vector<16xi32>,
        %bitcast3A_409 = vector.bitcast %get3A_408 : vector<16xi32> to vector<32xbf16>
        %get3A_410 = arith.index_cast %squeeze3A_287 : i32 to index
        %get3A_411 = arith.constant 32 : index
        %get3A_412 = tpu.vector_load %arg11[%get3A_410, %get3A_411] {strides = array<i32>} : memref<1000x64xi32, #tpu.memory_space<vmem>>, vector<16xi32>,
        %bitcast3A_413 = vector.bitcast %get3A_412 : vector<16xi32> to vector<32xbf16>
        %get3A_414 = arith.index_cast %squeeze3A_287 : i32 to index
        %get3A_415 = arith.constant 48 : index
        %get3A_416 = tpu.vector_load %arg11[%get3A_414, %get3A_415] {strides = array<i32>} : memref<1000x64xi32, #tpu.memory_space<vmem>>, vector<16xi32>,
        %bitcast3A_417 = vector.bitcast %get3A_416 : vector<16xi32> to vector<32xbf16>
        %mul3A_418 = arith.mulf %bitcast3A_220, %bitcast3A_236 : vector<32xbf16>
        %mul3A_419 = arith.mulf %bitcast3A_228, %bitcast3A_244 : vector<32xbf16>
        %add3A_420 = arith.addf %mul3A_418, %mul3A_419 : vector<32xbf16>
        %mul3A_421 = arith.mulf %bitcast3A_252, %add3A_420 : vector<32xbf16>
        %mul3A_422 = arith.mulf %bitcast3A_220, %bitcast3A_244 : vector<32xbf16>
        %mul3A_423 = arith.mulf %bitcast3A_228, %bitcast3A_236 : vector<32xbf16>
        %sub3A_424 = arith.subf %mul3A_422, %mul3A_423 : vector<32xbf16>
        %mul3A_425 = arith.mulf %bitcast3A_260, %sub3A_424 : vector<32xbf16>
        %add3A_426 = arith.addf %mul3A_421, %mul3A_425 : vector<32xbf16>
        %mul3A_427 = arith.mulf %bitcast3A_224, %bitcast3A_240 : vector<32xbf16>
        %mul3A_428 = arith.mulf %bitcast3A_232, %bitcast3A_248 : vector<32xbf16>
        %add3A_429 = arith.addf %mul3A_427, %mul3A_428 : vector<32xbf16>
        %mul3A_430 = arith.mulf %bitcast3A_256, %add3A_429 : vector<32xbf16>
        %mul3A_431 = arith.mulf %bitcast3A_224, %bitcast3A_248 : vector<32xbf16>
        %mul3A_432 = arith.mulf %bitcast3A_232, %bitcast3A_240 : vector<32xbf16>
        %sub3A_433 = arith.subf %mul3A_431, %mul3A_432 : vector<32xbf16>
        %mul3A_434 = arith.mulf %bitcast3A_264, %sub3A_433 : vector<32xbf16>
        %add3A_435 = arith.addf %mul3A_430, %mul3A_434 : vector<32xbf16>
        %add3A_436 = arith.addf %add3A_426, %add3A_435 : vector<32xbf16>
        %unpack3A_437 = tpu.unpack_subelements %add3A_436, 0 {pack_format = #tpu.pack_format<interleaved>} : vector<32xbf16> -> vector<16xf32>
        %unpack3A_438 = tpu.unpack_subelements %add3A_436, 1 {pack_format = #tpu.pack_format<interleaved>} : vector<32xbf16> -> vector<16xf32>
        %add3A_439 = arith.addf %unpack3A_437, %unpack3A_438 : vector<16xf32>
        %swap3A_440 = arith.constant 32 : index
        %swap3A_441 = tpu.vector_load %arg17[%swap3A_440] {strides = array<i32>} : memref<256xf32, #tpu.memory_space<vmem>>, vector<16xf32>,
        tpu.vector_store %arg17[%swap3A_440], %add3A_439 {strides = array<i32>} : memref<256xf32, #tpu.memory_space<vmem>>, vector<16xf32>,
        %slice3A_442 = vector.extract_strided_slice %get3A_109 {offsets = [6], sizes = [1], strides = [1]} : vector<16xi32> to vector<1xi32>
        %squeeze3A_443 = vector.extract %slice3A_442[0] : i32 from vector<1xi32>
        %add3A_444 = arith.constant 3 : i32
        %add3A_445 = arith.addi %mul3A_106, %add3A_444 : i32
        %add3A_446 = arith.constant 2 : i32
        %add3A_447 = arith.addi %add3A_445, %add3A_446 : i32
        %get3A_448 = arith.index_cast %add3A_447 : i32 to index
        %get3A_449 = arith.constant 0 : index
        %get3A_450 = tpu.vector_load %arg14[%get3A_448, %get3A_449] {strides = array<i32>} : memref<80x64xi32, #tpu.memory_space<vmem>>, vector<16xi32>,
        %bitcast3A_451 = vector.bitcast %get3A_450 : vector<16xi32> to vector<32xbf16>
        %get3A_452 = arith.index_cast %add3A_447 : i32 to index
        %get3A_453 = arith.constant 16 : index
        %get3A_454 = tpu.vector_load %arg14[%get3A_452, %get3A_453] {strides = array<i32>} : memref<80x64xi32, #tpu.memory_space<vmem>>, vector<16xi32>,
        %bitcast3A_455 = vector.bitcast %get3A_454 : vector<16xi32> to vector<32xbf16>
        %get3A_456 = arith.index_cast %add3A_447 : i32 to index
        %get3A_457 = arith.constant 32 : index
        %get3A_458 = tpu.vector_load %arg14[%get3A_456, %get3A_457] {strides = array<i32>} : memref<80x64xi32, #tpu.memory_space<vmem>>, vector<16xi32>,
        %bitcast3A_459 = vector.bitcast %get3A_458 : vector<16xi32> to vector<32xbf16>
        %get3A_460 = arith.index_cast %add3A_447 : i32 to index
        %get3A_461 = arith.constant 48 : index
        %get3A_462 = tpu.vector_load %arg14[%get3A_460, %get3A_461] {strides = array<i32>} : memref<80x64xi32, #tpu.memory_space<vmem>>, vector<16xi32>,
        %bitcast3A_463 = vector.bitcast %get3A_462 : vector<16xi32> to vector<32xbf16>
        %get3A_464 = arith.index_cast %add3A_447 : i32 to index
        %get3A_465 = arith.constant 0 : index
        %get3A_466 = tpu.vector_load %arg15[%get3A_464, %get3A_465] {strides = array<i32>} : memref<80x64xi32, #tpu.memory_space<vmem>>, vector<16xi32>,
        %bitcast3A_467 = vector.bitcast %get3A_466 : vector<16xi32> to vector<32xbf16>
        %get3A_468 = arith.index_cast %add3A_447 : i32 to index
        %get3A_469 = arith.constant 16 : index
        %get3A_470 = tpu.vector_load %arg15[%get3A_468, %get3A_469] {strides = array<i32>} : memref<80x64xi32, #tpu.memory_space<vmem>>, vector<16xi32>,
        %bitcast3A_471 = vector.bitcast %get3A_470 : vector<16xi32> to vector<32xbf16>
        %get3A_472 = arith.index_cast %add3A_447 : i32 to index
        %get3A_473 = arith.constant 32 : index
        %get3A_474 = tpu.vector_load %arg15[%get3A_472, %get3A_473] {strides = array<i32>} : memref<80x64xi32, #tpu.memory_space<vmem>>, vector<16xi32>,
        %bitcast3A_475 = vector.bitcast %get3A_474 : vector<16xi32> to vector<32xbf16>
        %get3A_476 = arith.index_cast %add3A_447 : i32 to index
        %get3A_477 = arith.constant 48 : index
        %get3A_478 = tpu.vector_load %arg15[%get3A_476, %get3A_477] {strides = array<i32>} : memref<80x64xi32, #tpu.memory_space<vmem>>, vector<16xi32>,
        %bitcast3A_479 = vector.bitcast %get3A_478 : vector<16xi32> to vector<32xbf16>
        %get3A_480 = arith.index_cast %squeeze3A_365 : i32 to index
        %get3A_481 = arith.constant 0 : index
        %get3A_482 = tpu.vector_load %arg11[%get3A_480, %get3A_481] {strides = array<i32>} : memref<1000x64xi32, #tpu.memory_space<vmem>>, vector<16xi32>,
        %bitcast3A_483 = vector.bitcast %get3A_482 : vector<16xi32> to vector<32xbf16>
        %get3A_484 = arith.index_cast %squeeze3A_365 : i32 to index
        %get3A_485 = arith.constant 16 : index
        %get3A_486 = tpu.vector_load %arg11[%get3A_484, %get3A_485] {strides = array<i32>} : memref<1000x64xi32, #tpu.memory_space<vmem>>, vector<16xi32>,
        %bitcast3A_487 = vector.bitcast %get3A_486 : vector<16xi32> to vector<32xbf16>
        %get3A_488 = arith.index_cast %squeeze3A_365 : i32 to index
        %get3A_489 = arith.constant 32 : index
        %get3A_490 = tpu.vector_load %arg11[%get3A_488, %get3A_489] {strides = array<i32>} : memref<1000x64xi32, #tpu.memory_space<vmem>>, vector<16xi32>,
        %bitcast3A_491 = vector.bitcast %get3A_490 : vector<16xi32> to vector<32xbf16>
        %get3A_492 = arith.index_cast %squeeze3A_365 : i32 to index
        %get3A_493 = arith.constant 48 : index
        %get3A_494 = tpu.vector_load %arg11[%get3A_492, %get3A_493] {strides = array<i32>} : memref<1000x64xi32, #tpu.memory_space<vmem>>, vector<16xi32>,
        %bitcast3A_495 = vector.bitcast %get3A_494 : vector<16xi32> to vector<32xbf16>
        %mul3A_496 = arith.mulf %bitcast3A_295, %bitcast3A_311 : vector<32xbf16>
        %mul3A_497 = arith.mulf %bitcast3A_303, %bitcast3A_319 : vector<32xbf16>
        %add3A_498 = arith.addf %mul3A_496, %mul3A_497 : vector<32xbf16>
        %mul3A_499 = arith.mulf %bitcast3A_327, %add3A_498 : vector<32xbf16>
        %mul3A_500 = arith.mulf %bitcast3A_295, %bitcast3A_319 : vector<32xbf16>
        %mul3A_501 = arith.mulf %bitcast3A_303, %bitcast3A_311 : vector<32xbf16>
        %sub3A_502 = arith.subf %mul3A_500, %mul3A_501 : vector<32xbf16>
        %mul3A_503 = arith.mulf %bitcast3A_335, %sub3A_502 : vector<32xbf16>
        %add3A_504 = arith.addf %mul3A_499, %mul3A_503 : vector<32xbf16>
        %mul3A_505 = arith.mulf %bitcast3A_299, %bitcast3A_315 : vector<32xbf16>
        %mul3A_506 = arith.mulf %bitcast3A_307, %bitcast3A_323 : vector<32xbf16>
        %add3A_507 = arith.addf %mul3A_505, %mul3A_506 : vector<32xbf16>
        %mul3A_508 = arith.mulf %bitcast3A_331, %add3A_507 : vector<32xbf16>
        %mul3A_509 = arith.mulf %bitcast3A_299, %bitcast3A_323 : vector<32xbf16>
        %mul3A_510 = arith.mulf %bitcast3A_307, %bitcast3A_315 : vector<32xbf16>
        %sub3A_511 = arith.subf %mul3A_509, %mul3A_510 : vector<32xbf16>
        %mul3A_512 = arith.mulf %bitcast3A_339, %sub3A_511 : vector<32xbf16>
        %add3A_513 = arith.addf %mul3A_508, %mul3A_512 : vector<32xbf16>
        %add3A_514 = arith.addf %add3A_504, %add3A_513 : vector<32xbf16>
        %unpack3A_515 = tpu.unpack_subelements %add3A_514, 0 {pack_format = #tpu.pack_format<interleaved>} : vector<32xbf16> -> vector<16xf32>
        %unpack3A_516 = tpu.unpack_subelements %add3A_514, 1 {pack_format = #tpu.pack_format<interleaved>} : vector<32xbf16> -> vector<16xf32>
        %add3A_517 = arith.addf %unpack3A_515, %unpack3A_516 : vector<16xf32>
        %swap3A_518 = arith.constant 48 : index
        %swap3A_519 = tpu.vector_load %arg17[%swap3A_518] {strides = array<i32>} : memref<256xf32, #tpu.memory_space<vmem>>, vector<16xf32>,
        tpu.vector_store %arg17[%swap3A_518], %add3A_517 {strides = array<i32>} : memref<256xf32, #tpu.memory_space<vmem>>, vector<16xf32>,
        %slice3A_520 = vector.extract_strided_slice %get3A_109 {offsets = [7], sizes = [1], strides = [1]} : vector<16xi32> to vector<1xi32>
        %squeeze3A_521 = vector.extract %slice3A_520[0] : i32 from vector<1xi32>
        %add3A_522 = arith.constant 4 : i32
        %add3A_523 = arith.addi %mul3A_106, %add3A_522 : i32
        %add3A_524 = arith.constant 2 : i32
        %add3A_525 = arith.addi %add3A_523, %add3A_524 : i32
        %get3A_526 = arith.index_cast %add3A_525 : i32 to index
        %get3A_527 = arith.constant 0 : index
        %get3A_528 = tpu.vector_load %arg14[%get3A_526, %get3A_527] {strides = array<i32>} : memref<80x64xi32, #tpu.memory_space<vmem>>, vector<16xi32>,
        %bitcast3A_529 = vector.bitcast %get3A_528 : vector<16xi32> to vector<32xbf16>
        %get3A_530 = arith.index_cast %add3A_525 : i32 to index
        %get3A_531 = arith.constant 16 : index
        %get3A_532 = tpu.vector_load %arg14[%get3A_530, %get3A_531] {strides = array<i32>} : memref<80x64xi32, #tpu.memory_space<vmem>>, vector<16xi32>,
        %bitcast3A_533 = vector.bitcast %get3A_532 : vector<16xi32> to vector<32xbf16>
        %get3A_534 = arith.index_cast %add3A_525 : i32 to index
        %get3A_535 = arith.constant 32 : index
        %get3A_536 = tpu.vector_load %arg14[%get3A_534, %get3A_535] {strides = array<i32>} : memref<80x64xi32, #tpu.memory_space<vmem>>, vector<16xi32>,
        %bitcast3A_537 = vector.bitcast %get3A_536 : vector<16xi32> to vector<32xbf16>
        %get3A_538 = arith.index_cast %add3A_525 : i32 to index
        %get3A_539 = arith.constant 48 : index
        %get3A_540 = tpu.vector_load %arg14[%get3A_538, %get3A_539] {strides = array<i32>} : memref<80x64xi32, #tpu.memory_space<vmem>>, vector<16xi32>,
        %bitcast3A_541 = vector.bitcast %get3A_540 : vector<16xi32> to vector<32xbf16>
        %get3A_542 = arith.index_cast %add3A_525 : i32 to index
        %get3A_543 = arith.constant 0 : index
        %get3A_544 = tpu.vector_load %arg15[%get3A_542, %get3A_543] {strides = array<i32>} : memref<80x64xi32, #tpu.memory_space<vmem>>, vector<16xi32>,
        %bitcast3A_545 = vector.bitcast %get3A_544 : vector<16xi32> to vector<32xbf16>
        %get3A_546 = arith.index_cast %add3A_525 : i32 to index
        %get3A_547 = arith.constant 16 : index
        %get3A_548 = tpu.vector_load %arg15[%get3A_546, %get3A_547] {strides = array<i32>} : memref<80x64xi32, #tpu.memory_space<vmem>>, vector<16xi32>,
        %bitcast3A_549 = vector.bitcast %get3A_548 : vector<16xi32> to vector<32xbf16>
        %get3A_550 = arith.index_cast %add3A_525 : i32 to index
        %get3A_551 = arith.constant 32 : index
        %get3A_552 = tpu.vector_load %arg15[%get3A_550, %get3A_551] {strides = array<i32>} : memref<80x64xi32, #tpu.memory_space<vmem>>, vector<16xi32>,
        %bitcast3A_553 = vector.bitcast %get3A_552 : vector<16xi32> to vector<32xbf16>
        %get3A_554 = arith.index_cast %add3A_525 : i32 to index
        %get3A_555 = arith.constant 48 : index
        %get3A_556 = tpu.vector_load %arg15[%get3A_554, %get3A_555] {strides = array<i32>} : memref<80x64xi32, #tpu.memory_space<vmem>>, vector<16xi32>,
        %bitcast3A_557 = vector.bitcast %get3A_556 : vector<16xi32> to vector<32xbf16>
        %get3A_558 = arith.index_cast %squeeze3A_443 : i32 to index
        %get3A_559 = arith.constant 0 : index
        %get3A_560 = tpu.vector_load %arg11[%get3A_558, %get3A_559] {strides = array<i32>} : memref<1000x64xi32, #tpu.memory_space<vmem>>, vector<16xi32>,
        %bitcast3A_561 = vector.bitcast %get3A_560 : vector<16xi32> to vector<32xbf16>
        %get3A_562 = arith.index_cast %squeeze3A_443 : i32 to index
        %get3A_563 = arith.constant 16 : index
        %get3A_564 = tpu.vector_load %arg11[%get3A_562, %get3A_563] {strides = array<i32>} : memref<1000x64xi32, #tpu.memory_space<vmem>>, vector<16xi32>,
        %bitcast3A_565 = vector.bitcast %get3A_564 : vector<16xi32> to vector<32xbf16>
        %get3A_566 = arith.index_cast %squeeze3A_443 : i32 to index
        %get3A_567 = arith.constant 32 : index
        %get3A_568 = tpu.vector_load %arg11[%get3A_566, %get3A_567] {strides = array<i32>} : memref<1000x64xi32, #tpu.memory_space<vmem>>, vector<16xi32>,
        %bitcast3A_569 = vector.bitcast %get3A_568 : vector<16xi32> to vector<32xbf16>
        %get3A_570 = arith.index_cast %squeeze3A_443 : i32 to index
        %get3A_571 = arith.constant 48 : index
        %get3A_572 = tpu.vector_load %arg11[%get3A_570, %get3A_571] {strides = array<i32>} : memref<1000x64xi32, #tpu.memory_space<vmem>>, vector<16xi32>,
        %bitcast3A_573 = vector.bitcast %get3A_572 : vector<16xi32> to vector<32xbf16>
        %mul3A_574 = arith.mulf %bitcast3A_373, %bitcast3A_389 : vector<32xbf16>
        %mul3A_575 = arith.mulf %bitcast3A_381, %bitcast3A_397 : vector<32xbf16>
        %add3A_576 = arith.addf %mul3A_574, %mul3A_575 : vector<32xbf16>
        %mul3A_577 = arith.mulf %bitcast3A_405, %add3A_576 : vector<32xbf16>
        %mul3A_578 = arith.mulf %bitcast3A_373, %bitcast3A_397 : vector<32xbf16>
        %mul3A_579 = arith.mulf %bitcast3A_381, %bitcast3A_389 : vector<32xbf16>
        %sub3A_580 = arith.subf %mul3A_578, %mul3A_579 : vector<32xbf16>
        %mul3A_581 = arith.mulf %bitcast3A_413, %sub3A_580 : vector<32xbf16>
        %add3A_582 = arith.addf %mul3A_577, %mul3A_581 : vector<32xbf16>
        %mul3A_583 = arith.mulf %bitcast3A_377, %bitcast3A_393 : vector<32xbf16>
        %mul3A_584 = arith.mulf %bitcast3A_385, %bitcast3A_401 : vector<32xbf16>
        %add3A_585 = arith.addf %mul3A_583, %mul3A_584 : vector<32xbf16>
        %mul3A_586 = arith.mulf %bitcast3A_409, %add3A_585 : vector<32xbf16>
        %mul3A_587 = arith.mulf %bitcast3A_377, %bitcast3A_401 : vector<32xbf16>
        %mul3A_588 = arith.mulf %bitcast3A_385, %bitcast3A_393 : vector<32xbf16>
        %sub3A_589 = arith.subf %mul3A_587, %mul3A_588 : vector<32xbf16>
        %mul3A_590 = arith.mulf %bitcast3A_417, %sub3A_589 : vector<32xbf16>
        %add3A_591 = arith.addf %mul3A_586, %mul3A_590 : vector<32xbf16>
        %add3A_592 = arith.addf %add3A_582, %add3A_591 : vector<32xbf16>
        %unpack3A_593 = tpu.unpack_subelements %add3A_592, 0 {pack_format = #tpu.pack_format<interleaved>} : vector<32xbf16> -> vector<16xf32>
        %unpack3A_594 = tpu.unpack_subelements %add3A_592, 1 {pack_format = #tpu.pack_format<interleaved>} : vector<32xbf16> -> vector<16xf32>
        %add3A_595 = arith.addf %unpack3A_593, %unpack3A_594 : vector<16xf32>
        %swap3A_596 = arith.constant 64 : index
        %swap3A_597 = tpu.vector_load %arg17[%swap3A_596] {strides = array<i32>} : memref<256xf32, #tpu.memory_space<vmem>>, vector<16xf32>,
        tpu.vector_store %arg17[%swap3A_596], %add3A_595 {strides = array<i32>} : memref<256xf32, #tpu.memory_space<vmem>>, vector<16xf32>,
        %slice3A_598 = vector.extract_strided_slice %get3A_109 {offsets = [8], sizes = [1], strides = [1]} : vector<16xi32> to vector<1xi32>
        %squeeze3A_599 = vector.extract %slice3A_598[0] : i32 from vector<1xi32>
        %add3A_600 = arith.constant 5 : i32
        %add3A_601 = arith.addi %mul3A_106, %add3A_600 : i32
        %add3A_602 = arith.constant 2 : i32
        %add3A_603 = arith.addi %add3A_601, %add3A_602 : i32
        %get3A_604 = arith.index_cast %add3A_603 : i32 to index
        %get3A_605 = arith.constant 0 : index
        %get3A_606 = tpu.vector_load %arg14[%get3A_604, %get3A_605] {strides = array<i32>} : memref<80x64xi32, #tpu.memory_space<vmem>>, vector<16xi32>,
        %bitcast3A_607 = vector.bitcast %get3A_606 : vector<16xi32> to vector<32xbf16>
        %get3A_608 = arith.index_cast %add3A_603 : i32 to index
        %get3A_609 = arith.constant 16 : index
        %get3A_610 = tpu.vector_load %arg14[%get3A_608, %get3A_609] {strides = array<i32>} : memref<80x64xi32, #tpu.memory_space<vmem>>, vector<16xi32>,
        %bitcast3A_611 = vector.bitcast %get3A_610 : vector<16xi32> to vector<32xbf16>
        %get3A_612 = arith.index_cast %add3A_603 : i32 to index
        %get3A_613 = arith.constant 32 : index
        %get3A_614 = tpu.vector_load %arg14[%get3A_612, %get3A_613] {strides = array<i32>} : memref<80x64xi32, #tpu.memory_space<vmem>>, vector<16xi32>,
        %bitcast3A_615 = vector.bitcast %get3A_614 : vector<16xi32> to vector<32xbf16>
        %get3A_616 = arith.index_cast %add3A_603 : i32 to index
        %get3A_617 = arith.constant 48 : index
        %get3A_618 = tpu.vector_load %arg14[%get3A_616, %get3A_617] {strides = array<i32>} : memref<80x64xi32, #tpu.memory_space<vmem>>, vector<16xi32>,
        %bitcast3A_619 = vector.bitcast %get3A_618 : vector<16xi32> to vector<32xbf16>
        %get3A_620 = arith.index_cast %add3A_603 : i32 to index
        %get3A_621 = arith.constant 0 : index
        %get3A_622 = tpu.vector_load %arg15[%get3A_620, %get3A_621] {strides = array<i32>} : memref<80x64xi32, #tpu.memory_space<vmem>>, vector<16xi32>,
        %bitcast3A_623 = vector.bitcast %get3A_622 : vector<16xi32> to vector<32xbf16>
        %get3A_624 = arith.index_cast %add3A_603 : i32 to index
        %get3A_625 = arith.constant 16 : index
        %get3A_626 = tpu.vector_load %arg15[%get3A_624, %get3A_625] {strides = array<i32>} : memref<80x64xi32, #tpu.memory_space<vmem>>, vector<16xi32>,
        %bitcast3A_627 = vector.bitcast %get3A_626 : vector<16xi32> to vector<32xbf16>
        %get3A_628 = arith.index_cast %add3A_603 : i32 to index
        %get3A_629 = arith.constant 32 : index
        %get3A_630 = tpu.vector_load %arg15[%get3A_628, %get3A_629] {strides = array<i32>} : memref<80x64xi32, #tpu.memory_space<vmem>>, vector<16xi32>,
        %bitcast3A_631 = vector.bitcast %get3A_630 : vector<16xi32> to vector<32xbf16>
        %get3A_632 = arith.index_cast %add3A_603 : i32 to index
        %get3A_633 = arith.constant 48 : index
        %get3A_634 = tpu.vector_load %arg15[%get3A_632, %get3A_633] {strides = array<i32>} : memref<80x64xi32, #tpu.memory_space<vmem>>, vector<16xi32>,
        %bitcast3A_635 = vector.bitcast %get3A_634 : vector<16xi32> to vector<32xbf16>
        %get3A_636 = arith.index_cast %squeeze3A_521 : i32 to index
        %get3A_637 = arith.constant 0 : index
        %get3A_638 = tpu.vector_load %arg11[%get3A_636, %get3A_637] {strides = array<i32>} : memref<1000x64xi32, #tpu.memory_space<vmem>>, vector<16xi32>,
        %bitcast3A_639 = vector.bitcast %get3A_638 : vector<16xi32> to vector<32xbf16>
        %get3A_640 = arith.index_cast %squeeze3A_521 : i32 to index
        %get3A_641 = arith.constant 16 : index
        %get3A_642 = tpu.vector_load %arg11[%get3A_640, %get3A_641] {strides = array<i32>} : memref<1000x64xi32, #tpu.memory_space<vmem>>, vector<16xi32>,
        %bitcast3A_643 = vector.bitcast %get3A_642 : vector<16xi32> to vector<32xbf16>
        %get3A_644 = arith.index_cast %squeeze3A_521 : i32 to index
        %get3A_645 = arith.constant 32 : index
        %get3A_646 = tpu.vector_load %arg11[%get3A_644, %get3A_645] {strides = array<i32>} : memref<1000x64xi32, #tpu.memory_space<vmem>>, vector<16xi32>,
        %bitcast3A_647 = vector.bitcast %get3A_646 : vector<16xi32> to vector<32xbf16>
        %get3A_648 = arith.index_cast %squeeze3A_521 : i32 to index
        %get3A_649 = arith.constant 48 : index
        %get3A_650 = tpu.vector_load %arg11[%get3A_648, %get3A_649] {strides = array<i32>} : memref<1000x64xi32, #tpu.memory_space<vmem>>, vector<16xi32>,
        %bitcast3A_651 = vector.bitcast %get3A_650 : vector<16xi32> to vector<32xbf16>
        %mul3A_652 = arith.mulf %bitcast3A_451, %bitcast3A_467 : vector<32xbf16>
        %mul3A_653 = arith.mulf %bitcast3A_459, %bitcast3A_475 : vector<32xbf16>
        %add3A_654 = arith.addf %mul3A_652, %mul3A_653 : vector<32xbf16>
        %mul3A_655 = arith.mulf %bitcast3A_483, %add3A_654 : vector<32xbf16>
        %mul3A_656 = arith.mulf %bitcast3A_451, %bitcast3A_475 : vector<32xbf16>
        %mul3A_657 = arith.mulf %bitcast3A_459, %bitcast3A_467 : vector<32xbf16>
        %sub3A_658 = arith.subf %mul3A_656, %mul3A_657 : vector<32xbf16>
        %mul3A_659 = arith.mulf %bitcast3A_491, %sub3A_658 : vector<32xbf16>
        %add3A_660 = arith.addf %mul3A_655, %mul3A_659 : vector<32xbf16>
        %mul3A_661 = arith.mulf %bitcast3A_455, %bitcast3A_471 : vector<32xbf16>
        %mul3A_662 = arith.mulf %bitcast3A_463, %bitcast3A_479 : vector<32xbf16>
        %add3A_663 = arith.addf %mul3A_661, %mul3A_662 : vector<32xbf16>
        %mul3A_664 = arith.mulf %bitcast3A_487, %add3A_663 : vector<32xbf16>
        %mul3A_665 = arith.mulf %bitcast3A_455, %bitcast3A_479 : vector<32xbf16>
        %mul3A_666 = arith.mulf %bitcast3A_463, %bitcast3A_471 : vector<32xbf16>
        %sub3A_667 = arith.subf %mul3A_665, %mul3A_666 : vector<32xbf16>
        %mul3A_668 = arith.mulf %bitcast3A_495, %sub3A_667 : vector<32xbf16>
        %add3A_669 = arith.addf %mul3A_664, %mul3A_668 : vector<32xbf16>
        %add3A_670 = arith.addf %add3A_660, %add3A_669 : vector<32xbf16>
        %unpack3A_671 = tpu.unpack_subelements %add3A_670, 0 {pack_format = #tpu.pack_format<interleaved>} : vector<32xbf16> -> vector<16xf32>
        %unpack3A_672 = tpu.unpack_subelements %add3A_670, 1 {pack_format = #tpu.pack_format<interleaved>} : vector<32xbf16> -> vector<16xf32>
        %add3A_673 = arith.addf %unpack3A_671, %unpack3A_672 : vector<16xf32>
        %swap3A_674 = arith.constant 80 : index
        %swap3A_675 = tpu.vector_load %arg17[%swap3A_674] {strides = array<i32>} : memref<256xf32, #tpu.memory_space<vmem>>, vector<16xf32>,
        tpu.vector_store %arg17[%swap3A_674], %add3A_673 {strides = array<i32>} : memref<256xf32, #tpu.memory_space<vmem>>, vector<16xf32>,
        %slice3A_676 = vector.extract_strided_slice %get3A_109 {offsets = [9], sizes = [1], strides = [1]} : vector<16xi32> to vector<1xi32>
        %squeeze3A_677 = vector.extract %slice3A_676[0] : i32 from vector<1xi32>
        %add3A_678 = arith.constant 6 : i32
        %add3A_679 = arith.addi %mul3A_106, %add3A_678 : i32
        %add3A_680 = arith.constant 2 : i32
        %add3A_681 = arith.addi %add3A_679, %add3A_680 : i32
        %get3A_682 = arith.index_cast %add3A_681 : i32 to index
        %get3A_683 = arith.constant 0 : index
        %get3A_684 = tpu.vector_load %arg14[%get3A_682, %get3A_683] {strides = array<i32>} : memref<80x64xi32, #tpu.memory_space<vmem>>, vector<16xi32>,
        %bitcast3A_685 = vector.bitcast %get3A_684 : vector<16xi32> to vector<32xbf16>
        %get3A_686 = arith.index_cast %add3A_681 : i32 to index
        %get3A_687 = arith.constant 16 : index
        %get3A_688 = tpu.vector_load %arg14[%get3A_686, %get3A_687] {strides = array<i32>} : memref<80x64xi32, #tpu.memory_space<vmem>>, vector<16xi32>,
        %bitcast3A_689 = vector.bitcast %get3A_688 : vector<16xi32> to vector<32xbf16>
        %get3A_690 = arith.index_cast %add3A_681 : i32 to index
        %get3A_691 = arith.constant 32 : index
        %get3A_692 = tpu.vector_load %arg14[%get3A_690, %get3A_691] {strides = array<i32>} : memref<80x64xi32, #tpu.memory_space<vmem>>, vector<16xi32>,
        %bitcast3A_693 = vector.bitcast %get3A_692 : vector<16xi32> to vector<32xbf16>
        %get3A_694 = arith.index_cast %add3A_681 : i32 to index
        %get3A_695 = arith.constant 48 : index
        %get3A_696 = tpu.vector_load %arg14[%get3A_694, %get3A_695] {strides = array<i32>} : memref<80x64xi32, #tpu.memory_space<vmem>>, vector<16xi32>,
        %bitcast3A_697 = vector.bitcast %get3A_696 : vector<16xi32> to vector<32xbf16>
        %get3A_698 = arith.index_cast %add3A_681 : i32 to index
        %get3A_699 = arith.constant 0 : index
        %get3A_700 = tpu.vector_load %arg15[%get3A_698, %get3A_699] {strides = array<i32>} : memref<80x64xi32, #tpu.memory_space<vmem>>, vector<16xi32>,
        %bitcast3A_701 = vector.bitcast %get3A_700 : vector<16xi32> to vector<32xbf16>
        %get3A_702 = arith.index_cast %add3A_681 : i32 to index
        %get3A_703 = arith.constant 16 : index
        %get3A_704 = tpu.vector_load %arg15[%get3A_702, %get3A_703] {strides = array<i32>} : memref<80x64xi32, #tpu.memory_space<vmem>>, vector<16xi32>,
        %bitcast3A_705 = vector.bitcast %get3A_704 : vector<16xi32> to vector<32xbf16>
        %get3A_706 = arith.index_cast %add3A_681 : i32 to index
        %get3A_707 = arith.constant 32 : index
        %get3A_708 = tpu.vector_load %arg15[%get3A_706, %get3A_707] {strides = array<i32>} : memref<80x64xi32, #tpu.memory_space<vmem>>, vector<16xi32>,
        %bitcast3A_709 = vector.bitcast %get3A_708 : vector<16xi32> to vector<32xbf16>
        %get3A_710 = arith.index_cast %add3A_681 : i32 to index
        %get3A_711 = arith.constant 48 : index
        %get3A_712 = tpu.vector_load %arg15[%get3A_710, %get3A_711] {strides = array<i32>} : memref<80x64xi32, #tpu.memory_space<vmem>>, vector<16xi32>,
        %bitcast3A_713 = vector.bitcast %get3A_712 : vector<16xi32> to vector<32xbf16>
        %get3A_714 = arith.index_cast %squeeze3A_599 : i32 to index
        %get3A_715 = arith.constant 0 : index
        %get3A_716 = tpu.vector_load %arg11[%get3A_714, %get3A_715] {strides = array<i32>} : memref<1000x64xi32, #tpu.memory_space<vmem>>, vector<16xi32>,
        %bitcast3A_717 = vector.bitcast %get3A_716 : vector<16xi32> to vector<32xbf16>
        %get3A_718 = arith.index_cast %squeeze3A_599 : i32 to index
        %get3A_719 = arith.constant 16 : index
        %get3A_720 = tpu.vector_load %arg11[%get3A_718, %get3A_719] {strides = array<i32>} : memref<1000x64xi32, #tpu.memory_space<vmem>>, vector<16xi32>,
        %bitcast3A_721 = vector.bitcast %get3A_720 : vector<16xi32> to vector<32xbf16>
        %get3A_722 = arith.index_cast %squeeze3A_599 : i32 to index
        %get3A_723 = arith.constant 32 : index
        %get3A_724 = tpu.vector_load %arg11[%get3A_722, %get3A_723] {strides = array<i32>} : memref<1000x64xi32, #tpu.memory_space<vmem>>, vector<16xi32>,
        %bitcast3A_725 = vector.bitcast %get3A_724 : vector<16xi32> to vector<32xbf16>
        %get3A_726 = arith.index_cast %squeeze3A_599 : i32 to index
        %get3A_727 = arith.constant 48 : index
        %get3A_728 = tpu.vector_load %arg11[%get3A_726, %get3A_727] {strides = array<i32>} : memref<1000x64xi32, #tpu.memory_space<vmem>>, vector<16xi32>,
        %bitcast3A_729 = vector.bitcast %get3A_728 : vector<16xi32> to vector<32xbf16>
        %mul3A_730 = arith.mulf %bitcast3A_529, %bitcast3A_545 : vector<32xbf16>
        %mul3A_731 = arith.mulf %bitcast3A_537, %bitcast3A_553 : vector<32xbf16>
        %add3A_732 = arith.addf %mul3A_730, %mul3A_731 : vector<32xbf16>
        %mul3A_733 = arith.mulf %bitcast3A_561, %add3A_732 : vector<32xbf16>
        %mul3A_734 = arith.mulf %bitcast3A_529, %bitcast3A_553 : vector<32xbf16>
        %mul3A_735 = arith.mulf %bitcast3A_537, %bitcast3A_545 : vector<32xbf16>
        %sub3A_736 = arith.subf %mul3A_734, %mul3A_735 : vector<32xbf16>
        %mul3A_737 = arith.mulf %bitcast3A_569, %sub3A_736 : vector<32xbf16>
        %add3A_738 = arith.addf %mul3A_733, %mul3A_737 : vector<32xbf16>
        %mul3A_739 = arith.mulf %bitcast3A_533, %bitcast3A_549 : vector<32xbf16>
        %mul3A_740 = arith.mulf %bitcast3A_541, %bitcast3A_557 : vector<32xbf16>
        %add3A_741 = arith.addf %mul3A_739, %mul3A_740 : vector<32xbf16>
        %mul3A_742 = arith.mulf %bitcast3A_565, %add3A_741 : vector<32xbf16>
        %mul3A_743 = arith.mulf %bitcast3A_533, %bitcast3A_557 : vector<32xbf16>
        %mul3A_744 = arith.mulf %bitcast3A_541, %bitcast3A_549 : vector<32xbf16>
        %sub3A_745 = arith.subf %mul3A_743, %mul3A_744 : vector<32xbf16>
        %mul3A_746 = arith.mulf %bitcast3A_573, %sub3A_745 : vector<32xbf16>
        %add3A_747 = arith.addf %mul3A_742, %mul3A_746 : vector<32xbf16>
        %add3A_748 = arith.addf %add3A_738, %add3A_747 : vector<32xbf16>
        %unpack3A_749 = tpu.unpack_subelements %add3A_748, 0 {pack_format = #tpu.pack_format<interleaved>} : vector<32xbf16> -> vector<16xf32>
        %unpack3A_750 = tpu.unpack_subelements %add3A_748, 1 {pack_format = #tpu.pack_format<interleaved>} : vector<32xbf16> -> vector<16xf32>
        %add3A_751 = arith.addf %unpack3A_749, %unpack3A_750 : vector<16xf32>
        %swap3A_752 = arith.constant 96 : index
        %swap3A_753 = tpu.vector_load %arg17[%swap3A_752] {strides = array<i32>} : memref<256xf32, #tpu.memory_space<vmem>>, vector<16xf32>,
        tpu.vector_store %arg17[%swap3A_752], %add3A_751 {strides = array<i32>} : memref<256xf32, #tpu.memory_space<vmem>>, vector<16xf32>,
        %slice3A_754 = vector.extract_strided_slice %get3A_109 {offsets = [10], sizes = [1], strides = [1]} : vector<16xi32> to vector<1xi32>
        %squeeze3A_755 = vector.extract %slice3A_754[0] : i32 from vector<1xi32>
        %add3A_756 = arith.constant 7 : i32
        %add3A_757 = arith.addi %mul3A_106, %add3A_756 : i32
        %add3A_758 = arith.constant 2 : i32
        %add3A_759 = arith.addi %add3A_757, %add3A_758 : i32
        %get3A_760 = arith.index_cast %add3A_759 : i32 to index
        %get3A_761 = arith.constant 0 : index
        %get3A_762 = tpu.vector_load %arg14[%get3A_760, %get3A_761] {strides = array<i32>} : memref<80x64xi32, #tpu.memory_space<vmem>>, vector<16xi32>,
        %bitcast3A_763 = vector.bitcast %get3A_762 : vector<16xi32> to vector<32xbf16>
        %get3A_764 = arith.index_cast %add3A_759 : i32 to index
        %get3A_765 = arith.constant 16 : index
        %get3A_766 = tpu.vector_load %arg14[%get3A_764, %get3A_765] {strides = array<i32>} : memref<80x64xi32, #tpu.memory_space<vmem>>, vector<16xi32>,
        %bitcast3A_767 = vector.bitcast %get3A_766 : vector<16xi32> to vector<32xbf16>
        %get3A_768 = arith.index_cast %add3A_759 : i32 to index
        %get3A_769 = arith.constant 32 : index
        %get3A_770 = tpu.vector_load %arg14[%get3A_768, %get3A_769] {strides = array<i32>} : memref<80x64xi32, #tpu.memory_space<vmem>>, vector<16xi32>,
        %bitcast3A_771 = vector.bitcast %get3A_770 : vector<16xi32> to vector<32xbf16>
        %get3A_772 = arith.index_cast %add3A_759 : i32 to index
        %get3A_773 = arith.constant 48 : index
        %get3A_774 = tpu.vector_load %arg14[%get3A_772, %get3A_773] {strides = array<i32>} : memref<80x64xi32, #tpu.memory_space<vmem>>, vector<16xi32>,
        %bitcast3A_775 = vector.bitcast %get3A_774 : vector<16xi32> to vector<32xbf16>
        %get3A_776 = arith.index_cast %add3A_759 : i32 to index
        %get3A_777 = arith.constant 0 : index
        %get3A_778 = tpu.vector_load %arg15[%get3A_776, %get3A_777] {strides = array<i32>} : memref<80x64xi32, #tpu.memory_space<vmem>>, vector<16xi32>,
        %bitcast3A_779 = vector.bitcast %get3A_778 : vector<16xi32> to vector<32xbf16>
        %get3A_780 = arith.index_cast %add3A_759 : i32 to index
        %get3A_781 = arith.constant 16 : index
        %get3A_782 = tpu.vector_load %arg15[%get3A_780, %get3A_781] {strides = array<i32>} : memref<80x64xi32, #tpu.memory_space<vmem>>, vector<16xi32>,
        %bitcast3A_783 = vector.bitcast %get3A_782 : vector<16xi32> to vector<32xbf16>
        %get3A_784 = arith.index_cast %add3A_759 : i32 to index
        %get3A_785 = arith.constant 32 : index
        %get3A_786 = tpu.vector_load %arg15[%get3A_784, %get3A_785] {strides = array<i32>} : memref<80x64xi32, #tpu.memory_space<vmem>>, vector<16xi32>,
        %bitcast3A_787 = vector.bitcast %get3A_786 : vector<16xi32> to vector<32xbf16>
        %get3A_788 = arith.index_cast %add3A_759 : i32 to index
        %get3A_789 = arith.constant 48 : index
        %get3A_790 = tpu.vector_load %arg15[%get3A_788, %get3A_789] {strides = array<i32>} : memref<80x64xi32, #tpu.memory_space<vmem>>, vector<16xi32>,
        %bitcast3A_791 = vector.bitcast %get3A_790 : vector<16xi32> to vector<32xbf16>
        %get3A_792 = arith.index_cast %squeeze3A_677 : i32 to index
        %get3A_793 = arith.constant 0 : index
        %get3A_794 = tpu.vector_load %arg11[%get3A_792, %get3A_793] {strides = array<i32>} : memref<1000x64xi32, #tpu.memory_space<vmem>>, vector<16xi32>,
        %bitcast3A_795 = vector.bitcast %get3A_794 : vector<16xi32> to vector<32xbf16>
        %get3A_796 = arith.index_cast %squeeze3A_677 : i32 to index
        %get3A_797 = arith.constant 16 : index
        %get3A_798 = tpu.vector_load %arg11[%get3A_796, %get3A_797] {strides = array<i32>} : memref<1000x64xi32, #tpu.memory_space<vmem>>, vector<16xi32>,
        %bitcast3A_799 = vector.bitcast %get3A_798 : vector<16xi32> to vector<32xbf16>
        %get3A_800 = arith.index_cast %squeeze3A_677 : i32 to index
        %get3A_801 = arith.constant 32 : index
        %get3A_802 = tpu.vector_load %arg11[%get3A_800, %get3A_801] {strides = array<i32>} : memref<1000x64xi32, #tpu.memory_space<vmem>>, vector<16xi32>,
        %bitcast3A_803 = vector.bitcast %get3A_802 : vector<16xi32> to vector<32xbf16>
        %get3A_804 = arith.index_cast %squeeze3A_677 : i32 to index
        %get3A_805 = arith.constant 48 : index
        %get3A_806 = tpu.vector_load %arg11[%get3A_804, %get3A_805] {strides = array<i32>} : memref<1000x64xi32, #tpu.memory_space<vmem>>, vector<16xi32>,
        %bitcast3A_807 = vector.bitcast %get3A_806 : vector<16xi32> to vector<32xbf16>
        %mul3A_808 = arith.mulf %bitcast3A_607, %bitcast3A_623 : vector<32xbf16>
        %mul3A_809 = arith.mulf %bitcast3A_615, %bitcast3A_631 : vector<32xbf16>
        %add3A_810 = arith.addf %mul3A_808, %mul3A_809 : vector<32xbf16>
        %mul3A_811 = arith.mulf %bitcast3A_639, %add3A_810 : vector<32xbf16>
        %mul3A_812 = arith.mulf %bitcast3A_607, %bitcast3A_631 : vector<32xbf16>
        %mul3A_813 = arith.mulf %bitcast3A_615, %bitcast3A_623 : vector<32xbf16>
        %sub3A_814 = arith.subf %mul3A_812, %mul3A_813 : vector<32xbf16>
        %mul3A_815 = arith.mulf %bitcast3A_647, %sub3A_814 : vector<32xbf16>
        %add3A_816 = arith.addf %mul3A_811, %mul3A_815 : vector<32xbf16>
        %mul3A_817 = arith.mulf %bitcast3A_611, %bitcast3A_627 : vector<32xbf16>
        %mul3A_818 = arith.mulf %bitcast3A_619, %bitcast3A_635 : vector<32xbf16>
        %add3A_819 = arith.addf %mul3A_817, %mul3A_818 : vector<32xbf16>
        %mul3A_820 = arith.mulf %bitcast3A_643, %add3A_819 : vector<32xbf16>
        %mul3A_821 = arith.mulf %bitcast3A_611, %bitcast3A_635 : vector<32xbf16>
        %mul3A_822 = arith.mulf %bitcast3A_619, %bitcast3A_627 : vector<32xbf16>
        %sub3A_823 = arith.subf %mul3A_821, %mul3A_822 : vector<32xbf16>
        %mul3A_824 = arith.mulf %bitcast3A_651, %sub3A_823 : vector<32xbf16>
        %add3A_825 = arith.addf %mul3A_820, %mul3A_824 : vector<32xbf16>
        %add3A_826 = arith.addf %add3A_816, %add3A_825 : vector<32xbf16>
        %unpack3A_827 = tpu.unpack_subelements %add3A_826, 0 {pack_format = #tpu.pack_format<interleaved>} : vector<32xbf16> -> vector<16xf32>
        %unpack3A_828 = tpu.unpack_subelements %add3A_826, 1 {pack_format = #tpu.pack_format<interleaved>} : vector<32xbf16> -> vector<16xf32>
        %add3A_829 = arith.addf %unpack3A_827, %unpack3A_828 : vector<16xf32>
        %swap3A_830 = arith.constant 112 : index
        %swap3A_831 = tpu.vector_load %arg17[%swap3A_830] {strides = array<i32>} : memref<256xf32, #tpu.memory_space<vmem>>, vector<16xf32>,
        tpu.vector_store %arg17[%swap3A_830], %add3A_829 {strides = array<i32>} : memref<256xf32, #tpu.memory_space<vmem>>, vector<16xf32>,
        %slice3A_832 = vector.extract_strided_slice %get3A_109 {offsets = [11], sizes = [1], strides = [1]} : vector<16xi32> to vector<1xi32>
        %squeeze3A_833 = vector.extract %slice3A_832[0] : i32 from vector<1xi32>
        %add3A_834 = arith.constant 8 : i32
        %add3A_835 = arith.addi %mul3A_106, %add3A_834 : i32
        %add3A_836 = arith.constant 2 : i32
        %add3A_837 = arith.addi %add3A_835, %add3A_836 : i32
        %get3A_838 = arith.index_cast %add3A_837 : i32 to index
        %get3A_839 = arith.constant 0 : index
        %get3A_840 = tpu.vector_load %arg14[%get3A_838, %get3A_839] {strides = array<i32>} : memref<80x64xi32, #tpu.memory_space<vmem>>, vector<16xi32>,
        %bitcast3A_841 = vector.bitcast %get3A_840 : vector<16xi32> to vector<32xbf16>
        %get3A_842 = arith.index_cast %add3A_837 : i32 to index
        %get3A_843 = arith.constant 16 : index
        %get3A_844 = tpu.vector_load %arg14[%get3A_842, %get3A_843] {strides = array<i32>} : memref<80x64xi32, #tpu.memory_space<vmem>>, vector<16xi32>,
        %bitcast3A_845 = vector.bitcast %get3A_844 : vector<16xi32> to vector<32xbf16>
        %get3A_846 = arith.index_cast %add3A_837 : i32 to index
        %get3A_847 = arith.constant 32 : index
        %get3A_848 = tpu.vector_load %arg14[%get3A_846, %get3A_847] {strides = array<i32>} : memref<80x64xi32, #tpu.memory_space<vmem>>, vector<16xi32>,
        %bitcast3A_849 = vector.bitcast %get3A_848 : vector<16xi32> to vector<32xbf16>
        %get3A_850 = arith.index_cast %add3A_837 : i32 to index
        %get3A_851 = arith.constant 48 : index
        %get3A_852 = tpu.vector_load %arg14[%get3A_850, %get3A_851] {strides = array<i32>} : memref<80x64xi32, #tpu.memory_space<vmem>>, vector<16xi32>,
        %bitcast3A_853 = vector.bitcast %get3A_852 : vector<16xi32> to vector<32xbf16>
        %get3A_854 = arith.index_cast %add3A_837 : i32 to index
        %get3A_855 = arith.constant 0 : index
        %get3A_856 = tpu.vector_load %arg15[%get3A_854, %get3A_855] {strides = array<i32>} : memref<80x64xi32, #tpu.memory_space<vmem>>, vector<16xi32>,
        %bitcast3A_857 = vector.bitcast %get3A_856 : vector<16xi32> to vector<32xbf16>
        %get3A_858 = arith.index_cast %add3A_837 : i32 to index
        %get3A_859 = arith.constant 16 : index
        %get3A_860 = tpu.vector_load %arg15[%get3A_858, %get3A_859] {strides = array<i32>} : memref<80x64xi32, #tpu.memory_space<vmem>>, vector<16xi32>,
        %bitcast3A_861 = vector.bitcast %get3A_860 : vector<16xi32> to vector<32xbf16>
        %get3A_862 = arith.index_cast %add3A_837 : i32 to index
        %get3A_863 = arith.constant 32 : index
        %get3A_864 = tpu.vector_load %arg15[%get3A_862, %get3A_863] {strides = array<i32>} : memref<80x64xi32, #tpu.memory_space<vmem>>, vector<16xi32>,
        %bitcast3A_865 = vector.bitcast %get3A_864 : vector<16xi32> to vector<32xbf16>
        %get3A_866 = arith.index_cast %add3A_837 : i32 to index
        %get3A_867 = arith.constant 48 : index
        %get3A_868 = tpu.vector_load %arg15[%get3A_866, %get3A_867] {strides = array<i32>} : memref<80x64xi32, #tpu.memory_space<vmem>>, vector<16xi32>,
        %bitcast3A_869 = vector.bitcast %get3A_868 : vector<16xi32> to vector<32xbf16>
        %get3A_870 = arith.index_cast %squeeze3A_755 : i32 to index
        %get3A_871 = arith.constant 0 : index
        %get3A_872 = tpu.vector_load %arg11[%get3A_870, %get3A_871] {strides = array<i32>} : memref<1000x64xi32, #tpu.memory_space<vmem>>, vector<16xi32>,
        %bitcast3A_873 = vector.bitcast %get3A_872 : vector<16xi32> to vector<32xbf16>
        %get3A_874 = arith.index_cast %squeeze3A_755 : i32 to index
        %get3A_875 = arith.constant 16 : index
        %get3A_876 = tpu.vector_load %arg11[%get3A_874, %get3A_875] {strides = array<i32>} : memref<1000x64xi32, #tpu.memory_space<vmem>>, vector<16xi32>,
        %bitcast3A_877 = vector.bitcast %get3A_876 : vector<16xi32> to vector<32xbf16>
        %get3A_878 = arith.index_cast %squeeze3A_755 : i32 to index
        %get3A_879 = arith.constant 32 : index
        %get3A_880 = tpu.vector_load %arg11[%get3A_878, %get3A_879] {strides = array<i32>} : memref<1000x64xi32, #tpu.memory_space<vmem>>, vector<16xi32>,
        %bitcast3A_881 = vector.bitcast %get3A_880 : vector<16xi32> to vector<32xbf16>
        %get3A_882 = arith.index_cast %squeeze3A_755 : i32 to index
        %get3A_883 = arith.constant 48 : index
        %get3A_884 = tpu.vector_load %arg11[%get3A_882, %get3A_883] {strides = array<i32>} : memref<1000x64xi32, #tpu.memory_space<vmem>>, vector<16xi32>,
        %bitcast3A_885 = vector.bitcast %get3A_884 : vector<16xi32> to vector<32xbf16>
        %mul3A_886 = arith.mulf %bitcast3A_685, %bitcast3A_701 : vector<32xbf16>
        %mul3A_887 = arith.mulf %bitcast3A_693, %bitcast3A_709 : vector<32xbf16>
        %add3A_888 = arith.addf %mul3A_886, %mul3A_887 : vector<32xbf16>
        %mul3A_889 = arith.mulf %bitcast3A_717, %add3A_888 : vector<32xbf16>
        %mul3A_890 = arith.mulf %bitcast3A_685, %bitcast3A_709 : vector<32xbf16>
        %mul3A_891 = arith.mulf %bitcast3A_693, %bitcast3A_701 : vector<32xbf16>
        %sub3A_892 = arith.subf %mul3A_890, %mul3A_891 : vector<32xbf16>
        %mul3A_893 = arith.mulf %bitcast3A_725, %sub3A_892 : vector<32xbf16>
        %add3A_894 = arith.addf %mul3A_889, %mul3A_893 : vector<32xbf16>
        %mul3A_895 = arith.mulf %bitcast3A_689, %bitcast3A_705 : vector<32xbf16>
        %mul3A_896 = arith.mulf %bitcast3A_697, %bitcast3A_713 : vector<32xbf16>
        %add3A_897 = arith.addf %mul3A_895, %mul3A_896 : vector<32xbf16>
        %mul3A_898 = arith.mulf %bitcast3A_721, %add3A_897 : vector<32xbf16>
        %mul3A_899 = arith.mulf %bitcast3A_689, %bitcast3A_713 : vector<32xbf16>
        %mul3A_900 = arith.mulf %bitcast3A_697, %bitcast3A_705 : vector<32xbf16>
        %sub3A_901 = arith.subf %mul3A_899, %mul3A_900 : vector<32xbf16>
        %mul3A_902 = arith.mulf %bitcast3A_729, %sub3A_901 : vector<32xbf16>
        %add3A_903 = arith.addf %mul3A_898, %mul3A_902 : vector<32xbf16>
        %add3A_904 = arith.addf %add3A_894, %add3A_903 : vector<32xbf16>
        %unpack3A_905 = tpu.unpack_subelements %add3A_904, 0 {pack_format = #tpu.pack_format<interleaved>} : vector<32xbf16> -> vector<16xf32>
        %unpack3A_906 = tpu.unpack_subelements %add3A_904, 1 {pack_format = #tpu.pack_format<interleaved>} : vector<32xbf16> -> vector<16xf32>
        %add3A_907 = arith.addf %unpack3A_905, %unpack3A_906 : vector<16xf32>
        %swap3A_908 = arith.constant 128 : index
        %swap3A_909 = tpu.vector_load %arg17[%swap3A_908] {strides = array<i32>} : memref<256xf32, #tpu.memory_space<vmem>>, vector<16xf32>,
        tpu.vector_store %arg17[%swap3A_908], %add3A_907 {strides = array<i32>} : memref<256xf32, #tpu.memory_space<vmem>>, vector<16xf32>,
        %slice3A_910 = vector.extract_strided_slice %get3A_109 {offsets = [12], sizes = [1], strides = [1]} : vector<16xi32> to vector<1xi32>
        %squeeze3A_911 = vector.extract %slice3A_910[0] : i32 from vector<1xi32>
        %add3A_912 = arith.constant 9 : i32
        %add3A_913 = arith.addi %mul3A_106, %add3A_912 : i32
        %add3A_914 = arith.constant 2 : i32
        %add3A_915 = arith.addi %add3A_913, %add3A_914 : i32
        %get3A_916 = arith.index_cast %add3A_915 : i32 to index
        %get3A_917 = arith.constant 0 : index
        %get3A_918 = tpu.vector_load %arg14[%get3A_916, %get3A_917] {strides = array<i32>} : memref<80x64xi32, #tpu.memory_space<vmem>>, vector<16xi32>,
        %bitcast3A_919 = vector.bitcast %get3A_918 : vector<16xi32> to vector<32xbf16>
        %get3A_920 = arith.index_cast %add3A_915 : i32 to index
        %get3A_921 = arith.constant 16 : index
        %get3A_922 = tpu.vector_load %arg14[%get3A_920, %get3A_921] {strides = array<i32>} : memref<80x64xi32, #tpu.memory_space<vmem>>, vector<16xi32>,
        %bitcast3A_923 = vector.bitcast %get3A_922 : vector<16xi32> to vector<32xbf16>
        %get3A_924 = arith.index_cast %add3A_915 : i32 to index
        %get3A_925 = arith.constant 32 : index
        %get3A_926 = tpu.vector_load %arg14[%get3A_924, %get3A_925] {strides = array<i32>} : memref<80x64xi32, #tpu.memory_space<vmem>>, vector<16xi32>,
        %bitcast3A_927 = vector.bitcast %get3A_926 : vector<16xi32> to vector<32xbf16>
        %get3A_928 = arith.index_cast %add3A_915 : i32 to index
        %get3A_929 = arith.constant 48 : index
        %get3A_930 = tpu.vector_load %arg14[%get3A_928, %get3A_929] {strides = array<i32>} : memref<80x64xi32, #tpu.memory_space<vmem>>, vector<16xi32>,
        %bitcast3A_931 = vector.bitcast %get3A_930 : vector<16xi32> to vector<32xbf16>
        %get3A_932 = arith.index_cast %add3A_915 : i32 to index
        %get3A_933 = arith.constant 0 : index
        %get3A_934 = tpu.vector_load %arg15[%get3A_932, %get3A_933] {strides = array<i32>} : memref<80x64xi32, #tpu.memory_space<vmem>>, vector<16xi32>,
        %bitcast3A_935 = vector.bitcast %get3A_934 : vector<16xi32> to vector<32xbf16>
        %get3A_936 = arith.index_cast %add3A_915 : i32 to index
        %get3A_937 = arith.constant 16 : index
        %get3A_938 = tpu.vector_load %arg15[%get3A_936, %get3A_937] {strides = array<i32>} : memref<80x64xi32, #tpu.memory_space<vmem>>, vector<16xi32>,
        %bitcast3A_939 = vector.bitcast %get3A_938 : vector<16xi32> to vector<32xbf16>
        %get3A_940 = arith.index_cast %add3A_915 : i32 to index
        %get3A_941 = arith.constant 32 : index
        %get3A_942 = tpu.vector_load %arg15[%get3A_940, %get3A_941] {strides = array<i32>} : memref<80x64xi32, #tpu.memory_space<vmem>>, vector<16xi32>,
        %bitcast3A_943 = vector.bitcast %get3A_942 : vector<16xi32> to vector<32xbf16>
        %get3A_944 = arith.index_cast %add3A_915 : i32 to index
        %get3A_945 = arith.constant 48 : index
        %get3A_946 = tpu.vector_load %arg15[%get3A_944, %get3A_945] {strides = array<i32>} : memref<80x64xi32, #tpu.memory_space<vmem>>, vector<16xi32>,
        %bitcast3A_947 = vector.bitcast %get3A_946 : vector<16xi32> to vector<32xbf16>
        %get3A_948 = arith.index_cast %squeeze3A_833 : i32 to index
        %get3A_949 = arith.constant 0 : index
        %get3A_950 = tpu.vector_load %arg11[%get3A_948, %get3A_949] {strides = array<i32>} : memref<1000x64xi32, #tpu.memory_space<vmem>>, vector<16xi32>,
        %bitcast3A_951 = vector.bitcast %get3A_950 : vector<16xi32> to vector<32xbf16>
        %get3A_952 = arith.index_cast %squeeze3A_833 : i32 to index
        %get3A_953 = arith.constant 16 : index
        %get3A_954 = tpu.vector_load %arg11[%get3A_952, %get3A_953] {strides = array<i32>} : memref<1000x64xi32, #tpu.memory_space<vmem>>, vector<16xi32>,
        %bitcast3A_955 = vector.bitcast %get3A_954 : vector<16xi32> to vector<32xbf16>
        %get3A_956 = arith.index_cast %squeeze3A_833 : i32 to index
        %get3A_957 = arith.constant 32 : index
        %get3A_958 = tpu.vector_load %arg11[%get3A_956, %get3A_957] {strides = array<i32>} : memref<1000x64xi32, #tpu.memory_space<vmem>>, vector<16xi32>,
        %bitcast3A_959 = vector.bitcast %get3A_958 : vector<16xi32> to vector<32xbf16>
        %get3A_960 = arith.index_cast %squeeze3A_833 : i32 to index
        %get3A_961 = arith.constant 48 : index
        %get3A_962 = tpu.vector_load %arg11[%get3A_960, %get3A_961] {strides = array<i32>} : memref<1000x64xi32, #tpu.memory_space<vmem>>, vector<16xi32>,
        %bitcast3A_963 = vector.bitcast %get3A_962 : vector<16xi32> to vector<32xbf16>
        %mul3A_964 = arith.mulf %bitcast3A_763, %bitcast3A_779 : vector<32xbf16>
        %mul3A_965 = arith.mulf %bitcast3A_771, %bitcast3A_787 : vector<32xbf16>
        %add3A_966 = arith.addf %mul3A_964, %mul3A_965 : vector<32xbf16>
        %mul3A_967 = arith.mulf %bitcast3A_795, %add3A_966 : vector<32xbf16>
        %mul3A_968 = arith.mulf %bitcast3A_763, %bitcast3A_787 : vector<32xbf16>
        %mul3A_969 = arith.mulf %bitcast3A_771, %bitcast3A_779 : vector<32xbf16>
        %sub3A_970 = arith.subf %mul3A_968, %mul3A_969 : vector<32xbf16>
        %mul3A_971 = arith.mulf %bitcast3A_803, %sub3A_970 : vector<32xbf16>
        %add3A_972 = arith.addf %mul3A_967, %mul3A_971 : vector<32xbf16>
        %mul3A_973 = arith.mulf %bitcast3A_767, %bitcast3A_783 : vector<32xbf16>
        %mul3A_974 = arith.mulf %bitcast3A_775, %bitcast3A_791 : vector<32xbf16>
        %add3A_975 = arith.addf %mul3A_973, %mul3A_974 : vector<32xbf16>
        %mul3A_976 = arith.mulf %bitcast3A_799, %add3A_975 : vector<32xbf16>
        %mul3A_977 = arith.mulf %bitcast3A_767, %bitcast3A_791 : vector<32xbf16>
        %mul3A_978 = arith.mulf %bitcast3A_775, %bitcast3A_783 : vector<32xbf16>
        %sub3A_979 = arith.subf %mul3A_977, %mul3A_978 : vector<32xbf16>
        %mul3A_980 = arith.mulf %bitcast3A_807, %sub3A_979 : vector<32xbf16>
        %add3A_981 = arith.addf %mul3A_976, %mul3A_980 : vector<32xbf16>
        %add3A_982 = arith.addf %add3A_972, %add3A_981 : vector<32xbf16>
        %unpack3A_983 = tpu.unpack_subelements %add3A_982, 0 {pack_format = #tpu.pack_format<interleaved>} : vector<32xbf16> -> vector<16xf32>
        %unpack3A_984 = tpu.unpack_subelements %add3A_982, 1 {pack_format = #tpu.pack_format<interleaved>} : vector<32xbf16> -> vector<16xf32>
        %add3A_985 = arith.addf %unpack3A_983, %unpack3A_984 : vector<16xf32>
        %swap3A_986 = arith.constant 144 : index
        %swap3A_987 = tpu.vector_load %arg17[%swap3A_986] {strides = array<i32>} : memref<256xf32, #tpu.memory_space<vmem>>, vector<16xf32>,
        tpu.vector_store %arg17[%swap3A_986], %add3A_985 {strides = array<i32>} : memref<256xf32, #tpu.memory_space<vmem>>, vector<16xf32>,
        %slice3A_988 = vector.extract_strided_slice %get3A_109 {offsets = [13], sizes = [1], strides = [1]} : vector<16xi32> to vector<1xi32>
        %squeeze3A_989 = vector.extract %slice3A_988[0] : i32 from vector<1xi32>
        %add3A_990 = arith.constant 10 : i32
        %add3A_991 = arith.addi %mul3A_106, %add3A_990 : i32
        %add3A_992 = arith.constant 2 : i32
        %add3A_993 = arith.addi %add3A_991, %add3A_992 : i32
        %get3A_994 = arith.index_cast %add3A_993 : i32 to index
        %get3A_995 = arith.constant 0 : index
        %get3A_996 = tpu.vector_load %arg14[%get3A_994, %get3A_995] {strides = array<i32>} : memref<80x64xi32, #tpu.memory_space<vmem>>, vector<16xi32>,
        %bitcast3A_997 = vector.bitcast %get3A_996 : vector<16xi32> to vector<32xbf16>
        %get3A_998 = arith.index_cast %add3A_993 : i32 to index
        %get3A_999 = arith.constant 16 : index
        %get3A_1000 = tpu.vector_load %arg14[%get3A_998, %get3A_999] {strides = array<i32>} : memref<80x64xi32, #tpu.memory_space<vmem>>, vector<16xi32>,
        %bitcast3A_1001 = vector.bitcast %get3A_1000 : vector<16xi32> to vector<32xbf16>
        %get3A_1002 = arith.index_cast %add3A_993 : i32 to index
        %get3A_1003 = arith.constant 32 : index
        %get3A_1004 = tpu.vector_load %arg14[%get3A_1002, %get3A_1003] {strides = array<i32>} : memref<80x64xi32, #tpu.memory_space<vmem>>, vector<16xi32>,
        %bitcast3A_1005 = vector.bitcast %get3A_1004 : vector<16xi32> to vector<32xbf16>
        %get3A_1006 = arith.index_cast %add3A_993 : i32 to index
        %get3A_1007 = arith.constant 48 : index
        %get3A_1008 = tpu.vector_load %arg14[%get3A_1006, %get3A_1007] {strides = array<i32>} : memref<80x64xi32, #tpu.memory_space<vmem>>, vector<16xi32>,
        %bitcast3A_1009 = vector.bitcast %get3A_1008 : vector<16xi32> to vector<32xbf16>
        %get3A_1010 = arith.index_cast %add3A_993 : i32 to index
        %get3A_1011 = arith.constant 0 : index
        %get3A_1012 = tpu.vector_load %arg15[%get3A_1010, %get3A_1011] {strides = array<i32>} : memref<80x64xi32, #tpu.memory_space<vmem>>, vector<16xi32>,
        %bitcast3A_1013 = vector.bitcast %get3A_1012 : vector<16xi32> to vector<32xbf16>
        %get3A_1014 = arith.index_cast %add3A_993 : i32 to index
        %get3A_1015 = arith.constant 16 : index
        %get3A_1016 = tpu.vector_load %arg15[%get3A_1014, %get3A_1015] {strides = array<i32>} : memref<80x64xi32, #tpu.memory_space<vmem>>, vector<16xi32>,
        %bitcast3A_1017 = vector.bitcast %get3A_1016 : vector<16xi32> to vector<32xbf16>
        %get3A_1018 = arith.index_cast %add3A_993 : i32 to index
        %get3A_1019 = arith.constant 32 : index
        %get3A_1020 = tpu.vector_load %arg15[%get3A_1018, %get3A_1019] {strides = array<i32>} : memref<80x64xi32, #tpu.memory_space<vmem>>, vector<16xi32>,
        %bitcast3A_1021 = vector.bitcast %get3A_1020 : vector<16xi32> to vector<32xbf16>
        %get3A_1022 = arith.index_cast %add3A_993 : i32 to index
        %get3A_1023 = arith.constant 48 : index
        %get3A_1024 = tpu.vector_load %arg15[%get3A_1022, %get3A_1023] {strides = array<i32>} : memref<80x64xi32, #tpu.memory_space<vmem>>, vector<16xi32>,
        %bitcast3A_1025 = vector.bitcast %get3A_1024 : vector<16xi32> to vector<32xbf16>
        %get3A_1026 = arith.index_cast %squeeze3A_911 : i32 to index
        %get3A_1027 = arith.constant 0 : index
        %get3A_1028 = tpu.vector_load %arg11[%get3A_1026, %get3A_1027] {strides = array<i32>} : memref<1000x64xi32, #tpu.memory_space<vmem>>, vector<16xi32>,
        %bitcast3A_1029 = vector.bitcast %get3A_1028 : vector<16xi32> to vector<32xbf16>
        %get3A_1030 = arith.index_cast %squeeze3A_911 : i32 to index
        %get3A_1031 = arith.constant 16 : index
        %get3A_1032 = tpu.vector_load %arg11[%get3A_1030, %get3A_1031] {strides = array<i32>} : memref<1000x64xi32, #tpu.memory_space<vmem>>, vector<16xi32>,
        %bitcast3A_1033 = vector.bitcast %get3A_1032 : vector<16xi32> to vector<32xbf16>
        %get3A_1034 = arith.index_cast %squeeze3A_911 : i32 to index
        %get3A_1035 = arith.constant 32 : index
        %get3A_1036 = tpu.vector_load %arg11[%get3A_1034, %get3A_1035] {strides = array<i32>} : memref<1000x64xi32, #tpu.memory_space<vmem>>, vector<16xi32>,
        %bitcast3A_1037 = vector.bitcast %get3A_1036 : vector<16xi32> to vector<32xbf16>
        %get3A_1038 = arith.index_cast %squeeze3A_911 : i32 to index
        %get3A_1039 = arith.constant 48 : index
        %get3A_1040 = tpu.vector_load %arg11[%get3A_1038, %get3A_1039] {strides = array<i32>} : memref<1000x64xi32, #tpu.memory_space<vmem>>, vector<16xi32>,
        %bitcast3A_1041 = vector.bitcast %get3A_1040 : vector<16xi32> to vector<32xbf16>
        %mul3A_1042 = arith.mulf %bitcast3A_841, %bitcast3A_857 : vector<32xbf16>
        %mul3A_1043 = arith.mulf %bitcast3A_849, %bitcast3A_865 : vector<32xbf16>
        %add3A_1044 = arith.addf %mul3A_1042, %mul3A_1043 : vector<32xbf16>
        %mul3A_1045 = arith.mulf %bitcast3A_873, %add3A_1044 : vector<32xbf16>
        %mul3A_1046 = arith.mulf %bitcast3A_841, %bitcast3A_865 : vector<32xbf16>
        %mul3A_1047 = arith.mulf %bitcast3A_849, %bitcast3A_857 : vector<32xbf16>
        %sub3A_1048 = arith.subf %mul3A_1046, %mul3A_1047 : vector<32xbf16>
        %mul3A_1049 = arith.mulf %bitcast3A_881, %sub3A_1048 : vector<32xbf16>
        %add3A_1050 = arith.addf %mul3A_1045, %mul3A_1049 : vector<32xbf16>
        %mul3A_1051 = arith.mulf %bitcast3A_845, %bitcast3A_861 : vector<32xbf16>
        %mul3A_1052 = arith.mulf %bitcast3A_853, %bitcast3A_869 : vector<32xbf16>
        %add3A_1053 = arith.addf %mul3A_1051, %mul3A_1052 : vector<32xbf16>
        %mul3A_1054 = arith.mulf %bitcast3A_877, %add3A_1053 : vector<32xbf16>
        %mul3A_1055 = arith.mulf %bitcast3A_845, %bitcast3A_869 : vector<32xbf16>
        %mul3A_1056 = arith.mulf %bitcast3A_853, %bitcast3A_861 : vector<32xbf16>
        %sub3A_1057 = arith.subf %mul3A_1055, %mul3A_1056 : vector<32xbf16>
        %mul3A_1058 = arith.mulf %bitcast3A_885, %sub3A_1057 : vector<32xbf16>
        %add3A_1059 = arith.addf %mul3A_1054, %mul3A_1058 : vector<32xbf16>
        %add3A_1060 = arith.addf %add3A_1050, %add3A_1059 : vector<32xbf16>
        %unpack3A_1061 = tpu.unpack_subelements %add3A_1060, 0 {pack_format = #tpu.pack_format<interleaved>} : vector<32xbf16> -> vector<16xf32>
        %unpack3A_1062 = tpu.unpack_subelements %add3A_1060, 1 {pack_format = #tpu.pack_format<interleaved>} : vector<32xbf16> -> vector<16xf32>
        %add3A_1063 = arith.addf %unpack3A_1061, %unpack3A_1062 : vector<16xf32>
        %swap3A_1064 = arith.constant 160 : index
        %swap3A_1065 = tpu.vector_load %arg17[%swap3A_1064] {strides = array<i32>} : memref<256xf32, #tpu.memory_space<vmem>>, vector<16xf32>,
        tpu.vector_store %arg17[%swap3A_1064], %add3A_1063 {strides = array<i32>} : memref<256xf32, #tpu.memory_space<vmem>>, vector<16xf32>,
        %slice3A_1066 = vector.extract_strided_slice %get3A_109 {offsets = [14], sizes = [1], strides = [1]} : vector<16xi32> to vector<1xi32>
        %squeeze3A_1067 = vector.extract %slice3A_1066[0] : i32 from vector<1xi32>
        %add3A_1068 = arith.constant 11 : i32
        %add3A_1069 = arith.addi %mul3A_106, %add3A_1068 : i32
        %add3A_1070 = arith.constant 2 : i32
        %add3A_1071 = arith.addi %add3A_1069, %add3A_1070 : i32
        %get3A_1072 = arith.index_cast %add3A_1071 : i32 to index
        %get3A_1073 = arith.constant 0 : index
        %get3A_1074 = tpu.vector_load %arg14[%get3A_1072, %get3A_1073] {strides = array<i32>} : memref<80x64xi32, #tpu.memory_space<vmem>>, vector<16xi32>,
        %bitcast3A_1075 = vector.bitcast %get3A_1074 : vector<16xi32> to vector<32xbf16>
        %get3A_1076 = arith.index_cast %add3A_1071 : i32 to index
        %get3A_1077 = arith.constant 16 : index
        %get3A_1078 = tpu.vector_load %arg14[%get3A_1076, %get3A_1077] {strides = array<i32>} : memref<80x64xi32, #tpu.memory_space<vmem>>, vector<16xi32>,
        %bitcast3A_1079 = vector.bitcast %get3A_1078 : vector<16xi32> to vector<32xbf16>
        %get3A_1080 = arith.index_cast %add3A_1071 : i32 to index
        %get3A_1081 = arith.constant 32 : index
        %get3A_1082 = tpu.vector_load %arg14[%get3A_1080, %get3A_1081] {strides = array<i32>} : memref<80x64xi32, #tpu.memory_space<vmem>>, vector<16xi32>,
        %bitcast3A_1083 = vector.bitcast %get3A_1082 : vector<16xi32> to vector<32xbf16>
        %get3A_1084 = arith.index_cast %add3A_1071 : i32 to index
        %get3A_1085 = arith.constant 48 : index
        %get3A_1086 = tpu.vector_load %arg14[%get3A_1084, %get3A_1085] {strides = array<i32>} : memref<80x64xi32, #tpu.memory_space<vmem>>, vector<16xi32>,
        %bitcast3A_1087 = vector.bitcast %get3A_1086 : vector<16xi32> to vector<32xbf16>
        %get3A_1088 = arith.index_cast %add3A_1071 : i32 to index
        %get3A_1089 = arith.constant 0 : index
        %get3A_1090 = tpu.vector_load %arg15[%get3A_1088, %get3A_1089] {strides = array<i32>} : memref<80x64xi32, #tpu.memory_space<vmem>>, vector<16xi32>,
        %bitcast3A_1091 = vector.bitcast %get3A_1090 : vector<16xi32> to vector<32xbf16>
        %get3A_1092 = arith.index_cast %add3A_1071 : i32 to index
        %get3A_1093 = arith.constant 16 : index
        %get3A_1094 = tpu.vector_load %arg15[%get3A_1092, %get3A_1093] {strides = array<i32>} : memref<80x64xi32, #tpu.memory_space<vmem>>, vector<16xi32>,
        %bitcast3A_1095 = vector.bitcast %get3A_1094 : vector<16xi32> to vector<32xbf16>
        %get3A_1096 = arith.index_cast %add3A_1071 : i32 to index
        %get3A_1097 = arith.constant 32 : index
        %get3A_1098 = tpu.vector_load %arg15[%get3A_1096, %get3A_1097] {strides = array<i32>} : memref<80x64xi32, #tpu.memory_space<vmem>>, vector<16xi32>,
        %bitcast3A_1099 = vector.bitcast %get3A_1098 : vector<16xi32> to vector<32xbf16>
        %get3A_1100 = arith.index_cast %add3A_1071 : i32 to index
        %get3A_1101 = arith.constant 48 : index
        %get3A_1102 = tpu.vector_load %arg15[%get3A_1100, %get3A_1101] {strides = array<i32>} : memref<80x64xi32, #tpu.memory_space<vmem>>, vector<16xi32>,
        %bitcast3A_1103 = vector.bitcast %get3A_1102 : vector<16xi32> to vector<32xbf16>
        %get3A_1104 = arith.index_cast %squeeze3A_989 : i32 to index
        %get3A_1105 = arith.constant 0 : index
        %get3A_1106 = tpu.vector_load %arg11[%get3A_1104, %get3A_1105] {strides = array<i32>} : memref<1000x64xi32, #tpu.memory_space<vmem>>, vector<16xi32>,
        %bitcast3A_1107 = vector.bitcast %get3A_1106 : vector<16xi32> to vector<32xbf16>
        %get3A_1108 = arith.index_cast %squeeze3A_989 : i32 to index
        %get3A_1109 = arith.constant 16 : index
        %get3A_1110 = tpu.vector_load %arg11[%get3A_1108, %get3A_1109] {strides = array<i32>} : memref<1000x64xi32, #tpu.memory_space<vmem>>, vector<16xi32>,
        %bitcast3A_1111 = vector.bitcast %get3A_1110 : vector<16xi32> to vector<32xbf16>
        %get3A_1112 = arith.index_cast %squeeze3A_989 : i32 to index
        %get3A_1113 = arith.constant 32 : index
        %get3A_1114 = tpu.vector_load %arg11[%get3A_1112, %get3A_1113] {strides = array<i32>} : memref<1000x64xi32, #tpu.memory_space<vmem>>, vector<16xi32>,
        %bitcast3A_1115 = vector.bitcast %get3A_1114 : vector<16xi32> to vector<32xbf16>
        %get3A_1116 = arith.index_cast %squeeze3A_989 : i32 to index
        %get3A_1117 = arith.constant 48 : index
        %get3A_1118 = tpu.vector_load %arg11[%get3A_1116, %get3A_1117] {strides = array<i32>} : memref<1000x64xi32, #tpu.memory_space<vmem>>, vector<16xi32>,
        %bitcast3A_1119 = vector.bitcast %get3A_1118 : vector<16xi32> to vector<32xbf16>
        %mul3A_1120 = arith.mulf %bitcast3A_919, %bitcast3A_935 : vector<32xbf16>
        %mul3A_1121 = arith.mulf %bitcast3A_927, %bitcast3A_943 : vector<32xbf16>
        %add3A_1122 = arith.addf %mul3A_1120, %mul3A_1121 : vector<32xbf16>
        %mul3A_1123 = arith.mulf %bitcast3A_951, %add3A_1122 : vector<32xbf16>
        %mul3A_1124 = arith.mulf %bitcast3A_919, %bitcast3A_943 : vector<32xbf16>
        %mul3A_1125 = arith.mulf %bitcast3A_927, %bitcast3A_935 : vector<32xbf16>
        %sub3A_1126 = arith.subf %mul3A_1124, %mul3A_1125 : vector<32xbf16>
        %mul3A_1127 = arith.mulf %bitcast3A_959, %sub3A_1126 : vector<32xbf16>
        %add3A_1128 = arith.addf %mul3A_1123, %mul3A_1127 : vector<32xbf16>
        %mul3A_1129 = arith.mulf %bitcast3A_923, %bitcast3A_939 : vector<32xbf16>
        %mul3A_1130 = arith.mulf %bitcast3A_931, %bitcast3A_947 : vector<32xbf16>
        %add3A_1131 = arith.addf %mul3A_1129, %mul3A_1130 : vector<32xbf16>
        %mul3A_1132 = arith.mulf %bitcast3A_955, %add3A_1131 : vector<32xbf16>
        %mul3A_1133 = arith.mulf %bitcast3A_923, %bitcast3A_947 : vector<32xbf16>
        %mul3A_1134 = arith.mulf %bitcast3A_931, %bitcast3A_939 : vector<32xbf16>
        %sub3A_1135 = arith.subf %mul3A_1133, %mul3A_1134 : vector<32xbf16>
        %mul3A_1136 = arith.mulf %bitcast3A_963, %sub3A_1135 : vector<32xbf16>
        %add3A_1137 = arith.addf %mul3A_1132, %mul3A_1136 : vector<32xbf16>
        %add3A_1138 = arith.addf %add3A_1128, %add3A_1137 : vector<32xbf16>
        %unpack3A_1139 = tpu.unpack_subelements %add3A_1138, 0 {pack_format = #tpu.pack_format<interleaved>} : vector<32xbf16> -> vector<16xf32>
        %unpack3A_1140 = tpu.unpack_subelements %add3A_1138, 1 {pack_format = #tpu.pack_format<interleaved>} : vector<32xbf16> -> vector<16xf32>
        %add3A_1141 = arith.addf %unpack3A_1139, %unpack3A_1140 : vector<16xf32>
        %swap3A_1142 = arith.constant 176 : index
        %swap3A_1143 = tpu.vector_load %arg17[%swap3A_1142] {strides = array<i32>} : memref<256xf32, #tpu.memory_space<vmem>>, vector<16xf32>,
        tpu.vector_store %arg17[%swap3A_1142], %add3A_1141 {strides = array<i32>} : memref<256xf32, #tpu.memory_space<vmem>>, vector<16xf32>,
        %slice3A_1144 = vector.extract_strided_slice %get3A_109 {offsets = [15], sizes = [1], strides = [1]} : vector<16xi32> to vector<1xi32>
        %squeeze3A_1145 = vector.extract %slice3A_1144[0] : i32 from vector<1xi32>
        %add3A_1146 = arith.constant 12 : i32
        %add3A_1147 = arith.addi %mul3A_106, %add3A_1146 : i32
        %add3A_1148 = arith.constant 2 : i32
        %add3A_1149 = arith.addi %add3A_1147, %add3A_1148 : i32
        %get3A_1150 = arith.index_cast %add3A_1149 : i32 to index
        %get3A_1151 = arith.constant 0 : index
        %get3A_1152 = tpu.vector_load %arg14[%get3A_1150, %get3A_1151] {strides = array<i32>} : memref<80x64xi32, #tpu.memory_space<vmem>>, vector<16xi32>,
        %bitcast3A_1153 = vector.bitcast %get3A_1152 : vector<16xi32> to vector<32xbf16>
        %get3A_1154 = arith.index_cast %add3A_1149 : i32 to index
        %get3A_1155 = arith.constant 16 : index
        %get3A_1156 = tpu.vector_load %arg14[%get3A_1154, %get3A_1155] {strides = array<i32>} : memref<80x64xi32, #tpu.memory_space<vmem>>, vector<16xi32>,
        %bitcast3A_1157 = vector.bitcast %get3A_1156 : vector<16xi32> to vector<32xbf16>
        %get3A_1158 = arith.index_cast %add3A_1149 : i32 to index
        %get3A_1159 = arith.constant 32 : index
        %get3A_1160 = tpu.vector_load %arg14[%get3A_1158, %get3A_1159] {strides = array<i32>} : memref<80x64xi32, #tpu.memory_space<vmem>>, vector<16xi32>,
        %bitcast3A_1161 = vector.bitcast %get3A_1160 : vector<16xi32> to vector<32xbf16>
        %get3A_1162 = arith.index_cast %add3A_1149 : i32 to index
        %get3A_1163 = arith.constant 48 : index
        %get3A_1164 = tpu.vector_load %arg14[%get3A_1162, %get3A_1163] {strides = array<i32>} : memref<80x64xi32, #tpu.memory_space<vmem>>, vector<16xi32>,
        %bitcast3A_1165 = vector.bitcast %get3A_1164 : vector<16xi32> to vector<32xbf16>
        %get3A_1166 = arith.index_cast %add3A_1149 : i32 to index
        %get3A_1167 = arith.constant 0 : index
        %get3A_1168 = tpu.vector_load %arg15[%get3A_1166, %get3A_1167] {strides = array<i32>} : memref<80x64xi32, #tpu.memory_space<vmem>>, vector<16xi32>,
        %bitcast3A_1169 = vector.bitcast %get3A_1168 : vector<16xi32> to vector<32xbf16>
        %get3A_1170 = arith.index_cast %add3A_1149 : i32 to index
        %get3A_1171 = arith.constant 16 : index
        %get3A_1172 = tpu.vector_load %arg15[%get3A_1170, %get3A_1171] {strides = array<i32>} : memref<80x64xi32, #tpu.memory_space<vmem>>, vector<16xi32>,
        %bitcast3A_1173 = vector.bitcast %get3A_1172 : vector<16xi32> to vector<32xbf16>
        %get3A_1174 = arith.index_cast %add3A_1149 : i32 to index
        %get3A_1175 = arith.constant 32 : index
        %get3A_1176 = tpu.vector_load %arg15[%get3A_1174, %get3A_1175] {strides = array<i32>} : memref<80x64xi32, #tpu.memory_space<vmem>>, vector<16xi32>,
        %bitcast3A_1177 = vector.bitcast %get3A_1176 : vector<16xi32> to vector<32xbf16>
        %get3A_1178 = arith.index_cast %add3A_1149 : i32 to index
        %get3A_1179 = arith.constant 48 : index
        %get3A_1180 = tpu.vector_load %arg15[%get3A_1178, %get3A_1179] {strides = array<i32>} : memref<80x64xi32, #tpu.memory_space<vmem>>, vector<16xi32>,
        %bitcast3A_1181 = vector.bitcast %get3A_1180 : vector<16xi32> to vector<32xbf16>
        %get3A_1182 = arith.index_cast %squeeze3A_1067 : i32 to index
        %get3A_1183 = arith.constant 0 : index
        %get3A_1184 = tpu.vector_load %arg11[%get3A_1182, %get3A_1183] {strides = array<i32>} : memref<1000x64xi32, #tpu.memory_space<vmem>>, vector<16xi32>,
        %bitcast3A_1185 = vector.bitcast %get3A_1184 : vector<16xi32> to vector<32xbf16>
        %get3A_1186 = arith.index_cast %squeeze3A_1067 : i32 to index
        %get3A_1187 = arith.constant 16 : index
        %get3A_1188 = tpu.vector_load %arg11[%get3A_1186, %get3A_1187] {strides = array<i32>} : memref<1000x64xi32, #tpu.memory_space<vmem>>, vector<16xi32>,
        %bitcast3A_1189 = vector.bitcast %get3A_1188 : vector<16xi32> to vector<32xbf16>
        %get3A_1190 = arith.index_cast %squeeze3A_1067 : i32 to index
        %get3A_1191 = arith.constant 32 : index
        %get3A_1192 = tpu.vector_load %arg11[%get3A_1190, %get3A_1191] {strides = array<i32>} : memref<1000x64xi32, #tpu.memory_space<vmem>>, vector<16xi32>,
        %bitcast3A_1193 = vector.bitcast %get3A_1192 : vector<16xi32> to vector<32xbf16>
        %get3A_1194 = arith.index_cast %squeeze3A_1067 : i32 to index
        %get3A_1195 = arith.constant 48 : index
        %get3A_1196 = tpu.vector_load %arg11[%get3A_1194, %get3A_1195] {strides = array<i32>} : memref<1000x64xi32, #tpu.memory_space<vmem>>, vector<16xi32>,
        %bitcast3A_1197 = vector.bitcast %get3A_1196 : vector<16xi32> to vector<32xbf16>
        %mul3A_1198 = arith.mulf %bitcast3A_997, %bitcast3A_1013 : vector<32xbf16>
        %mul3A_1199 = arith.mulf %bitcast3A_1005, %bitcast3A_1021 : vector<32xbf16>
        %add3A_1200 = arith.addf %mul3A_1198, %mul3A_1199 : vector<32xbf16>
        %mul3A_1201 = arith.mulf %bitcast3A_1029, %add3A_1200 : vector<32xbf16>
        %mul3A_1202 = arith.mulf %bitcast3A_997, %bitcast3A_1021 : vector<32xbf16>
        %mul3A_1203 = arith.mulf %bitcast3A_1005, %bitcast3A_1013 : vector<32xbf16>
        %sub3A_1204 = arith.subf %mul3A_1202, %mul3A_1203 : vector<32xbf16>
        %mul3A_1205 = arith.mulf %bitcast3A_1037, %sub3A_1204 : vector<32xbf16>
        %add3A_1206 = arith.addf %mul3A_1201, %mul3A_1205 : vector<32xbf16>
        %mul3A_1207 = arith.mulf %bitcast3A_1001, %bitcast3A_1017 : vector<32xbf16>
        %mul3A_1208 = arith.mulf %bitcast3A_1009, %bitcast3A_1025 : vector<32xbf16>
        %add3A_1209 = arith.addf %mul3A_1207, %mul3A_1208 : vector<32xbf16>
        %mul3A_1210 = arith.mulf %bitcast3A_1033, %add3A_1209 : vector<32xbf16>
        %mul3A_1211 = arith.mulf %bitcast3A_1001, %bitcast3A_1025 : vector<32xbf16>
        %mul3A_1212 = arith.mulf %bitcast3A_1009, %bitcast3A_1017 : vector<32xbf16>
        %sub3A_1213 = arith.subf %mul3A_1211, %mul3A_1212 : vector<32xbf16>
        %mul3A_1214 = arith.mulf %bitcast3A_1041, %sub3A_1213 : vector<32xbf16>
        %add3A_1215 = arith.addf %mul3A_1210, %mul3A_1214 : vector<32xbf16>
        %add3A_1216 = arith.addf %add3A_1206, %add3A_1215 : vector<32xbf16>
        %unpack3A_1217 = tpu.unpack_subelements %add3A_1216, 0 {pack_format = #tpu.pack_format<interleaved>} : vector<32xbf16> -> vector<16xf32>
        %unpack3A_1218 = tpu.unpack_subelements %add3A_1216, 1 {pack_format = #tpu.pack_format<interleaved>} : vector<32xbf16> -> vector<16xf32>
        %add3A_1219 = arith.addf %unpack3A_1217, %unpack3A_1218 : vector<16xf32>
        %swap3A_1220 = arith.constant 192 : index
        %swap3A_1221 = tpu.vector_load %arg17[%swap3A_1220] {strides = array<i32>} : memref<256xf32, #tpu.memory_space<vmem>>, vector<16xf32>,
        tpu.vector_store %arg17[%swap3A_1220], %add3A_1219 {strides = array<i32>} : memref<256xf32, #tpu.memory_space<vmem>>, vector<16xf32>,
        %add3A_1222 = arith.constant 13 : i32
        %add3A_1223 = arith.addi %mul3A_106, %add3A_1222 : i32
        %add3A_1224 = arith.constant 2 : i32
        %add3A_1225 = arith.addi %add3A_1223, %add3A_1224 : i32
        %get3A_1226 = arith.index_cast %add3A_1225 : i32 to index
        %get3A_1227 = arith.constant 0 : index
        %get3A_1228 = tpu.vector_load %arg14[%get3A_1226, %get3A_1227] {strides = array<i32>} : memref<80x64xi32, #tpu.memory_space<vmem>>, vector<16xi32>,
        %bitcast3A_1229 = vector.bitcast %get3A_1228 : vector<16xi32> to vector<32xbf16>
        %get3A_1230 = arith.index_cast %add3A_1225 : i32 to index
        %get3A_1231 = arith.constant 16 : index
        %get3A_1232 = tpu.vector_load %arg14[%get3A_1230, %get3A_1231] {strides = array<i32>} : memref<80x64xi32, #tpu.memory_space<vmem>>, vector<16xi32>,
        %bitcast3A_1233 = vector.bitcast %get3A_1232 : vector<16xi32> to vector<32xbf16>
        %get3A_1234 = arith.index_cast %add3A_1225 : i32 to index
        %get3A_1235 = arith.constant 32 : index
        %get3A_1236 = tpu.vector_load %arg14[%get3A_1234, %get3A_1235] {strides = array<i32>} : memref<80x64xi32, #tpu.memory_space<vmem>>, vector<16xi32>,
        %bitcast3A_1237 = vector.bitcast %get3A_1236 : vector<16xi32> to vector<32xbf16>
        %get3A_1238 = arith.index_cast %add3A_1225 : i32 to index
        %get3A_1239 = arith.constant 48 : index
        %get3A_1240 = tpu.vector_load %arg14[%get3A_1238, %get3A_1239] {strides = array<i32>} : memref<80x64xi32, #tpu.memory_space<vmem>>, vector<16xi32>,
        %bitcast3A_1241 = vector.bitcast %get3A_1240 : vector<16xi32> to vector<32xbf16>
        %get3A_1242 = arith.index_cast %add3A_1225 : i32 to index
        %get3A_1243 = arith.constant 0 : index
        %get3A_1244 = tpu.vector_load %arg15[%get3A_1242, %get3A_1243] {strides = array<i32>} : memref<80x64xi32, #tpu.memory_space<vmem>>, vector<16xi32>,
        %bitcast3A_1245 = vector.bitcast %get3A_1244 : vector<16xi32> to vector<32xbf16>
        %get3A_1246 = arith.index_cast %add3A_1225 : i32 to index
        %get3A_1247 = arith.constant 16 : index
        %get3A_1248 = tpu.vector_load %arg15[%get3A_1246, %get3A_1247] {strides = array<i32>} : memref<80x64xi32, #tpu.memory_space<vmem>>, vector<16xi32>,
        %bitcast3A_1249 = vector.bitcast %get3A_1248 : vector<16xi32> to vector<32xbf16>
        %get3A_1250 = arith.index_cast %add3A_1225 : i32 to index
        %get3A_1251 = arith.constant 32 : index
        %get3A_1252 = tpu.vector_load %arg15[%get3A_1250, %get3A_1251] {strides = array<i32>} : memref<80x64xi32, #tpu.memory_space<vmem>>, vector<16xi32>,
        %bitcast3A_1253 = vector.bitcast %get3A_1252 : vector<16xi32> to vector<32xbf16>
        %get3A_1254 = arith.index_cast %add3A_1225 : i32 to index
        %get3A_1255 = arith.constant 48 : index
        %get3A_1256 = tpu.vector_load %arg15[%get3A_1254, %get3A_1255] {strides = array<i32>} : memref<80x64xi32, #tpu.memory_space<vmem>>, vector<16xi32>,
        %bitcast3A_1257 = vector.bitcast %get3A_1256 : vector<16xi32> to vector<32xbf16>
        %get3A_1258 = arith.index_cast %squeeze3A_1145 : i32 to index
        %get3A_1259 = arith.constant 0 : index
        %get3A_1260 = tpu.vector_load %arg11[%get3A_1258, %get3A_1259] {strides = array<i32>} : memref<1000x64xi32, #tpu.memory_space<vmem>>, vector<16xi32>,
        %bitcast3A_1261 = vector.bitcast %get3A_1260 : vector<16xi32> to vector<32xbf16>
        %get3A_1262 = arith.index_cast %squeeze3A_1145 : i32 to index
        %get3A_1263 = arith.constant 16 : index
        %get3A_1264 = tpu.vector_load %arg11[%get3A_1262, %get3A_1263] {strides = array<i32>} : memref<1000x64xi32, #tpu.memory_space<vmem>>, vector<16xi32>,
        %bitcast3A_1265 = vector.bitcast %get3A_1264 : vector<16xi32> to vector<32xbf16>
        %get3A_1266 = arith.index_cast %squeeze3A_1145 : i32 to index
        %get3A_1267 = arith.constant 32 : index
        %get3A_1268 = tpu.vector_load %arg11[%get3A_1266, %get3A_1267] {strides = array<i32>} : memref<1000x64xi32, #tpu.memory_space<vmem>>, vector<16xi32>,
        %bitcast3A_1269 = vector.bitcast %get3A_1268 : vector<16xi32> to vector<32xbf16>
        %get3A_1270 = arith.index_cast %squeeze3A_1145 : i32 to index
        %get3A_1271 = arith.constant 48 : index
        %get3A_1272 = tpu.vector_load %arg11[%get3A_1270, %get3A_1271] {strides = array<i32>} : memref<1000x64xi32, #tpu.memory_space<vmem>>, vector<16xi32>,
        %bitcast3A_1273 = vector.bitcast %get3A_1272 : vector<16xi32> to vector<32xbf16>
        %mul3A_1274 = arith.mulf %bitcast3A_1075, %bitcast3A_1091 : vector<32xbf16>
        %mul3A_1275 = arith.mulf %bitcast3A_1083, %bitcast3A_1099 : vector<32xbf16>
        %add3A_1276 = arith.addf %mul3A_1274, %mul3A_1275 : vector<32xbf16>
        %mul3A_1277 = arith.mulf %bitcast3A_1107, %add3A_1276 : vector<32xbf16>
        %mul3A_1278 = arith.mulf %bitcast3A_1075, %bitcast3A_1099 : vector<32xbf16>
        %mul3A_1279 = arith.mulf %bitcast3A_1083, %bitcast3A_1091 : vector<32xbf16>
        %sub3A_1280 = arith.subf %mul3A_1278, %mul3A_1279 : vector<32xbf16>
        %mul3A_1281 = arith.mulf %bitcast3A_1115, %sub3A_1280 : vector<32xbf16>
        %add3A_1282 = arith.addf %mul3A_1277, %mul3A_1281 : vector<32xbf16>
        %mul3A_1283 = arith.mulf %bitcast3A_1079, %bitcast3A_1095 : vector<32xbf16>
        %mul3A_1284 = arith.mulf %bitcast3A_1087, %bitcast3A_1103 : vector<32xbf16>
        %add3A_1285 = arith.addf %mul3A_1283, %mul3A_1284 : vector<32xbf16>
        %mul3A_1286 = arith.mulf %bitcast3A_1111, %add3A_1285 : vector<32xbf16>
        %mul3A_1287 = arith.mulf %bitcast3A_1079, %bitcast3A_1103 : vector<32xbf16>
        %mul3A_1288 = arith.mulf %bitcast3A_1087, %bitcast3A_1095 : vector<32xbf16>
        %sub3A_1289 = arith.subf %mul3A_1287, %mul3A_1288 : vector<32xbf16>
        %mul3A_1290 = arith.mulf %bitcast3A_1119, %sub3A_1289 : vector<32xbf16>
        %add3A_1291 = arith.addf %mul3A_1286, %mul3A_1290 : vector<32xbf16>
        %add3A_1292 = arith.addf %add3A_1282, %add3A_1291 : vector<32xbf16>
        %unpack3A_1293 = tpu.unpack_subelements %add3A_1292, 0 {pack_format = #tpu.pack_format<interleaved>} : vector<32xbf16> -> vector<16xf32>
        %unpack3A_1294 = tpu.unpack_subelements %add3A_1292, 1 {pack_format = #tpu.pack_format<interleaved>} : vector<32xbf16> -> vector<16xf32>
        %add3A_1295 = arith.addf %unpack3A_1293, %unpack3A_1294 : vector<16xf32>
        %swap3A_1296 = arith.constant 208 : index
        %swap3A_1297 = tpu.vector_load %arg17[%swap3A_1296] {strides = array<i32>} : memref<256xf32, #tpu.memory_space<vmem>>, vector<16xf32>,
        tpu.vector_store %arg17[%swap3A_1296], %add3A_1295 {strides = array<i32>} : memref<256xf32, #tpu.memory_space<vmem>>, vector<16xf32>,
        %mul3A_1298 = arith.mulf %bitcast3A_1153, %bitcast3A_1169 : vector<32xbf16>
        %mul3A_1299 = arith.mulf %bitcast3A_1161, %bitcast3A_1177 : vector<32xbf16>
        %add3A_1300 = arith.addf %mul3A_1298, %mul3A_1299 : vector<32xbf16>
        %mul3A_1301 = arith.mulf %bitcast3A_1185, %add3A_1300 : vector<32xbf16>
        %mul3A_1302 = arith.mulf %bitcast3A_1153, %bitcast3A_1177 : vector<32xbf16>
        %mul3A_1303 = arith.mulf %bitcast3A_1161, %bitcast3A_1169 : vector<32xbf16>
        %sub3A_1304 = arith.subf %mul3A_1302, %mul3A_1303 : vector<32xbf16>
        %mul3A_1305 = arith.mulf %bitcast3A_1193, %sub3A_1304 : vector<32xbf16>
        %add3A_1306 = arith.addf %mul3A_1301, %mul3A_1305 : vector<32xbf16>
        %mul3A_1307 = arith.mulf %bitcast3A_1157, %bitcast3A_1173 : vector<32xbf16>
        %mul3A_1308 = arith.mulf %bitcast3A_1165, %bitcast3A_1181 : vector<32xbf16>
        %add3A_1309 = arith.addf %mul3A_1307, %mul3A_1308 : vector<32xbf16>
        %mul3A_1310 = arith.mulf %bitcast3A_1189, %add3A_1309 : vector<32xbf16>
        %mul3A_1311 = arith.mulf %bitcast3A_1157, %bitcast3A_1181 : vector<32xbf16>
        %mul3A_1312 = arith.mulf %bitcast3A_1165, %bitcast3A_1173 : vector<32xbf16>
        %sub3A_1313 = arith.subf %mul3A_1311, %mul3A_1312 : vector<32xbf16>
        %mul3A_1314 = arith.mulf %bitcast3A_1197, %sub3A_1313 : vector<32xbf16>
        %add3A_1315 = arith.addf %mul3A_1310, %mul3A_1314 : vector<32xbf16>
        %add3A_1316 = arith.addf %add3A_1306, %add3A_1315 : vector<32xbf16>
        %unpack3A_1317 = tpu.unpack_subelements %add3A_1316, 0 {pack_format = #tpu.pack_format<interleaved>} : vector<32xbf16> -> vector<16xf32>
        %unpack3A_1318 = tpu.unpack_subelements %add3A_1316, 1 {pack_format = #tpu.pack_format<interleaved>} : vector<32xbf16> -> vector<16xf32>
        %add3A_1319 = arith.addf %unpack3A_1317, %unpack3A_1318 : vector<16xf32>
        %swap3A_1320 = arith.constant 224 : index
        %swap3A_1321 = tpu.vector_load %arg17[%swap3A_1320] {strides = array<i32>} : memref<256xf32, #tpu.memory_space<vmem>>, vector<16xf32>,
        tpu.vector_store %arg17[%swap3A_1320], %add3A_1319 {strides = array<i32>} : memref<256xf32, #tpu.memory_space<vmem>>, vector<16xf32>,
        %mul3A_1322 = arith.mulf %bitcast3A_1229, %bitcast3A_1245 : vector<32xbf16>
        %mul3A_1323 = arith.mulf %bitcast3A_1237, %bitcast3A_1253 : vector<32xbf16>
        %add3A_1324 = arith.addf %mul3A_1322, %mul3A_1323 : vector<32xbf16>
        %mul3A_1325 = arith.mulf %bitcast3A_1261, %add3A_1324 : vector<32xbf16>
        %mul3A_1326 = arith.mulf %bitcast3A_1229, %bitcast3A_1253 : vector<32xbf16>
        %mul3A_1327 = arith.mulf %bitcast3A_1237, %bitcast3A_1245 : vector<32xbf16>
        %sub3A_1328 = arith.subf %mul3A_1326, %mul3A_1327 : vector<32xbf16>
        %mul3A_1329 = arith.mulf %bitcast3A_1269, %sub3A_1328 : vector<32xbf16>
        %add3A_1330 = arith.addf %mul3A_1325, %mul3A_1329 : vector<32xbf16>
        %mul3A_1331 = arith.mulf %bitcast3A_1233, %bitcast3A_1249 : vector<32xbf16>
        %mul3A_1332 = arith.mulf %bitcast3A_1241, %bitcast3A_1257 : vector<32xbf16>
        %add3A_1333 = arith.addf %mul3A_1331, %mul3A_1332 : vector<32xbf16>
        %mul3A_1334 = arith.mulf %bitcast3A_1265, %add3A_1333 : vector<32xbf16>
        %mul3A_1335 = arith.mulf %bitcast3A_1233, %bitcast3A_1257 : vector<32xbf16>
        %mul3A_1336 = arith.mulf %bitcast3A_1241, %bitcast3A_1249 : vector<32xbf16>
        %sub3A_1337 = arith.subf %mul3A_1335, %mul3A_1336 : vector<32xbf16>
        %mul3A_1338 = arith.mulf %bitcast3A_1273, %sub3A_1337 : vector<32xbf16>
        %add3A_1339 = arith.addf %mul3A_1334, %mul3A_1338 : vector<32xbf16>
        %add3A_1340 = arith.addf %add3A_1330, %add3A_1339 : vector<32xbf16>
        %unpack3A_1341 = tpu.unpack_subelements %add3A_1340, 0 {pack_format = #tpu.pack_format<interleaved>} : vector<32xbf16> -> vector<16xf32>
        %unpack3A_1342 = tpu.unpack_subelements %add3A_1340, 1 {pack_format = #tpu.pack_format<interleaved>} : vector<32xbf16> -> vector<16xf32>
        %add3A_1343 = arith.addf %unpack3A_1341, %unpack3A_1342 : vector<16xf32>
        %swap3A_1344 = arith.constant 240 : index
        %swap3A_1345 = tpu.vector_load %arg17[%swap3A_1344] {strides = array<i32>} : memref<256xf32, #tpu.memory_space<vmem>>, vector<16xf32>,
        tpu.vector_store %arg17[%swap3A_1344], %add3A_1343 {strides = array<i32>} : memref<256xf32, #tpu.memory_space<vmem>>, vector<16xf32>,
        %add3A_1346 = arith.constant 0 : i32
        %add3A_1347 = vector.broadcast %add3A_1346 : i32 to vector<16xi32>
        %add3A_1348 = arith.addi %iota3A, %add3A_1347 : vector<16xi32>
        %and3A = arith.constant 15 : i32
        %and3A_1349 = vector.broadcast %and3A : i32 to vector<16xi32>
        %and3A_1350 = arith.andi %add3A_1348, %and3A_1349 : vector<16xi32>
        %add3A_1351 = arith.addi %and3A_1350, %mul3A_5 : vector<16xi32>
        %gather3A = tpu.vector_load_idx %arg17[%add3A_1351] : memref<256xf32, #tpu.memory_space<vmem>>[vector<16xi32>], vector<16xf32>,
        %add3A_1352 = arith.constant 1 : i32
        %add3A_1353 = vector.broadcast %add3A_1352 : i32 to vector<16xi32>
        %add3A_1354 = arith.addi %iota3A, %add3A_1353 : vector<16xi32>
        %and3A_1355 = arith.constant 15 : i32
        %and3A_1356 = vector.broadcast %and3A_1355 : i32 to vector<16xi32>
        %and3A_1357 = arith.andi %add3A_1354, %and3A_1356 : vector<16xi32>
        %add3A_1358 = arith.addi %and3A_1357, %mul3A_5 : vector<16xi32>
        %gather3A_1359 = tpu.vector_load_idx %arg17[%add3A_1358] : memref<256xf32, #tpu.memory_space<vmem>>[vector<16xi32>], vector<16xf32>,
        %add3A_1360 = arith.constant 2 : i32
        %add3A_1361 = vector.broadcast %add3A_1360 : i32 to vector<16xi32>
        %add3A_1362 = arith.addi %iota3A, %add3A_1361 : vector<16xi32>
        %and3A_1363 = arith.constant 15 : i32
        %and3A_1364 = vector.broadcast %and3A_1363 : i32 to vector<16xi32>
        %and3A_1365 = arith.andi %add3A_1362, %and3A_1364 : vector<16xi32>
        %add3A_1366 = arith.addi %and3A_1365, %mul3A_5 : vector<16xi32>
        %gather3A_1367 = tpu.vector_load_idx %arg17[%add3A_1366] : memref<256xf32, #tpu.memory_space<vmem>>[vector<16xi32>], vector<16xf32>,
        %add3A_1368 = arith.constant 3 : i32
        %add3A_1369 = vector.broadcast %add3A_1368 : i32 to vector<16xi32>
        %add3A_1370 = arith.addi %iota3A, %add3A_1369 : vector<16xi32>
        %and3A_1371 = arith.constant 15 : i32
        %and3A_1372 = vector.broadcast %and3A_1371 : i32 to vector<16xi32>
        %and3A_1373 = arith.andi %add3A_1370, %and3A_1372 : vector<16xi32>
        %add3A_1374 = arith.addi %and3A_1373, %mul3A_5 : vector<16xi32>
        %gather3A_1375 = tpu.vector_load_idx %arg17[%add3A_1374] : memref<256xf32, #tpu.memory_space<vmem>>[vector<16xi32>], vector<16xf32>,
        %add3A_1376 = arith.constant 4 : i32
        %add3A_1377 = vector.broadcast %add3A_1376 : i32 to vector<16xi32>
        %add3A_1378 = arith.addi %iota3A, %add3A_1377 : vector<16xi32>
        %and3A_1379 = arith.constant 15 : i32
        %and3A_1380 = vector.broadcast %and3A_1379 : i32 to vector<16xi32>
        %and3A_1381 = arith.andi %add3A_1378, %and3A_1380 : vector<16xi32>
        %add3A_1382 = arith.addi %and3A_1381, %mul3A_5 : vector<16xi32>
        %gather3A_1383 = tpu.vector_load_idx %arg17[%add3A_1382] : memref<256xf32, #tpu.memory_space<vmem>>[vector<16xi32>], vector<16xf32>,
        %add3A_1384 = arith.constant 5 : i32
        %add3A_1385 = vector.broadcast %add3A_1384 : i32 to vector<16xi32>
        %add3A_1386 = arith.addi %iota3A, %add3A_1385 : vector<16xi32>
        %and3A_1387 = arith.constant 15 : i32
        %and3A_1388 = vector.broadcast %and3A_1387 : i32 to vector<16xi32>
        %and3A_1389 = arith.andi %add3A_1386, %and3A_1388 : vector<16xi32>
        %add3A_1390 = arith.addi %and3A_1389, %mul3A_5 : vector<16xi32>
        %gather3A_1391 = tpu.vector_load_idx %arg17[%add3A_1390] : memref<256xf32, #tpu.memory_space<vmem>>[vector<16xi32>], vector<16xf32>,
        %add3A_1392 = arith.constant 6 : i32
        %add3A_1393 = vector.broadcast %add3A_1392 : i32 to vector<16xi32>
        %add3A_1394 = arith.addi %iota3A, %add3A_1393 : vector<16xi32>
        %and3A_1395 = arith.constant 15 : i32
        %and3A_1396 = vector.broadcast %and3A_1395 : i32 to vector<16xi32>
        %and3A_1397 = arith.andi %add3A_1394, %and3A_1396 : vector<16xi32>
        %add3A_1398 = arith.addi %and3A_1397, %mul3A_5 : vector<16xi32>
        %gather3A_1399 = tpu.vector_load_idx %arg17[%add3A_1398] : memref<256xf32, #tpu.memory_space<vmem>>[vector<16xi32>], vector<16xf32>,
        %add3A_1400 = arith.constant 7 : i32
        %add3A_1401 = vector.broadcast %add3A_1400 : i32 to vector<16xi32>
        %add3A_1402 = arith.addi %iota3A, %add3A_1401 : vector<16xi32>
        %and3A_1403 = arith.constant 15 : i32
        %and3A_1404 = vector.broadcast %and3A_1403 : i32 to vector<16xi32>
        %and3A_1405 = arith.andi %add3A_1402, %and3A_1404 : vector<16xi32>
        %add3A_1406 = arith.addi %and3A_1405, %mul3A_5 : vector<16xi32>
        %gather3A_1407 = tpu.vector_load_idx %arg17[%add3A_1406] : memref<256xf32, #tpu.memory_space<vmem>>[vector<16xi32>], vector<16xf32>,
        %add3A_1408 = arith.constant 8 : i32
        %add3A_1409 = vector.broadcast %add3A_1408 : i32 to vector<16xi32>
        %add3A_1410 = arith.addi %iota3A, %add3A_1409 : vector<16xi32>
        %and3A_1411 = arith.constant 15 : i32
        %and3A_1412 = vector.broadcast %and3A_1411 : i32 to vector<16xi32>
        %and3A_1413 = arith.andi %add3A_1410, %and3A_1412 : vector<16xi32>
        %add3A_1414 = arith.addi %and3A_1413, %mul3A_5 : vector<16xi32>
        %gather3A_1415 = tpu.vector_load_idx %arg17[%add3A_1414] : memref<256xf32, #tpu.memory_space<vmem>>[vector<16xi32>], vector<16xf32>,
        %add3A_1416 = arith.constant 9 : i32
        %add3A_1417 = vector.broadcast %add3A_1416 : i32 to vector<16xi32>
        %add3A_1418 = arith.addi %iota3A, %add3A_1417 : vector<16xi32>
        %and3A_1419 = arith.constant 15 : i32
        %and3A_1420 = vector.broadcast %and3A_1419 : i32 to vector<16xi32>
        %and3A_1421 = arith.andi %add3A_1418, %and3A_1420 : vector<16xi32>
        %add3A_1422 = arith.addi %and3A_1421, %mul3A_5 : vector<16xi32>
        %gather3A_1423 = tpu.vector_load_idx %arg17[%add3A_1422] : memref<256xf32, #tpu.memory_space<vmem>>[vector<16xi32>], vector<16xf32>,
        %add3A_1424 = arith.constant 10 : i32
        %add3A_1425 = vector.broadcast %add3A_1424 : i32 to vector<16xi32>
        %add3A_1426 = arith.addi %iota3A, %add3A_1425 : vector<16xi32>
        %and3A_1427 = arith.constant 15 : i32
        %and3A_1428 = vector.broadcast %and3A_1427 : i32 to vector<16xi32>
        %and3A_1429 = arith.andi %add3A_1426, %and3A_1428 : vector<16xi32>
        %add3A_1430 = arith.addi %and3A_1429, %mul3A_5 : vector<16xi32>
        %gather3A_1431 = tpu.vector_load_idx %arg17[%add3A_1430] : memref<256xf32, #tpu.memory_space<vmem>>[vector<16xi32>], vector<16xf32>,
        %add3A_1432 = arith.constant 11 : i32
        %add3A_1433 = vector.broadcast %add3A_1432 : i32 to vector<16xi32>
        %add3A_1434 = arith.addi %iota3A, %add3A_1433 : vector<16xi32>
        %and3A_1435 = arith.constant 15 : i32
        %and3A_1436 = vector.broadcast %and3A_1435 : i32 to vector<16xi32>
        %and3A_1437 = arith.andi %add3A_1434, %and3A_1436 : vector<16xi32>
        %add3A_1438 = arith.addi %and3A_1437, %mul3A_5 : vector<16xi32>
        %gather3A_1439 = tpu.vector_load_idx %arg17[%add3A_1438] : memref<256xf32, #tpu.memory_space<vmem>>[vector<16xi32>], vector<16xf32>,
        %add3A_1440 = arith.constant 12 : i32
        %add3A_1441 = vector.broadcast %add3A_1440 : i32 to vector<16xi32>
        %add3A_1442 = arith.addi %iota3A, %add3A_1441 : vector<16xi32>
        %and3A_1443 = arith.constant 15 : i32
        %and3A_1444 = vector.broadcast %and3A_1443 : i32 to vector<16xi32>
        %and3A_1445 = arith.andi %add3A_1442, %and3A_1444 : vector<16xi32>
        %add3A_1446 = arith.addi %and3A_1445, %mul3A_5 : vector<16xi32>
        %gather3A_1447 = tpu.vector_load_idx %arg17[%add3A_1446] : memref<256xf32, #tpu.memory_space<vmem>>[vector<16xi32>], vector<16xf32>,
        %add3A_1448 = arith.constant 13 : i32
        %add3A_1449 = vector.broadcast %add3A_1448 : i32 to vector<16xi32>
        %add3A_1450 = arith.addi %iota3A, %add3A_1449 : vector<16xi32>
        %and3A_1451 = arith.constant 15 : i32
        %and3A_1452 = vector.broadcast %and3A_1451 : i32 to vector<16xi32>
        %and3A_1453 = arith.andi %add3A_1450, %and3A_1452 : vector<16xi32>
        %add3A_1454 = arith.addi %and3A_1453, %mul3A_5 : vector<16xi32>
        %gather3A_1455 = tpu.vector_load_idx %arg17[%add3A_1454] : memref<256xf32, #tpu.memory_space<vmem>>[vector<16xi32>], vector<16xf32>,
        %add3A_1456 = arith.constant 14 : i32
        %add3A_1457 = vector.broadcast %add3A_1456 : i32 to vector<16xi32>
        %add3A_1458 = arith.addi %iota3A, %add3A_1457 : vector<16xi32>
        %and3A_1459 = arith.constant 15 : i32
        %and3A_1460 = vector.broadcast %and3A_1459 : i32 to vector<16xi32>
        %and3A_1461 = arith.andi %add3A_1458, %and3A_1460 : vector<16xi32>
        %add3A_1462 = arith.addi %and3A_1461, %mul3A_5 : vector<16xi32>
        %gather3A_1463 = tpu.vector_load_idx %arg17[%add3A_1462] : memref<256xf32, #tpu.memory_space<vmem>>[vector<16xi32>], vector<16xf32>,
        %add3A_1464 = arith.constant 15 : i32
        %add3A_1465 = vector.broadcast %add3A_1464 : i32 to vector<16xi32>
        %add3A_1466 = arith.addi %iota3A, %add3A_1465 : vector<16xi32>
        %and3A_1467 = arith.constant 15 : i32
        %and3A_1468 = vector.broadcast %and3A_1467 : i32 to vector<16xi32>
        %and3A_1469 = arith.andi %add3A_1466, %and3A_1468 : vector<16xi32>
        %add3A_1470 = arith.addi %and3A_1469, %mul3A_5 : vector<16xi32>
        %gather3A_1471 = tpu.vector_load_idx %arg17[%add3A_1470] : memref<256xf32, #tpu.memory_space<vmem>>[vector<16xi32>], vector<16xf32>,
        %add3A_1472 = arith.addf %gather3A, %gather3A_1359 : vector<16xf32>
        %add3A_1473 = arith.addf %gather3A_1367, %gather3A_1375 : vector<16xf32>
        %add3A_1474 = arith.addf %gather3A_1383, %gather3A_1391 : vector<16xf32>
        %add3A_1475 = arith.addf %gather3A_1399, %gather3A_1407 : vector<16xf32>
        %add3A_1476 = arith.addf %gather3A_1415, %gather3A_1423 : vector<16xf32>
        %add3A_1477 = arith.addf %gather3A_1431, %gather3A_1439 : vector<16xf32>
        %add3A_1478 = arith.addf %gather3A_1447, %gather3A_1455 : vector<16xf32>
        %add3A_1479 = arith.addf %gather3A_1463, %gather3A_1471 : vector<16xf32>
        %add3A_1480 = arith.addf %add3A_1472, %add3A_1473 : vector<16xf32>
        %add3A_1481 = arith.addf %add3A_1474, %add3A_1475 : vector<16xf32>
        %add3A_1482 = arith.addf %add3A_1476, %add3A_1477 : vector<16xf32>
        %add3A_1483 = arith.addf %add3A_1478, %add3A_1479 : vector<16xf32>
        %add3A_1484 = arith.addf %add3A_1480, %add3A_1481 : vector<16xf32>
        %add3A_1485 = arith.addf %add3A_1482, %add3A_1483 : vector<16xf32>
        %add3A_1486 = arith.addf %add3A_1484, %add3A_1485 : vector<16xf32>
        %mul3A_1487 = arith.constant 16 : i32
        %mul3A_1488 = arith.muli %scan3A_104, %mul3A_1487 : i32
        %add3A_1489 = arith.addi %mul3A_97, %mul3A_1488 : i32
        %multiple_of3A_1490 = tpu.assume_multiple %add3A_1489, 16 : i32
        %swap3A_1491 = arith.index_cast %multiple_of3A_1490 : i32 to index
        %swap3A_1492 = tpu.vector_load %arg16[%swap3A_1491] {strides = array<i32>} : memref<10000xf32, #tpu.memory_space<vmem>>, vector<16xf32>,
        tpu.vector_store %arg16[%swap3A_1491], %add3A_1486 {strides = array<i32>} : memref<10000xf32, #tpu.memory_space<vmem>>, vector<16xf32>,
      }
      %scan3A_103 = arith.constant 5 : i32
    }
    %scan3A_19 = arith.constant 62 : i32
    %multiple_of3A_20 = arith.constant 9920 : i32
    %multiple_of3A_21 = tpu.assume_multiple %multiple_of3A_20, 8 : i32
    %dma_wait3A = tpu.memref_slice %arg8[%multiple_of3A_21] : memref<10000xi32, #tpu.memory_space<vmem>> -> memref<80xi32, #tpu.memory_space<vmem>>
    %dma_wait3A_22 = arith.constant 0 : i32
    %dma_wait3A_23 = arith.constant 0 : i32
    %dma_wait3A_24 = tpu.memref_slice %arg2[%dma_wait3A_22, %dma_wait3A_23] : memref<10000x64xi32, #tpu.memory_space<hbm>> -> memref<10000x64xi32, #tpu.memory_space<hbm>>
    tpu.wait_indirect_dma semaphore(%arg18 : memref<!tpu.dma_semaphore, #tpu.memory_space<semaphore_mem>>) src(%dma_wait3A_24 : memref<10000x64xi32, #tpu.memory_space<hbm>>) dst(%arg12 : memref<80x64xi32, #tpu.memory_space<vmem>>)
    %dma_wait3A_25 = tpu.memref_slice %arg9[%multiple_of3A_21] : memref<10000xi32, #tpu.memory_space<vmem>> -> memref<80xi32, #tpu.memory_space<vmem>>
    %dma_wait3A_26 = arith.constant 0 : i32
    %dma_wait3A_27 = arith.constant 0 : i32
    %dma_wait3A_28 = tpu.memref_slice %arg2[%dma_wait3A_26, %dma_wait3A_27] : memref<10000x64xi32, #tpu.memory_space<hbm>> -> memref<10000x64xi32, #tpu.memory_space<hbm>>
    tpu.wait_indirect_dma semaphore(%arg18 : memref<!tpu.dma_semaphore, #tpu.memory_space<semaphore_mem>>) src(%dma_wait3A_28 : memref<10000x64xi32, #tpu.memory_space<hbm>>) dst(%arg13 : memref<80x64xi32, #tpu.memory_space<vmem>>)
    %scan3A_29 = arith.constant 0 : i32
    %scan3A_30 = arith.constant 0 : i32
    %scan3A_31 = arith.constant 5 : i32
    %scan3A_32 = arith.addi %scan3A_30, %scan3A_31 : i32
    %scan3A_33 = arith.constant 1 : i32
    scf.for %scan3A_35 = %scan3A_30 to %scan3A_32 step %scan3A_33  : i32 {
      %mul3A_36 = arith.constant 16 : i32
      %mul3A_37 = arith.muli %scan3A_35, %mul3A_36 : i32
      %add3A_38 = arith.constant 9920 : i32
      %add3A_39 = arith.addi %add3A_38, %mul3A_37 : i32
      %multiple_of3A_40 = tpu.assume_multiple %add3A_39, 16 : i32
      %get3A = arith.index_cast %multiple_of3A_40 : i32 to index
      %get3A_41 = tpu.vector_load %arg10[%get3A] {strides = array<i32>} : memref<10000xi32, #tpu.memory_space<vmem>>, vector<16xi32>,
      %slice3A = vector.extract_strided_slice %get3A_41 {offsets = [0], sizes = [1], strides = [1]} : vector<16xi32> to vector<1xi32>
      %squeeze3A = vector.extract %slice3A[0] : i32 from vector<1xi32>
      %slice3A_42 = vector.extract_strided_slice %get3A_41 {offsets = [1], sizes = [1], strides = [1]} : vector<16xi32> to vector<1xi32>
      %squeeze3A_43 = vector.extract %slice3A_42[0] : i32 from vector<1xi32>
      %slice3A_44 = vector.extract_strided_slice %get3A_41 {offsets = [2], sizes = [1], strides = [1]} : vector<16xi32> to vector<1xi32>
      %squeeze3A_45 = vector.extract %slice3A_44[0] : i32 from vector<1xi32>
      %get3A_46 = arith.index_cast %mul3A_37 : i32 to index
      %get3A_47 = arith.constant 0 : index
      %get3A_48 = tpu.vector_load %arg12[%get3A_46, %get3A_47] {strides = array<i32>} : memref<80x64xi32, #tpu.memory_space<vmem>>, vector<16xi32>,
      %bitcast3A = vector.bitcast %get3A_48 : vector<16xi32> to vector<32xbf16>
      %get3A_49 = arith.index_cast %mul3A_37 : i32 to index
      %get3A_50 = arith.constant 16 : index
      %get3A_51 = tpu.vector_load %arg12[%get3A_49, %get3A_50] {strides = array<i32>} : memref<80x64xi32, #tpu.memory_space<vmem>>, vector<16xi32>,
      %bitcast3A_52 = vector.bitcast %get3A_51 : vector<16xi32> to vector<32xbf16>
      %get3A_53 = arith.index_cast %mul3A_37 : i32 to index
      %get3A_54 = arith.constant 32 : index
      %get3A_55 = tpu.vector_load %arg12[%get3A_53, %get3A_54] {strides = array<i32>} : memref<80x64xi32, #tpu.memory_space<vmem>>, vector<16xi32>,
      %bitcast3A_56 = vector.bitcast %get3A_55 : vector<16xi32> to vector<32xbf16>
      %get3A_57 = arith.index_cast %mul3A_37 : i32 to index
      %get3A_58 = arith.constant 48 : index
      %get3A_59 = tpu.vector_load %arg12[%get3A_57, %get3A_58] {strides = array<i32>} : memref<80x64xi32, #tpu.memory_space<vmem>>, vector<16xi32>,
      %bitcast3A_60 = vector.bitcast %get3A_59 : vector<16xi32> to vector<32xbf16>
      %get3A_61 = arith.index_cast %mul3A_37 : i32 to index
      %get3A_62 = arith.constant 0 : index
      %get3A_63 = tpu.vector_load %arg13[%get3A_61, %get3A_62] {strides = array<i32>} : memref<80x64xi32, #tpu.memory_space<vmem>>, vector<16xi32>,
      %bitcast3A_64 = vector.bitcast %get3A_63 : vector<16xi32> to vector<32xbf16>
      %get3A_65 = arith.index_cast %mul3A_37 : i32 to index
      %get3A_66 = arith.constant 16 : index
      %get3A_67 = tpu.vector_load %arg13[%get3A_65, %get3A_66] {strides = array<i32>} : memref<80x64xi32, #tpu.memory_space<vmem>>, vector<16xi32>,
      %bitcast3A_68 = vector.bitcast %get3A_67 : vector<16xi32> to vector<32xbf16>
      %get3A_69 = arith.index_cast %mul3A_37 : i32 to index
      %get3A_70 = arith.constant 32 : index
      %get3A_71 = tpu.vector_load %arg13[%get3A_69, %get3A_70] {strides = array<i32>} : memref<80x64xi32, #tpu.memory_space<vmem>>, vector<16xi32>,
      %bitcast3A_72 = vector.bitcast %get3A_71 : vector<16xi32> to vector<32xbf16>
      %get3A_73 = arith.index_cast %mul3A_37 : i32 to index
      %get3A_74 = arith.constant 48 : index
      %get3A_75 = tpu.vector_load %arg13[%get3A_73, %get3A_74] {strides = array<i32>} : memref<80x64xi32, #tpu.memory_space<vmem>>, vector<16xi32>,
      %bitcast3A_76 = vector.bitcast %get3A_75 : vector<16xi32> to vector<32xbf16>
      %get3A_77 = arith.index_cast %squeeze3A : i32 to index
      %get3A_78 = arith.constant 0 : index
      %get3A_79 = tpu.vector_load %arg11[%get3A_77, %get3A_78] {strides = array<i32>} : memref<1000x64xi32, #tpu.memory_space<vmem>>, vector<16xi32>,
      %bitcast3A_80 = vector.bitcast %get3A_79 : vector<16xi32> to vector<32xbf16>
      %get3A_81 = arith.index_cast %squeeze3A : i32 to index
      %get3A_82 = arith.constant 16 : index
      %get3A_83 = tpu.vector_load %arg11[%get3A_81, %get3A_82] {strides = array<i32>} : memref<1000x64xi32, #tpu.memory_space<vmem>>, vector<16xi32>,
      %bitcast3A_84 = vector.bitcast %get3A_83 : vector<16xi32> to vector<32xbf16>
      %get3A_85 = arith.index_cast %squeeze3A : i32 to index
      %get3A_86 = arith.constant 32 : index
      %get3A_87 = tpu.vector_load %arg11[%get3A_85, %get3A_86] {strides = array<i32>} : memref<1000x64xi32, #tpu.memory_space<vmem>>, vector<16xi32>,
      %bitcast3A_88 = vector.bitcast %get3A_87 : vector<16xi32> to vector<32xbf16>
      %get3A_89 = arith.index_cast %squeeze3A : i32 to index
      %get3A_90 = arith.constant 48 : index
      %get3A_91 = tpu.vector_load %arg11[%get3A_89, %get3A_90] {strides = array<i32>} : memref<1000x64xi32, #tpu.memory_space<vmem>>, vector<16xi32>,
      %bitcast3A_92 = vector.bitcast %get3A_91 : vector<16xi32> to vector<32xbf16>
      %add3A_93 = arith.constant 1 : i32
      %add3A_94 = arith.addi %mul3A_37, %add3A_93 : i32
      %get3A_95 = arith.index_cast %add3A_94 : i32 to index
      %get3A_96 = arith.constant 0 : index
      %get3A_97 = tpu.vector_load %arg12[%get3A_95, %get3A_96] {strides = array<i32>} : memref<80x64xi32, #tpu.memory_space<vmem>>, vector<16xi32>,
      %bitcast3A_98 = vector.bitcast %get3A_97 : vector<16xi32> to vector<32xbf16>
      %get3A_99 = arith.index_cast %add3A_94 : i32 to index
      %get3A_100 = arith.constant 16 : index
      %get3A_101 = tpu.vector_load %arg12[%get3A_99, %get3A_100] {strides = array<i32>} : memref<80x64xi32, #tpu.memory_space<vmem>>, vector<16xi32>,
      %bitcast3A_102 = vector.bitcast %get3A_101 : vector<16xi32> to vector<32xbf16>
      %get3A_103 = arith.index_cast %add3A_94 : i32 to index
      %get3A_104 = arith.constant 32 : index
      %get3A_105 = tpu.vector_load %arg12[%get3A_103, %get3A_104] {strides = array<i32>} : memref<80x64xi32, #tpu.memory_space<vmem>>, vector<16xi32>,
      %bitcast3A_106 = vector.bitcast %get3A_105 : vector<16xi32> to vector<32xbf16>
      %get3A_107 = arith.index_cast %add3A_94 : i32 to index
      %get3A_108 = arith.constant 48 : index
      %get3A_109 = tpu.vector_load %arg12[%get3A_107, %get3A_108] {strides = array<i32>} : memref<80x64xi32, #tpu.memory_space<vmem>>, vector<16xi32>,
      %bitcast3A_110 = vector.bitcast %get3A_109 : vector<16xi32> to vector<32xbf16>
      %get3A_111 = arith.index_cast %add3A_94 : i32 to index
      %get3A_112 = arith.constant 0 : index
      %get3A_113 = tpu.vector_load %arg13[%get3A_111, %get3A_112] {strides = array<i32>} : memref<80x64xi32, #tpu.memory_space<vmem>>, vector<16xi32>,
      %bitcast3A_114 = vector.bitcast %get3A_113 : vector<16xi32> to vector<32xbf16>
      %get3A_115 = arith.index_cast %add3A_94 : i32 to index
      %get3A_116 = arith.constant 16 : index
      %get3A_117 = tpu.vector_load %arg13[%get3A_115, %get3A_116] {strides = array<i32>} : memref<80x64xi32, #tpu.memory_space<vmem>>, vector<16xi32>,
      %bitcast3A_118 = vector.bitcast %get3A_117 : vector<16xi32> to vector<32xbf16>
      %get3A_119 = arith.index_cast %add3A_94 : i32 to index
      %get3A_120 = arith.constant 32 : index
      %get3A_121 = tpu.vector_load %arg13[%get3A_119, %get3A_120] {strides = array<i32>} : memref<80x64xi32, #tpu.memory_space<vmem>>, vector<16xi32>,
      %bitcast3A_122 = vector.bitcast %get3A_121 : vector<16xi32> to vector<32xbf16>
      %get3A_123 = arith.index_cast %add3A_94 : i32 to index
      %get3A_124 = arith.constant 48 : index
      %get3A_125 = tpu.vector_load %arg13[%get3A_123, %get3A_124] {strides = array<i32>} : memref<80x64xi32, #tpu.memory_space<vmem>>, vector<16xi32>,
      %bitcast3A_126 = vector.bitcast %get3A_125 : vector<16xi32> to vector<32xbf16>
      %get3A_127 = arith.index_cast %squeeze3A_43 : i32 to index
      %get3A_128 = arith.constant 0 : index
      %get3A_129 = tpu.vector_load %arg11[%get3A_127, %get3A_128] {strides = array<i32>} : memref<1000x64xi32, #tpu.memory_space<vmem>>, vector<16xi32>,
      %bitcast3A_130 = vector.bitcast %get3A_129 : vector<16xi32> to vector<32xbf16>
      %get3A_131 = arith.index_cast %squeeze3A_43 : i32 to index
      %get3A_132 = arith.constant 16 : index
      %get3A_133 = tpu.vector_load %arg11[%get3A_131, %get3A_132] {strides = array<i32>} : memref<1000x64xi32, #tpu.memory_space<vmem>>, vector<16xi32>,
      %bitcast3A_134 = vector.bitcast %get3A_133 : vector<16xi32> to vector<32xbf16>
      %get3A_135 = arith.index_cast %squeeze3A_43 : i32 to index
      %get3A_136 = arith.constant 32 : index
      %get3A_137 = tpu.vector_load %arg11[%get3A_135, %get3A_136] {strides = array<i32>} : memref<1000x64xi32, #tpu.memory_space<vmem>>, vector<16xi32>,
      %bitcast3A_138 = vector.bitcast %get3A_137 : vector<16xi32> to vector<32xbf16>
      %get3A_139 = arith.index_cast %squeeze3A_43 : i32 to index
      %get3A_140 = arith.constant 48 : index
      %get3A_141 = tpu.vector_load %arg11[%get3A_139, %get3A_140] {strides = array<i32>} : memref<1000x64xi32, #tpu.memory_space<vmem>>, vector<16xi32>,
      %bitcast3A_142 = vector.bitcast %get3A_141 : vector<16xi32> to vector<32xbf16>
      %slice3A_143 = vector.extract_strided_slice %get3A_41 {offsets = [3], sizes = [1], strides = [1]} : vector<16xi32> to vector<1xi32>
      %squeeze3A_144 = vector.extract %slice3A_143[0] : i32 from vector<1xi32>
      %add3A_145 = arith.constant 0 : i32
      %add3A_146 = arith.addi %mul3A_37, %add3A_145 : i32
      %add3A_147 = arith.constant 2 : i32
      %add3A_148 = arith.addi %add3A_146, %add3A_147 : i32
      %get3A_149 = arith.index_cast %add3A_148 : i32 to index
      %get3A_150 = arith.constant 0 : index
      %get3A_151 = tpu.vector_load %arg12[%get3A_149, %get3A_150] {strides = array<i32>} : memref<80x64xi32, #tpu.memory_space<vmem>>, vector<16xi32>,
      %bitcast3A_152 = vector.bitcast %get3A_151 : vector<16xi32> to vector<32xbf16>
      %get3A_153 = arith.index_cast %add3A_148 : i32 to index
      %get3A_154 = arith.constant 16 : index
      %get3A_155 = tpu.vector_load %arg12[%get3A_153, %get3A_154] {strides = array<i32>} : memref<80x64xi32, #tpu.memory_space<vmem>>, vector<16xi32>,
      %bitcast3A_156 = vector.bitcast %get3A_155 : vector<16xi32> to vector<32xbf16>
      %get3A_157 = arith.index_cast %add3A_148 : i32 to index
      %get3A_158 = arith.constant 32 : index
      %get3A_159 = tpu.vector_load %arg12[%get3A_157, %get3A_158] {strides = array<i32>} : memref<80x64xi32, #tpu.memory_space<vmem>>, vector<16xi32>,
      %bitcast3A_160 = vector.bitcast %get3A_159 : vector<16xi32> to vector<32xbf16>
      %get3A_161 = arith.index_cast %add3A_148 : i32 to index
      %get3A_162 = arith.constant 48 : index
      %get3A_163 = tpu.vector_load %arg12[%get3A_161, %get3A_162] {strides = array<i32>} : memref<80x64xi32, #tpu.memory_space<vmem>>, vector<16xi32>,
      %bitcast3A_164 = vector.bitcast %get3A_163 : vector<16xi32> to vector<32xbf16>
      %get3A_165 = arith.index_cast %add3A_148 : i32 to index
      %get3A_166 = arith.constant 0 : index
      %get3A_167 = tpu.vector_load %arg13[%get3A_165, %get3A_166] {strides = array<i32>} : memref<80x64xi32, #tpu.memory_space<vmem>>, vector<16xi32>,
      %bitcast3A_168 = vector.bitcast %get3A_167 : vector<16xi32> to vector<32xbf16>
      %get3A_169 = arith.index_cast %add3A_148 : i32 to index
      %get3A_170 = arith.constant 16 : index
      %get3A_171 = tpu.vector_load %arg13[%get3A_169, %get3A_170] {strides = array<i32>} : memref<80x64xi32, #tpu.memory_space<vmem>>, vector<16xi32>,
      %bitcast3A_172 = vector.bitcast %get3A_171 : vector<16xi32> to vector<32xbf16>
      %get3A_173 = arith.index_cast %add3A_148 : i32 to index
      %get3A_174 = arith.constant 32 : index
      %get3A_175 = tpu.vector_load %arg13[%get3A_173, %get3A_174] {strides = array<i32>} : memref<80x64xi32, #tpu.memory_space<vmem>>, vector<16xi32>,
      %bitcast3A_176 = vector.bitcast %get3A_175 : vector<16xi32> to vector<32xbf16>
      %get3A_177 = arith.index_cast %add3A_148 : i32 to index
      %get3A_178 = arith.constant 48 : index
      %get3A_179 = tpu.vector_load %arg13[%get3A_177, %get3A_178] {strides = array<i32>} : memref<80x64xi32, #tpu.memory_space<vmem>>, vector<16xi32>,
      %bitcast3A_180 = vector.bitcast %get3A_179 : vector<16xi32> to vector<32xbf16>
      %get3A_181 = arith.index_cast %squeeze3A_45 : i32 to index
      %get3A_182 = arith.constant 0 : index
      %get3A_183 = tpu.vector_load %arg11[%get3A_181, %get3A_182] {strides = array<i32>} : memref<1000x64xi32, #tpu.memory_space<vmem>>, vector<16xi32>,
      %bitcast3A_184 = vector.bitcast %get3A_183 : vector<16xi32> to vector<32xbf16>
      %get3A_185 = arith.index_cast %squeeze3A_45 : i32 to index
      %get3A_186 = arith.constant 16 : index
      %get3A_187 = tpu.vector_load %arg11[%get3A_185, %get3A_186] {strides = array<i32>} : memref<1000x64xi32, #tpu.memory_space<vmem>>, vector<16xi32>,
      %bitcast3A_188 = vector.bitcast %get3A_187 : vector<16xi32> to vector<32xbf16>
      %get3A_189 = arith.index_cast %squeeze3A_45 : i32 to index
      %get3A_190 = arith.constant 32 : index
      %get3A_191 = tpu.vector_load %arg11[%get3A_189, %get3A_190] {strides = array<i32>} : memref<1000x64xi32, #tpu.memory_space<vmem>>, vector<16xi32>,
      %bitcast3A_192 = vector.bitcast %get3A_191 : vector<16xi32> to vector<32xbf16>
      %get3A_193 = arith.index_cast %squeeze3A_45 : i32 to index
      %get3A_194 = arith.constant 48 : index
      %get3A_195 = tpu.vector_load %arg11[%get3A_193, %get3A_194] {strides = array<i32>} : memref<1000x64xi32, #tpu.memory_space<vmem>>, vector<16xi32>,
      %bitcast3A_196 = vector.bitcast %get3A_195 : vector<16xi32> to vector<32xbf16>
      %mul3A_197 = arith.mulf %bitcast3A, %bitcast3A_64 : vector<32xbf16>
      %mul3A_198 = arith.mulf %bitcast3A_56, %bitcast3A_72 : vector<32xbf16>
      %add3A_199 = arith.addf %mul3A_197, %mul3A_198 : vector<32xbf16>
      %mul3A_200 = arith.mulf %bitcast3A_80, %add3A_199 : vector<32xbf16>
      %mul3A_201 = arith.mulf %bitcast3A, %bitcast3A_72 : vector<32xbf16>
      %mul3A_202 = arith.mulf %bitcast3A_56, %bitcast3A_64 : vector<32xbf16>
      %sub3A = arith.subf %mul3A_201, %mul3A_202 : vector<32xbf16>
      %mul3A_203 = arith.mulf %bitcast3A_88, %sub3A : vector<32xbf16>
      %add3A_204 = arith.addf %mul3A_200, %mul3A_203 : vector<32xbf16>
      %mul3A_205 = arith.mulf %bitcast3A_52, %bitcast3A_68 : vector<32xbf16>
      %mul3A_206 = arith.mulf %bitcast3A_60, %bitcast3A_76 : vector<32xbf16>
      %add3A_207 = arith.addf %mul3A_205, %mul3A_206 : vector<32xbf16>
      %mul3A_208 = arith.mulf %bitcast3A_84, %add3A_207 : vector<32xbf16>
      %mul3A_209 = arith.mulf %bitcast3A_52, %bitcast3A_76 : vector<32xbf16>
      %mul3A_210 = arith.mulf %bitcast3A_60, %bitcast3A_68 : vector<32xbf16>
      %sub3A_211 = arith.subf %mul3A_209, %mul3A_210 : vector<32xbf16>
      %mul3A_212 = arith.mulf %bitcast3A_92, %sub3A_211 : vector<32xbf16>
      %add3A_213 = arith.addf %mul3A_208, %mul3A_212 : vector<32xbf16>
      %add3A_214 = arith.addf %add3A_204, %add3A_213 : vector<32xbf16>
      %unpack3A = tpu.unpack_subelements %add3A_214, 0 {pack_format = #tpu.pack_format<interleaved>} : vector<32xbf16> -> vector<16xf32>
      %unpack3A_215 = tpu.unpack_subelements %add3A_214, 1 {pack_format = #tpu.pack_format<interleaved>} : vector<32xbf16> -> vector<16xf32>
      %add3A_216 = arith.addf %unpack3A, %unpack3A_215 : vector<16xf32>
      %swap3A = arith.constant 0 : index
      %swap3A_217 = tpu.vector_load %arg17[%swap3A] {strides = array<i32>} : memref<256xf32, #tpu.memory_space<vmem>>, vector<16xf32>,
      tpu.vector_store %arg17[%swap3A], %add3A_216 {strides = array<i32>} : memref<256xf32, #tpu.memory_space<vmem>>, vector<16xf32>,
      %slice3A_218 = vector.extract_strided_slice %get3A_41 {offsets = [4], sizes = [1], strides = [1]} : vector<16xi32> to vector<1xi32>
      %squeeze3A_219 = vector.extract %slice3A_218[0] : i32 from vector<1xi32>
      %add3A_220 = arith.constant 1 : i32
      %add3A_221 = arith.addi %mul3A_37, %add3A_220 : i32
      %add3A_222 = arith.constant 2 : i32
      %add3A_223 = arith.addi %add3A_221, %add3A_222 : i32
      %get3A_224 = arith.index_cast %add3A_223 : i32 to index
      %get3A_225 = arith.constant 0 : index
      %get3A_226 = tpu.vector_load %arg12[%get3A_224, %get3A_225] {strides = array<i32>} : memref<80x64xi32, #tpu.memory_space<vmem>>, vector<16xi32>,
      %bitcast3A_227 = vector.bitcast %get3A_226 : vector<16xi32> to vector<32xbf16>
      %get3A_228 = arith.index_cast %add3A_223 : i32 to index
      %get3A_229 = arith.constant 16 : index
      %get3A_230 = tpu.vector_load %arg12[%get3A_228, %get3A_229] {strides = array<i32>} : memref<80x64xi32, #tpu.memory_space<vmem>>, vector<16xi32>,
      %bitcast3A_231 = vector.bitcast %get3A_230 : vector<16xi32> to vector<32xbf16>
      %get3A_232 = arith.index_cast %add3A_223 : i32 to index
      %get3A_233 = arith.constant 32 : index
      %get3A_234 = tpu.vector_load %arg12[%get3A_232, %get3A_233] {strides = array<i32>} : memref<80x64xi32, #tpu.memory_space<vmem>>, vector<16xi32>,
      %bitcast3A_235 = vector.bitcast %get3A_234 : vector<16xi32> to vector<32xbf16>
      %get3A_236 = arith.index_cast %add3A_223 : i32 to index
      %get3A_237 = arith.constant 48 : index
      %get3A_238 = tpu.vector_load %arg12[%get3A_236, %get3A_237] {strides = array<i32>} : memref<80x64xi32, #tpu.memory_space<vmem>>, vector<16xi32>,
      %bitcast3A_239 = vector.bitcast %get3A_238 : vector<16xi32> to vector<32xbf16>
      %get3A_240 = arith.index_cast %add3A_223 : i32 to index
      %get3A_241 = arith.constant 0 : index
      %get3A_242 = tpu.vector_load %arg13[%get3A_240, %get3A_241] {strides = array<i32>} : memref<80x64xi32, #tpu.memory_space<vmem>>, vector<16xi32>,
      %bitcast3A_243 = vector.bitcast %get3A_242 : vector<16xi32> to vector<32xbf16>
      %get3A_244 = arith.index_cast %add3A_223 : i32 to index
      %get3A_245 = arith.constant 16 : index
      %get3A_246 = tpu.vector_load %arg13[%get3A_244, %get3A_245] {strides = array<i32>} : memref<80x64xi32, #tpu.memory_space<vmem>>, vector<16xi32>,
      %bitcast3A_247 = vector.bitcast %get3A_246 : vector<16xi32> to vector<32xbf16>
      %get3A_248 = arith.index_cast %add3A_223 : i32 to index
      %get3A_249 = arith.constant 32 : index
      %get3A_250 = tpu.vector_load %arg13[%get3A_248, %get3A_249] {strides = array<i32>} : memref<80x64xi32, #tpu.memory_space<vmem>>, vector<16xi32>,
      %bitcast3A_251 = vector.bitcast %get3A_250 : vector<16xi32> to vector<32xbf16>
      %get3A_252 = arith.index_cast %add3A_223 : i32 to index
      %get3A_253 = arith.constant 48 : index
      %get3A_254 = tpu.vector_load %arg13[%get3A_252, %get3A_253] {strides = array<i32>} : memref<80x64xi32, #tpu.memory_space<vmem>>, vector<16xi32>,
      %bitcast3A_255 = vector.bitcast %get3A_254 : vector<16xi32> to vector<32xbf16>
      %get3A_256 = arith.index_cast %squeeze3A_144 : i32 to index
      %get3A_257 = arith.constant 0 : index
      %get3A_258 = tpu.vector_load %arg11[%get3A_256, %get3A_257] {strides = array<i32>} : memref<1000x64xi32, #tpu.memory_space<vmem>>, vector<16xi32>,
      %bitcast3A_259 = vector.bitcast %get3A_258 : vector<16xi32> to vector<32xbf16>
      %get3A_260 = arith.index_cast %squeeze3A_144 : i32 to index
      %get3A_261 = arith.constant 16 : index
      %get3A_262 = tpu.vector_load %arg11[%get3A_260, %get3A_261] {strides = array<i32>} : memref<1000x64xi32, #tpu.memory_space<vmem>>, vector<16xi32>,
      %bitcast3A_263 = vector.bitcast %get3A_262 : vector<16xi32> to vector<32xbf16>
      %get3A_264 = arith.index_cast %squeeze3A_144 : i32 to index
      %get3A_265 = arith.constant 32 : index
      %get3A_266 = tpu.vector_load %arg11[%get3A_264, %get3A_265] {strides = array<i32>} : memref<1000x64xi32, #tpu.memory_space<vmem>>, vector<16xi32>,
      %bitcast3A_267 = vector.bitcast %get3A_266 : vector<16xi32> to vector<32xbf16>
      %get3A_268 = arith.index_cast %squeeze3A_144 : i32 to index
      %get3A_269 = arith.constant 48 : index
      %get3A_270 = tpu.vector_load %arg11[%get3A_268, %get3A_269] {strides = array<i32>} : memref<1000x64xi32, #tpu.memory_space<vmem>>, vector<16xi32>,
      %bitcast3A_271 = vector.bitcast %get3A_270 : vector<16xi32> to vector<32xbf16>
      %mul3A_272 = arith.mulf %bitcast3A_98, %bitcast3A_114 : vector<32xbf16>
      %mul3A_273 = arith.mulf %bitcast3A_106, %bitcast3A_122 : vector<32xbf16>
      %add3A_274 = arith.addf %mul3A_272, %mul3A_273 : vector<32xbf16>
      %mul3A_275 = arith.mulf %bitcast3A_130, %add3A_274 : vector<32xbf16>
      %mul3A_276 = arith.mulf %bitcast3A_98, %bitcast3A_122 : vector<32xbf16>
      %mul3A_277 = arith.mulf %bitcast3A_106, %bitcast3A_114 : vector<32xbf16>
      %sub3A_278 = arith.subf %mul3A_276, %mul3A_277 : vector<32xbf16>
      %mul3A_279 = arith.mulf %bitcast3A_138, %sub3A_278 : vector<32xbf16>
      %add3A_280 = arith.addf %mul3A_275, %mul3A_279 : vector<32xbf16>
      %mul3A_281 = arith.mulf %bitcast3A_102, %bitcast3A_118 : vector<32xbf16>
      %mul3A_282 = arith.mulf %bitcast3A_110, %bitcast3A_126 : vector<32xbf16>
      %add3A_283 = arith.addf %mul3A_281, %mul3A_282 : vector<32xbf16>
      %mul3A_284 = arith.mulf %bitcast3A_134, %add3A_283 : vector<32xbf16>
      %mul3A_285 = arith.mulf %bitcast3A_102, %bitcast3A_126 : vector<32xbf16>
      %mul3A_286 = arith.mulf %bitcast3A_110, %bitcast3A_118 : vector<32xbf16>
      %sub3A_287 = arith.subf %mul3A_285, %mul3A_286 : vector<32xbf16>
      %mul3A_288 = arith.mulf %bitcast3A_142, %sub3A_287 : vector<32xbf16>
      %add3A_289 = arith.addf %mul3A_284, %mul3A_288 : vector<32xbf16>
      %add3A_290 = arith.addf %add3A_280, %add3A_289 : vector<32xbf16>
      %unpack3A_291 = tpu.unpack_subelements %add3A_290, 0 {pack_format = #tpu.pack_format<interleaved>} : vector<32xbf16> -> vector<16xf32>
      %unpack3A_292 = tpu.unpack_subelements %add3A_290, 1 {pack_format = #tpu.pack_format<interleaved>} : vector<32xbf16> -> vector<16xf32>
      %add3A_293 = arith.addf %unpack3A_291, %unpack3A_292 : vector<16xf32>
      %swap3A_294 = arith.constant 16 : index
      %swap3A_295 = tpu.vector_load %arg17[%swap3A_294] {strides = array<i32>} : memref<256xf32, #tpu.memory_space<vmem>>, vector<16xf32>,
      tpu.vector_store %arg17[%swap3A_294], %add3A_293 {strides = array<i32>} : memref<256xf32, #tpu.memory_space<vmem>>, vector<16xf32>,
      %slice3A_296 = vector.extract_strided_slice %get3A_41 {offsets = [5], sizes = [1], strides = [1]} : vector<16xi32> to vector<1xi32>
      %squeeze3A_297 = vector.extract %slice3A_296[0] : i32 from vector<1xi32>
      %add3A_298 = arith.constant 2 : i32
      %add3A_299 = arith.addi %mul3A_37, %add3A_298 : i32
      %add3A_300 = arith.constant 2 : i32
      %add3A_301 = arith.addi %add3A_299, %add3A_300 : i32
      %get3A_302 = arith.index_cast %add3A_301 : i32 to index
      %get3A_303 = arith.constant 0 : index
      %get3A_304 = tpu.vector_load %arg12[%get3A_302, %get3A_303] {strides = array<i32>} : memref<80x64xi32, #tpu.memory_space<vmem>>, vector<16xi32>,
      %bitcast3A_305 = vector.bitcast %get3A_304 : vector<16xi32> to vector<32xbf16>
      %get3A_306 = arith.index_cast %add3A_301 : i32 to index
      %get3A_307 = arith.constant 16 : index
      %get3A_308 = tpu.vector_load %arg12[%get3A_306, %get3A_307] {strides = array<i32>} : memref<80x64xi32, #tpu.memory_space<vmem>>, vector<16xi32>,
      %bitcast3A_309 = vector.bitcast %get3A_308 : vector<16xi32> to vector<32xbf16>
      %get3A_310 = arith.index_cast %add3A_301 : i32 to index
      %get3A_311 = arith.constant 32 : index
      %get3A_312 = tpu.vector_load %arg12[%get3A_310, %get3A_311] {strides = array<i32>} : memref<80x64xi32, #tpu.memory_space<vmem>>, vector<16xi32>,
      %bitcast3A_313 = vector.bitcast %get3A_312 : vector<16xi32> to vector<32xbf16>
      %get3A_314 = arith.index_cast %add3A_301 : i32 to index
      %get3A_315 = arith.constant 48 : index
      %get3A_316 = tpu.vector_load %arg12[%get3A_314, %get3A_315] {strides = array<i32>} : memref<80x64xi32, #tpu.memory_space<vmem>>, vector<16xi32>,
      %bitcast3A_317 = vector.bitcast %get3A_316 : vector<16xi32> to vector<32xbf16>
      %get3A_318 = arith.index_cast %add3A_301 : i32 to index
      %get3A_319 = arith.constant 0 : index
      %get3A_320 = tpu.vector_load %arg13[%get3A_318, %get3A_319] {strides = array<i32>} : memref<80x64xi32, #tpu.memory_space<vmem>>, vector<16xi32>,
      %bitcast3A_321 = vector.bitcast %get3A_320 : vector<16xi32> to vector<32xbf16>
      %get3A_322 = arith.index_cast %add3A_301 : i32 to index
      %get3A_323 = arith.constant 16 : index
      %get3A_324 = tpu.vector_load %arg13[%get3A_322, %get3A_323] {strides = array<i32>} : memref<80x64xi32, #tpu.memory_space<vmem>>, vector<16xi32>,
      %bitcast3A_325 = vector.bitcast %get3A_324 : vector<16xi32> to vector<32xbf16>
      %get3A_326 = arith.index_cast %add3A_301 : i32 to index
      %get3A_327 = arith.constant 32 : index
      %get3A_328 = tpu.vector_load %arg13[%get3A_326, %get3A_327] {strides = array<i32>} : memref<80x64xi32, #tpu.memory_space<vmem>>, vector<16xi32>,
      %bitcast3A_329 = vector.bitcast %get3A_328 : vector<16xi32> to vector<32xbf16>
      %get3A_330 = arith.index_cast %add3A_301 : i32 to index
      %get3A_331 = arith.constant 48 : index
      %get3A_332 = tpu.vector_load %arg13[%get3A_330, %get3A_331] {strides = array<i32>} : memref<80x64xi32, #tpu.memory_space<vmem>>, vector<16xi32>,
      %bitcast3A_333 = vector.bitcast %get3A_332 : vector<16xi32> to vector<32xbf16>
      %get3A_334 = arith.index_cast %squeeze3A_219 : i32 to index
      %get3A_335 = arith.constant 0 : index
      %get3A_336 = tpu.vector_load %arg11[%get3A_334, %get3A_335] {strides = array<i32>} : memref<1000x64xi32, #tpu.memory_space<vmem>>, vector<16xi32>,
      %bitcast3A_337 = vector.bitcast %get3A_336 : vector<16xi32> to vector<32xbf16>
      %get3A_338 = arith.index_cast %squeeze3A_219 : i32 to index
      %get3A_339 = arith.constant 16 : index
      %get3A_340 = tpu.vector_load %arg11[%get3A_338, %get3A_339] {strides = array<i32>} : memref<1000x64xi32, #tpu.memory_space<vmem>>, vector<16xi32>,
      %bitcast3A_341 = vector.bitcast %get3A_340 : vector<16xi32> to vector<32xbf16>
      %get3A_342 = arith.index_cast %squeeze3A_219 : i32 to index
      %get3A_343 = arith.constant 32 : index
      %get3A_344 = tpu.vector_load %arg11[%get3A_342, %get3A_343] {strides = array<i32>} : memref<1000x64xi32, #tpu.memory_space<vmem>>, vector<16xi32>,
      %bitcast3A_345 = vector.bitcast %get3A_344 : vector<16xi32> to vector<32xbf16>
      %get3A_346 = arith.index_cast %squeeze3A_219 : i32 to index
      %get3A_347 = arith.constant 48 : index
      %get3A_348 = tpu.vector_load %arg11[%get3A_346, %get3A_347] {strides = array<i32>} : memref<1000x64xi32, #tpu.memory_space<vmem>>, vector<16xi32>,
      %bitcast3A_349 = vector.bitcast %get3A_348 : vector<16xi32> to vector<32xbf16>
      %mul3A_350 = arith.mulf %bitcast3A_152, %bitcast3A_168 : vector<32xbf16>
      %mul3A_351 = arith.mulf %bitcast3A_160, %bitcast3A_176 : vector<32xbf16>
      %add3A_352 = arith.addf %mul3A_350, %mul3A_351 : vector<32xbf16>
      %mul3A_353 = arith.mulf %bitcast3A_184, %add3A_352 : vector<32xbf16>
      %mul3A_354 = arith.mulf %bitcast3A_152, %bitcast3A_176 : vector<32xbf16>
      %mul3A_355 = arith.mulf %bitcast3A_160, %bitcast3A_168 : vector<32xbf16>
      %sub3A_356 = arith.subf %mul3A_354, %mul3A_355 : vector<32xbf16>
      %mul3A_357 = arith.mulf %bitcast3A_192, %sub3A_356 : vector<32xbf16>
      %add3A_358 = arith.addf %mul3A_353, %mul3A_357 : vector<32xbf16>
      %mul3A_359 = arith.mulf %bitcast3A_156, %bitcast3A_172 : vector<32xbf16>
      %mul3A_360 = arith.mulf %bitcast3A_164, %bitcast3A_180 : vector<32xbf16>
      %add3A_361 = arith.addf %mul3A_359, %mul3A_360 : vector<32xbf16>
      %mul3A_362 = arith.mulf %bitcast3A_188, %add3A_361 : vector<32xbf16>
      %mul3A_363 = arith.mulf %bitcast3A_156, %bitcast3A_180 : vector<32xbf16>
      %mul3A_364 = arith.mulf %bitcast3A_164, %bitcast3A_172 : vector<32xbf16>
      %sub3A_365 = arith.subf %mul3A_363, %mul3A_364 : vector<32xbf16>
      %mul3A_366 = arith.mulf %bitcast3A_196, %sub3A_365 : vector<32xbf16>
      %add3A_367 = arith.addf %mul3A_362, %mul3A_366 : vector<32xbf16>
      %add3A_368 = arith.addf %add3A_358, %add3A_367 : vector<32xbf16>
      %unpack3A_369 = tpu.unpack_subelements %add3A_368, 0 {pack_format = #tpu.pack_format<interleaved>} : vector<32xbf16> -> vector<16xf32>
      %unpack3A_370 = tpu.unpack_subelements %add3A_368, 1 {pack_format = #tpu.pack_format<interleaved>} : vector<32xbf16> -> vector<16xf32>
      %add3A_371 = arith.addf %unpack3A_369, %unpack3A_370 : vector<16xf32>
      %swap3A_372 = arith.constant 32 : index
      %swap3A_373 = tpu.vector_load %arg17[%swap3A_372] {strides = array<i32>} : memref<256xf32, #tpu.memory_space<vmem>>, vector<16xf32>,
      tpu.vector_store %arg17[%swap3A_372], %add3A_371 {strides = array<i32>} : memref<256xf32, #tpu.memory_space<vmem>>, vector<16xf32>,
      %slice3A_374 = vector.extract_strided_slice %get3A_41 {offsets = [6], sizes = [1], strides = [1]} : vector<16xi32> to vector<1xi32>
      %squeeze3A_375 = vector.extract %slice3A_374[0] : i32 from vector<1xi32>
      %add3A_376 = arith.constant 3 : i32
      %add3A_377 = arith.addi %mul3A_37, %add3A_376 : i32
      %add3A_378 = arith.constant 2 : i32
      %add3A_379 = arith.addi %add3A_377, %add3A_378 : i32
      %get3A_380 = arith.index_cast %add3A_379 : i32 to index
      %get3A_381 = arith.constant 0 : index
      %get3A_382 = tpu.vector_load %arg12[%get3A_380, %get3A_381] {strides = array<i32>} : memref<80x64xi32, #tpu.memory_space<vmem>>, vector<16xi32>,
      %bitcast3A_383 = vector.bitcast %get3A_382 : vector<16xi32> to vector<32xbf16>
      %get3A_384 = arith.index_cast %add3A_379 : i32 to index
      %get3A_385 = arith.constant 16 : index
      %get3A_386 = tpu.vector_load %arg12[%get3A_384, %get3A_385] {strides = array<i32>} : memref<80x64xi32, #tpu.memory_space<vmem>>, vector<16xi32>,
      %bitcast3A_387 = vector.bitcast %get3A_386 : vector<16xi32> to vector<32xbf16>
      %get3A_388 = arith.index_cast %add3A_379 : i32 to index
      %get3A_389 = arith.constant 32 : index
      %get3A_390 = tpu.vector_load %arg12[%get3A_388, %get3A_389] {strides = array<i32>} : memref<80x64xi32, #tpu.memory_space<vmem>>, vector<16xi32>,
      %bitcast3A_391 = vector.bitcast %get3A_390 : vector<16xi32> to vector<32xbf16>
      %get3A_392 = arith.index_cast %add3A_379 : i32 to index
      %get3A_393 = arith.constant 48 : index
      %get3A_394 = tpu.vector_load %arg12[%get3A_392, %get3A_393] {strides = array<i32>} : memref<80x64xi32, #tpu.memory_space<vmem>>, vector<16xi32>,
      %bitcast3A_395 = vector.bitcast %get3A_394 : vector<16xi32> to vector<32xbf16>
      %get3A_396 = arith.index_cast %add3A_379 : i32 to index
      %get3A_397 = arith.constant 0 : index
      %get3A_398 = tpu.vector_load %arg13[%get3A_396, %get3A_397] {strides = array<i32>} : memref<80x64xi32, #tpu.memory_space<vmem>>, vector<16xi32>,
      %bitcast3A_399 = vector.bitcast %get3A_398 : vector<16xi32> to vector<32xbf16>
      %get3A_400 = arith.index_cast %add3A_379 : i32 to index
      %get3A_401 = arith.constant 16 : index
      %get3A_402 = tpu.vector_load %arg13[%get3A_400, %get3A_401] {strides = array<i32>} : memref<80x64xi32, #tpu.memory_space<vmem>>, vector<16xi32>,
      %bitcast3A_403 = vector.bitcast %get3A_402 : vector<16xi32> to vector<32xbf16>
      %get3A_404 = arith.index_cast %add3A_379 : i32 to index
      %get3A_405 = arith.constant 32 : index
      %get3A_406 = tpu.vector_load %arg13[%get3A_404, %get3A_405] {strides = array<i32>} : memref<80x64xi32, #tpu.memory_space<vmem>>, vector<16xi32>,
      %bitcast3A_407 = vector.bitcast %get3A_406 : vector<16xi32> to vector<32xbf16>
      %get3A_408 = arith.index_cast %add3A_379 : i32 to index
      %get3A_409 = arith.constant 48 : index
      %get3A_410 = tpu.vector_load %arg13[%get3A_408, %get3A_409] {strides = array<i32>} : memref<80x64xi32, #tpu.memory_space<vmem>>, vector<16xi32>,
      %bitcast3A_411 = vector.bitcast %get3A_410 : vector<16xi32> to vector<32xbf16>
      %get3A_412 = arith.index_cast %squeeze3A_297 : i32 to index
      %get3A_413 = arith.constant 0 : index
      %get3A_414 = tpu.vector_load %arg11[%get3A_412, %get3A_413] {strides = array<i32>} : memref<1000x64xi32, #tpu.memory_space<vmem>>, vector<16xi32>,
      %bitcast3A_415 = vector.bitcast %get3A_414 : vector<16xi32> to vector<32xbf16>
      %get3A_416 = arith.index_cast %squeeze3A_297 : i32 to index
      %get3A_417 = arith.constant 16 : index
      %get3A_418 = tpu.vector_load %arg11[%get3A_416, %get3A_417] {strides = array<i32>} : memref<1000x64xi32, #tpu.memory_space<vmem>>, vector<16xi32>,
      %bitcast3A_419 = vector.bitcast %get3A_418 : vector<16xi32> to vector<32xbf16>
      %get3A_420 = arith.index_cast %squeeze3A_297 : i32 to index
      %get3A_421 = arith.constant 32 : index
      %get3A_422 = tpu.vector_load %arg11[%get3A_420, %get3A_421] {strides = array<i32>} : memref<1000x64xi32, #tpu.memory_space<vmem>>, vector<16xi32>,
      %bitcast3A_423 = vector.bitcast %get3A_422 : vector<16xi32> to vector<32xbf16>
      %get3A_424 = arith.index_cast %squeeze3A_297 : i32 to index
      %get3A_425 = arith.constant 48 : index
      %get3A_426 = tpu.vector_load %arg11[%get3A_424, %get3A_425] {strides = array<i32>} : memref<1000x64xi32, #tpu.memory_space<vmem>>, vector<16xi32>,
      %bitcast3A_427 = vector.bitcast %get3A_426 : vector<16xi32> to vector<32xbf16>
      %mul3A_428 = arith.mulf %bitcast3A_227, %bitcast3A_243 : vector<32xbf16>
      %mul3A_429 = arith.mulf %bitcast3A_235, %bitcast3A_251 : vector<32xbf16>
      %add3A_430 = arith.addf %mul3A_428, %mul3A_429 : vector<32xbf16>
      %mul3A_431 = arith.mulf %bitcast3A_259, %add3A_430 : vector<32xbf16>
      %mul3A_432 = arith.mulf %bitcast3A_227, %bitcast3A_251 : vector<32xbf16>
      %mul3A_433 = arith.mulf %bitcast3A_235, %bitcast3A_243 : vector<32xbf16>
      %sub3A_434 = arith.subf %mul3A_432, %mul3A_433 : vector<32xbf16>
      %mul3A_435 = arith.mulf %bitcast3A_267, %sub3A_434 : vector<32xbf16>
      %add3A_436 = arith.addf %mul3A_431, %mul3A_435 : vector<32xbf16>
      %mul3A_437 = arith.mulf %bitcast3A_231, %bitcast3A_247 : vector<32xbf16>
      %mul3A_438 = arith.mulf %bitcast3A_239, %bitcast3A_255 : vector<32xbf16>
      %add3A_439 = arith.addf %mul3A_437, %mul3A_438 : vector<32xbf16>
      %mul3A_440 = arith.mulf %bitcast3A_263, %add3A_439 : vector<32xbf16>
      %mul3A_441 = arith.mulf %bitcast3A_231, %bitcast3A_255 : vector<32xbf16>
      %mul3A_442 = arith.mulf %bitcast3A_239, %bitcast3A_247 : vector<32xbf16>
      %sub3A_443 = arith.subf %mul3A_441, %mul3A_442 : vector<32xbf16>
      %mul3A_444 = arith.mulf %bitcast3A_271, %sub3A_443 : vector<32xbf16>
      %add3A_445 = arith.addf %mul3A_440, %mul3A_444 : vector<32xbf16>
      %add3A_446 = arith.addf %add3A_436, %add3A_445 : vector<32xbf16>
      %unpack3A_447 = tpu.unpack_subelements %add3A_446, 0 {pack_format = #tpu.pack_format<interleaved>} : vector<32xbf16> -> vector<16xf32>
      %unpack3A_448 = tpu.unpack_subelements %add3A_446, 1 {pack_format = #tpu.pack_format<interleaved>} : vector<32xbf16> -> vector<16xf32>
      %add3A_449 = arith.addf %unpack3A_447, %unpack3A_448 : vector<16xf32>
      %swap3A_450 = arith.constant 48 : index
      %swap3A_451 = tpu.vector_load %arg17[%swap3A_450] {strides = array<i32>} : memref<256xf32, #tpu.memory_space<vmem>>, vector<16xf32>,
      tpu.vector_store %arg17[%swap3A_450], %add3A_449 {strides = array<i32>} : memref<256xf32, #tpu.memory_space<vmem>>, vector<16xf32>,
      %slice3A_452 = vector.extract_strided_slice %get3A_41 {offsets = [7], sizes = [1], strides = [1]} : vector<16xi32> to vector<1xi32>
      %squeeze3A_453 = vector.extract %slice3A_452[0] : i32 from vector<1xi32>
      %add3A_454 = arith.constant 4 : i32
      %add3A_455 = arith.addi %mul3A_37, %add3A_454 : i32
      %add3A_456 = arith.constant 2 : i32
      %add3A_457 = arith.addi %add3A_455, %add3A_456 : i32
      %get3A_458 = arith.index_cast %add3A_457 : i32 to index
      %get3A_459 = arith.constant 0 : index
      %get3A_460 = tpu.vector_load %arg12[%get3A_458, %get3A_459] {strides = array<i32>} : memref<80x64xi32, #tpu.memory_space<vmem>>, vector<16xi32>,
      %bitcast3A_461 = vector.bitcast %get3A_460 : vector<16xi32> to vector<32xbf16>
      %get3A_462 = arith.index_cast %add3A_457 : i32 to index
      %get3A_463 = arith.constant 16 : index
      %get3A_464 = tpu.vector_load %arg12[%get3A_462, %get3A_463] {strides = array<i32>} : memref<80x64xi32, #tpu.memory_space<vmem>>, vector<16xi32>,
      %bitcast3A_465 = vector.bitcast %get3A_464 : vector<16xi32> to vector<32xbf16>
      %get3A_466 = arith.index_cast %add3A_457 : i32 to index
      %get3A_467 = arith.constant 32 : index
      %get3A_468 = tpu.vector_load %arg12[%get3A_466, %get3A_467] {strides = array<i32>} : memref<80x64xi32, #tpu.memory_space<vmem>>, vector<16xi32>,
      %bitcast3A_469 = vector.bitcast %get3A_468 : vector<16xi32> to vector<32xbf16>
      %get3A_470 = arith.index_cast %add3A_457 : i32 to index
      %get3A_471 = arith.constant 48 : index
      %get3A_472 = tpu.vector_load %arg12[%get3A_470, %get3A_471] {strides = array<i32>} : memref<80x64xi32, #tpu.memory_space<vmem>>, vector<16xi32>,
      %bitcast3A_473 = vector.bitcast %get3A_472 : vector<16xi32> to vector<32xbf16>
      %get3A_474 = arith.index_cast %add3A_457 : i32 to index
      %get3A_475 = arith.constant 0 : index
      %get3A_476 = tpu.vector_load %arg13[%get3A_474, %get3A_475] {strides = array<i32>} : memref<80x64xi32, #tpu.memory_space<vmem>>, vector<16xi32>,
      %bitcast3A_477 = vector.bitcast %get3A_476 : vector<16xi32> to vector<32xbf16>
      %get3A_478 = arith.index_cast %add3A_457 : i32 to index
      %get3A_479 = arith.constant 16 : index
      %get3A_480 = tpu.vector_load %arg13[%get3A_478, %get3A_479] {strides = array<i32>} : memref<80x64xi32, #tpu.memory_space<vmem>>, vector<16xi32>,
      %bitcast3A_481 = vector.bitcast %get3A_480 : vector<16xi32> to vector<32xbf16>
      %get3A_482 = arith.index_cast %add3A_457 : i32 to index
      %get3A_483 = arith.constant 32 : index
      %get3A_484 = tpu.vector_load %arg13[%get3A_482, %get3A_483] {strides = array<i32>} : memref<80x64xi32, #tpu.memory_space<vmem>>, vector<16xi32>,
      %bitcast3A_485 = vector.bitcast %get3A_484 : vector<16xi32> to vector<32xbf16>
      %get3A_486 = arith.index_cast %add3A_457 : i32 to index
      %get3A_487 = arith.constant 48 : index
      %get3A_488 = tpu.vector_load %arg13[%get3A_486, %get3A_487] {strides = array<i32>} : memref<80x64xi32, #tpu.memory_space<vmem>>, vector<16xi32>,
      %bitcast3A_489 = vector.bitcast %get3A_488 : vector<16xi32> to vector<32xbf16>
      %get3A_490 = arith.index_cast %squeeze3A_375 : i32 to index
      %get3A_491 = arith.constant 0 : index
      %get3A_492 = tpu.vector_load %arg11[%get3A_490, %get3A_491] {strides = array<i32>} : memref<1000x64xi32, #tpu.memory_space<vmem>>, vector<16xi32>,
      %bitcast3A_493 = vector.bitcast %get3A_492 : vector<16xi32> to vector<32xbf16>
      %get3A_494 = arith.index_cast %squeeze3A_375 : i32 to index
      %get3A_495 = arith.constant 16 : index
      %get3A_496 = tpu.vector_load %arg11[%get3A_494, %get3A_495] {strides = array<i32>} : memref<1000x64xi32, #tpu.memory_space<vmem>>, vector<16xi32>,
      %bitcast3A_497 = vector.bitcast %get3A_496 : vector<16xi32> to vector<32xbf16>
      %get3A_498 = arith.index_cast %squeeze3A_375 : i32 to index
      %get3A_499 = arith.constant 32 : index
      %get3A_500 = tpu.vector_load %arg11[%get3A_498, %get3A_499] {strides = array<i32>} : memref<1000x64xi32, #tpu.memory_space<vmem>>, vector<16xi32>,
      %bitcast3A_501 = vector.bitcast %get3A_500 : vector<16xi32> to vector<32xbf16>
      %get3A_502 = arith.index_cast %squeeze3A_375 : i32 to index
      %get3A_503 = arith.constant 48 : index
      %get3A_504 = tpu.vector_load %arg11[%get3A_502, %get3A_503] {strides = array<i32>} : memref<1000x64xi32, #tpu.memory_space<vmem>>, vector<16xi32>,
      %bitcast3A_505 = vector.bitcast %get3A_504 : vector<16xi32> to vector<32xbf16>
      %mul3A_506 = arith.mulf %bitcast3A_305, %bitcast3A_321 : vector<32xbf16>
      %mul3A_507 = arith.mulf %bitcast3A_313, %bitcast3A_329 : vector<32xbf16>
      %add3A_508 = arith.addf %mul3A_506, %mul3A_507 : vector<32xbf16>
      %mul3A_509 = arith.mulf %bitcast3A_337, %add3A_508 : vector<32xbf16>
      %mul3A_510 = arith.mulf %bitcast3A_305, %bitcast3A_329 : vector<32xbf16>
      %mul3A_511 = arith.mulf %bitcast3A_313, %bitcast3A_321 : vector<32xbf16>
      %sub3A_512 = arith.subf %mul3A_510, %mul3A_511 : vector<32xbf16>
      %mul3A_513 = arith.mulf %bitcast3A_345, %sub3A_512 : vector<32xbf16>
      %add3A_514 = arith.addf %mul3A_509, %mul3A_513 : vector<32xbf16>
      %mul3A_515 = arith.mulf %bitcast3A_309, %bitcast3A_325 : vector<32xbf16>
      %mul3A_516 = arith.mulf %bitcast3A_317, %bitcast3A_333 : vector<32xbf16>
      %add3A_517 = arith.addf %mul3A_515, %mul3A_516 : vector<32xbf16>
      %mul3A_518 = arith.mulf %bitcast3A_341, %add3A_517 : vector<32xbf16>
      %mul3A_519 = arith.mulf %bitcast3A_309, %bitcast3A_333 : vector<32xbf16>
      %mul3A_520 = arith.mulf %bitcast3A_317, %bitcast3A_325 : vector<32xbf16>
      %sub3A_521 = arith.subf %mul3A_519, %mul3A_520 : vector<32xbf16>
      %mul3A_522 = arith.mulf %bitcast3A_349, %sub3A_521 : vector<32xbf16>
      %add3A_523 = arith.addf %mul3A_518, %mul3A_522 : vector<32xbf16>
      %add3A_524 = arith.addf %add3A_514, %add3A_523 : vector<32xbf16>
      %unpack3A_525 = tpu.unpack_subelements %add3A_524, 0 {pack_format = #tpu.pack_format<interleaved>} : vector<32xbf16> -> vector<16xf32>
      %unpack3A_526 = tpu.unpack_subelements %add3A_524, 1 {pack_format = #tpu.pack_format<interleaved>} : vector<32xbf16> -> vector<16xf32>
      %add3A_527 = arith.addf %unpack3A_525, %unpack3A_526 : vector<16xf32>
      %swap3A_528 = arith.constant 64 : index
      %swap3A_529 = tpu.vector_load %arg17[%swap3A_528] {strides = array<i32>} : memref<256xf32, #tpu.memory_space<vmem>>, vector<16xf32>,
      tpu.vector_store %arg17[%swap3A_528], %add3A_527 {strides = array<i32>} : memref<256xf32, #tpu.memory_space<vmem>>, vector<16xf32>,
      %slice3A_530 = vector.extract_strided_slice %get3A_41 {offsets = [8], sizes = [1], strides = [1]} : vector<16xi32> to vector<1xi32>
      %squeeze3A_531 = vector.extract %slice3A_530[0] : i32 from vector<1xi32>
      %add3A_532 = arith.constant 5 : i32
      %add3A_533 = arith.addi %mul3A_37, %add3A_532 : i32
      %add3A_534 = arith.constant 2 : i32
      %add3A_535 = arith.addi %add3A_533, %add3A_534 : i32
      %get3A_536 = arith.index_cast %add3A_535 : i32 to index
      %get3A_537 = arith.constant 0 : index
      %get3A_538 = tpu.vector_load %arg12[%get3A_536, %get3A_537] {strides = array<i32>} : memref<80x64xi32, #tpu.memory_space<vmem>>, vector<16xi32>,
      %bitcast3A_539 = vector.bitcast %get3A_538 : vector<16xi32> to vector<32xbf16>
      %get3A_540 = arith.index_cast %add3A_535 : i32 to index
      %get3A_541 = arith.constant 16 : index
      %get3A_542 = tpu.vector_load %arg12[%get3A_540, %get3A_541] {strides = array<i32>} : memref<80x64xi32, #tpu.memory_space<vmem>>, vector<16xi32>,
      %bitcast3A_543 = vector.bitcast %get3A_542 : vector<16xi32> to vector<32xbf16>
      %get3A_544 = arith.index_cast %add3A_535 : i32 to index
      %get3A_545 = arith.constant 32 : index
      %get3A_546 = tpu.vector_load %arg12[%get3A_544, %get3A_545] {strides = array<i32>} : memref<80x64xi32, #tpu.memory_space<vmem>>, vector<16xi32>,
      %bitcast3A_547 = vector.bitcast %get3A_546 : vector<16xi32> to vector<32xbf16>
      %get3A_548 = arith.index_cast %add3A_535 : i32 to index
      %get3A_549 = arith.constant 48 : index
      %get3A_550 = tpu.vector_load %arg12[%get3A_548, %get3A_549] {strides = array<i32>} : memref<80x64xi32, #tpu.memory_space<vmem>>, vector<16xi32>,
      %bitcast3A_551 = vector.bitcast %get3A_550 : vector<16xi32> to vector<32xbf16>
      %get3A_552 = arith.index_cast %add3A_535 : i32 to index
      %get3A_553 = arith.constant 0 : index
      %get3A_554 = tpu.vector_load %arg13[%get3A_552, %get3A_553] {strides = array<i32>} : memref<80x64xi32, #tpu.memory_space<vmem>>, vector<16xi32>,
      %bitcast3A_555 = vector.bitcast %get3A_554 : vector<16xi32> to vector<32xbf16>
      %get3A_556 = arith.index_cast %add3A_535 : i32 to index
      %get3A_557 = arith.constant 16 : index
      %get3A_558 = tpu.vector_load %arg13[%get3A_556, %get3A_557] {strides = array<i32>} : memref<80x64xi32, #tpu.memory_space<vmem>>, vector<16xi32>,
      %bitcast3A_559 = vector.bitcast %get3A_558 : vector<16xi32> to vector<32xbf16>
      %get3A_560 = arith.index_cast %add3A_535 : i32 to index
      %get3A_561 = arith.constant 32 : index
      %get3A_562 = tpu.vector_load %arg13[%get3A_560, %get3A_561] {strides = array<i32>} : memref<80x64xi32, #tpu.memory_space<vmem>>, vector<16xi32>,
      %bitcast3A_563 = vector.bitcast %get3A_562 : vector<16xi32> to vector<32xbf16>
      %get3A_564 = arith.index_cast %add3A_535 : i32 to index
      %get3A_565 = arith.constant 48 : index
      %get3A_566 = tpu.vector_load %arg13[%get3A_564, %get3A_565] {strides = array<i32>} : memref<80x64xi32, #tpu.memory_space<vmem>>, vector<16xi32>,
      %bitcast3A_567 = vector.bitcast %get3A_566 : vector<16xi32> to vector<32xbf16>
      %get3A_568 = arith.index_cast %squeeze3A_453 : i32 to index
      %get3A_569 = arith.constant 0 : index
      %get3A_570 = tpu.vector_load %arg11[%get3A_568, %get3A_569] {strides = array<i32>} : memref<1000x64xi32, #tpu.memory_space<vmem>>, vector<16xi32>,
      %bitcast3A_571 = vector.bitcast %get3A_570 : vector<16xi32> to vector<32xbf16>
      %get3A_572 = arith.index_cast %squeeze3A_453 : i32 to index
      %get3A_573 = arith.constant 16 : index
      %get3A_574 = tpu.vector_load %arg11[%get3A_572, %get3A_573] {strides = array<i32>} : memref<1000x64xi32, #tpu.memory_space<vmem>>, vector<16xi32>,
      %bitcast3A_575 = vector.bitcast %get3A_574 : vector<16xi32> to vector<32xbf16>
      %get3A_576 = arith.index_cast %squeeze3A_453 : i32 to index
      %get3A_577 = arith.constant 32 : index
      %get3A_578 = tpu.vector_load %arg11[%get3A_576, %get3A_577] {strides = array<i32>} : memref<1000x64xi32, #tpu.memory_space<vmem>>, vector<16xi32>,
      %bitcast3A_579 = vector.bitcast %get3A_578 : vector<16xi32> to vector<32xbf16>
      %get3A_580 = arith.index_cast %squeeze3A_453 : i32 to index
      %get3A_581 = arith.constant 48 : index
      %get3A_582 = tpu.vector_load %arg11[%get3A_580, %get3A_581] {strides = array<i32>} : memref<1000x64xi32, #tpu.memory_space<vmem>>, vector<16xi32>,
      %bitcast3A_583 = vector.bitcast %get3A_582 : vector<16xi32> to vector<32xbf16>
      %mul3A_584 = arith.mulf %bitcast3A_383, %bitcast3A_399 : vector<32xbf16>
      %mul3A_585 = arith.mulf %bitcast3A_391, %bitcast3A_407 : vector<32xbf16>
      %add3A_586 = arith.addf %mul3A_584, %mul3A_585 : vector<32xbf16>
      %mul3A_587 = arith.mulf %bitcast3A_415, %add3A_586 : vector<32xbf16>
      %mul3A_588 = arith.mulf %bitcast3A_383, %bitcast3A_407 : vector<32xbf16>
      %mul3A_589 = arith.mulf %bitcast3A_391, %bitcast3A_399 : vector<32xbf16>
      %sub3A_590 = arith.subf %mul3A_588, %mul3A_589 : vector<32xbf16>
      %mul3A_591 = arith.mulf %bitcast3A_423, %sub3A_590 : vector<32xbf16>
      %add3A_592 = arith.addf %mul3A_587, %mul3A_591 : vector<32xbf16>
      %mul3A_593 = arith.mulf %bitcast3A_387, %bitcast3A_403 : vector<32xbf16>
      %mul3A_594 = arith.mulf %bitcast3A_395, %bitcast3A_411 : vector<32xbf16>
      %add3A_595 = arith.addf %mul3A_593, %mul3A_594 : vector<32xbf16>
      %mul3A_596 = arith.mulf %bitcast3A_419, %add3A_595 : vector<32xbf16>
      %mul3A_597 = arith.mulf %bitcast3A_387, %bitcast3A_411 : vector<32xbf16>
      %mul3A_598 = arith.mulf %bitcast3A_395, %bitcast3A_403 : vector<32xbf16>
      %sub3A_599 = arith.subf %mul3A_597, %mul3A_598 : vector<32xbf16>
      %mul3A_600 = arith.mulf %bitcast3A_427, %sub3A_599 : vector<32xbf16>
      %add3A_601 = arith.addf %mul3A_596, %mul3A_600 : vector<32xbf16>
      %add3A_602 = arith.addf %add3A_592, %add3A_601 : vector<32xbf16>
      %unpack3A_603 = tpu.unpack_subelements %add3A_602, 0 {pack_format = #tpu.pack_format<interleaved>} : vector<32xbf16> -> vector<16xf32>
      %unpack3A_604 = tpu.unpack_subelements %add3A_602, 1 {pack_format = #tpu.pack_format<interleaved>} : vector<32xbf16> -> vector<16xf32>
      %add3A_605 = arith.addf %unpack3A_603, %unpack3A_604 : vector<16xf32>
      %swap3A_606 = arith.constant 80 : index
      %swap3A_607 = tpu.vector_load %arg17[%swap3A_606] {strides = array<i32>} : memref<256xf32, #tpu.memory_space<vmem>>, vector<16xf32>,
      tpu.vector_store %arg17[%swap3A_606], %add3A_605 {strides = array<i32>} : memref<256xf32, #tpu.memory_space<vmem>>, vector<16xf32>,
      %slice3A_608 = vector.extract_strided_slice %get3A_41 {offsets = [9], sizes = [1], strides = [1]} : vector<16xi32> to vector<1xi32>
      %squeeze3A_609 = vector.extract %slice3A_608[0] : i32 from vector<1xi32>
      %add3A_610 = arith.constant 6 : i32
      %add3A_611 = arith.addi %mul3A_37, %add3A_610 : i32
      %add3A_612 = arith.constant 2 : i32
      %add3A_613 = arith.addi %add3A_611, %add3A_612 : i32
      %get3A_614 = arith.index_cast %add3A_613 : i32 to index
      %get3A_615 = arith.constant 0 : index
      %get3A_616 = tpu.vector_load %arg12[%get3A_614, %get3A_615] {strides = array<i32>} : memref<80x64xi32, #tpu.memory_space<vmem>>, vector<16xi32>,
      %bitcast3A_617 = vector.bitcast %get3A_616 : vector<16xi32> to vector<32xbf16>
      %get3A_618 = arith.index_cast %add3A_613 : i32 to index
      %get3A_619 = arith.constant 16 : index
      %get3A_620 = tpu.vector_load %arg12[%get3A_618, %get3A_619] {strides = array<i32>} : memref<80x64xi32, #tpu.memory_space<vmem>>, vector<16xi32>,
      %bitcast3A_621 = vector.bitcast %get3A_620 : vector<16xi32> to vector<32xbf16>
      %get3A_622 = arith.index_cast %add3A_613 : i32 to index
      %get3A_623 = arith.constant 32 : index
      %get3A_624 = tpu.vector_load %arg12[%get3A_622, %get3A_623] {strides = array<i32>} : memref<80x64xi32, #tpu.memory_space<vmem>>, vector<16xi32>,
      %bitcast3A_625 = vector.bitcast %get3A_624 : vector<16xi32> to vector<32xbf16>
      %get3A_626 = arith.index_cast %add3A_613 : i32 to index
      %get3A_627 = arith.constant 48 : index
      %get3A_628 = tpu.vector_load %arg12[%get3A_626, %get3A_627] {strides = array<i32>} : memref<80x64xi32, #tpu.memory_space<vmem>>, vector<16xi32>,
      %bitcast3A_629 = vector.bitcast %get3A_628 : vector<16xi32> to vector<32xbf16>
      %get3A_630 = arith.index_cast %add3A_613 : i32 to index
      %get3A_631 = arith.constant 0 : index
      %get3A_632 = tpu.vector_load %arg13[%get3A_630, %get3A_631] {strides = array<i32>} : memref<80x64xi32, #tpu.memory_space<vmem>>, vector<16xi32>,
      %bitcast3A_633 = vector.bitcast %get3A_632 : vector<16xi32> to vector<32xbf16>
      %get3A_634 = arith.index_cast %add3A_613 : i32 to index
      %get3A_635 = arith.constant 16 : index
      %get3A_636 = tpu.vector_load %arg13[%get3A_634, %get3A_635] {strides = array<i32>} : memref<80x64xi32, #tpu.memory_space<vmem>>, vector<16xi32>,
      %bitcast3A_637 = vector.bitcast %get3A_636 : vector<16xi32> to vector<32xbf16>
      %get3A_638 = arith.index_cast %add3A_613 : i32 to index
      %get3A_639 = arith.constant 32 : index
      %get3A_640 = tpu.vector_load %arg13[%get3A_638, %get3A_639] {strides = array<i32>} : memref<80x64xi32, #tpu.memory_space<vmem>>, vector<16xi32>,
      %bitcast3A_641 = vector.bitcast %get3A_640 : vector<16xi32> to vector<32xbf16>
      %get3A_642 = arith.index_cast %add3A_613 : i32 to index
      %get3A_643 = arith.constant 48 : index
      %get3A_644 = tpu.vector_load %arg13[%get3A_642, %get3A_643] {strides = array<i32>} : memref<80x64xi32, #tpu.memory_space<vmem>>, vector<16xi32>,
      %bitcast3A_645 = vector.bitcast %get3A_644 : vector<16xi32> to vector<32xbf16>
      %get3A_646 = arith.index_cast %squeeze3A_531 : i32 to index
      %get3A_647 = arith.constant 0 : index
      %get3A_648 = tpu.vector_load %arg11[%get3A_646, %get3A_647] {strides = array<i32>} : memref<1000x64xi32, #tpu.memory_space<vmem>>, vector<16xi32>,
      %bitcast3A_649 = vector.bitcast %get3A_648 : vector<16xi32> to vector<32xbf16>
      %get3A_650 = arith.index_cast %squeeze3A_531 : i32 to index
      %get3A_651 = arith.constant 16 : index
      %get3A_652 = tpu.vector_load %arg11[%get3A_650, %get3A_651] {strides = array<i32>} : memref<1000x64xi32, #tpu.memory_space<vmem>>, vector<16xi32>,
      %bitcast3A_653 = vector.bitcast %get3A_652 : vector<16xi32> to vector<32xbf16>
      %get3A_654 = arith.index_cast %squeeze3A_531 : i32 to index
      %get3A_655 = arith.constant 32 : index
      %get3A_656 = tpu.vector_load %arg11[%get3A_654, %get3A_655] {strides = array<i32>} : memref<1000x64xi32, #tpu.memory_space<vmem>>, vector<16xi32>,
      %bitcast3A_657 = vector.bitcast %get3A_656 : vector<16xi32> to vector<32xbf16>
      %get3A_658 = arith.index_cast %squeeze3A_531 : i32 to index
      %get3A_659 = arith.constant 48 : index
      %get3A_660 = tpu.vector_load %arg11[%get3A_658, %get3A_659] {strides = array<i32>} : memref<1000x64xi32, #tpu.memory_space<vmem>>, vector<16xi32>,
      %bitcast3A_661 = vector.bitcast %get3A_660 : vector<16xi32> to vector<32xbf16>
      %mul3A_662 = arith.mulf %bitcast3A_461, %bitcast3A_477 : vector<32xbf16>
      %mul3A_663 = arith.mulf %bitcast3A_469, %bitcast3A_485 : vector<32xbf16>
      %add3A_664 = arith.addf %mul3A_662, %mul3A_663 : vector<32xbf16>
      %mul3A_665 = arith.mulf %bitcast3A_493, %add3A_664 : vector<32xbf16>
      %mul3A_666 = arith.mulf %bitcast3A_461, %bitcast3A_485 : vector<32xbf16>
      %mul3A_667 = arith.mulf %bitcast3A_469, %bitcast3A_477 : vector<32xbf16>
      %sub3A_668 = arith.subf %mul3A_666, %mul3A_667 : vector<32xbf16>
      %mul3A_669 = arith.mulf %bitcast3A_501, %sub3A_668 : vector<32xbf16>
      %add3A_670 = arith.addf %mul3A_665, %mul3A_669 : vector<32xbf16>
      %mul3A_671 = arith.mulf %bitcast3A_465, %bitcast3A_481 : vector<32xbf16>
      %mul3A_672 = arith.mulf %bitcast3A_473, %bitcast3A_489 : vector<32xbf16>
      %add3A_673 = arith.addf %mul3A_671, %mul3A_672 : vector<32xbf16>
      %mul3A_674 = arith.mulf %bitcast3A_497, %add3A_673 : vector<32xbf16>
      %mul3A_675 = arith.mulf %bitcast3A_465, %bitcast3A_489 : vector<32xbf16>
      %mul3A_676 = arith.mulf %bitcast3A_473, %bitcast3A_481 : vector<32xbf16>
      %sub3A_677 = arith.subf %mul3A_675, %mul3A_676 : vector<32xbf16>
      %mul3A_678 = arith.mulf %bitcast3A_505, %sub3A_677 : vector<32xbf16>
      %add3A_679 = arith.addf %mul3A_674, %mul3A_678 : vector<32xbf16>
      %add3A_680 = arith.addf %add3A_670, %add3A_679 : vector<32xbf16>
      %unpack3A_681 = tpu.unpack_subelements %add3A_680, 0 {pack_format = #tpu.pack_format<interleaved>} : vector<32xbf16> -> vector<16xf32>
      %unpack3A_682 = tpu.unpack_subelements %add3A_680, 1 {pack_format = #tpu.pack_format<interleaved>} : vector<32xbf16> -> vector<16xf32>
      %add3A_683 = arith.addf %unpack3A_681, %unpack3A_682 : vector<16xf32>
      %swap3A_684 = arith.constant 96 : index
      %swap3A_685 = tpu.vector_load %arg17[%swap3A_684] {strides = array<i32>} : memref<256xf32, #tpu.memory_space<vmem>>, vector<16xf32>,
      tpu.vector_store %arg17[%swap3A_684], %add3A_683 {strides = array<i32>} : memref<256xf32, #tpu.memory_space<vmem>>, vector<16xf32>,
      %slice3A_686 = vector.extract_strided_slice %get3A_41 {offsets = [10], sizes = [1], strides = [1]} : vector<16xi32> to vector<1xi32>
      %squeeze3A_687 = vector.extract %slice3A_686[0] : i32 from vector<1xi32>
      %add3A_688 = arith.constant 7 : i32
      %add3A_689 = arith.addi %mul3A_37, %add3A_688 : i32
      %add3A_690 = arith.constant 2 : i32
      %add3A_691 = arith.addi %add3A_689, %add3A_690 : i32
      %get3A_692 = arith.index_cast %add3A_691 : i32 to index
      %get3A_693 = arith.constant 0 : index
      %get3A_694 = tpu.vector_load %arg12[%get3A_692, %get3A_693] {strides = array<i32>} : memref<80x64xi32, #tpu.memory_space<vmem>>, vector<16xi32>,
      %bitcast3A_695 = vector.bitcast %get3A_694 : vector<16xi32> to vector<32xbf16>
      %get3A_696 = arith.index_cast %add3A_691 : i32 to index
      %get3A_697 = arith.constant 16 : index
      %get3A_698 = tpu.vector_load %arg12[%get3A_696, %get3A_697] {strides = array<i32>} : memref<80x64xi32, #tpu.memory_space<vmem>>, vector<16xi32>,
      %bitcast3A_699 = vector.bitcast %get3A_698 : vector<16xi32> to vector<32xbf16>
      %get3A_700 = arith.index_cast %add3A_691 : i32 to index
      %get3A_701 = arith.constant 32 : index
      %get3A_702 = tpu.vector_load %arg12[%get3A_700, %get3A_701] {strides = array<i32>} : memref<80x64xi32, #tpu.memory_space<vmem>>, vector<16xi32>,
      %bitcast3A_703 = vector.bitcast %get3A_702 : vector<16xi32> to vector<32xbf16>
      %get3A_704 = arith.index_cast %add3A_691 : i32 to index
      %get3A_705 = arith.constant 48 : index
      %get3A_706 = tpu.vector_load %arg12[%get3A_704, %get3A_705] {strides = array<i32>} : memref<80x64xi32, #tpu.memory_space<vmem>>, vector<16xi32>,
      %bitcast3A_707 = vector.bitcast %get3A_706 : vector<16xi32> to vector<32xbf16>
      %get3A_708 = arith.index_cast %add3A_691 : i32 to index
      %get3A_709 = arith.constant 0 : index
      %get3A_710 = tpu.vector_load %arg13[%get3A_708, %get3A_709] {strides = array<i32>} : memref<80x64xi32, #tpu.memory_space<vmem>>, vector<16xi32>,
      %bitcast3A_711 = vector.bitcast %get3A_710 : vector<16xi32> to vector<32xbf16>
      %get3A_712 = arith.index_cast %add3A_691 : i32 to index
      %get3A_713 = arith.constant 16 : index
      %get3A_714 = tpu.vector_load %arg13[%get3A_712, %get3A_713] {strides = array<i32>} : memref<80x64xi32, #tpu.memory_space<vmem>>, vector<16xi32>,
      %bitcast3A_715 = vector.bitcast %get3A_714 : vector<16xi32> to vector<32xbf16>
      %get3A_716 = arith.index_cast %add3A_691 : i32 to index
      %get3A_717 = arith.constant 32 : index
      %get3A_718 = tpu.vector_load %arg13[%get3A_716, %get3A_717] {strides = array<i32>} : memref<80x64xi32, #tpu.memory_space<vmem>>, vector<16xi32>,
      %bitcast3A_719 = vector.bitcast %get3A_718 : vector<16xi32> to vector<32xbf16>
      %get3A_720 = arith.index_cast %add3A_691 : i32 to index
      %get3A_721 = arith.constant 48 : index
      %get3A_722 = tpu.vector_load %arg13[%get3A_720, %get3A_721] {strides = array<i32>} : memref<80x64xi32, #tpu.memory_space<vmem>>, vector<16xi32>,
      %bitcast3A_723 = vector.bitcast %get3A_722 : vector<16xi32> to vector<32xbf16>
      %get3A_724 = arith.index_cast %squeeze3A_609 : i32 to index
      %get3A_725 = arith.constant 0 : index
      %get3A_726 = tpu.vector_load %arg11[%get3A_724, %get3A_725] {strides = array<i32>} : memref<1000x64xi32, #tpu.memory_space<vmem>>, vector<16xi32>,
      %bitcast3A_727 = vector.bitcast %get3A_726 : vector<16xi32> to vector<32xbf16>
      %get3A_728 = arith.index_cast %squeeze3A_609 : i32 to index
      %get3A_729 = arith.constant 16 : index
      %get3A_730 = tpu.vector_load %arg11[%get3A_728, %get3A_729] {strides = array<i32>} : memref<1000x64xi32, #tpu.memory_space<vmem>>, vector<16xi32>,
      %bitcast3A_731 = vector.bitcast %get3A_730 : vector<16xi32> to vector<32xbf16>
      %get3A_732 = arith.index_cast %squeeze3A_609 : i32 to index
      %get3A_733 = arith.constant 32 : index
      %get3A_734 = tpu.vector_load %arg11[%get3A_732, %get3A_733] {strides = array<i32>} : memref<1000x64xi32, #tpu.memory_space<vmem>>, vector<16xi32>,
      %bitcast3A_735 = vector.bitcast %get3A_734 : vector<16xi32> to vector<32xbf16>
      %get3A_736 = arith.index_cast %squeeze3A_609 : i32 to index
      %get3A_737 = arith.constant 48 : index
      %get3A_738 = tpu.vector_load %arg11[%get3A_736, %get3A_737] {strides = array<i32>} : memref<1000x64xi32, #tpu.memory_space<vmem>>, vector<16xi32>,
      %bitcast3A_739 = vector.bitcast %get3A_738 : vector<16xi32> to vector<32xbf16>
      %mul3A_740 = arith.mulf %bitcast3A_539, %bitcast3A_555 : vector<32xbf16>
      %mul3A_741 = arith.mulf %bitcast3A_547, %bitcast3A_563 : vector<32xbf16>
      %add3A_742 = arith.addf %mul3A_740, %mul3A_741 : vector<32xbf16>
      %mul3A_743 = arith.mulf %bitcast3A_571, %add3A_742 : vector<32xbf16>
      %mul3A_744 = arith.mulf %bitcast3A_539, %bitcast3A_563 : vector<32xbf16>
      %mul3A_745 = arith.mulf %bitcast3A_547, %bitcast3A_555 : vector<32xbf16>
      %sub3A_746 = arith.subf %mul3A_744, %mul3A_745 : vector<32xbf16>
      %mul3A_747 = arith.mulf %bitcast3A_579, %sub3A_746 : vector<32xbf16>
      %add3A_748 = arith.addf %mul3A_743, %mul3A_747 : vector<32xbf16>
      %mul3A_749 = arith.mulf %bitcast3A_543, %bitcast3A_559 : vector<32xbf16>
      %mul3A_750 = arith.mulf %bitcast3A_551, %bitcast3A_567 : vector<32xbf16>
      %add3A_751 = arith.addf %mul3A_749, %mul3A_750 : vector<32xbf16>
      %mul3A_752 = arith.mulf %bitcast3A_575, %add3A_751 : vector<32xbf16>
      %mul3A_753 = arith.mulf %bitcast3A_543, %bitcast3A_567 : vector<32xbf16>
      %mul3A_754 = arith.mulf %bitcast3A_551, %bitcast3A_559 : vector<32xbf16>
      %sub3A_755 = arith.subf %mul3A_753, %mul3A_754 : vector<32xbf16>
      %mul3A_756 = arith.mulf %bitcast3A_583, %sub3A_755 : vector<32xbf16>
      %add3A_757 = arith.addf %mul3A_752, %mul3A_756 : vector<32xbf16>
      %add3A_758 = arith.addf %add3A_748, %add3A_757 : vector<32xbf16>
      %unpack3A_759 = tpu.unpack_subelements %add3A_758, 0 {pack_format = #tpu.pack_format<interleaved>} : vector<32xbf16> -> vector<16xf32>
      %unpack3A_760 = tpu.unpack_subelements %add3A_758, 1 {pack_format = #tpu.pack_format<interleaved>} : vector<32xbf16> -> vector<16xf32>
      %add3A_761 = arith.addf %unpack3A_759, %unpack3A_760 : vector<16xf32>
      %swap3A_762 = arith.constant 112 : index
      %swap3A_763 = tpu.vector_load %arg17[%swap3A_762] {strides = array<i32>} : memref<256xf32, #tpu.memory_space<vmem>>, vector<16xf32>,
      tpu.vector_store %arg17[%swap3A_762], %add3A_761 {strides = array<i32>} : memref<256xf32, #tpu.memory_space<vmem>>, vector<16xf32>,
      %slice3A_764 = vector.extract_strided_slice %get3A_41 {offsets = [11], sizes = [1], strides = [1]} : vector<16xi32> to vector<1xi32>
      %squeeze3A_765 = vector.extract %slice3A_764[0] : i32 from vector<1xi32>
      %add3A_766 = arith.constant 8 : i32
      %add3A_767 = arith.addi %mul3A_37, %add3A_766 : i32
      %add3A_768 = arith.constant 2 : i32
      %add3A_769 = arith.addi %add3A_767, %add3A_768 : i32
      %get3A_770 = arith.index_cast %add3A_769 : i32 to index
      %get3A_771 = arith.constant 0 : index
      %get3A_772 = tpu.vector_load %arg12[%get3A_770, %get3A_771] {strides = array<i32>} : memref<80x64xi32, #tpu.memory_space<vmem>>, vector<16xi32>,
      %bitcast3A_773 = vector.bitcast %get3A_772 : vector<16xi32> to vector<32xbf16>
      %get3A_774 = arith.index_cast %add3A_769 : i32 to index
      %get3A_775 = arith.constant 16 : index
      %get3A_776 = tpu.vector_load %arg12[%get3A_774, %get3A_775] {strides = array<i32>} : memref<80x64xi32, #tpu.memory_space<vmem>>, vector<16xi32>,
      %bitcast3A_777 = vector.bitcast %get3A_776 : vector<16xi32> to vector<32xbf16>
      %get3A_778 = arith.index_cast %add3A_769 : i32 to index
      %get3A_779 = arith.constant 32 : index
      %get3A_780 = tpu.vector_load %arg12[%get3A_778, %get3A_779] {strides = array<i32>} : memref<80x64xi32, #tpu.memory_space<vmem>>, vector<16xi32>,
      %bitcast3A_781 = vector.bitcast %get3A_780 : vector<16xi32> to vector<32xbf16>
      %get3A_782 = arith.index_cast %add3A_769 : i32 to index
      %get3A_783 = arith.constant 48 : index
      %get3A_784 = tpu.vector_load %arg12[%get3A_782, %get3A_783] {strides = array<i32>} : memref<80x64xi32, #tpu.memory_space<vmem>>, vector<16xi32>,
      %bitcast3A_785 = vector.bitcast %get3A_784 : vector<16xi32> to vector<32xbf16>
      %get3A_786 = arith.index_cast %add3A_769 : i32 to index
      %get3A_787 = arith.constant 0 : index
      %get3A_788 = tpu.vector_load %arg13[%get3A_786, %get3A_787] {strides = array<i32>} : memref<80x64xi32, #tpu.memory_space<vmem>>, vector<16xi32>,
      %bitcast3A_789 = vector.bitcast %get3A_788 : vector<16xi32> to vector<32xbf16>
      %get3A_790 = arith.index_cast %add3A_769 : i32 to index
      %get3A_791 = arith.constant 16 : index
      %get3A_792 = tpu.vector_load %arg13[%get3A_790, %get3A_791] {strides = array<i32>} : memref<80x64xi32, #tpu.memory_space<vmem>>, vector<16xi32>,
      %bitcast3A_793 = vector.bitcast %get3A_792 : vector<16xi32> to vector<32xbf16>
      %get3A_794 = arith.index_cast %add3A_769 : i32 to index
      %get3A_795 = arith.constant 32 : index
      %get3A_796 = tpu.vector_load %arg13[%get3A_794, %get3A_795] {strides = array<i32>} : memref<80x64xi32, #tpu.memory_space<vmem>>, vector<16xi32>,
      %bitcast3A_797 = vector.bitcast %get3A_796 : vector<16xi32> to vector<32xbf16>
      %get3A_798 = arith.index_cast %add3A_769 : i32 to index
      %get3A_799 = arith.constant 48 : index
      %get3A_800 = tpu.vector_load %arg13[%get3A_798, %get3A_799] {strides = array<i32>} : memref<80x64xi32, #tpu.memory_space<vmem>>, vector<16xi32>,
      %bitcast3A_801 = vector.bitcast %get3A_800 : vector<16xi32> to vector<32xbf16>
      %get3A_802 = arith.index_cast %squeeze3A_687 : i32 to index
      %get3A_803 = arith.constant 0 : index
      %get3A_804 = tpu.vector_load %arg11[%get3A_802, %get3A_803] {strides = array<i32>} : memref<1000x64xi32, #tpu.memory_space<vmem>>, vector<16xi32>,
      %bitcast3A_805 = vector.bitcast %get3A_804 : vector<16xi32> to vector<32xbf16>
      %get3A_806 = arith.index_cast %squeeze3A_687 : i32 to index
      %get3A_807 = arith.constant 16 : index
      %get3A_808 = tpu.vector_load %arg11[%get3A_806, %get3A_807] {strides = array<i32>} : memref<1000x64xi32, #tpu.memory_space<vmem>>, vector<16xi32>,
      %bitcast3A_809 = vector.bitcast %get3A_808 : vector<16xi32> to vector<32xbf16>
      %get3A_810 = arith.index_cast %squeeze3A_687 : i32 to index
      %get3A_811 = arith.constant 32 : index
      %get3A_812 = tpu.vector_load %arg11[%get3A_810, %get3A_811] {strides = array<i32>} : memref<1000x64xi32, #tpu.memory_space<vmem>>, vector<16xi32>,
      %bitcast3A_813 = vector.bitcast %get3A_812 : vector<16xi32> to vector<32xbf16>
      %get3A_814 = arith.index_cast %squeeze3A_687 : i32 to index
      %get3A_815 = arith.constant 48 : index
      %get3A_816 = tpu.vector_load %arg11[%get3A_814, %get3A_815] {strides = array<i32>} : memref<1000x64xi32, #tpu.memory_space<vmem>>, vector<16xi32>,
      %bitcast3A_817 = vector.bitcast %get3A_816 : vector<16xi32> to vector<32xbf16>
      %mul3A_818 = arith.mulf %bitcast3A_617, %bitcast3A_633 : vector<32xbf16>
      %mul3A_819 = arith.mulf %bitcast3A_625, %bitcast3A_641 : vector<32xbf16>
      %add3A_820 = arith.addf %mul3A_818, %mul3A_819 : vector<32xbf16>
      %mul3A_821 = arith.mulf %bitcast3A_649, %add3A_820 : vector<32xbf16>
      %mul3A_822 = arith.mulf %bitcast3A_617, %bitcast3A_641 : vector<32xbf16>
      %mul3A_823 = arith.mulf %bitcast3A_625, %bitcast3A_633 : vector<32xbf16>
      %sub3A_824 = arith.subf %mul3A_822, %mul3A_823 : vector<32xbf16>
      %mul3A_825 = arith.mulf %bitcast3A_657, %sub3A_824 : vector<32xbf16>
      %add3A_826 = arith.addf %mul3A_821, %mul3A_825 : vector<32xbf16>
      %mul3A_827 = arith.mulf %bitcast3A_621, %bitcast3A_637 : vector<32xbf16>
      %mul3A_828 = arith.mulf %bitcast3A_629, %bitcast3A_645 : vector<32xbf16>
      %add3A_829 = arith.addf %mul3A_827, %mul3A_828 : vector<32xbf16>
      %mul3A_830 = arith.mulf %bitcast3A_653, %add3A_829 : vector<32xbf16>
      %mul3A_831 = arith.mulf %bitcast3A_621, %bitcast3A_645 : vector<32xbf16>
      %mul3A_832 = arith.mulf %bitcast3A_629, %bitcast3A_637 : vector<32xbf16>
      %sub3A_833 = arith.subf %mul3A_831, %mul3A_832 : vector<32xbf16>
      %mul3A_834 = arith.mulf %bitcast3A_661, %sub3A_833 : vector<32xbf16>
      %add3A_835 = arith.addf %mul3A_830, %mul3A_834 : vector<32xbf16>
      %add3A_836 = arith.addf %add3A_826, %add3A_835 : vector<32xbf16>
      %unpack3A_837 = tpu.unpack_subelements %add3A_836, 0 {pack_format = #tpu.pack_format<interleaved>} : vector<32xbf16> -> vector<16xf32>
      %unpack3A_838 = tpu.unpack_subelements %add3A_836, 1 {pack_format = #tpu.pack_format<interleaved>} : vector<32xbf16> -> vector<16xf32>
      %add3A_839 = arith.addf %unpack3A_837, %unpack3A_838 : vector<16xf32>
      %swap3A_840 = arith.constant 128 : index
      %swap3A_841 = tpu.vector_load %arg17[%swap3A_840] {strides = array<i32>} : memref<256xf32, #tpu.memory_space<vmem>>, vector<16xf32>,
      tpu.vector_store %arg17[%swap3A_840], %add3A_839 {strides = array<i32>} : memref<256xf32, #tpu.memory_space<vmem>>, vector<16xf32>,
      %slice3A_842 = vector.extract_strided_slice %get3A_41 {offsets = [12], sizes = [1], strides = [1]} : vector<16xi32> to vector<1xi32>
      %squeeze3A_843 = vector.extract %slice3A_842[0] : i32 from vector<1xi32>
      %add3A_844 = arith.constant 9 : i32
      %add3A_845 = arith.addi %mul3A_37, %add3A_844 : i32
      %add3A_846 = arith.constant 2 : i32
      %add3A_847 = arith.addi %add3A_845, %add3A_846 : i32
      %get3A_848 = arith.index_cast %add3A_847 : i32 to index
      %get3A_849 = arith.constant 0 : index
      %get3A_850 = tpu.vector_load %arg12[%get3A_848, %get3A_849] {strides = array<i32>} : memref<80x64xi32, #tpu.memory_space<vmem>>, vector<16xi32>,
      %bitcast3A_851 = vector.bitcast %get3A_850 : vector<16xi32> to vector<32xbf16>
      %get3A_852 = arith.index_cast %add3A_847 : i32 to index
      %get3A_853 = arith.constant 16 : index
      %get3A_854 = tpu.vector_load %arg12[%get3A_852, %get3A_853] {strides = array<i32>} : memref<80x64xi32, #tpu.memory_space<vmem>>, vector<16xi32>,
      %bitcast3A_855 = vector.bitcast %get3A_854 : vector<16xi32> to vector<32xbf16>
      %get3A_856 = arith.index_cast %add3A_847 : i32 to index
      %get3A_857 = arith.constant 32 : index
      %get3A_858 = tpu.vector_load %arg12[%get3A_856, %get3A_857] {strides = array<i32>} : memref<80x64xi32, #tpu.memory_space<vmem>>, vector<16xi32>,
      %bitcast3A_859 = vector.bitcast %get3A_858 : vector<16xi32> to vector<32xbf16>
      %get3A_860 = arith.index_cast %add3A_847 : i32 to index
      %get3A_861 = arith.constant 48 : index
      %get3A_862 = tpu.vector_load %arg12[%get3A_860, %get3A_861] {strides = array<i32>} : memref<80x64xi32, #tpu.memory_space<vmem>>, vector<16xi32>,
      %bitcast3A_863 = vector.bitcast %get3A_862 : vector<16xi32> to vector<32xbf16>
      %get3A_864 = arith.index_cast %add3A_847 : i32 to index
      %get3A_865 = arith.constant 0 : index
      %get3A_866 = tpu.vector_load %arg13[%get3A_864, %get3A_865] {strides = array<i32>} : memref<80x64xi32, #tpu.memory_space<vmem>>, vector<16xi32>,
      %bitcast3A_867 = vector.bitcast %get3A_866 : vector<16xi32> to vector<32xbf16>
      %get3A_868 = arith.index_cast %add3A_847 : i32 to index
      %get3A_869 = arith.constant 16 : index
      %get3A_870 = tpu.vector_load %arg13[%get3A_868, %get3A_869] {strides = array<i32>} : memref<80x64xi32, #tpu.memory_space<vmem>>, vector<16xi32>,
      %bitcast3A_871 = vector.bitcast %get3A_870 : vector<16xi32> to vector<32xbf16>
      %get3A_872 = arith.index_cast %add3A_847 : i32 to index
      %get3A_873 = arith.constant 32 : index
      %get3A_874 = tpu.vector_load %arg13[%get3A_872, %get3A_873] {strides = array<i32>} : memref<80x64xi32, #tpu.memory_space<vmem>>, vector<16xi32>,
      %bitcast3A_875 = vector.bitcast %get3A_874 : vector<16xi32> to vector<32xbf16>
      %get3A_876 = arith.index_cast %add3A_847 : i32 to index
      %get3A_877 = arith.constant 48 : index
      %get3A_878 = tpu.vector_load %arg13[%get3A_876, %get3A_877] {strides = array<i32>} : memref<80x64xi32, #tpu.memory_space<vmem>>, vector<16xi32>,
      %bitcast3A_879 = vector.bitcast %get3A_878 : vector<16xi32> to vector<32xbf16>
      %get3A_880 = arith.index_cast %squeeze3A_765 : i32 to index
      %get3A_881 = arith.constant 0 : index
      %get3A_882 = tpu.vector_load %arg11[%get3A_880, %get3A_881] {strides = array<i32>} : memref<1000x64xi32, #tpu.memory_space<vmem>>, vector<16xi32>,
      %bitcast3A_883 = vector.bitcast %get3A_882 : vector<16xi32> to vector<32xbf16>
      %get3A_884 = arith.index_cast %squeeze3A_765 : i32 to index
      %get3A_885 = arith.constant 16 : index
      %get3A_886 = tpu.vector_load %arg11[%get3A_884, %get3A_885] {strides = array<i32>} : memref<1000x64xi32, #tpu.memory_space<vmem>>, vector<16xi32>,
      %bitcast3A_887 = vector.bitcast %get3A_886 : vector<16xi32> to vector<32xbf16>
      %get3A_888 = arith.index_cast %squeeze3A_765 : i32 to index
      %get3A_889 = arith.constant 32 : index
      %get3A_890 = tpu.vector_load %arg11[%get3A_888, %get3A_889] {strides = array<i32>} : memref<1000x64xi32, #tpu.memory_space<vmem>>, vector<16xi32>,
      %bitcast3A_891 = vector.bitcast %get3A_890 : vector<16xi32> to vector<32xbf16>
      %get3A_892 = arith.index_cast %squeeze3A_765 : i32 to index
      %get3A_893 = arith.constant 48 : index
      %get3A_894 = tpu.vector_load %arg11[%get3A_892, %get3A_893] {strides = array<i32>} : memref<1000x64xi32, #tpu.memory_space<vmem>>, vector<16xi32>,
      %bitcast3A_895 = vector.bitcast %get3A_894 : vector<16xi32> to vector<32xbf16>
      %mul3A_896 = arith.mulf %bitcast3A_695, %bitcast3A_711 : vector<32xbf16>
      %mul3A_897 = arith.mulf %bitcast3A_703, %bitcast3A_719 : vector<32xbf16>
      %add3A_898 = arith.addf %mul3A_896, %mul3A_897 : vector<32xbf16>
      %mul3A_899 = arith.mulf %bitcast3A_727, %add3A_898 : vector<32xbf16>
      %mul3A_900 = arith.mulf %bitcast3A_695, %bitcast3A_719 : vector<32xbf16>
      %mul3A_901 = arith.mulf %bitcast3A_703, %bitcast3A_711 : vector<32xbf16>
      %sub3A_902 = arith.subf %mul3A_900, %mul3A_901 : vector<32xbf16>
      %mul3A_903 = arith.mulf %bitcast3A_735, %sub3A_902 : vector<32xbf16>
      %add3A_904 = arith.addf %mul3A_899, %mul3A_903 : vector<32xbf16>
      %mul3A_905 = arith.mulf %bitcast3A_699, %bitcast3A_715 : vector<32xbf16>
      %mul3A_906 = arith.mulf %bitcast3A_707, %bitcast3A_723 : vector<32xbf16>
      %add3A_907 = arith.addf %mul3A_905, %mul3A_906 : vector<32xbf16>
      %mul3A_908 = arith.mulf %bitcast3A_731, %add3A_907 : vector<32xbf16>
      %mul3A_909 = arith.mulf %bitcast3A_699, %bitcast3A_723 : vector<32xbf16>
      %mul3A_910 = arith.mulf %bitcast3A_707, %bitcast3A_715 : vector<32xbf16>
      %sub3A_911 = arith.subf %mul3A_909, %mul3A_910 : vector<32xbf16>
      %mul3A_912 = arith.mulf %bitcast3A_739, %sub3A_911 : vector<32xbf16>
      %add3A_913 = arith.addf %mul3A_908, %mul3A_912 : vector<32xbf16>
      %add3A_914 = arith.addf %add3A_904, %add3A_913 : vector<32xbf16>
      %unpack3A_915 = tpu.unpack_subelements %add3A_914, 0 {pack_format = #tpu.pack_format<interleaved>} : vector<32xbf16> -> vector<16xf32>
      %unpack3A_916 = tpu.unpack_subelements %add3A_914, 1 {pack_format = #tpu.pack_format<interleaved>} : vector<32xbf16> -> vector<16xf32>
      %add3A_917 = arith.addf %unpack3A_915, %unpack3A_916 : vector<16xf32>
      %swap3A_918 = arith.constant 144 : index
      %swap3A_919 = tpu.vector_load %arg17[%swap3A_918] {strides = array<i32>} : memref<256xf32, #tpu.memory_space<vmem>>, vector<16xf32>,
      tpu.vector_store %arg17[%swap3A_918], %add3A_917 {strides = array<i32>} : memref<256xf32, #tpu.memory_space<vmem>>, vector<16xf32>,
      %slice3A_920 = vector.extract_strided_slice %get3A_41 {offsets = [13], sizes = [1], strides = [1]} : vector<16xi32> to vector<1xi32>
      %squeeze3A_921 = vector.extract %slice3A_920[0] : i32 from vector<1xi32>
      %add3A_922 = arith.constant 10 : i32
      %add3A_923 = arith.addi %mul3A_37, %add3A_922 : i32
      %add3A_924 = arith.constant 2 : i32
      %add3A_925 = arith.addi %add3A_923, %add3A_924 : i32
      %get3A_926 = arith.index_cast %add3A_925 : i32 to index
      %get3A_927 = arith.constant 0 : index
      %get3A_928 = tpu.vector_load %arg12[%get3A_926, %get3A_927] {strides = array<i32>} : memref<80x64xi32, #tpu.memory_space<vmem>>, vector<16xi32>,
      %bitcast3A_929 = vector.bitcast %get3A_928 : vector<16xi32> to vector<32xbf16>
      %get3A_930 = arith.index_cast %add3A_925 : i32 to index
      %get3A_931 = arith.constant 16 : index
      %get3A_932 = tpu.vector_load %arg12[%get3A_930, %get3A_931] {strides = array<i32>} : memref<80x64xi32, #tpu.memory_space<vmem>>, vector<16xi32>,
      %bitcast3A_933 = vector.bitcast %get3A_932 : vector<16xi32> to vector<32xbf16>
      %get3A_934 = arith.index_cast %add3A_925 : i32 to index
      %get3A_935 = arith.constant 32 : index
      %get3A_936 = tpu.vector_load %arg12[%get3A_934, %get3A_935] {strides = array<i32>} : memref<80x64xi32, #tpu.memory_space<vmem>>, vector<16xi32>,
      %bitcast3A_937 = vector.bitcast %get3A_936 : vector<16xi32> to vector<32xbf16>
      %get3A_938 = arith.index_cast %add3A_925 : i32 to index
      %get3A_939 = arith.constant 48 : index
      %get3A_940 = tpu.vector_load %arg12[%get3A_938, %get3A_939] {strides = array<i32>} : memref<80x64xi32, #tpu.memory_space<vmem>>, vector<16xi32>,
      %bitcast3A_941 = vector.bitcast %get3A_940 : vector<16xi32> to vector<32xbf16>
      %get3A_942 = arith.index_cast %add3A_925 : i32 to index
      %get3A_943 = arith.constant 0 : index
      %get3A_944 = tpu.vector_load %arg13[%get3A_942, %get3A_943] {strides = array<i32>} : memref<80x64xi32, #tpu.memory_space<vmem>>, vector<16xi32>,
      %bitcast3A_945 = vector.bitcast %get3A_944 : vector<16xi32> to vector<32xbf16>
      %get3A_946 = arith.index_cast %add3A_925 : i32 to index
      %get3A_947 = arith.constant 16 : index
      %get3A_948 = tpu.vector_load %arg13[%get3A_946, %get3A_947] {strides = array<i32>} : memref<80x64xi32, #tpu.memory_space<vmem>>, vector<16xi32>,
      %bitcast3A_949 = vector.bitcast %get3A_948 : vector<16xi32> to vector<32xbf16>
      %get3A_950 = arith.index_cast %add3A_925 : i32 to index
      %get3A_951 = arith.constant 32 : index
      %get3A_952 = tpu.vector_load %arg13[%get3A_950, %get3A_951] {strides = array<i32>} : memref<80x64xi32, #tpu.memory_space<vmem>>, vector<16xi32>,
      %bitcast3A_953 = vector.bitcast %get3A_952 : vector<16xi32> to vector<32xbf16>
      %get3A_954 = arith.index_cast %add3A_925 : i32 to index
      %get3A_955 = arith.constant 48 : index
      %get3A_956 = tpu.vector_load %arg13[%get3A_954, %get3A_955] {strides = array<i32>} : memref<80x64xi32, #tpu.memory_space<vmem>>, vector<16xi32>,
      %bitcast3A_957 = vector.bitcast %get3A_956 : vector<16xi32> to vector<32xbf16>
      %get3A_958 = arith.index_cast %squeeze3A_843 : i32 to index
      %get3A_959 = arith.constant 0 : index
      %get3A_960 = tpu.vector_load %arg11[%get3A_958, %get3A_959] {strides = array<i32>} : memref<1000x64xi32, #tpu.memory_space<vmem>>, vector<16xi32>,
      %bitcast3A_961 = vector.bitcast %get3A_960 : vector<16xi32> to vector<32xbf16>
      %get3A_962 = arith.index_cast %squeeze3A_843 : i32 to index
      %get3A_963 = arith.constant 16 : index
      %get3A_964 = tpu.vector_load %arg11[%get3A_962, %get3A_963] {strides = array<i32>} : memref<1000x64xi32, #tpu.memory_space<vmem>>, vector<16xi32>,
      %bitcast3A_965 = vector.bitcast %get3A_964 : vector<16xi32> to vector<32xbf16>
      %get3A_966 = arith.index_cast %squeeze3A_843 : i32 to index
      %get3A_967 = arith.constant 32 : index
      %get3A_968 = tpu.vector_load %arg11[%get3A_966, %get3A_967] {strides = array<i32>} : memref<1000x64xi32, #tpu.memory_space<vmem>>, vector<16xi32>,
      %bitcast3A_969 = vector.bitcast %get3A_968 : vector<16xi32> to vector<32xbf16>
      %get3A_970 = arith.index_cast %squeeze3A_843 : i32 to index
      %get3A_971 = arith.constant 48 : index
      %get3A_972 = tpu.vector_load %arg11[%get3A_970, %get3A_971] {strides = array<i32>} : memref<1000x64xi32, #tpu.memory_space<vmem>>, vector<16xi32>,
      %bitcast3A_973 = vector.bitcast %get3A_972 : vector<16xi32> to vector<32xbf16>
      %mul3A_974 = arith.mulf %bitcast3A_773, %bitcast3A_789 : vector<32xbf16>
      %mul3A_975 = arith.mulf %bitcast3A_781, %bitcast3A_797 : vector<32xbf16>
      %add3A_976 = arith.addf %mul3A_974, %mul3A_975 : vector<32xbf16>
      %mul3A_977 = arith.mulf %bitcast3A_805, %add3A_976 : vector<32xbf16>
      %mul3A_978 = arith.mulf %bitcast3A_773, %bitcast3A_797 : vector<32xbf16>
      %mul3A_979 = arith.mulf %bitcast3A_781, %bitcast3A_789 : vector<32xbf16>
      %sub3A_980 = arith.subf %mul3A_978, %mul3A_979 : vector<32xbf16>
      %mul3A_981 = arith.mulf %bitcast3A_813, %sub3A_980 : vector<32xbf16>
      %add3A_982 = arith.addf %mul3A_977, %mul3A_981 : vector<32xbf16>
      %mul3A_983 = arith.mulf %bitcast3A_777, %bitcast3A_793 : vector<32xbf16>
      %mul3A_984 = arith.mulf %bitcast3A_785, %bitcast3A_801 : vector<32xbf16>
      %add3A_985 = arith.addf %mul3A_983, %mul3A_984 : vector<32xbf16>
      %mul3A_986 = arith.mulf %bitcast3A_809, %add3A_985 : vector<32xbf16>
      %mul3A_987 = arith.mulf %bitcast3A_777, %bitcast3A_801 : vector<32xbf16>
      %mul3A_988 = arith.mulf %bitcast3A_785, %bitcast3A_793 : vector<32xbf16>
      %sub3A_989 = arith.subf %mul3A_987, %mul3A_988 : vector<32xbf16>
      %mul3A_990 = arith.mulf %bitcast3A_817, %sub3A_989 : vector<32xbf16>
      %add3A_991 = arith.addf %mul3A_986, %mul3A_990 : vector<32xbf16>
      %add3A_992 = arith.addf %add3A_982, %add3A_991 : vector<32xbf16>
      %unpack3A_993 = tpu.unpack_subelements %add3A_992, 0 {pack_format = #tpu.pack_format<interleaved>} : vector<32xbf16> -> vector<16xf32>
      %unpack3A_994 = tpu.unpack_subelements %add3A_992, 1 {pack_format = #tpu.pack_format<interleaved>} : vector<32xbf16> -> vector<16xf32>
      %add3A_995 = arith.addf %unpack3A_993, %unpack3A_994 : vector<16xf32>
      %swap3A_996 = arith.constant 160 : index
      %swap3A_997 = tpu.vector_load %arg17[%swap3A_996] {strides = array<i32>} : memref<256xf32, #tpu.memory_space<vmem>>, vector<16xf32>,
      tpu.vector_store %arg17[%swap3A_996], %add3A_995 {strides = array<i32>} : memref<256xf32, #tpu.memory_space<vmem>>, vector<16xf32>,
      %slice3A_998 = vector.extract_strided_slice %get3A_41 {offsets = [14], sizes = [1], strides = [1]} : vector<16xi32> to vector<1xi32>
      %squeeze3A_999 = vector.extract %slice3A_998[0] : i32 from vector<1xi32>
      %add3A_1000 = arith.constant 11 : i32
      %add3A_1001 = arith.addi %mul3A_37, %add3A_1000 : i32
      %add3A_1002 = arith.constant 2 : i32
      %add3A_1003 = arith.addi %add3A_1001, %add3A_1002 : i32
      %get3A_1004 = arith.index_cast %add3A_1003 : i32 to index
      %get3A_1005 = arith.constant 0 : index
      %get3A_1006 = tpu.vector_load %arg12[%get3A_1004, %get3A_1005] {strides = array<i32>} : memref<80x64xi32, #tpu.memory_space<vmem>>, vector<16xi32>,
      %bitcast3A_1007 = vector.bitcast %get3A_1006 : vector<16xi32> to vector<32xbf16>
      %get3A_1008 = arith.index_cast %add3A_1003 : i32 to index
      %get3A_1009 = arith.constant 16 : index
      %get3A_1010 = tpu.vector_load %arg12[%get3A_1008, %get3A_1009] {strides = array<i32>} : memref<80x64xi32, #tpu.memory_space<vmem>>, vector<16xi32>,
      %bitcast3A_1011 = vector.bitcast %get3A_1010 : vector<16xi32> to vector<32xbf16>
      %get3A_1012 = arith.index_cast %add3A_1003 : i32 to index
      %get3A_1013 = arith.constant 32 : index
      %get3A_1014 = tpu.vector_load %arg12[%get3A_1012, %get3A_1013] {strides = array<i32>} : memref<80x64xi32, #tpu.memory_space<vmem>>, vector<16xi32>,
      %bitcast3A_1015 = vector.bitcast %get3A_1014 : vector<16xi32> to vector<32xbf16>
      %get3A_1016 = arith.index_cast %add3A_1003 : i32 to index
      %get3A_1017 = arith.constant 48 : index
      %get3A_1018 = tpu.vector_load %arg12[%get3A_1016, %get3A_1017] {strides = array<i32>} : memref<80x64xi32, #tpu.memory_space<vmem>>, vector<16xi32>,
      %bitcast3A_1019 = vector.bitcast %get3A_1018 : vector<16xi32> to vector<32xbf16>
      %get3A_1020 = arith.index_cast %add3A_1003 : i32 to index
      %get3A_1021 = arith.constant 0 : index
      %get3A_1022 = tpu.vector_load %arg13[%get3A_1020, %get3A_1021] {strides = array<i32>} : memref<80x64xi32, #tpu.memory_space<vmem>>, vector<16xi32>,
      %bitcast3A_1023 = vector.bitcast %get3A_1022 : vector<16xi32> to vector<32xbf16>
      %get3A_1024 = arith.index_cast %add3A_1003 : i32 to index
      %get3A_1025 = arith.constant 16 : index
      %get3A_1026 = tpu.vector_load %arg13[%get3A_1024, %get3A_1025] {strides = array<i32>} : memref<80x64xi32, #tpu.memory_space<vmem>>, vector<16xi32>,
      %bitcast3A_1027 = vector.bitcast %get3A_1026 : vector<16xi32> to vector<32xbf16>
      %get3A_1028 = arith.index_cast %add3A_1003 : i32 to index
      %get3A_1029 = arith.constant 32 : index
      %get3A_1030 = tpu.vector_load %arg13[%get3A_1028, %get3A_1029] {strides = array<i32>} : memref<80x64xi32, #tpu.memory_space<vmem>>, vector<16xi32>,
      %bitcast3A_1031 = vector.bitcast %get3A_1030 : vector<16xi32> to vector<32xbf16>
      %get3A_1032 = arith.index_cast %add3A_1003 : i32 to index
      %get3A_1033 = arith.constant 48 : index
      %get3A_1034 = tpu.vector_load %arg13[%get3A_1032, %get3A_1033] {strides = array<i32>} : memref<80x64xi32, #tpu.memory_space<vmem>>, vector<16xi32>,
      %bitcast3A_1035 = vector.bitcast %get3A_1034 : vector<16xi32> to vector<32xbf16>
      %get3A_1036 = arith.index_cast %squeeze3A_921 : i32 to index
      %get3A_1037 = arith.constant 0 : index
      %get3A_1038 = tpu.vector_load %arg11[%get3A_1036, %get3A_1037] {strides = array<i32>} : memref<1000x64xi32, #tpu.memory_space<vmem>>, vector<16xi32>,
      %bitcast3A_1039 = vector.bitcast %get3A_1038 : vector<16xi32> to vector<32xbf16>
      %get3A_1040 = arith.index_cast %squeeze3A_921 : i32 to index
      %get3A_1041 = arith.constant 16 : index
      %get3A_1042 = tpu.vector_load %arg11[%get3A_1040, %get3A_1041] {strides = array<i32>} : memref<1000x64xi32, #tpu.memory_space<vmem>>, vector<16xi32>,
      %bitcast3A_1043 = vector.bitcast %get3A_1042 : vector<16xi32> to vector<32xbf16>
      %get3A_1044 = arith.index_cast %squeeze3A_921 : i32 to index
      %get3A_1045 = arith.constant 32 : index
      %get3A_1046 = tpu.vector_load %arg11[%get3A_1044, %get3A_1045] {strides = array<i32>} : memref<1000x64xi32, #tpu.memory_space<vmem>>, vector<16xi32>,
      %bitcast3A_1047 = vector.bitcast %get3A_1046 : vector<16xi32> to vector<32xbf16>
      %get3A_1048 = arith.index_cast %squeeze3A_921 : i32 to index
      %get3A_1049 = arith.constant 48 : index
      %get3A_1050 = tpu.vector_load %arg11[%get3A_1048, %get3A_1049] {strides = array<i32>} : memref<1000x64xi32, #tpu.memory_space<vmem>>, vector<16xi32>,
      %bitcast3A_1051 = vector.bitcast %get3A_1050 : vector<16xi32> to vector<32xbf16>
      %mul3A_1052 = arith.mulf %bitcast3A_851, %bitcast3A_867 : vector<32xbf16>
      %mul3A_1053 = arith.mulf %bitcast3A_859, %bitcast3A_875 : vector<32xbf16>
      %add3A_1054 = arith.addf %mul3A_1052, %mul3A_1053 : vector<32xbf16>
      %mul3A_1055 = arith.mulf %bitcast3A_883, %add3A_1054 : vector<32xbf16>
      %mul3A_1056 = arith.mulf %bitcast3A_851, %bitcast3A_875 : vector<32xbf16>
      %mul3A_1057 = arith.mulf %bitcast3A_859, %bitcast3A_867 : vector<32xbf16>
      %sub3A_1058 = arith.subf %mul3A_1056, %mul3A_1057 : vector<32xbf16>
      %mul3A_1059 = arith.mulf %bitcast3A_891, %sub3A_1058 : vector<32xbf16>
      %add3A_1060 = arith.addf %mul3A_1055, %mul3A_1059 : vector<32xbf16>
      %mul3A_1061 = arith.mulf %bitcast3A_855, %bitcast3A_871 : vector<32xbf16>
      %mul3A_1062 = arith.mulf %bitcast3A_863, %bitcast3A_879 : vector<32xbf16>
      %add3A_1063 = arith.addf %mul3A_1061, %mul3A_1062 : vector<32xbf16>
      %mul3A_1064 = arith.mulf %bitcast3A_887, %add3A_1063 : vector<32xbf16>
      %mul3A_1065 = arith.mulf %bitcast3A_855, %bitcast3A_879 : vector<32xbf16>
      %mul3A_1066 = arith.mulf %bitcast3A_863, %bitcast3A_871 : vector<32xbf16>
      %sub3A_1067 = arith.subf %mul3A_1065, %mul3A_1066 : vector<32xbf16>
      %mul3A_1068 = arith.mulf %bitcast3A_895, %sub3A_1067 : vector<32xbf16>
      %add3A_1069 = arith.addf %mul3A_1064, %mul3A_1068 : vector<32xbf16>
      %add3A_1070 = arith.addf %add3A_1060, %add3A_1069 : vector<32xbf16>
      %unpack3A_1071 = tpu.unpack_subelements %add3A_1070, 0 {pack_format = #tpu.pack_format<interleaved>} : vector<32xbf16> -> vector<16xf32>
      %unpack3A_1072 = tpu.unpack_subelements %add3A_1070, 1 {pack_format = #tpu.pack_format<interleaved>} : vector<32xbf16> -> vector<16xf32>
      %add3A_1073 = arith.addf %unpack3A_1071, %unpack3A_1072 : vector<16xf32>
      %swap3A_1074 = arith.constant 176 : index
      %swap3A_1075 = tpu.vector_load %arg17[%swap3A_1074] {strides = array<i32>} : memref<256xf32, #tpu.memory_space<vmem>>, vector<16xf32>,
      tpu.vector_store %arg17[%swap3A_1074], %add3A_1073 {strides = array<i32>} : memref<256xf32, #tpu.memory_space<vmem>>, vector<16xf32>,
      %slice3A_1076 = vector.extract_strided_slice %get3A_41 {offsets = [15], sizes = [1], strides = [1]} : vector<16xi32> to vector<1xi32>
      %squeeze3A_1077 = vector.extract %slice3A_1076[0] : i32 from vector<1xi32>
      %add3A_1078 = arith.constant 12 : i32
      %add3A_1079 = arith.addi %mul3A_37, %add3A_1078 : i32
      %add3A_1080 = arith.constant 2 : i32
      %add3A_1081 = arith.addi %add3A_1079, %add3A_1080 : i32
      %get3A_1082 = arith.index_cast %add3A_1081 : i32 to index
      %get3A_1083 = arith.constant 0 : index
      %get3A_1084 = tpu.vector_load %arg12[%get3A_1082, %get3A_1083] {strides = array<i32>} : memref<80x64xi32, #tpu.memory_space<vmem>>, vector<16xi32>,
      %bitcast3A_1085 = vector.bitcast %get3A_1084 : vector<16xi32> to vector<32xbf16>
      %get3A_1086 = arith.index_cast %add3A_1081 : i32 to index
      %get3A_1087 = arith.constant 16 : index
      %get3A_1088 = tpu.vector_load %arg12[%get3A_1086, %get3A_1087] {strides = array<i32>} : memref<80x64xi32, #tpu.memory_space<vmem>>, vector<16xi32>,
      %bitcast3A_1089 = vector.bitcast %get3A_1088 : vector<16xi32> to vector<32xbf16>
      %get3A_1090 = arith.index_cast %add3A_1081 : i32 to index
      %get3A_1091 = arith.constant 32 : index
      %get3A_1092 = tpu.vector_load %arg12[%get3A_1090, %get3A_1091] {strides = array<i32>} : memref<80x64xi32, #tpu.memory_space<vmem>>, vector<16xi32>,
      %bitcast3A_1093 = vector.bitcast %get3A_1092 : vector<16xi32> to vector<32xbf16>
      %get3A_1094 = arith.index_cast %add3A_1081 : i32 to index
      %get3A_1095 = arith.constant 48 : index
      %get3A_1096 = tpu.vector_load %arg12[%get3A_1094, %get3A_1095] {strides = array<i32>} : memref<80x64xi32, #tpu.memory_space<vmem>>, vector<16xi32>,
      %bitcast3A_1097 = vector.bitcast %get3A_1096 : vector<16xi32> to vector<32xbf16>
      %get3A_1098 = arith.index_cast %add3A_1081 : i32 to index
      %get3A_1099 = arith.constant 0 : index
      %get3A_1100 = tpu.vector_load %arg13[%get3A_1098, %get3A_1099] {strides = array<i32>} : memref<80x64xi32, #tpu.memory_space<vmem>>, vector<16xi32>,
      %bitcast3A_1101 = vector.bitcast %get3A_1100 : vector<16xi32> to vector<32xbf16>
      %get3A_1102 = arith.index_cast %add3A_1081 : i32 to index
      %get3A_1103 = arith.constant 16 : index
      %get3A_1104 = tpu.vector_load %arg13[%get3A_1102, %get3A_1103] {strides = array<i32>} : memref<80x64xi32, #tpu.memory_space<vmem>>, vector<16xi32>,
      %bitcast3A_1105 = vector.bitcast %get3A_1104 : vector<16xi32> to vector<32xbf16>
      %get3A_1106 = arith.index_cast %add3A_1081 : i32 to index
      %get3A_1107 = arith.constant 32 : index
      %get3A_1108 = tpu.vector_load %arg13[%get3A_1106, %get3A_1107] {strides = array<i32>} : memref<80x64xi32, #tpu.memory_space<vmem>>, vector<16xi32>,
      %bitcast3A_1109 = vector.bitcast %get3A_1108 : vector<16xi32> to vector<32xbf16>
      %get3A_1110 = arith.index_cast %add3A_1081 : i32 to index
      %get3A_1111 = arith.constant 48 : index
      %get3A_1112 = tpu.vector_load %arg13[%get3A_1110, %get3A_1111] {strides = array<i32>} : memref<80x64xi32, #tpu.memory_space<vmem>>, vector<16xi32>,
      %bitcast3A_1113 = vector.bitcast %get3A_1112 : vector<16xi32> to vector<32xbf16>
      %get3A_1114 = arith.index_cast %squeeze3A_999 : i32 to index
      %get3A_1115 = arith.constant 0 : index
      %get3A_1116 = tpu.vector_load %arg11[%get3A_1114, %get3A_1115] {strides = array<i32>} : memref<1000x64xi32, #tpu.memory_space<vmem>>, vector<16xi32>,
      %bitcast3A_1117 = vector.bitcast %get3A_1116 : vector<16xi32> to vector<32xbf16>
      %get3A_1118 = arith.index_cast %squeeze3A_999 : i32 to index
      %get3A_1119 = arith.constant 16 : index
      %get3A_1120 = tpu.vector_load %arg11[%get3A_1118, %get3A_1119] {strides = array<i32>} : memref<1000x64xi32, #tpu.memory_space<vmem>>, vector<16xi32>,
      %bitcast3A_1121 = vector.bitcast %get3A_1120 : vector<16xi32> to vector<32xbf16>
      %get3A_1122 = arith.index_cast %squeeze3A_999 : i32 to index
      %get3A_1123 = arith.constant 32 : index
      %get3A_1124 = tpu.vector_load %arg11[%get3A_1122, %get3A_1123] {strides = array<i32>} : memref<1000x64xi32, #tpu.memory_space<vmem>>, vector<16xi32>,
      %bitcast3A_1125 = vector.bitcast %get3A_1124 : vector<16xi32> to vector<32xbf16>
      %get3A_1126 = arith.index_cast %squeeze3A_999 : i32 to index
      %get3A_1127 = arith.constant 48 : index
      %get3A_1128 = tpu.vector_load %arg11[%get3A_1126, %get3A_1127] {strides = array<i32>} : memref<1000x64xi32, #tpu.memory_space<vmem>>, vector<16xi32>,
      %bitcast3A_1129 = vector.bitcast %get3A_1128 : vector<16xi32> to vector<32xbf16>
      %mul3A_1130 = arith.mulf %bitcast3A_929, %bitcast3A_945 : vector<32xbf16>
      %mul3A_1131 = arith.mulf %bitcast3A_937, %bitcast3A_953 : vector<32xbf16>
      %add3A_1132 = arith.addf %mul3A_1130, %mul3A_1131 : vector<32xbf16>
      %mul3A_1133 = arith.mulf %bitcast3A_961, %add3A_1132 : vector<32xbf16>
      %mul3A_1134 = arith.mulf %bitcast3A_929, %bitcast3A_953 : vector<32xbf16>
      %mul3A_1135 = arith.mulf %bitcast3A_937, %bitcast3A_945 : vector<32xbf16>
      %sub3A_1136 = arith.subf %mul3A_1134, %mul3A_1135 : vector<32xbf16>
      %mul3A_1137 = arith.mulf %bitcast3A_969, %sub3A_1136 : vector<32xbf16>
      %add3A_1138 = arith.addf %mul3A_1133, %mul3A_1137 : vector<32xbf16>
      %mul3A_1139 = arith.mulf %bitcast3A_933, %bitcast3A_949 : vector<32xbf16>
      %mul3A_1140 = arith.mulf %bitcast3A_941, %bitcast3A_957 : vector<32xbf16>
      %add3A_1141 = arith.addf %mul3A_1139, %mul3A_1140 : vector<32xbf16>
      %mul3A_1142 = arith.mulf %bitcast3A_965, %add3A_1141 : vector<32xbf16>
      %mul3A_1143 = arith.mulf %bitcast3A_933, %bitcast3A_957 : vector<32xbf16>
      %mul3A_1144 = arith.mulf %bitcast3A_941, %bitcast3A_949 : vector<32xbf16>
      %sub3A_1145 = arith.subf %mul3A_1143, %mul3A_1144 : vector<32xbf16>
      %mul3A_1146 = arith.mulf %bitcast3A_973, %sub3A_1145 : vector<32xbf16>
      %add3A_1147 = arith.addf %mul3A_1142, %mul3A_1146 : vector<32xbf16>
      %add3A_1148 = arith.addf %add3A_1138, %add3A_1147 : vector<32xbf16>
      %unpack3A_1149 = tpu.unpack_subelements %add3A_1148, 0 {pack_format = #tpu.pack_format<interleaved>} : vector<32xbf16> -> vector<16xf32>
      %unpack3A_1150 = tpu.unpack_subelements %add3A_1148, 1 {pack_format = #tpu.pack_format<interleaved>} : vector<32xbf16> -> vector<16xf32>
      %add3A_1151 = arith.addf %unpack3A_1149, %unpack3A_1150 : vector<16xf32>
      %swap3A_1152 = arith.constant 192 : index
      %swap3A_1153 = tpu.vector_load %arg17[%swap3A_1152] {strides = array<i32>} : memref<256xf32, #tpu.memory_space<vmem>>, vector<16xf32>,
      tpu.vector_store %arg17[%swap3A_1152], %add3A_1151 {strides = array<i32>} : memref<256xf32, #tpu.memory_space<vmem>>, vector<16xf32>,
      %add3A_1154 = arith.constant 13 : i32
      %add3A_1155 = arith.addi %mul3A_37, %add3A_1154 : i32
      %add3A_1156 = arith.constant 2 : i32
      %add3A_1157 = arith.addi %add3A_1155, %add3A_1156 : i32
      %get3A_1158 = arith.index_cast %add3A_1157 : i32 to index
      %get3A_1159 = arith.constant 0 : index
      %get3A_1160 = tpu.vector_load %arg12[%get3A_1158, %get3A_1159] {strides = array<i32>} : memref<80x64xi32, #tpu.memory_space<vmem>>, vector<16xi32>,
      %bitcast3A_1161 = vector.bitcast %get3A_1160 : vector<16xi32> to vector<32xbf16>
      %get3A_1162 = arith.index_cast %add3A_1157 : i32 to index
      %get3A_1163 = arith.constant 16 : index
      %get3A_1164 = tpu.vector_load %arg12[%get3A_1162, %get3A_1163] {strides = array<i32>} : memref<80x64xi32, #tpu.memory_space<vmem>>, vector<16xi32>,
      %bitcast3A_1165 = vector.bitcast %get3A_1164 : vector<16xi32> to vector<32xbf16>
      %get3A_1166 = arith.index_cast %add3A_1157 : i32 to index
      %get3A_1167 = arith.constant 32 : index
      %get3A_1168 = tpu.vector_load %arg12[%get3A_1166, %get3A_1167] {strides = array<i32>} : memref<80x64xi32, #tpu.memory_space<vmem>>, vector<16xi32>,
      %bitcast3A_1169 = vector.bitcast %get3A_1168 : vector<16xi32> to vector<32xbf16>
      %get3A_1170 = arith.index_cast %add3A_1157 : i32 to index
      %get3A_1171 = arith.constant 48 : index
      %get3A_1172 = tpu.vector_load %arg12[%get3A_1170, %get3A_1171] {strides = array<i32>} : memref<80x64xi32, #tpu.memory_space<vmem>>, vector<16xi32>,
      %bitcast3A_1173 = vector.bitcast %get3A_1172 : vector<16xi32> to vector<32xbf16>
      %get3A_1174 = arith.index_cast %add3A_1157 : i32 to index
      %get3A_1175 = arith.constant 0 : index
      %get3A_1176 = tpu.vector_load %arg13[%get3A_1174, %get3A_1175] {strides = array<i32>} : memref<80x64xi32, #tpu.memory_space<vmem>>, vector<16xi32>,
      %bitcast3A_1177 = vector.bitcast %get3A_1176 : vector<16xi32> to vector<32xbf16>
      %get3A_1178 = arith.index_cast %add3A_1157 : i32 to index
      %get3A_1179 = arith.constant 16 : index
      %get3A_1180 = tpu.vector_load %arg13[%get3A_1178, %get3A_1179] {strides = array<i32>} : memref<80x64xi32, #tpu.memory_space<vmem>>, vector<16xi32>,
      %bitcast3A_1181 = vector.bitcast %get3A_1180 : vector<16xi32> to vector<32xbf16>
      %get3A_1182 = arith.index_cast %add3A_1157 : i32 to index
      %get3A_1183 = arith.constant 32 : index
      %get3A_1184 = tpu.vector_load %arg13[%get3A_1182, %get3A_1183] {strides = array<i32>} : memref<80x64xi32, #tpu.memory_space<vmem>>, vector<16xi32>,
      %bitcast3A_1185 = vector.bitcast %get3A_1184 : vector<16xi32> to vector<32xbf16>
      %get3A_1186 = arith.index_cast %add3A_1157 : i32 to index
      %get3A_1187 = arith.constant 48 : index
      %get3A_1188 = tpu.vector_load %arg13[%get3A_1186, %get3A_1187] {strides = array<i32>} : memref<80x64xi32, #tpu.memory_space<vmem>>, vector<16xi32>,
      %bitcast3A_1189 = vector.bitcast %get3A_1188 : vector<16xi32> to vector<32xbf16>
      %get3A_1190 = arith.index_cast %squeeze3A_1077 : i32 to index
      %get3A_1191 = arith.constant 0 : index
      %get3A_1192 = tpu.vector_load %arg11[%get3A_1190, %get3A_1191] {strides = array<i32>} : memref<1000x64xi32, #tpu.memory_space<vmem>>, vector<16xi32>,
      %bitcast3A_1193 = vector.bitcast %get3A_1192 : vector<16xi32> to vector<32xbf16>
      %get3A_1194 = arith.index_cast %squeeze3A_1077 : i32 to index
      %get3A_1195 = arith.constant 16 : index
      %get3A_1196 = tpu.vector_load %arg11[%get3A_1194, %get3A_1195] {strides = array<i32>} : memref<1000x64xi32, #tpu.memory_space<vmem>>, vector<16xi32>,
      %bitcast3A_1197 = vector.bitcast %get3A_1196 : vector<16xi32> to vector<32xbf16>
      %get3A_1198 = arith.index_cast %squeeze3A_1077 : i32 to index
      %get3A_1199 = arith.constant 32 : index
      %get3A_1200 = tpu.vector_load %arg11[%get3A_1198, %get3A_1199] {strides = array<i32>} : memref<1000x64xi32, #tpu.memory_space<vmem>>, vector<16xi32>,
      %bitcast3A_1201 = vector.bitcast %get3A_1200 : vector<16xi32> to vector<32xbf16>
      %get3A_1202 = arith.index_cast %squeeze3A_1077 : i32 to index
      %get3A_1203 = arith.constant 48 : index
      %get3A_1204 = tpu.vector_load %arg11[%get3A_1202, %get3A_1203] {strides = array<i32>} : memref<1000x64xi32, #tpu.memory_space<vmem>>, vector<16xi32>,
      %bitcast3A_1205 = vector.bitcast %get3A_1204 : vector<16xi32> to vector<32xbf16>
      %mul3A_1206 = arith.mulf %bitcast3A_1007, %bitcast3A_1023 : vector<32xbf16>
      %mul3A_1207 = arith.mulf %bitcast3A_1015, %bitcast3A_1031 : vector<32xbf16>
      %add3A_1208 = arith.addf %mul3A_1206, %mul3A_1207 : vector<32xbf16>
      %mul3A_1209 = arith.mulf %bitcast3A_1039, %add3A_1208 : vector<32xbf16>
      %mul3A_1210 = arith.mulf %bitcast3A_1007, %bitcast3A_1031 : vector<32xbf16>
      %mul3A_1211 = arith.mulf %bitcast3A_1015, %bitcast3A_1023 : vector<32xbf16>
      %sub3A_1212 = arith.subf %mul3A_1210, %mul3A_1211 : vector<32xbf16>
      %mul3A_1213 = arith.mulf %bitcast3A_1047, %sub3A_1212 : vector<32xbf16>
      %add3A_1214 = arith.addf %mul3A_1209, %mul3A_1213 : vector<32xbf16>
      %mul3A_1215 = arith.mulf %bitcast3A_1011, %bitcast3A_1027 : vector<32xbf16>
      %mul3A_1216 = arith.mulf %bitcast3A_1019, %bitcast3A_1035 : vector<32xbf16>
      %add3A_1217 = arith.addf %mul3A_1215, %mul3A_1216 : vector<32xbf16>
      %mul3A_1218 = arith.mulf %bitcast3A_1043, %add3A_1217 : vector<32xbf16>
      %mul3A_1219 = arith.mulf %bitcast3A_1011, %bitcast3A_1035 : vector<32xbf16>
      %mul3A_1220 = arith.mulf %bitcast3A_1019, %bitcast3A_1027 : vector<32xbf16>
      %sub3A_1221 = arith.subf %mul3A_1219, %mul3A_1220 : vector<32xbf16>
      %mul3A_1222 = arith.mulf %bitcast3A_1051, %sub3A_1221 : vector<32xbf16>
      %add3A_1223 = arith.addf %mul3A_1218, %mul3A_1222 : vector<32xbf16>
      %add3A_1224 = arith.addf %add3A_1214, %add3A_1223 : vector<32xbf16>
      %unpack3A_1225 = tpu.unpack_subelements %add3A_1224, 0 {pack_format = #tpu.pack_format<interleaved>} : vector<32xbf16> -> vector<16xf32>
      %unpack3A_1226 = tpu.unpack_subelements %add3A_1224, 1 {pack_format = #tpu.pack_format<interleaved>} : vector<32xbf16> -> vector<16xf32>
      %add3A_1227 = arith.addf %unpack3A_1225, %unpack3A_1226 : vector<16xf32>
      %swap3A_1228 = arith.constant 208 : index
      %swap3A_1229 = tpu.vector_load %arg17[%swap3A_1228] {strides = array<i32>} : memref<256xf32, #tpu.memory_space<vmem>>, vector<16xf32>,
      tpu.vector_store %arg17[%swap3A_1228], %add3A_1227 {strides = array<i32>} : memref<256xf32, #tpu.memory_space<vmem>>, vector<16xf32>,
      %mul3A_1230 = arith.mulf %bitcast3A_1085, %bitcast3A_1101 : vector<32xbf16>
      %mul3A_1231 = arith.mulf %bitcast3A_1093, %bitcast3A_1109 : vector<32xbf16>
      %add3A_1232 = arith.addf %mul3A_1230, %mul3A_1231 : vector<32xbf16>
      %mul3A_1233 = arith.mulf %bitcast3A_1117, %add3A_1232 : vector<32xbf16>
      %mul3A_1234 = arith.mulf %bitcast3A_1085, %bitcast3A_1109 : vector<32xbf16>
      %mul3A_1235 = arith.mulf %bitcast3A_1093, %bitcast3A_1101 : vector<32xbf16>
      %sub3A_1236 = arith.subf %mul3A_1234, %mul3A_1235 : vector<32xbf16>
      %mul3A_1237 = arith.mulf %bitcast3A_1125, %sub3A_1236 : vector<32xbf16>
      %add3A_1238 = arith.addf %mul3A_1233, %mul3A_1237 : vector<32xbf16>
      %mul3A_1239 = arith.mulf %bitcast3A_1089, %bitcast3A_1105 : vector<32xbf16>
      %mul3A_1240 = arith.mulf %bitcast3A_1097, %bitcast3A_1113 : vector<32xbf16>
      %add3A_1241 = arith.addf %mul3A_1239, %mul3A_1240 : vector<32xbf16>
      %mul3A_1242 = arith.mulf %bitcast3A_1121, %add3A_1241 : vector<32xbf16>
      %mul3A_1243 = arith.mulf %bitcast3A_1089, %bitcast3A_1113 : vector<32xbf16>
      %mul3A_1244 = arith.mulf %bitcast3A_1097, %bitcast3A_1105 : vector<32xbf16>
      %sub3A_1245 = arith.subf %mul3A_1243, %mul3A_1244 : vector<32xbf16>
      %mul3A_1246 = arith.mulf %bitcast3A_1129, %sub3A_1245 : vector<32xbf16>
      %add3A_1247 = arith.addf %mul3A_1242, %mul3A_1246 : vector<32xbf16>
      %add3A_1248 = arith.addf %add3A_1238, %add3A_1247 : vector<32xbf16>
      %unpack3A_1249 = tpu.unpack_subelements %add3A_1248, 0 {pack_format = #tpu.pack_format<interleaved>} : vector<32xbf16> -> vector<16xf32>
      %unpack3A_1250 = tpu.unpack_subelements %add3A_1248, 1 {pack_format = #tpu.pack_format<interleaved>} : vector<32xbf16> -> vector<16xf32>
      %add3A_1251 = arith.addf %unpack3A_1249, %unpack3A_1250 : vector<16xf32>
      %swap3A_1252 = arith.constant 224 : index
      %swap3A_1253 = tpu.vector_load %arg17[%swap3A_1252] {strides = array<i32>} : memref<256xf32, #tpu.memory_space<vmem>>, vector<16xf32>,
      tpu.vector_store %arg17[%swap3A_1252], %add3A_1251 {strides = array<i32>} : memref<256xf32, #tpu.memory_space<vmem>>, vector<16xf32>,
      %mul3A_1254 = arith.mulf %bitcast3A_1161, %bitcast3A_1177 : vector<32xbf16>
      %mul3A_1255 = arith.mulf %bitcast3A_1169, %bitcast3A_1185 : vector<32xbf16>
      %add3A_1256 = arith.addf %mul3A_1254, %mul3A_1255 : vector<32xbf16>
      %mul3A_1257 = arith.mulf %bitcast3A_1193, %add3A_1256 : vector<32xbf16>
      %mul3A_1258 = arith.mulf %bitcast3A_1161, %bitcast3A_1185 : vector<32xbf16>
      %mul3A_1259 = arith.mulf %bitcast3A_1169, %bitcast3A_1177 : vector<32xbf16>
      %sub3A_1260 = arith.subf %mul3A_1258, %mul3A_1259 : vector<32xbf16>
      %mul3A_1261 = arith.mulf %bitcast3A_1201, %sub3A_1260 : vector<32xbf16>
      %add3A_1262 = arith.addf %mul3A_1257, %mul3A_1261 : vector<32xbf16>
      %mul3A_1263 = arith.mulf %bitcast3A_1165, %bitcast3A_1181 : vector<32xbf16>
      %mul3A_1264 = arith.mulf %bitcast3A_1173, %bitcast3A_1189 : vector<32xbf16>
      %add3A_1265 = arith.addf %mul3A_1263, %mul3A_1264 : vector<32xbf16>
      %mul3A_1266 = arith.mulf %bitcast3A_1197, %add3A_1265 : vector<32xbf16>
      %mul3A_1267 = arith.mulf %bitcast3A_1165, %bitcast3A_1189 : vector<32xbf16>
      %mul3A_1268 = arith.mulf %bitcast3A_1173, %bitcast3A_1181 : vector<32xbf16>
      %sub3A_1269 = arith.subf %mul3A_1267, %mul3A_1268 : vector<32xbf16>
      %mul3A_1270 = arith.mulf %bitcast3A_1205, %sub3A_1269 : vector<32xbf16>
      %add3A_1271 = arith.addf %mul3A_1266, %mul3A_1270 : vector<32xbf16>
      %add3A_1272 = arith.addf %add3A_1262, %add3A_1271 : vector<32xbf16>
      %unpack3A_1273 = tpu.unpack_subelements %add3A_1272, 0 {pack_format = #tpu.pack_format<interleaved>} : vector<32xbf16> -> vector<16xf32>
      %unpack3A_1274 = tpu.unpack_subelements %add3A_1272, 1 {pack_format = #tpu.pack_format<interleaved>} : vector<32xbf16> -> vector<16xf32>
      %add3A_1275 = arith.addf %unpack3A_1273, %unpack3A_1274 : vector<16xf32>
      %swap3A_1276 = arith.constant 240 : index
      %swap3A_1277 = tpu.vector_load %arg17[%swap3A_1276] {strides = array<i32>} : memref<256xf32, #tpu.memory_space<vmem>>, vector<16xf32>,
      tpu.vector_store %arg17[%swap3A_1276], %add3A_1275 {strides = array<i32>} : memref<256xf32, #tpu.memory_space<vmem>>, vector<16xf32>,
      %add3A_1278 = arith.constant 0 : i32
      %add3A_1279 = vector.broadcast %add3A_1278 : i32 to vector<16xi32>
      %add3A_1280 = arith.addi %iota3A, %add3A_1279 : vector<16xi32>
      %and3A = arith.constant 15 : i32
      %and3A_1281 = vector.broadcast %and3A : i32 to vector<16xi32>
      %and3A_1282 = arith.andi %add3A_1280, %and3A_1281 : vector<16xi32>
      %add3A_1283 = arith.addi %and3A_1282, %mul3A_5 : vector<16xi32>
      %gather3A = tpu.vector_load_idx %arg17[%add3A_1283] : memref<256xf32, #tpu.memory_space<vmem>>[vector<16xi32>], vector<16xf32>,
      %add3A_1284 = arith.constant 1 : i32
      %add3A_1285 = vector.broadcast %add3A_1284 : i32 to vector<16xi32>
      %add3A_1286 = arith.addi %iota3A, %add3A_1285 : vector<16xi32>
      %and3A_1287 = arith.constant 15 : i32
      %and3A_1288 = vector.broadcast %and3A_1287 : i32 to vector<16xi32>
      %and3A_1289 = arith.andi %add3A_1286, %and3A_1288 : vector<16xi32>
      %add3A_1290 = arith.addi %and3A_1289, %mul3A_5 : vector<16xi32>
      %gather3A_1291 = tpu.vector_load_idx %arg17[%add3A_1290] : memref<256xf32, #tpu.memory_space<vmem>>[vector<16xi32>], vector<16xf32>,
      %add3A_1292 = arith.constant 2 : i32
      %add3A_1293 = vector.broadcast %add3A_1292 : i32 to vector<16xi32>
      %add3A_1294 = arith.addi %iota3A, %add3A_1293 : vector<16xi32>
      %and3A_1295 = arith.constant 15 : i32
      %and3A_1296 = vector.broadcast %and3A_1295 : i32 to vector<16xi32>
      %and3A_1297 = arith.andi %add3A_1294, %and3A_1296 : vector<16xi32>
      %add3A_1298 = arith.addi %and3A_1297, %mul3A_5 : vector<16xi32>
      %gather3A_1299 = tpu.vector_load_idx %arg17[%add3A_1298] : memref<256xf32, #tpu.memory_space<vmem>>[vector<16xi32>], vector<16xf32>,
      %add3A_1300 = arith.constant 3 : i32
      %add3A_1301 = vector.broadcast %add3A_1300 : i32 to vector<16xi32>
      %add3A_1302 = arith.addi %iota3A, %add3A_1301 : vector<16xi32>
      %and3A_1303 = arith.constant 15 : i32
      %and3A_1304 = vector.broadcast %and3A_1303 : i32 to vector<16xi32>
      %and3A_1305 = arith.andi %add3A_1302, %and3A_1304 : vector<16xi32>
      %add3A_1306 = arith.addi %and3A_1305, %mul3A_5 : vector<16xi32>
      %gather3A_1307 = tpu.vector_load_idx %arg17[%add3A_1306] : memref<256xf32, #tpu.memory_space<vmem>>[vector<16xi32>], vector<16xf32>,
      %add3A_1308 = arith.constant 4 : i32
      %add3A_1309 = vector.broadcast %add3A_1308 : i32 to vector<16xi32>
      %add3A_1310 = arith.addi %iota3A, %add3A_1309 : vector<16xi32>
      %and3A_1311 = arith.constant 15 : i32
      %and3A_1312 = vector.broadcast %and3A_1311 : i32 to vector<16xi32>
      %and3A_1313 = arith.andi %add3A_1310, %and3A_1312 : vector<16xi32>
      %add3A_1314 = arith.addi %and3A_1313, %mul3A_5 : vector<16xi32>
      %gather3A_1315 = tpu.vector_load_idx %arg17[%add3A_1314] : memref<256xf32, #tpu.memory_space<vmem>>[vector<16xi32>], vector<16xf32>,
      %add3A_1316 = arith.constant 5 : i32
      %add3A_1317 = vector.broadcast %add3A_1316 : i32 to vector<16xi32>
      %add3A_1318 = arith.addi %iota3A, %add3A_1317 : vector<16xi32>
      %and3A_1319 = arith.constant 15 : i32
      %and3A_1320 = vector.broadcast %and3A_1319 : i32 to vector<16xi32>
      %and3A_1321 = arith.andi %add3A_1318, %and3A_1320 : vector<16xi32>
      %add3A_1322 = arith.addi %and3A_1321, %mul3A_5 : vector<16xi32>
      %gather3A_1323 = tpu.vector_load_idx %arg17[%add3A_1322] : memref<256xf32, #tpu.memory_space<vmem>>[vector<16xi32>], vector<16xf32>,
      %add3A_1324 = arith.constant 6 : i32
      %add3A_1325 = vector.broadcast %add3A_1324 : i32 to vector<16xi32>
      %add3A_1326 = arith.addi %iota3A, %add3A_1325 : vector<16xi32>
      %and3A_1327 = arith.constant 15 : i32
      %and3A_1328 = vector.broadcast %and3A_1327 : i32 to vector<16xi32>
      %and3A_1329 = arith.andi %add3A_1326, %and3A_1328 : vector<16xi32>
      %add3A_1330 = arith.addi %and3A_1329, %mul3A_5 : vector<16xi32>
      %gather3A_1331 = tpu.vector_load_idx %arg17[%add3A_1330] : memref<256xf32, #tpu.memory_space<vmem>>[vector<16xi32>], vector<16xf32>,
      %add3A_1332 = arith.constant 7 : i32
      %add3A_1333 = vector.broadcast %add3A_1332 : i32 to vector<16xi32>
      %add3A_1334 = arith.addi %iota3A, %add3A_1333 : vector<16xi32>
      %and3A_1335 = arith.constant 15 : i32
      %and3A_1336 = vector.broadcast %and3A_1335 : i32 to vector<16xi32>
      %and3A_1337 = arith.andi %add3A_1334, %and3A_1336 : vector<16xi32>
      %add3A_1338 = arith.addi %and3A_1337, %mul3A_5 : vector<16xi32>
      %gather3A_1339 = tpu.vector_load_idx %arg17[%add3A_1338] : memref<256xf32, #tpu.memory_space<vmem>>[vector<16xi32>], vector<16xf32>,
      %add3A_1340 = arith.constant 8 : i32
      %add3A_1341 = vector.broadcast %add3A_1340 : i32 to vector<16xi32>
      %add3A_1342 = arith.addi %iota3A, %add3A_1341 : vector<16xi32>
      %and3A_1343 = arith.constant 15 : i32
      %and3A_1344 = vector.broadcast %and3A_1343 : i32 to vector<16xi32>
      %and3A_1345 = arith.andi %add3A_1342, %and3A_1344 : vector<16xi32>
      %add3A_1346 = arith.addi %and3A_1345, %mul3A_5 : vector<16xi32>
      %gather3A_1347 = tpu.vector_load_idx %arg17[%add3A_1346] : memref<256xf32, #tpu.memory_space<vmem>>[vector<16xi32>], vector<16xf32>,
      %add3A_1348 = arith.constant 9 : i32
      %add3A_1349 = vector.broadcast %add3A_1348 : i32 to vector<16xi32>
      %add3A_1350 = arith.addi %iota3A, %add3A_1349 : vector<16xi32>
      %and3A_1351 = arith.constant 15 : i32
      %and3A_1352 = vector.broadcast %and3A_1351 : i32 to vector<16xi32>
      %and3A_1353 = arith.andi %add3A_1350, %and3A_1352 : vector<16xi32>
      %add3A_1354 = arith.addi %and3A_1353, %mul3A_5 : vector<16xi32>
      %gather3A_1355 = tpu.vector_load_idx %arg17[%add3A_1354] : memref<256xf32, #tpu.memory_space<vmem>>[vector<16xi32>], vector<16xf32>,
      %add3A_1356 = arith.constant 10 : i32
      %add3A_1357 = vector.broadcast %add3A_1356 : i32 to vector<16xi32>
      %add3A_1358 = arith.addi %iota3A, %add3A_1357 : vector<16xi32>
      %and3A_1359 = arith.constant 15 : i32
      %and3A_1360 = vector.broadcast %and3A_1359 : i32 to vector<16xi32>
      %and3A_1361 = arith.andi %add3A_1358, %and3A_1360 : vector<16xi32>
      %add3A_1362 = arith.addi %and3A_1361, %mul3A_5 : vector<16xi32>
      %gather3A_1363 = tpu.vector_load_idx %arg17[%add3A_1362] : memref<256xf32, #tpu.memory_space<vmem>>[vector<16xi32>], vector<16xf32>,
      %add3A_1364 = arith.constant 11 : i32
      %add3A_1365 = vector.broadcast %add3A_1364 : i32 to vector<16xi32>
      %add3A_1366 = arith.addi %iota3A, %add3A_1365 : vector<16xi32>
      %and3A_1367 = arith.constant 15 : i32
      %and3A_1368 = vector.broadcast %and3A_1367 : i32 to vector<16xi32>
      %and3A_1369 = arith.andi %add3A_1366, %and3A_1368 : vector<16xi32>
      %add3A_1370 = arith.addi %and3A_1369, %mul3A_5 : vector<16xi32>
      %gather3A_1371 = tpu.vector_load_idx %arg17[%add3A_1370] : memref<256xf32, #tpu.memory_space<vmem>>[vector<16xi32>], vector<16xf32>,
      %add3A_1372 = arith.constant 12 : i32
      %add3A_1373 = vector.broadcast %add3A_1372 : i32 to vector<16xi32>
      %add3A_1374 = arith.addi %iota3A, %add3A_1373 : vector<16xi32>
      %and3A_1375 = arith.constant 15 : i32
      %and3A_1376 = vector.broadcast %and3A_1375 : i32 to vector<16xi32>
      %and3A_1377 = arith.andi %add3A_1374, %and3A_1376 : vector<16xi32>
      %add3A_1378 = arith.addi %and3A_1377, %mul3A_5 : vector<16xi32>
      %gather3A_1379 = tpu.vector_load_idx %arg17[%add3A_1378] : memref<256xf32, #tpu.memory_space<vmem>>[vector<16xi32>], vector<16xf32>,
      %add3A_1380 = arith.constant 13 : i32
      %add3A_1381 = vector.broadcast %add3A_1380 : i32 to vector<16xi32>
      %add3A_1382 = arith.addi %iota3A, %add3A_1381 : vector<16xi32>
      %and3A_1383 = arith.constant 15 : i32
      %and3A_1384 = vector.broadcast %and3A_1383 : i32 to vector<16xi32>
      %and3A_1385 = arith.andi %add3A_1382, %and3A_1384 : vector<16xi32>
      %add3A_1386 = arith.addi %and3A_1385, %mul3A_5 : vector<16xi32>
      %gather3A_1387 = tpu.vector_load_idx %arg17[%add3A_1386] : memref<256xf32, #tpu.memory_space<vmem>>[vector<16xi32>], vector<16xf32>,
      %add3A_1388 = arith.constant 14 : i32
      %add3A_1389 = vector.broadcast %add3A_1388 : i32 to vector<16xi32>
      %add3A_1390 = arith.addi %iota3A, %add3A_1389 : vector<16xi32>
      %and3A_1391 = arith.constant 15 : i32
      %and3A_1392 = vector.broadcast %and3A_1391 : i32 to vector<16xi32>
      %and3A_1393 = arith.andi %add3A_1390, %and3A_1392 : vector<16xi32>
      %add3A_1394 = arith.addi %and3A_1393, %mul3A_5 : vector<16xi32>
      %gather3A_1395 = tpu.vector_load_idx %arg17[%add3A_1394] : memref<256xf32, #tpu.memory_space<vmem>>[vector<16xi32>], vector<16xf32>,
      %add3A_1396 = arith.constant 15 : i32
      %add3A_1397 = vector.broadcast %add3A_1396 : i32 to vector<16xi32>
      %add3A_1398 = arith.addi %iota3A, %add3A_1397 : vector<16xi32>
      %and3A_1399 = arith.constant 15 : i32
      %and3A_1400 = vector.broadcast %and3A_1399 : i32 to vector<16xi32>
      %and3A_1401 = arith.andi %add3A_1398, %and3A_1400 : vector<16xi32>
      %add3A_1402 = arith.addi %and3A_1401, %mul3A_5 : vector<16xi32>
      %gather3A_1403 = tpu.vector_load_idx %arg17[%add3A_1402] : memref<256xf32, #tpu.memory_space<vmem>>[vector<16xi32>], vector<16xf32>,
      %add3A_1404 = arith.addf %gather3A, %gather3A_1291 : vector<16xf32>
      %add3A_1405 = arith.addf %gather3A_1299, %gather3A_1307 : vector<16xf32>
      %add3A_1406 = arith.addf %gather3A_1315, %gather3A_1323 : vector<16xf32>
      %add3A_1407 = arith.addf %gather3A_1331, %gather3A_1339 : vector<16xf32>
      %add3A_1408 = arith.addf %gather3A_1347, %gather3A_1355 : vector<16xf32>
      %add3A_1409 = arith.addf %gather3A_1363, %gather3A_1371 : vector<16xf32>
      %add3A_1410 = arith.addf %gather3A_1379, %gather3A_1387 : vector<16xf32>
      %add3A_1411 = arith.addf %gather3A_1395, %gather3A_1403 : vector<16xf32>
      %add3A_1412 = arith.addf %add3A_1404, %add3A_1405 : vector<16xf32>
      %add3A_1413 = arith.addf %add3A_1406, %add3A_1407 : vector<16xf32>
      %add3A_1414 = arith.addf %add3A_1408, %add3A_1409 : vector<16xf32>
      %add3A_1415 = arith.addf %add3A_1410, %add3A_1411 : vector<16xf32>
      %add3A_1416 = arith.addf %add3A_1412, %add3A_1413 : vector<16xf32>
      %add3A_1417 = arith.addf %add3A_1414, %add3A_1415 : vector<16xf32>
      %add3A_1418 = arith.addf %add3A_1416, %add3A_1417 : vector<16xf32>
      %mul3A_1419 = arith.constant 16 : i32
      %mul3A_1420 = arith.muli %scan3A_35, %mul3A_1419 : i32
      %add3A_1421 = arith.constant 9920 : i32
      %add3A_1422 = arith.addi %add3A_1421, %mul3A_1420 : i32
      %multiple_of3A_1423 = tpu.assume_multiple %add3A_1422, 16 : i32
      %swap3A_1424 = arith.index_cast %multiple_of3A_1423 : i32 to index
      %swap3A_1425 = tpu.vector_load %arg16[%swap3A_1424] {strides = array<i32>} : memref<10000xf32, #tpu.memory_space<vmem>>, vector<16xf32>,
      tpu.vector_store %arg16[%swap3A_1424], %add3A_1418 {strides = array<i32>} : memref<10000xf32, #tpu.memory_space<vmem>>, vector<16xf32>,
    }
    %scan3A_34 = arith.constant 5 : i32
    "tpu.region"() ({
      %run_scoped3A = tpu.sem_alloc : memref<!tpu.dma_semaphore, #tpu.memory_space<semaphore_mem>>
      %dma_start3A_35 = tpu.memref_slice %arg7[%multiple_of3A] : memref<320000xf32, #tpu.memory_space<hbm>> -> memref<10000xf32, #tpu.memory_space<hbm>>
      %dma_start3A_36 = tpu.memref_slice %arg7[%multiple_of3A] : memref<320000xf32, #tpu.memory_space<hbm>> -> memref<10000xf32, #tpu.memory_space<hbm>>
      tpu.enqueue_dma source(%arg16 : memref<10000xf32, #tpu.memory_space<vmem>>) target(%dma_start3A_36 : memref<10000xf32, #tpu.memory_space<hbm>>) target_semaphore(%run_scoped3A : memref<!tpu.dma_semaphore, #tpu.memory_space<semaphore_mem>>)
      %dma_wait3A_37 = tpu.memref_slice %arg7[%multiple_of3A] : memref<320000xf32, #tpu.memory_space<hbm>> -> memref<10000xf32, #tpu.memory_space<hbm>>
      %dma_wait3A_38 = tpu.memref_slice %arg7[%multiple_of3A] : memref<320000xf32, #tpu.memory_space<hbm>> -> memref<10000xf32, #tpu.memory_space<hbm>>
      tpu.wait_dma2 semaphore(%run_scoped3A : memref<!tpu.dma_semaphore, #tpu.memory_space<semaphore_mem>>) src(%arg16 : memref<10000xf32, #tpu.memory_space<vmem>>) dst(%dma_wait3A_38 : memref<10000xf32, #tpu.memory_space<hbm>>)
      tpu.yield
    }) : () -> ()
    return
  }
}

</mosaic_0001>

<sc_bundles>
// kernel: _sc_score.3.cloned.1.call-start
scs
__scs_entry_jumppad:
0x0: {  	(pc) =	sbr.rel $0x88, $3  }
0x1: {  	(tag) =	ssettag $0x0;
	lr =	simm.s32 $0x1  }
0x2: {  	[smem:$0x3F9C] =	sst lr;
	_ =	strace $0xD0000000  }
0x3: {  	_ = 	snop  }
0x4: {  	_ = 	snop  }
0x5: {  	_ = 	snop  }
0x6: {  	_ = 	snop  }
0x7: {  	_ = 	snop  }
__scs_overlays_trampoline_lowered:
0x8: {  	[smem:$0x3FAB] =	sst s0  }
0x9: {  	[smem:$0x3FAC] =	sst s1  }
0xa: {  	[smem:$0x3FAD] =	sst s2  }
0xb: {  	[smem:$0x3FAE] =	sst s3  }
0xc: {  	[smem:$0x3FAF] =	sst s4  }
0xd: {  	[smem:$0x3FB0] =	sst s5  }
0xe: {  	[smem:$0x3FB1] =	sst s6  }
0xf: {  	[smem:$0x3FB2] =	sst s7  }
0x10: {  	[smem:$0x3FB3] =	sst s8  }
0x11: {  	[smem:$0x3FB4] =	sst s9;
	s0 =	simm.s32 @!p0 $0x0  }
0x12: {  	s1 =	sld [smem:$0x3F9A];
	s0 =	simm.s32 @p0 $0x1  }
0x13: {  	[smem:$0x3FB5] =	sst s0;
	s0 =	simm.s32 @!p1 $0x0  }
0x14: {  	s2 =	sld [smem:$0x3F99];
	s0 =	simm.s32 @p1 $0x1  }
0x15: {  	[smem:$0x3FB6] =	sst s0;
	s0 =	simm.s32 @!p2 $0x0  }
0x16: {  	s3 =	sld [smem:$0x3FDB];
	s0 =	simm.s32 @p2 $0x1  }
0x17: {  	s4 =	simm.s32 $0x1BF5;
	[smem:$0x3FB8] =	sst s0  }
0x18: {  	s0 =	sld [smem:$0x3F9B];
	_ =	swait.ge [sflag:s4], $0x0  }
0x19: {  	s7 =	sld [smem:$0x3F9C]  }
0x1a: {  	s8 =	sadd.s32 $0xFFFFE003, lr  }
0x1b: {  	s9 =	sadd.s32 $0xFFFFFEF7, lr;
	s5 =	simm.s32 $0xFFFFFFFF;
	p2 =	slt.u32 s8, $0xFFFFF086  }
0x1c: {  	p1 =	slt.u32 s9, $0xF7A;
	s5 =	simm.s32 @!p2 $0x0  }
0x1d: {  	s5 =	simm.s32 @p1 $0x1;
	p0 =	seq.s32 s7, s2  }
0x1e: {  	s7 =	smul.u32 @!p0 $0xF7A, s2;
	p2 =	seq.s32 @!p0 s5, $0x0  }
0x1f: {  	s9 =	smul.u32 $0xF7A, s1;
	s8 =	simm.s32 @!p0 $0x1BF5;
	p2 =	por !p2, p0  }
0x20: {  	[sflag:s8] =	ssyncset.s32 @!p0 $0xFFFFF086;
	s6 =	sadd.s32 @!p0 s3, s7;
	s7 =	simm.s32 @!p0 $0x108  }
0x21: {  	s3 =	sadd.s32 s3, s9;
	s6 =	sadd.s32 @!p0 $0x88, s6;
	s7 =	simm.s32 @p2 $0x1082  }
0x22: {  	[simem:s7], [sflag:s8] =	dma.local @!p0 [hbm:s6], $0xF7A  }
0x23: {  	s9 =	sor.u32 $0xD0000000, s2;
	s6 =	simm.s32 $0x108;
	_ =	swait.ge @!p0 [sflag:s8], $0x0  }
0x24: {  	s3 =	sadd.s32 $0x88, s3;
	s6 =	simm.s32 @!p1 $0x1082;
	[sflag:s4] =	ssyncset.s32 $0xFFFFF086  }
0x25: {  	[simem:s6], [sflag:s4] =	dma.local [hbm:s3], $0xF7A  }
0x26: {  	[smem:$0x3F9C] =	sst s1;
	(tag) =	ssettag s2;
	_ =	strace s9  }
0x27: {  	s1 =	sld [smem:$0x3FAC]  }
0x28: {  	s2 =	sld [smem:$0x3FAD]  }
0x29: {  	s4 =	sld [smem:$0x3FAF]  }
0x2a: {  	p0 =	seq.s32 s5, $0x0;
	s5 =	sld [smem:$0x3FB0]  }
0x2b: {  	s6 =	sld [smem:$0x3FB1]  }
0x2c: {  	s7 =	sld [smem:$0x3FB2]  }
0x2d: {  	s3 =	simm.s32 $0x108;
	s8 =	sld [smem:$0x3FB3]  }
0x2e: {  	s3 =	simm.s32 @!p0 $0x1082;
	s9 =	sld [smem:$0x3FB4]  }
0x2f: {  	lr =	sadd.s32 s0, s3;
	s0 =	sld [smem:$0x3FAB]  }
0x30: {  	s3 =	sld [smem:$0x3FAE]  }
0x31: {  	[smem:$0x3FB7] =	sst s10  }
0x32: {  	s10 =	sld [smem:$0x3FB5];
	_ =	sdelay $0x3  }
0x33: {  	p0 =	seq.s32 s10, $0x1;
	s10 =	sld [smem:$0x3FB7];
	_ =	sdelay $0x3  }
0x34: {  	[smem:$0x3FB7] =	sst s10  }
0x35: {  	s10 =	sld [smem:$0x3FB6];
	_ =	sdelay $0x3  }
0x36: {  	p1 =	seq.s32 s10, $0x1;
	s10 =	sld [smem:$0x3FB7];
	_ =	sdelay $0x3  }
0x37: {  	[smem:$0x3FB7] =	sst s10  }
0x38: {  	s10 =	sld [smem:$0x3FB8]  }
0x39: {  	_ = 	snop;
	(pc) =	sbr.ind lr, $3  }
0x3a: {  	_ = 	snop  }
0x3b: {  	_ = 	snop  }
0x3c: {  	p2 =	seq.s32 s10, $0x1;
	s10 =	sld [smem:$0x3FB7]  }
0x3d: {  	_ =	shalt  }
0x3e: {  	_ =	shalt  }
0x3f: {  	_ =	shalt  }
0x40: {  	_ =	shalt  }
0x41: {  	_ =	shalt  }
0x42: {  	_ =	shalt  }
0x43: {  	_ =	shalt  }
0x44: {  	_ =	shalt  }
0x45: {  	_ =	shalt  }
0x46: {  	_ =	shalt  }
0x47: {  	_ =	shalt  }
0x48: {  	_ =	shalt  }
0x49: {  	_ =	shalt  }
0x4a: {  	_ =	shalt  }
0x4b: {  	_ =	shalt  }
0x4c: {  	_ =	shalt  }
0x4d: {  	_ =	shalt  }
0x4e: {  	_ =	shalt  }
0x4f: {  	_ =	shalt  }
0x50: {  	_ =	shalt  }
0x51: {  	_ =	shalt  }
0x52: {  	_ =	shalt  }
0x53: {  	_ =	shalt  }
0x54: {  	_ =	shalt  }
0x55: {  	_ =	shalt  }
0x56: {  	_ =	shalt  }
0x57: {  	_ =	shalt  }
0x58: {  	_ =	shalt  }
0x59: {  	_ =	shalt  }
0x5a: {  	_ =	shalt  }
0x5b: {  	_ =	shalt  }
0x5c: {  	_ =	shalt  }
0x5d: {  	_ =	shalt  }
0x5e: {  	_ =	shalt  }
0x5f: {  	_ =	shalt  }
0x60: {  	_ =	shalt  }
0x61: {  	_ =	shalt  }
0x62: {  	_ =	shalt  }
0x63: {  	_ =	shalt  }
0x64: {  	_ =	shalt  }
0x65: {  	_ =	shalt  }
0x66: {  	_ =	shalt  }
0x67: {  	_ =	shalt  }
0x68: {  	_ =	shalt  }
0x69: {  	_ =	shalt  }
0x6a: {  	_ =	shalt  }
0x6b: {  	_ =	shalt  }
0x6c: {  	_ =	shalt  }
0x6d: {  	_ =	shalt  }
0x6e: {  	_ =	shalt  }
0x6f: {  	_ =	shalt  }
0x70: {  	_ =	shalt  }
0x71: {  	_ =	shalt  }
0x72: {  	_ =	shalt  }
0x73: {  	_ =	shalt  }
0x74: {  	_ =	shalt  }
0x75: {  	_ =	shalt  }
0x76: {  	_ =	shalt  }
0x77: {  	_ =	shalt  }
0x78: {  	_ =	shalt  }
0x79: {  	_ =	shalt  }
0x7a: {  	_ =	shalt  }
0x7b: {  	_ =	shalt  }
0x7c: {  	_ =	shalt  }
0x7d: {  	_ =	shalt  }
0x7e: {  	_ =	shalt  }
0x7f: {  	_ =	shalt  }
0x80: {  	_ =	shalt  }
0x81: {  	_ =	shalt  }
0x82: {  	_ =	shalt  }
0x83: {  	_ =	shalt  }
0x84: {  	_ =	shalt  }
0x85: {  	_ =	shalt  }
0x86: {  	_ =	shalt  }
0x87: {  	_ =	shalt  }
.Lfunc_end0:
.L_simem_size_0:
called_computation_lowered:
.L_overlay_start_0:
0x88: {  	s2 =	sld [smem:$0x3FD9]  }
0x89: {  	s3 =	sld [smem:$0x3FFE];
	_ =	sdelay $0x1  }
0x8a: {  	s1 =	srdreg.scid  }
0x8b: {  	s0 =	sand.u32 $0x1, s1  }
0x8c: {  	s17 =	sshll.u32 s0, $0xA;
	s2 =	sadd.s32 s3, s2  }
0x8d: {  	s2 =	sadd.s32 s2, s17  }
0x8e: {  	[smem:$0x3FC3] =	sst s2  }
0x8f: {  	_ = 	snop  }
0x90: {  	s2 =	sld [smem:$0x3FC7]  }
0x91: {  	s18 =	sld [smem:$0x3FC6]  }
0x92: {  	s4 =	sld [smem:$0x3FC5]  }
0x93: {  	s5 =	sld [smem:$0x3FD0];
	(tm) =	ssettm $0x1  }
0x94: {  	s6 =	sld [smem:$0x3FFB];
	_ =	sdelay $0x3  }
0x95: {  	_ =	strace s6  }
0x96: {  	s6 =	sld [smem:$0x3FFC];
	_ =	sdelay $0x3  }
0x97: {  	_ =	strace s6  }
0x98: {  	s6 =	sld [smem:$0x3FFD];
	_ =	sdelay $0x3  }
0x99: {  	_ =	strace s6  }
0x9a: {  	_ =	strace $0x8FFFFFFF  }
0x9b: {  	s19 =	sld [smem:$0x3FDB];
	_ =	sdelay $0x1  }
0x9c: {  	s7 =	simm.s32 $_scs_section_size  }
0x9d: {  	s8 =	simm.s32 $_size__tile_overlayer_lowered;
	s9 =	simm.s32 $_tile_overlayer_lowered  }
0x9e: {  	s22 =	simm.s32 $0x1BFF;
	s21 =	sshll.u32 s9, $0x1;
	s6 =	sadd.s32 s7, s19  }
0x9f: {  	s10 =	simm.s32 $0x0;
	s20 =	sshll.u32 s8, $0x1;
	s8 =	sadd.s32 s21, s6  }
0xa0: {  	[timem:s10], [sflag:s22] =	dma.local [hbm:s8], s20  }
0xa1: {  	_ =	swait.ge [sflag:s22], s20  }
0xa2: {  	s7 =	ssub.s32 $0x0, s20;
	[sflag:s22] =	ssyncset.done $0x0  }
0xa3: {  	[sflag:s22] =	ssyncadd.s32 s7;
	_ =	sdelay $0x1  }
0xa4: {  	s23 =	simm.s32 $0x1B8B  }
0xa5: {  	_ =	swait.ge [sflag:s23], $0x1  }
0xa6: {  	[sflag:s23] =	ssyncset.done $0x0  }
0xa7: {  	s25 =	simm.s32 $0x1B8E;
	s24 =	sld [smem:$0x3FFE];
	[sflag:s23] =	ssyncadd.s32 $0xFFFFFFFF  }
0xa8: {  	s26 =	simm.s32 $execute0_lowered;
	[smem:$0x3FD2] =	sst s25  }
0xa9: {  	s8 =	sshll.u32 s26, $0x1;
	_ =	strace $0x80000046;
	[dreg:$0x1] =	wrdreg $0xFFFFFFFF  }
0xaa: {  	s28 =	simm.s32 $_size_execute0_lowered;
	s6 =	sadd.s32 s6, s8;
	[dreg:$0x0] =	wrdreg $0x0  }
0xab: {  	s8 =	sshll.u32 s28, $0x1;
	[dreg:$0x2] =	wrdreg s6  }
0xac: {  	[dreg:$0x3] =	wrdreg s8  }
0xad: {  	[dreg:$0x4] =	wrdreg $0xC0  }
0xae: {  	_ =	task [dreg:s10], $0x5FFFF  }
0xaf: {  	[dreg:$0x1] =	wrdreg $0xFFFFFFFF  }
0xb0: {  	[dreg:$0x0] =	wrdreg $0x60  }
0xb1: {  	[dreg:$0x2] =	wrdreg s24  }
0xb2: {  	[dreg:$0x3] =	wrdreg s2  }
0xb3: {  	[dreg:$0x4] =	wrdreg s18  }
0xb4: {  	[dreg:$0x5] =	wrdreg s4  }
0xb5: {  	[dreg:$0x6] =	wrdreg s5  }
0xb6: {  	[dreg:$0x7] =	wrdreg $0x9  }
0xb7: {  	_ =	task.clear_ibuf [dreg:s10], $0x8FFFF;
	_ =	strace $0x90000046  }
0xb8: {  	s29 =	simm.s32 $0x9;
	_ =	strace $0x80000048  }
0xb9: {  	_ =	swait.ge [sflag:s29], $0x1  }
0xba: {  	[sflag:s29] =	ssyncadd.s32 $0xFFFFFFFF  }
0xbb: {  	_ =	strace $0x90000048  }
0xbc: {  	_ =	sfence  }
0xbd: {  	s30 =	sld [smem:$0x0];
	_ =	sdelay $0x2  }
0xbe: {  	s31 =	sshll.u32 s1, $0xD;
	s1 =	sshrl.u32 s1, $0x2  }
0xbf: {  	s3 =	sand.u32 $0x4000, s31;
	s1 =	sadd.s32 s1, s30  }
0xc0: {  	s0 =	sor.u32 s3, s0;
	s1 =	sshll.u32 s1, $0x11  }
0xc1: {  	s0 =	sor.u32 s1, s0  }
0xc2: {  	s0 =	sadd.s32 $0x8F2B, s0  }
0xc3: {  	[sflag:s0] =	ssyncadd.remote.s32 $0x1  }
0xc4: {  	_ =	sfence.sel $0xFFFF  }
0xc5: {  	[dreg:$0x0] =	wrdreg $0xFFFFFFFF;
	(pc) =	sbr.abs _section_cstart, $3  }
0xc6: {  	[dreg:$0x1] =	wrdreg $0xFFFFFFFF  }
0xc7: {  	_ =	task.clear_ibuf [dreg:s10], $0x2FFFF;
	_ =	strace $0x9FFFFFFF  }
0xc8: {  	(tm) =	ssettm $0x7FFFFFFF  }
0xc9: {  	_ =	shalt  }
tec
execute0_lowered:
.L_overlay_start_1:
0x0: {  	(tag) =	ssettag $0x1  }
0x1: {  	v0 =	vimm.s32 $0xBCAB9A89;
	v1 =	vimm.s32 $0xF0EFDECD;
	vm0 =	vcmask $0x1F10  }
0x2: {  	v2 =	vimm.s32 $0x78675645;
	v3 =	vimm.s32 $0xBDAC9B8A;
	v4 =	vimm.s32 $0xF1E0DFCE  }
0x3: {  	v5 =	vimm.s32 $0x35241302;
	v6 =	vimm.s32 $0x79685746;
	v7 =	vimm.s32 $0xBEAD9C8B  }
0x4: {  	v8 =	vimm.s32 $0xF2E1D0CF;
	v9 =	vimm.s32 $0x39281706;
	v10 =	vimm.s32 $0x7D6C5B4A  }
0x5: {  	v11 =	vimm.s32 $0xB2A1908F;
	v12 =	vimm.s32 $0xF6E5D4C3;
	v13 =	vimm.s32 $0x3D2C1B0A  }
0x6: {  	v14 =	vimm.s32 $0x71605F4E;
	v15 =	vimm.s32 $0xB6A59483;
	v16 =	vimm.s32 $0xFAE9D8C7  }
0x7: {  	v17 =	vimm.s32 $0x75645342;
	v18 =	vimm.s32 $0xBAA99887;
	v19 =	vimm.s32 $0xFEEDDCCB  }
0x8: {  	v20 =	vimm.s32 $0x3221100F;
	v21 =	vimm.s32 $0x76655443;
	v0 =	vunpack.c.0.s8.s32 v0  }
0x9: {  	v1 =	vunpack.c.0.s8.s32 v1;
	v2 =	vunpack.c.0.s8.s32 v2;
	v3 =	vunpack.c.0.s8.s32 v3  }
0xa: {  	v4 =	vunpack.c.0.s8.s32 v4;
	v5 =	vunpack.c.0.s8.s32 v5;
	v6 =	vunpack.c.0.s8.s32 v6  }
0xb: {  	v7 =	vunpack.c.0.s8.s32 v7;
	v8 =	vunpack.c.0.s8.s32 v8;
	v9 =	vunpack.c.0.s8.s32 v9  }
0xc: {  	v10 =	vunpack.c.0.s8.s32 v10;
	v11 =	vunpack.c.0.s8.s32 v11;
	v12 =	vunpack.c.0.s8.s32 v12  }
0xd: {  	v13 =	vunpack.c.0.s8.s32 v13;
	v0 =	vsel vm0, v1, v0;
	v1 =	vimm.s32 $0x34231201  }
0xe: {  	v14 =	vunpack.c.0.s8.s32 v14;
	v17 =	vunpack.c.0.s8.s32 v17;
	v1 =	vunpack.c.0.s8.s32 v1  }
0xf: {  	v18 =	vunpack.c.0.s8.s32 v18;
	v19 =	vunpack.c.0.s8.s32 v19;
	v20 =	vunpack.c.0.s8.s32 v20  }
0x10: {  	v21 =	vunpack.c.0.s8.s32 v21;
	v1 =	vsel vm0, v2, v1;
	v2 =	vsel vm0, v6, v5  }
0x11: {  	v5 =	vimm.s32 $0xBFAE9D8C;
	v6 =	vimm.s32 $0xF3E2D1C0;
	v1 =	vcombine.low v1, v0  }
0x12: {  	v0 =	vsel vm0, v4, v3;
	v3 =	vimm.s32 $0x36251403;
	v4 =	vimm.s32 $0x7A695847  }
0x13: {  	v5 =	vunpack.c.0.s8.s32 v5;
	v6 =	vunpack.c.0.s8.s32 v6;
	v2 =	vcombine.low v2, v0  }
0x14: {  	v0 =	vsel vm0, v8, v7;
	v3 =	vunpack.c.0.s8.s32 v3;
	v4 =	vunpack.c.0.s8.s32 v4  }
0x15: {  	v7 =	vimm.s32 $0x37261504;
	v8 =	vimm.s32 $0x7B6A5948;
	v5 =	vsel vm0, v6, v5  }
0x16: {  	v3 =	vsel vm0, v4, v3;
	v4 =	vunpack.c.0.s8.s32 v7;
	v7 =	vunpack.c.0.s8.s32 v8  }
0x17: {  	v6 =	vimm.s32 $0xB0AF9E8D;
	v1 =	vand.u32 $0xFF, v1;
	v8 =	vimm.s32 $0xF4E3D2C1  }
0x18: {  	v6 =	vunpack.c.0.s8.s32 v6;
	v4 =	vsel vm0, v7, v4;
	v7 =	vunpack.c.0.s8.s32 v8  }
0x19: {  	v2 =	vand.u32 $0xFF, v2;
	v3 =	vcombine.low v3, v0;
	v4 =	vcombine.low v4, v5  }
0x1a: {  	v5 =	vimm.s32 $0x38271605;
	v0 =	vsel vm0, v7, v6;
	v6 =	vimm.s32 $0x7C6B5A49  }
0x1b: {  	v8 =	vimm.s32 $0xF5E4D3C2;
	v5 =	vunpack.c.0.s8.s32 v5;
	v6 =	vunpack.c.0.s8.s32 v6  }
0x1c: {  	v8 =	vunpack.c.0.s8.s32 v8;
	v3 =	vand.u32 $0xFF, v3;
	v7 =	vimm.s32 $0xB1A09F8E  }
0x1d: {  	v7 =	vunpack.c.0.s8.s32 v7;
	v4 =	vand.u32 $0xFF, v4;
	v5 =	vsel vm0, v6, v5  }
0x1e: {  	v6 =	vsel vm0, v10, v9;
	v9 =	vimm.s32 $0xB3A29180;
	v10 =	vimm.s32 $0xF7E6D5C4  }
0x1f: {  	v5 =	vcombine.low v5, v0;
	v0 =	vsel vm0, v8, v7;
	v7 =	vimm.s32 $0x3A291807  }
0x20: {  	v8 =	vimm.s32 $0x7E6D5C4B;
	v9 =	vunpack.c.0.s8.s32 v9;
	v10 =	vunpack.c.0.s8.s32 v10  }
0x21: {  	v6 =	vcombine.low v6, v0;
	v7 =	vunpack.c.0.s8.s32 v7;
	v8 =	vunpack.c.0.s8.s32 v8  }
0x22: {  	v0 =	vsel vm0, v12, v11;
	v11 =	vimm.s32 $0x3B2A1908;
	v12 =	vimm.s32 $0x7F6E5D4C  }
0x23: {  	v7 =	vsel vm0, v8, v7;
	v8 =	vunpack.c.0.s8.s32 v11;
	v11 =	vunpack.c.0.s8.s32 v12  }
0x24: {  	v9 =	vsel vm0, v10, v9;
	v10 =	vimm.s32 $0xB4A39281;
	v12 =	vimm.s32 $0xF8E7D6C5  }
0x25: {  	v10 =	vunpack.c.0.s8.s32 v10;
	v8 =	vsel vm0, v11, v8;
	v11 =	vunpack.c.0.s8.s32 v12  }
0x26: {  	v7 =	vcombine.low v7, v0;
	v12 =	vimm.s32 $0xF9E8D7C6;
	v8 =	vcombine.low v8, v9  }
0x27: {  	v9 =	vimm.s32 $0x3C2B1A09;
	v0 =	vsel vm0, v11, v10;
	v10 =	vimm.s32 $0x706F5E4D  }
0x28: {  	v9 =	vunpack.c.0.s8.s32 v9;
	v11 =	vimm.s32 $0xB5A49382;
	v10 =	vunpack.c.0.s8.s32 v10  }
0x29: {  	v5 =	vand.u32 $0xFF, v5;
	v12 =	vunpack.c.0.s8.s32 v12;
	v11 =	vunpack.c.0.s8.s32 v11  }
0x2a: {  	v9 =	vsel vm0, v10, v9;
	v10 =	vunpack.c.0.s8.s32 v15;
	v15 =	vunpack.c.0.s8.s32 v16  }
0x2b: {  	v16 =	vimm.s32 $0x73625140;
	v9 =	vcombine.low v9, v0;
	v0 =	vsel vm0, v12, v11  }
0x2c: {  	v11 =	vsel vm0, v14, v13;
	v12 =	vimm.s32 $0x7261504F;
	v13 =	vimm.s32 $0xB7A69584  }
0x2d: {  	v11 =	vcombine.low v11, v0;
	v0 =	vsel vm0, v15, v10;
	v10 =	vimm.s32 $0x3E2D1C0B  }
0x2e: {  	v14 =	vimm.s32 $0xFBEAD9C8;
	v12 =	vunpack.c.0.s8.s32 v12;
	v10 =	vunpack.c.0.s8.s32 v10  }
0x2f: {  	s0 =	rddreg [dreg:$0x0];
	v13 =	vunpack.c.0.s8.s32 v13;
	v14 =	vunpack.c.0.s8.s32 v14;
	v15 =	vimm.s32 $0x3F2E1D0C  }
0x30: {  	s1 =	rddreg [dreg:$0x1];
	v10 =	vsel vm0, v12, v10;
	v12 =	vunpack.c.0.s8.s32 v15;
	v15 =	vunpack.c.0.s8.s32 v16  }
0x31: {  	s6 =	rddreg [dreg:$0x2];
	v16 =	vcombine.low v10, v0;
	v0 =	vsel vm0, v14, v13;
	v10 =	vimm.s32 $0xB8A79685  }
0x32: {  	s7 =	rddreg [dreg:$0x3];
	v13 =	vimm.s32 $0xFCEBDAC9;
	v14 =	vimm.s32 $0x302F1E0D;
	v12 =	vsel vm0, v15, v12  }
0x33: {  	s8 =	rddreg [dreg:$0x4];
	s3 =	srdreg.scid;
	v10 =	vunpack.c.0.s8.s32 v10;
	v13 =	vunpack.c.0.s8.s32 v13;
	v15 =	vimm.s32 $0x74635241  }
0x34: {  	s4 =	stileid.u32;
	s2 =	simm.s32 $0x0;
	s11 =	simm.s32 $0x2710;
	v12 =	vcombine.low v12, v0;
	v0 =	vunpack.c.0.s8.s32 v14;
	v14 =	vunpack.c.0.s8.s32 v15  }
0x35: {  	s13 =	simm.s32 $0x50;
	s14 =	simm.s32 $0x16F30;
	s15 =	simm.s32 $0x18330;
	v6 =	vand.u32 $0xFF, v6;
	v7 =	vand.u32 $0xFF, v7;
	v15 =	vimm.s32 $0xFDECDBCA  }
0x36: {  	s16 =	simm.s32 $0x19730;
	s17 =	simm.s32 $0x1AB30;
	s18 =	simm.s32 $0x1;
	v10 =	vsel vm0, v13, v10;
	v13 =	vimm.s32 $0xB9A89786;
	v0 =	vsel vm0, v14, v0  }
0x37: {  	s19 =	simm.s32 $0x1E640;
	s20 =	simm.s32 $0x2;
	s21 =	simm.s32 $0x1BF30;
	v13 =	vunpack.c.0.s8.s32 v13;
	v14 =	vunpack.c.0.s8.s32 v15;
	v15 =	vimm.s32 $0x31201F0E  }
0x38: {  	s22 =	simm.s32 $0x0;
	s3 =	sand.u32 $0x1, s3;
	s4 =	sshll.u32 s4, $0x1;
	v8 =	vand.u32 $0xFF, v8;
	v9 =	vand.u32 $0xFF, v9;
	v15 =	vunpack.c.0.s8.s32 v15  }
0x39: {  	[smem:$0x7FF] =	sst s2;
	s5 =	ssub.s32 $0x2, s3;
	s3 =	sor.u32 s3, s4;
	v12 =	vand.u32 $0xFF, v12;
	v22 =	vcombine.low v0, v10;
	v10 =	vsel vm0, v14, v13  }
0x3a: {  	_ =	strace $0x80000047;
	s9 =	sshrl.u32 s5, $0x1;
	s10 =	smul.u32 $0x4E2, s3;
	v14 =	vsel vm0, v19, v18;
	v13 =	vsel vm0, v17, v15;
	v15 =	vsel vm0, v21, v20  }
0x3b: {  	s4 =	sadd.s32 $0x14000, s0;
	s3 =	sadd.s32 $0x600, s0;
	s31 =	ssub.s32 s5, s9;
	v0 =	vlaneseq.u32;
	v17 =	vcombine.low v13, v10;
	v15 =	vcombine.low v15, v14  }
0x3c: {  	s5 =	sadd.s32 s1, s10;
	s6 =	sadd.s32 s6, s10;
	s7 =	sadd.s32 s7, s10;
	v0 =	vmul.u32 $0x11, v0;
	v10 =	vand.u32 $0xFF, v11;
	v11 =	vand.u32 $0xFF, v16  }
0x3d: {  	s8 =	sadd.s32 s8, s10;
	s9 =	smax.u32 s31, $0x1;
	s10 =	simm.s32 $0x3;
	v13 =	vand.u32 $0xFF, v22;
	v14 =	vand.u32 $0xFF, v17;
	v15 =	vand.u32 $0xFF, v15  }
.LBB2_1:
0x3e: {  	[tilespmem:s2], [sflag:$0x3] =	stream.linear.gather [hbm4b:s5+s2], $0x2710, $0x38;
	[tilespmem:$0x1E740] =	vst v63  }
0x3f: {  	_ =	swait.ge [sflag:s10], $0x2710  }
0x40: {  	[sflag:s10] =	ssyncset.done $0x0  }
0x41: {  	[sflag:s10] =	ssyncadd.s32 $0xFFFFD8F0  }
0x42: {  	[tilespmem:s11], [sflag:$0x3] =	stream.linear.gather [hbm4b:s6+s2], $0x2710, $0x38;
	[tilespmem:$0x1E740] =	vst v63  }
0x43: {  	_ =	swait.ge [sflag:s10], $0x2710  }
0x44: {  	[sflag:s10] =	ssyncset.done $0x0  }
0x45: {  	s23 =	simm.s32 $0x4E20;
	[sflag:s10] =	ssyncadd.s32 $0xFFFFD8F0  }
0x46: {  	[tilespmem:s23], [sflag:$0x3] =	stream.linear.gather [hbm4b:s7+s2], $0x2710, $0x38;
	[tilespmem:$0x1E740] =	vst v63  }
0x47: {  	_ =	swait.ge [sflag:s10], $0x2710  }
0x48: {  	[sflag:s10] =	ssyncset.done $0x0  }
0x49: {  	s0 =	simm.s32 $0x7530;
	[sflag:s10] =	ssyncadd.s32 $0xFFFFD8F0  }
0x4a: {  	[tilespmem:s0], [sflag:$0x3] =	stream.linear.gather [hbm4b:s4+s2], $0xFA00, $0x38;
	[tilespmem:$0x1E740] =	vst v63  }
0x4b: {  	_ =	swait.ge [sflag:s10], $0xFA00  }
0x4c: {  	[sflag:s10] =	ssyncset.done $0x0  }
0x4d: {  	s24 =	simm.s32 $0x1BF80;
	[sflag:s10] =	ssyncadd.s32 $0xFFFF0600  }
0x4e: {  	[tilespmem:s14], [sflag:$0x1] =	stream.indirect.gather [hbm4b:s3+s13], $0x40, s2, s13, $0xb8;
	[tilespmem:$0x1E740] =	vst v63  }
0x4f: {  	s25 =	simm.s32 $0x4E70;
	s26 =	simm.s32 $0x1BF30;
	s28 =	simm.s32 $0x0  }
0x50: {  	[tilespmem:s15], [sflag:$0x1] =	stream.indirect.gather [hbm4b:s3+s13], $0x40, s11, s13, $0xb8;
	[tilespmem:$0x1E740] =	vst v63  }
.LBB2_2:
0x51: {  	s29 =	smul.u32 $0xA0, s28;
	_ =	sdelay $0x1  }
0x52: {  	s0 =	sadd.s32 $0x50, s29  }
0x53: {  	[tilespmem:s16], [sflag:$0x2] =	stream.indirect.gather [hbm4b:s3+s13], $0x40, s0, s13, $0xb8;
	[tilespmem:$0x1E740] =	vst v63  }
0x54: {  	s12 =	sadd.s32 $0x2760, s29  }
0x55: {  	[tilespmem:s17], [sflag:$0x2] =	stream.indirect.gather [hbm4b:s3+s13], $0x40, s12, s13, $0xb8;
	[tilespmem:$0x1E740] =	vst v63  }
0x56: {  	_ =	swait.ge [sflag:s18], $0x1400  }
0x57: {  	[sflag:s18] =	ssyncset.done $0x0  }
0x58: {  	v16 =	vmov s23;
	[sflag:s18] =	ssyncadd.s32 $0xFFFFEC00  }
0x59: {  	_ =	swait.ge [sflag:s18], $0x1400  }
0x5a: {  	s30 =	simm.s32 $0x0;
	[sflag:s18] =	ssyncset.done $0x0  }
0x5b: {  	s31 =	simm.s32 $0x17130;
	v17 =	vmov s26;
	s0 =	simm.s32 $0x18530;
	[sflag:s18] =	ssyncadd.s32 $0xFFFFEC00  }
.LBB2_3:
0x5c: {  	s1 =	sshra.s32 s30, $0x2  }
0x5d: {  	v18 =	vld.idx.msk [tilespmem:v16+s1+$0x0 ss:$0x1], $0xffff;
	_ =	sdelay $0x4  }
0x5e: {  	v18 =	vshll.u32 v18, $0x8  }
0x5f: {  	v19 =	vld [tilespmem:s31+$0xFFFFFE00];
	v18 =	vshra.s32 v18, $0x2  }
0x60: {  	v20 =	vld [tilespmem:s31+$0xFFFFFE10];
	(v2sf) =	vpush v18, $0x0  }
0x61: {  	v21 =	vld [tilespmem:s31+$0xFFFFFE20]  }
0x62: {  	v22 =	vld [tilespmem:s31+$0xFFFFFE30]  }
0x63: {  	v23 =	vld [tilespmem:s0+$0xFFFFFE00]  }
0x64: {  	v24 =	vld [tilespmem:s0+$0xFFFFFE10]  }
0x65: {  	v25 =	vld [tilespmem:s0+$0xFFFFFE20]  }
0x66: {  	v26 =	vld [tilespmem:s0+$0xFFFFFE30]  }
0x67: {  	v31 =	vld [tilespmem:s31+$0xFFFFFE40]  }
0x68: {  	v32 =	vld [tilespmem:s31+$0xFFFFFE50]  }
0x69: {  	v33 =	vld [tilespmem:s31+$0xFFFFFE60];
	(v2sf) =	vpush v18, $0x1  }
0x6a: {  	v34 =	vld [tilespmem:s31+$0xFFFFFE70]  }
0x6b: {  	v35 =	vld [tilespmem:s0+$0xFFFFFE40]  }
0x6c: {  	v36 =	vld [tilespmem:s0+$0xFFFFFE50]  }
0x6d: {  	v37 =	vld [tilespmem:s0+$0xFFFFFE60]  }
0x6e: {  	v38 =	vld [tilespmem:s0+$0xFFFFFE70]  }
0x6f: {  	v62 =	vld [tilespmem:s31+$0xFFFFFE80];
	s12 =	spop (v2sf);
	(v2sf) =	vpush v18, $0x2  }
0x70: {  	v63 =	vld [tilespmem:s31+$0xFFFFFEA0]  }
0x71: {  	v27 =	vld [tilespmem:s12+$0x7530]  }
0x72: {  	v39 =	vmul.bf16 v23, v19;
	v40 =	vmul.bf16 v25, v21;
	v28 =	vld [tilespmem:s12+$0x7540]  }
0x73: {  	v19 =	vmul.bf16 v25, v19;
	v21 =	vmul.bf16 v23, v21;
	v29 =	vld [tilespmem:s12+$0x7550]  }
0x74: {  	v59 =	vmul.bf16 v24, v20;
	v42 =	vmul.bf16 v26, v22;
	v30 =	vld [tilespmem:s12+$0x7560]  }
0x75: {  	v48 =	vld [tilespmem:s0+$0xFFFFFE80];
	v20 =	vmul.bf16 v26, v20;
	v22 =	vmul.bf16 v24, v22  }
0x76: {  	v49 =	vld [tilespmem:s0+$0xFFFFFEA0];
	v61 =	vadd.bf16 v40, v39;
	v19 =	vsub.bf16 v19, v21  }
0x77: {  	v50 =	vld [tilespmem:s0+$0xFFFFFEB0];
	v25 =	vadd.bf16 v42, v59;
	v20 =	vsub.bf16 v20, v22  }
0x78: {  	v22 =	vld [tilespmem:s31+$0xFFFFFE90];
	s12 =	spop (v2sf);
	v26 =	vmul.bf16 v61, v27;
	v19 =	vmul.bf16 v29, v19  }
0x79: {  	v41 =	vld [tilespmem:s12+$0x7530];
	v25 =	vmul.bf16 v25, v28;
	v20 =	vmul.bf16 v30, v20  }
0x7a: {  	(v2sf) =	vpush v18, $0x3;
	v58 =	vld [tilespmem:s12+$0x7540]  }
0x7b: {  	v43 =	vld [tilespmem:s12+$0x7550];
	v19 =	vadd.bf16 v19, v26;
	v20 =	vadd.bf16 v20, v25  }
0x7c: {  	v60 =	vld [tilespmem:s12+$0x7560]  }
0x7d: {  	v52 =	vmul.bf16 v35, v31;
	v28 =	vld [tilespmem:s31+$0xFFFFFEB0];
	v19 =	vadd.bf16 v20, v19  }
0x7e: {  	v53 =	vmul.bf16 v37, v33;
	v31 =	vmul.bf16 v37, v31;
	v25 =	vld [tilespmem:s0+$0xFFFFFE90];
	s12 =	spop (v2sf)  }
0x7f: {  	v33 =	vmul.bf16 v35, v33;
	v51 =	vunpack.i.u.bf16.f32 v19;
	v19 =	vunpack.i.l.bf16.f32 v19;
	v30 =	vld [tilespmem:s12+$0x7530]  }
0x80: {  	v55 =	vmul.bf16 v36, v32;
	v56 =	vmul.bf16 v38, v34;
	v19 =	vadd.f32 v19, v51;
	v44 =	vld [tilespmem:s12+$0x7540]  }
0x81: {  	v32 =	vmul.bf16 v38, v32;
	v34 =	vmul.bf16 v36, v34;
	v54 =	vld [tilespmem:s12+$0x7550]  }
0x82: {  	v31 =	vsub.bf16 v31, v33;
	v57 =	vadd.bf16 v56, v55;
	v45 =	vld [tilespmem:s12+$0x7560];
	[tilespmem:$0x1E640] =	vst v19  }
0x83: {  	v32 =	vsub.bf16 v32, v34;
	v19 =	vadd.bf16 v53, v52;
	v33 =	vld [tilespmem:s31+$0xFFFFFEC0]  }
0x84: {  	v31 =	vmul.bf16 v43, v31;
	v23 =	vmul.bf16 v57, v58;
	v34 =	vld [tilespmem:s31+$0xFFFFFED0]  }
0x85: {  	v24 =	vmul.bf16 v60, v32;
	v37 =	vld [tilespmem:s31+$0xFFFFFEE0];
	v19 =	vmul.bf16 v19, v41  }
0x86: {  	(v2sf) =	vpush v18, $0x4;
	v32 =	vld [tilespmem:s31+$0xFFFFFEF0]  }
0x87: {  	v23 =	vadd.bf16 v24, v23;
	v36 =	vld [tilespmem:s0+$0xFFFFFEC0];
	v19 =	vadd.bf16 v31, v19  }
0x88: {  	v24 =	vld [tilespmem:s0+$0xFFFFFED0]  }
0x89: {  	v21 =	vmul.bf16 v49, v62;
	s12 =	spop (v2sf);
	v58 =	vld [tilespmem:s0+$0xFFFFFEE0];
	v19 =	vadd.bf16 v23, v19  }
0x8a: {  	v61 =	vmul.bf16 v49, v63;
	v60 =	vmul.bf16 v48, v62;
	v38 =	vld [tilespmem:s12+$0x7530]  }
0x8b: {  	v62 =	vmul.bf16 v48, v63;
	v42 =	vld [tilespmem:s12+$0x7540];
	v59 =	vunpack.i.u.bf16.f32 v19;
	v19 =	vunpack.i.l.bf16.f32 v19  }
0x8c: {  	v48 =	vmul.bf16 v50, v28;
	v47 =	vmul.bf16 v25, v22;
	v63 =	vld [tilespmem:s12+$0x7550];
	v19 =	vadd.f32 v19, v59  }
0x8d: {  	v20 =	vmul.bf16 v50, v22;
	v50 =	vmul.bf16 v25, v28;
	v49 =	vld [tilespmem:s12+$0x7560]  }
0x8e: {  	v21 =	vsub.bf16 v21, v62;
	v51 =	vadd.bf16 v48, v47;
	v23 =	vld [tilespmem:s0+$0xFFFFFEF0];
	[tilespmem:$0x1E650] =	vst v19  }
0x8f: {  	v20 =	vsub.bf16 v20, v50;
	v19 =	vadd.bf16 v61, v60;
	v25 =	vld [tilespmem:s31+$0xFFFFFF00]  }
0x90: {  	v21 =	vmul.bf16 v54, v21;
	v26 =	vmul.bf16 v51, v44;
	v22 =	vld [tilespmem:s31+$0xFFFFFF10]  }
0x91: {  	(v2sf) =	vpush v18, $0x5;
	v20 =	vmul.bf16 v45, v20;
	v52 =	vld [tilespmem:s31+$0xFFFFFF20];
	v19 =	vmul.bf16 v19, v30  }
0x92: {  	v29 =	vld [tilespmem:s31+$0xFFFFFF30]  }
0x93: {  	v20 =	vadd.bf16 v20, v26;
	v53 =	vld [tilespmem:s0+$0xFFFFFF00];
	v19 =	vadd.bf16 v21, v19  }
0x94: {  	v54 =	vld [tilespmem:s0+$0xFFFFFF20]  }
0x95: {  	v56 =	vmul.bf16 v36, v33;
	s12 =	spop (v2sf);
	v21 =	vld [tilespmem:s0+$0xFFFFFF10];
	v19 =	vadd.bf16 v20, v19  }
0x96: {  	v57 =	vmul.bf16 v58, v37;
	v31 =	vmul.bf16 v58, v33;
	v35 =	vld [tilespmem:s12+$0x7530]  }
0x97: {  	v58 =	vmul.bf16 v36, v37;
	v44 =	vld [tilespmem:s12+$0x7540];
	v55 =	vunpack.i.u.bf16.f32 v19;
	v19 =	vunpack.i.l.bf16.f32 v19  }
0x98: {  	v59 =	vmul.bf16 v24, v34;
	v60 =	vmul.bf16 v23, v32;
	v36 =	vld [tilespmem:s12+$0x7550];
	v19 =	vadd.f32 v19, v55  }
0x99: {  	v24 =	vmul.bf16 v24, v32;
	v23 =	vmul.bf16 v23, v34;
	v61 =	vld [tilespmem:s12+$0x7560]  }
0x9a: {  	v31 =	vsub.bf16 v31, v58;
	v62 =	vadd.bf16 v60, v59;
	v20 =	vld [tilespmem:s0+$0xFFFFFF30];
	[tilespmem:$0x1E660] =	vst v19  }
0x9b: {  	v23 =	vsub.bf16 v23, v24;
	v19 =	vadd.bf16 v57, v56;
	v32 =	vld [tilespmem:s31+$0xFFFFFF40]  }
0x9c: {  	v27 =	vmul.bf16 v63, v31;
	(v2sf) =	vpush v18, $0x6;
	v33 =	vmul.bf16 v62, v42;
	v24 =	vld [tilespmem:s31+$0xFFFFFF50]  }
0x9d: {  	v23 =	vmul.bf16 v49, v23;
	v31 =	vld [tilespmem:s31+$0xFFFFFF60];
	v19 =	vmul.bf16 v19, v38  }
0x9e: {  	v34 =	vld [tilespmem:s31+$0xFFFFFF70]  }
0x9f: {  	v23 =	vadd.bf16 v23, v33;
	v63 =	vld [tilespmem:s0+$0xFFFFFF40];
	v19 =	vadd.bf16 v27, v19  }
0xa0: {  	s12 =	spop (v2sf);
	v48 =	vld [tilespmem:s0+$0xFFFFFF60]  }
0xa1: {  	v50 =	vmul.bf16 v53, v25;
	v42 =	vld [tilespmem:s12+$0x7540];
	v19 =	vadd.bf16 v23, v19  }
0xa2: {  	v51 =	vmul.bf16 v54, v52;
	v52 =	vmul.bf16 v53, v52;
	v53 =	vld [tilespmem:s12+$0x7550]  }
0xa3: {  	v25 =	vmul.bf16 v54, v25;
	v56 =	vld [tilespmem:s12+$0x7560];
	v49 =	vunpack.i.u.bf16.f32 v19;
	v19 =	vunpack.i.l.bf16.f32 v19  }
0xa4: {  	v54 =	vmul.bf16 v21, v22;
	v55 =	vmul.bf16 v20, v29;
	v38 =	vld [tilespmem:s12+$0x7530];
	v19 =	vadd.f32 v19, v49  }
0xa5: {  	v21 =	vmul.bf16 v21, v29;
	v20 =	vmul.bf16 v20, v22;
	v27 =	vld [tilespmem:s0+$0xFFFFFF50]  }
0xa6: {  	v57 =	vsub.bf16 v25, v52;
	v58 =	vadd.bf16 v55, v54;
	v23 =	vld [tilespmem:s0+$0xFFFFFF70];
	[tilespmem:$0x1E670] =	vst v19  }
0xa7: {  	v20 =	vsub.bf16 v20, v21;
	v19 =	vadd.bf16 v51, v50;
	v25 =	vld [tilespmem:s31+$0xFFFFFF80]  }
0xa8: {  	v22 =	vmul.bf16 v36, v57;
	v26 =	vmul.bf16 v58, v44;
	v21 =	vld [tilespmem:s31+$0xFFFFFF90]  }
0xa9: {  	(v2sf) =	vpush v18, $0x7;
	v20 =	vmul.bf16 v61, v20;
	v29 =	vld [tilespmem:s31+$0xFFFFFFA0];
	v19 =	vmul.bf16 v19, v35  }
0xaa: {  	v30 =	vld [tilespmem:s31+$0xFFFFFFB0]  }
0xab: {  	v20 =	vadd.bf16 v20, v26;
	s12 =	spop (v2sf);
	v59 =	vld [tilespmem:s0+$0xFFFFFFA0];
	v19 =	vadd.bf16 v22, v19  }
0xac: {  	v36 =	vld [tilespmem:s12+$0x7530]  }
0xad: {  	v61 =	vmul.bf16 v63, v32;
	v44 =	vld [tilespmem:s12+$0x7540];
	v19 =	vadd.bf16 v20, v19  }
0xae: {  	v62 =	vmul.bf16 v48, v31;
	v32 =	vmul.bf16 v48, v32;
	v33 =	vld [tilespmem:s12+$0x7550]  }
0xaf: {  	v31 =	vmul.bf16 v63, v31;
	v49 =	vld [tilespmem:s12+$0x7560];
	v60 =	vunpack.i.u.bf16.f32 v19;
	v19 =	vunpack.i.l.bf16.f32 v19  }
0xb0: {  	v63 =	vmul.bf16 v27, v24;
	v48 =	vmul.bf16 v23, v34;
	v35 =	vld [tilespmem:s0+$0xFFFFFF80];
	v19 =	vadd.f32 v19, v60  }
0xb1: {  	v23 =	vmul.bf16 v23, v24;
	v50 =	vmul.bf16 v27, v34;
	v22 =	vld [tilespmem:s0+$0xFFFFFF90]  }
0xb2: {  	v51 =	vsub.bf16 v32, v31;
	v52 =	vadd.bf16 v48, v63;
	v20 =	vld [tilespmem:s0+$0xFFFFFFB0];
	[tilespmem:$0x1E680] =	vst v19  }
0xb3: {  	v23 =	vsub.bf16 v23, v50;
	v19 =	vadd.bf16 v62, v61;
	v31 =	vld [tilespmem:s31+$0xFFFFFFC0]  }
0xb4: {  	v27 =	vmul.bf16 v53, v51;
	v32 =	vmul.bf16 v52, v42;
	v24 =	vld [tilespmem:s31+$0xFFFFFFD0]  }
0xb5: {  	(v2sf) =	vpush v18, $0x8;
	v23 =	vmul.bf16 v56, v23;
	v53 =	vld [tilespmem:s31+$0xFFFFFFE0];
	v19 =	vmul.bf16 v19, v38  }
0xb6: {  	v34 =	vld [tilespmem:s31+$0xFFFFFFF0]  }
0xb7: {  	v23 =	vadd.bf16 v23, v32;
	v54 =	vld [tilespmem:s0+$0xFFFFFFC0];
	v19 =	vadd.bf16 v27, v19  }
0xb8: {  	s12 =	spop (v2sf);
	v55 =	vld [tilespmem:s0+$0xFFFFFFE0]  }
0xb9: {  	v58 =	vmul.bf16 v59, v29;
	v42 =	vld [tilespmem:s12+$0x7540];
	v19 =	vadd.bf16 v23, v19  }
0xba: {  	v57 =	vmul.bf16 v35, v25;
	v25 =	vmul.bf16 v59, v25;
	v60 =	vld [tilespmem:s12+$0x7550]  }
0xbb: {  	v59 =	vmul.bf16 v35, v29;
	v63 =	vld [tilespmem:s12+$0x7560];
	v56 =	vunpack.i.u.bf16.f32 v19;
	v19 =	vunpack.i.l.bf16.f32 v19  }
0xbc: {  	v61 =	vmul.bf16 v22, v21;
	v62 =	vmul.bf16 v20, v30;
	v38 =	vld [tilespmem:s12+$0x7530];
	v19 =	vadd.f32 v19, v56  }
0xbd: {  	v20 =	vmul.bf16 v20, v21;
	v30 =	vmul.bf16 v22, v30;
	v27 =	vld [tilespmem:s0+$0xFFFFFFD0]  }
0xbe: {  	v46 =	vsub.bf16 v25, v59;
	v47 =	vadd.bf16 v62, v61;
	v23 =	vld [tilespmem:s0+$0xFFFFFFF0];
	[tilespmem:$0x1E690] =	vst v19  }
0xbf: {  	v20 =	vsub.bf16 v20, v30;
	v19 =	vadd.bf16 v58, v57;
	v25 =	vld [tilespmem:s31+$0x0]  }
0xc0: {  	v22 =	vmul.bf16 v33, v46;
	v26 =	vmul.bf16 v47, v44;
	v21 =	vld [tilespmem:s31+$0x10]  }
0xc1: {  	(v2sf) =	vpush v18, $0x9;
	v20 =	vmul.bf16 v49, v20;
	v30 =	vld [tilespmem:s31+$0x20];
	v19 =	vmul.bf16 v19, v36  }
0xc2: {  	v33 =	vld [tilespmem:s31+$0x30]  }
0xc3: {  	v20 =	vadd.bf16 v20, v26;
	v48 =	vld [tilespmem:s0+$0x0];
	v19 =	vadd.bf16 v22, v19  }
0xc4: {  	s12 =	spop (v2sf);
	v49 =	vld [tilespmem:s0+$0x20]  }
0xc5: {  	v51 =	vmul.bf16 v54, v31;
	v44 =	vld [tilespmem:s12+$0x7540];
	v19 =	vadd.bf16 v20, v19  }
0xc6: {  	v52 =	vmul.bf16 v55, v53;
	v28 =	vmul.bf16 v54, v53;
	v53 =	vld [tilespmem:s12+$0x7550]  }
0xc7: {  	v31 =	vmul.bf16 v55, v31;
	v56 =	vld [tilespmem:s12+$0x7560];
	v50 =	vunpack.i.u.bf16.f32 v19;
	v19 =	vunpack.i.l.bf16.f32 v19  }
0xc8: {  	v54 =	vmul.bf16 v27, v24;
	v55 =	vmul.bf16 v23, v34;
	v36 =	vld [tilespmem:s12+$0x7530];
	v19 =	vadd.f32 v19, v50  }
0xc9: {  	v23 =	vmul.bf16 v23, v24;
	v57 =	vmul.bf16 v27, v34;
	v22 =	vld [tilespmem:s0+$0x10]  }
0xca: {  	v58 =	vsub.bf16 v31, v28;
	v59 =	vadd.bf16 v55, v54;
	v20 =	vld [tilespmem:s0+$0x30];
	[tilespmem:$0x1E6A0] =	vst v19  }
0xcb: {  	v23 =	vsub.bf16 v23, v57;
	v19 =	vadd.bf16 v52, v51;
	v28 =	vld [tilespmem:s31+$0x40]  }
0xcc: {  	v27 =	vmul.bf16 v60, v58;
	v31 =	vmul.bf16 v59, v42;
	v24 =	vld [tilespmem:s31+$0x50]  }
0xcd: {  	(v2sf) =	vpush v18, $0xA;
	v23 =	vmul.bf16 v63, v23;
	v29 =	vld [tilespmem:s31+$0x60];
	v19 =	vmul.bf16 v19, v38  }
0xce: {  	v34 =	vld [tilespmem:s31+$0x70]  }
0xcf: {  	v23 =	vadd.bf16 v23, v31;
	v37 =	vld [tilespmem:s0+$0x40];
	v19 =	vadd.bf16 v27, v19  }
0xd0: {  	s12 =	spop (v2sf);
	v60 =	vld [tilespmem:s0+$0x60]  }
0xd1: {  	v62 =	vmul.bf16 v48, v25;
	v42 =	vld [tilespmem:s12+$0x7540];
	v19 =	vadd.bf16 v23, v19  }
0xd2: {  	v63 =	vmul.bf16 v49, v30;
	v46 =	vmul.bf16 v48, v30;
	v30 =	vld [tilespmem:s12+$0x7550]  }
0xd3: {  	v25 =	vmul.bf16 v49, v25;
	v49 =	vld [tilespmem:s12+$0x7560];
	v61 =	vunpack.i.u.bf16.f32 v19;
	v19 =	vunpack.i.l.bf16.f32 v19  }
0xd4: {  	v47 =	vmul.bf16 v22, v21;
	v48 =	vmul.bf16 v20, v33;
	v38 =	vld [tilespmem:s12+$0x7530];
	v19 =	vadd.f32 v19, v61  }
0xd5: {  	v50 =	vmul.bf16 v22, v33;
	v20 =	vmul.bf16 v20, v21;
	v27 =	vld [tilespmem:s0+$0x50]  }
0xd6: {  	v51 =	vsub.bf16 v25, v46;
	v52 =	vadd.bf16 v48, v47;
	v23 =	vld [tilespmem:s0+$0x70];
	[tilespmem:$0x1E6B0] =	vst v19  }
0xd7: {  	v20 =	vsub.bf16 v20, v50;
	v19 =	vadd.bf16 v63, v62;
	v25 =	vld [tilespmem:s31+$0x80]  }
0xd8: {  	v22 =	vmul.bf16 v53, v51;
	v26 =	vmul.bf16 v52, v44;
	v21 =	vld [tilespmem:s31+$0x90]  }
0xd9: {  	(v2sf) =	vpush v18, $0xB;
	v20 =	vmul.bf16 v56, v20;
	v53 =	vld [tilespmem:s31+$0xA0];
	v19 =	vmul.bf16 v19, v36  }
0xda: {  	v33 =	vld [tilespmem:s31+$0xB0]  }
0xdb: {  	v20 =	vadd.bf16 v20, v26;
	v54 =	vld [tilespmem:s0+$0x80];
	v19 =	vadd.bf16 v22, v19  }
0xdc: {  	s12 =	spop (v2sf);
	v55 =	vld [tilespmem:s0+$0xA0]  }
0xdd: {  	v57 =	vmul.bf16 v37, v28;
	v59 =	vld [tilespmem:s12+$0x7540];
	v19 =	vadd.bf16 v20, v19  }
0xde: {  	v58 =	vmul.bf16 v60, v29;
	v28 =	vmul.bf16 v60, v28;
	v60 =	vld [tilespmem:s12+$0x7550]  }
0xdf: {  	v29 =	vmul.bf16 v37, v29;
	v63 =	vld [tilespmem:s12+$0x7560];
	v56 =	vunpack.i.u.bf16.f32 v19;
	v19 =	vunpack.i.l.bf16.f32 v19  }
0xe0: {  	v61 =	vmul.bf16 v27, v24;
	v62 =	vmul.bf16 v23, v34;
	v36 =	vld [tilespmem:s12+$0x7530];
	v19 =	vadd.f32 v19, v56  }
0xe1: {  	v23 =	vmul.bf16 v23, v24;
	v34 =	vmul.bf16 v27, v34;
	v22 =	vld [tilespmem:s0+$0x90]  }
0xe2: {  	v46 =	vsub.bf16 v28, v29;
	v47 =	vadd.bf16 v62, v61;
	v20 =	vld [tilespmem:s0+$0xB0];
	[tilespmem:$0x1E6C0] =	vst v19  }
0xe3: {  	v23 =	vsub.bf16 v23, v34;
	v19 =	vadd.bf16 v58, v57;
	v28 =	vld [tilespmem:s31+$0xC0]  }
0xe4: {  	v27 =	vmul.bf16 v30, v46;
	v29 =	vmul.bf16 v47, v42;
	v24 =	vld [tilespmem:s31+$0xD0]  }
0xe5: {  	(v2sf) =	vpush v18, $0xC;
	v23 =	vmul.bf16 v49, v23;
	v30 =	vld [tilespmem:s31+$0xE0];
	v19 =	vmul.bf16 v19, v38  }
0xe6: {  	v34 =	vld [tilespmem:s31+$0xF0]  }
0xe7: {  	v23 =	vadd.bf16 v23, v29;
	v37 =	vld [tilespmem:s0+$0xC0];
	v19 =	vadd.bf16 v27, v19  }
0xe8: {  	s12 =	spop (v2sf);
	v48 =	vld [tilespmem:s0+$0xE0]  }
0xe9: {  	v50 =	vmul.bf16 v54, v25;
	v42 =	vld [tilespmem:s12+$0x7540];
	v19 =	vadd.bf16 v23, v19  }
0xea: {  	v51 =	vmul.bf16 v55, v53;
	v25 =	vmul.bf16 v55, v25;
	v32 =	vld [tilespmem:s12+$0x7550]  }
0xeb: {  	v52 =	vmul.bf16 v54, v53;
	v55 =	vld [tilespmem:s12+$0x7560];
	v49 =	vunpack.i.u.bf16.f32 v19;
	v19 =	vunpack.i.l.bf16.f32 v19  }
0xec: {  	v53 =	vmul.bf16 v22, v21;
	v54 =	vmul.bf16 v20, v33;
	v38 =	vld [tilespmem:s12+$0x7530];
	v19 =	vadd.f32 v19, v49  }
0xed: {  	v56 =	vmul.bf16 v22, v33;
	v20 =	vmul.bf16 v20, v21;
	v27 =	vld [tilespmem:s0+$0xD0]  }
0xee: {  	v57 =	vsub.bf16 v25, v52;
	v58 =	vadd.bf16 v54, v53;
	v23 =	vld [tilespmem:s0+$0xF0];
	[tilespmem:$0x1E6D0] =	vst v19  }
0xef: {  	v20 =	vsub.bf16 v20, v56;
	v19 =	vadd.bf16 v51, v50;
	v25 =	vld [tilespmem:s31+$0x100]  }
0xf0: {  	v22 =	vmul.bf16 v60, v57;
	v26 =	vmul.bf16 v58, v59;
	v21 =	vld [tilespmem:s31+$0x110]  }
0xf1: {  	(v2sf) =	vpush v18, $0xD;
	v20 =	vmul.bf16 v63, v20;
	v31 =	vld [tilespmem:s31+$0x120];
	v19 =	vmul.bf16 v19, v36  }
0xf2: {  	v33 =	vld [tilespmem:s31+$0x130]  }
0xf3: {  	v20 =	vadd.bf16 v20, v26;
	v59 =	vld [tilespmem:s0+$0x100];
	v19 =	vadd.bf16 v22, v19  }
0xf4: {  	s12 =	spop (v2sf);
	v60 =	vld [tilespmem:s0+$0x120]  }
0xf5: {  	v62 =	vmul.bf16 v37, v28;
	v63 =	vmul.bf16 v48, v30;
	v44 =	vld [tilespmem:s12+$0x7540];
	v19 =	vadd.bf16 v20, v19  }
0xf6: {  	v28 =	vmul.bf16 v48, v28;
	v48 =	vmul.bf16 v37, v30;
	v30 =	vld [tilespmem:s12+$0x7550]  }
0xf7: {  	v51 =	vld [tilespmem:s12+$0x7560];
	v61 =	vunpack.i.u.bf16.f32 v19;
	v19 =	vunpack.i.l.bf16.f32 v19  }
0xf8: {  	v49 =	vmul.bf16 v27, v24;
	v50 =	vmul.bf16 v23, v34;
	v36 =	vld [tilespmem:s12+$0x7530];
	v19 =	vadd.f32 v19, v61  }
0xf9: {  	v52 =	vmul.bf16 v27, v34;
	v23 =	vmul.bf16 v23, v24;
	v22 =	vld [tilespmem:s0+$0x110]  }
0xfa: {  	v53 =	vsub.bf16 v28, v48;
	v54 =	vadd.bf16 v50, v49;
	v20 =	vld [tilespmem:s0+$0x130];
	[tilespmem:$0x1E6E0] =	vst v19  }
0xfb: {  	v23 =	vsub.bf16 v23, v52;
	v19 =	vadd.bf16 v63, v62;
	v28 =	vld [tilespmem:s31+$0x140]  }
0xfc: {  	v27 =	vmul.bf16 v32, v53;
	v29 =	vmul.bf16 v54, v42;
	v24 =	vld [tilespmem:s31+$0x150]  }
0xfd: {  	v23 =	vmul.bf16 v55, v23;
	v32 =	vld [tilespmem:s31+$0x160];
	v19 =	vmul.bf16 v19, v38  }
0xfe: {  	v34 =	vld [tilespmem:s31+$0x170]  }
0xff: {  	v23 =	vadd.bf16 v23, v29;
	v37 =	vld [tilespmem:s0+$0x140];
	v19 =	vadd.bf16 v27, v19  }
0x100: {  	(v2sf) =	vpush v18, $0xE;
	s12 =	spop (v2sf);
	v55 =	vld [tilespmem:s0+$0x160]  }
0x101: {  	v40 =	vld [tilespmem:s12+$0x7540];
	v19 =	vadd.bf16 v23, v19  }
0x102: {  	v57 =	vmul.bf16 v59, v25;
	v58 =	vmul.bf16 v60, v31;
	v43 =	vld [tilespmem:s12+$0x7550]  }
0x103: {  	v59 =	vmul.bf16 v59, v31;
	v31 =	vld [tilespmem:s12+$0x7560];
	v56 =	vunpack.i.u.bf16.f32 v19;
	v19 =	vunpack.i.l.bf16.f32 v19  }
0x104: {  	v25 =	vmul.bf16 v60, v25;
	v38 =	vld [tilespmem:s12+$0x7530];
	v19 =	vadd.f32 v19, v56  }
0x105: {  	v60 =	vmul.bf16 v22, v21;
	v61 =	vmul.bf16 v20, v33;
	v27 =	vld [tilespmem:s0+$0x150]  }
0x106: {  	v62 =	vmul.bf16 v22, v33;
	v23 =	vld [tilespmem:s0+$0x170];
	[tilespmem:$0x1E6F0] =	vst v19;
	v19 =	vmul.bf16 v20, v21  }
0x107: {  	v46 =	vadd.bf16 v58, v57;
	v25 =	vsub.bf16 v25, v59  }
0x108: {  	v47 =	vadd.bf16 v61, v60;
	v63 =	vld [tilespmem:s31+$0x180];
	v19 =	vsub.bf16 v19, v62  }
0x109: {  	v25 =	vmul.bf16 v30, v25;
	v22 =	vmul.bf16 v46, v36;
	v26 =	vld [tilespmem:s31+$0x190]  }
0x10a: {  	v33 =	vmul.bf16 v47, v44;
	v48 =	vld [tilespmem:s31+$0x1A0];
	v19 =	vmul.bf16 v51, v19  }
0x10b: {  	v30 =	vld [tilespmem:s31+$0x1B0]  }
0x10c: {  	v22 =	vadd.bf16 v25, v22;
	v49 =	vld [tilespmem:s0+$0x180];
	v19 =	vadd.bf16 v19, v33  }
0x10d: {  	(v2sf) =	vpush v18, $0xF;
	v36 =	vld [tilespmem:s0+$0x190]  }
0x10e: {  	v50 =	vld [tilespmem:s0+$0x1A0];
	v19 =	vadd.bf16 v19, v22  }
0x10f: {  	s12 =	spop (v2sf);
	v18 =	vld [tilespmem:s0+$0x1B0]  }
0x110: {  	v52 =	vld [tilespmem:s12+$0x7550];
	v51 =	vunpack.i.u.bf16.f32 v19;
	v19 =	vunpack.i.l.bf16.f32 v19  }
0x111: {  	v39 =	vld [tilespmem:s12+$0x7560];
	v19 =	vadd.f32 v19, v51  }
0x112: {  	v53 =	vmul.bf16 v37, v28;
	v54 =	vmul.bf16 v55, v32;
	v33 =	vld [tilespmem:s12+$0x7540]  }
0x113: {  	v21 =	vmul.bf16 v50, v63;
	v20 =	vmul.bf16 v49, v48;
	v22 =	vld [tilespmem:s12+$0x7530];
	[tilespmem:$0x1E700] =	vst v19  }
0x114: {  	v56 =	vmul.bf16 v27, v24;
	v58 =	vmul.bf16 v27, v34;
	v29 =	vld [tilespmem:s31+$0x1C0]  }
0x115: {  	v57 =	vmul.bf16 v23, v34;
	v23 =	vmul.bf16 v23, v24;
	v20 =	vsub.bf16 v21, v20;
	v45 =	vld [tilespmem:s31+$0x1D0]  }
0x116: {  	v60 =	vmul.bf16 v49, v63;
	v61 =	vmul.bf16 v50, v48;
	v27 =	vld [tilespmem:s31+$0x1E0]  }
0x117: {  	v59 =	vadd.bf16 v54, v53;
	v54 =	vmul.bf16 v36, v30;
	v20 =	vmul.bf16 v52, v20;
	v46 =	vld [tilespmem:s31+$0x1F0]  }
0x118: {  	v23 =	vsub.bf16 v23, v58;
	v52 =	vmul.bf16 v18, v30;
	v18 =	vmul.bf16 v18, v26;
	v62 =	vld [tilespmem:s0+$0x1C0]  }
0x119: {  	v19 =	vmul.bf16 v55, v28;
	v55 =	vmul.bf16 v37, v32;
	v47 =	vld [tilespmem:s0+$0x1E0]  }
0x11a: {  	v23 =	vmul.bf16 v31, v23;
	v48 =	vadd.bf16 v61, v60;
	v49 =	vld [tilespmem:s0+$0x1D0]  }
0x11b: {  	v63 =	vmul.bf16 v59, v38;
	v18 =	vsub.bf16 v18, v54;
	v50 =	vld [tilespmem:s0+$0x1F0];
	v19 =	vsub.bf16 v19, v55  }
0x11c: {  	s12 =	spop (v2sf);
	v51 =	vmul.bf16 v36, v26;
	v22 =	vmul.bf16 v48, v22  }
0x11d: {  	v53 =	vld [tilespmem:s12+$0x7530];
	v18 =	vmul.bf16 v39, v18;
	v19 =	vmul.bf16 v43, v19  }
0x11e: {  	v32 =	vadd.bf16 v57, v56;
	v58 =	vld [tilespmem:s12+$0x7550];
	v56 =	vmul.bf16 v62, v29;
	v57 =	vmul.bf16 v47, v27  }
0x11f: {  	v59 =	vld [tilespmem:s12+$0x7560];
	v24 =	vmul.bf16 v47, v29;
	v25 =	vmul.bf16 v62, v27  }
0x120: {  	v60 =	vadd.bf16 v52, v51;
	v55 =	vld [tilespmem:s12+$0x7540];
	v61 =	vmul.bf16 v49, v45;
	v62 =	vmul.bf16 v50, v46  }
0x121: {  	v19 =	vadd.bf16 v19, v63;
	v63 =	vmul.bf16 v50, v45;
	v21 =	vmul.bf16 v49, v46  }
0x122: {  	v32 =	vmul.bf16 v32, v40;
	v28 =	vadd.bf16 v57, v56;
	v24 =	vsub.bf16 v24, v25  }
0x123: {  	v29 =	vmul.bf16 v60, v33;
	v35 =	vadd.bf16 v62, v61;
	v21 =	vsub.bf16 v63, v21  }
0x124: {  	v23 =	vadd.bf16 v23, v32;
	v36 =	vmul.bf16 v28, v53;
	v24 =	vmul.bf16 v58, v24  }
0x125: {  	v20 =	vadd.bf16 v20, v22;
	v37 =	vmul.bf16 v35, v55;
	v21 =	vmul.bf16 v59, v21  }
0x126: {  	v19 =	vadd.bf16 v23, v19;
	v18 =	vadd.bf16 v18, v29  }
0x127: {  	v38 =	vadd.bf16 v24, v36;
	v21 =	vadd.bf16 v21, v37  }
0x128: {  	v18 =	vadd.bf16 v18, v20  }
0x129: {  	v39 =	vunpack.i.u.bf16.f32 v19;
	v19 =	vunpack.i.l.bf16.f32 v19;
	v21 =	vadd.bf16 v21, v38  }
0x12a: {  	v19 =	vadd.f32 v19, v39;
	v40 =	vunpack.i.u.bf16.f32 v18;
	v18 =	vunpack.i.l.bf16.f32 v18  }
0x12b: {  	v18 =	vadd.f32 v18, v40;
	v41 =	vunpack.i.u.bf16.f32 v21;
	v21 =	vunpack.i.l.bf16.f32 v21  }
0x12c: {  	[tilespmem:$0x1E710] =	vst v19;
	v19 =	vadd.f32 v21, v41  }
0x12d: {  	[tilespmem:$0x1E720] =	vst v18  }
0x12e: {  	[tilespmem:$0x1E730] =	vst v19  }
0x12f: {  	v18 =	vld.idx.msk [tilespmem:v0+s19+$0x0], $0xffff  }
0x130: {  	v19 =	vld.idx.msk [tilespmem:v1+s19+$0x0], $0xffff  }
0x131: {  	v42 =	vld.idx.msk [tilespmem:v2+s19+$0x0], $0xffff  }
0x132: {  	v43 =	vld.idx.msk [tilespmem:v3+s19+$0x0], $0xffff  }
0x133: {  	v44 =	vld.idx.msk [tilespmem:v4+s19+$0x0], $0xffff  }
0x134: {  	v45 =	vld.idx.msk [tilespmem:v5+s19+$0x0], $0xffff  }
0x135: {  	v46 =	vld.idx.msk [tilespmem:v6+s19+$0x0], $0xffff  }
0x136: {  	v47 =	vld.idx.msk [tilespmem:v7+s19+$0x0], $0xffff  }
0x137: {  	v48 =	vld.idx.msk [tilespmem:v8+s19+$0x0], $0xffff  }
0x138: {  	v49 =	vld.idx.msk [tilespmem:v9+s19+$0x0], $0xffff  }
0x139: {  	v50 =	vld.idx.msk [tilespmem:v10+s19+$0x0], $0xffff  }
0x13a: {  	v51 =	vld.idx.msk [tilespmem:v11+s19+$0x0], $0xffff  }
0x13b: {  	v52 =	vld.idx.msk [tilespmem:v12+s19+$0x0], $0xffff  }
0x13c: {  	v53 =	vld.idx.msk [tilespmem:v13+s19+$0x0], $0xffff  }
0x13d: {  	v54 =	vld.idx.msk [tilespmem:v14+s19+$0x0], $0xffff  }
0x13e: {  	v55 =	vld.idx.msk [tilespmem:v15+s19+$0x0], $0xffff;
	_ =	sdelay $0x1  }
0x13f: {  	v18 =	vadd.f32 v19, v18;
	v19 =	vadd.f32 v43, v42  }
0x140: {  	v56 =	vadd.f32 v45, v44;
	v57 =	vadd.f32 v47, v46  }
0x141: {  	v58 =	vadd.f32 v49, v48;
	v59 =	vadd.f32 v51, v50  }
0x142: {  	v60 =	vadd.f32 v53, v52;
	v61 =	vadd.f32 v55, v54  }
0x143: {  	v18 =	vadd.f32 v19, v18;
	v19 =	vadd.f32 v57, v56  }
0x144: {  	v62 =	vadd.f32 v59, v58;
	v63 =	vadd.f32 v61, v60  }
0x145: {  	p0 =	sne.s32 s30, $0x100  }
.Ltmp0:
0x146: {  	v18 =	vadd.f32 v19, v18;
	v19 =	vadd.f32 v63, v62;
	(pc) =	sbr.rel @p0 .LBB2_3-.Ltmp0, $3  }
0x147: {  	_ = 	snop  }
0x148: {  	v18 =	vadd.f32 v19, v18;
	_ =	sdelay $0x1  }
0x149: {  	s30 =	sadd.s32 $0x40, s30;
	s31 =	sadd.s32 $0x400, s31;
	s0 =	sadd.s32 $0x400, s0;
	[tilespmem:v17+s1+$0x0 ss:$0x1] =	vst.idx.msk $0xffff, v18  }
0x14a: {  	s0 =	sadd.s32 $0xA0, s29  }
0x14b: {  	[tilespmem:s14], [sflag:$0x1] =	stream.indirect.gather [hbm4b:s3+s13], $0x40, s0, s13, $0xb8;
	[tilespmem:$0x1E740] =	vst v63  }
0x14c: {  	s31 =	sadd.s32 $0x27B0, s29  }
0x14d: {  	[tilespmem:s15], [sflag:$0x1] =	stream.indirect.gather [hbm4b:s3+s13], $0x40, s31, s13, $0xb8;
	[tilespmem:$0x1E740] =	vst v63  }
0x14e: {  	_ =	swait.ge [sflag:s20], $0x1400  }
0x14f: {  	[sflag:s20] =	ssyncset.done $0x0  }
0x150: {  	v16 =	vmov s25;
	[sflag:s20] =	ssyncadd.s32 $0xFFFFEC00  }
0x151: {  	_ =	swait.ge [sflag:s20], $0x1400  }
0x152: {  	s29 =	simm.s32 $0x0;
	[sflag:s20] =	ssyncset.done $0x0  }
0x153: {  	s30 =	simm.s32 $0x19930;
	v17 =	vmov s24;
	s0 =	simm.s32 $0x1AD30;
	[sflag:s20] =	ssyncadd.s32 $0xFFFFEC00  }
.LBB2_5:
0x154: {  	s1 =	sshra.s32 s29, $0x2  }
0x155: {  	v18 =	vld.idx.msk [tilespmem:v16+s1+$0x0 ss:$0x1], $0xffff;
	_ =	sdelay $0x4  }
0x156: {  	v18 =	vshll.u32 v18, $0x8  }
0x157: {  	v19 =	vld [tilespmem:s30+$0xFFFFFE00];
	v18 =	vshra.s32 v18, $0x2  }
0x158: {  	v20 =	vld [tilespmem:s30+$0xFFFFFE10];
	(v2sf) =	vpush v18, $0x0  }
0x159: {  	v21 =	vld [tilespmem:s30+$0xFFFFFE20]  }
0x15a: {  	v22 =	vld [tilespmem:s30+$0xFFFFFE30]  }
0x15b: {  	v23 =	vld [tilespmem:s0+$0xFFFFFE00]  }
0x15c: {  	v24 =	vld [tilespmem:s0+$0xFFFFFE10]  }
0x15d: {  	v25 =	vld [tilespmem:s0+$0xFFFFFE20]  }
0x15e: {  	v26 =	vld [tilespmem:s0+$0xFFFFFE30]  }
0x15f: {  	v31 =	vld [tilespmem:s30+$0xFFFFFE40]  }
0x160: {  	v32 =	vld [tilespmem:s30+$0xFFFFFE50]  }
0x161: {  	v33 =	vld [tilespmem:s30+$0xFFFFFE60];
	(v2sf) =	vpush v18, $0x1  }
0x162: {  	v34 =	vld [tilespmem:s30+$0xFFFFFE70]  }
0x163: {  	v35 =	vld [tilespmem:s0+$0xFFFFFE40]  }
0x164: {  	v36 =	vld [tilespmem:s0+$0xFFFFFE50]  }
0x165: {  	v37 =	vld [tilespmem:s0+$0xFFFFFE60]  }
0x166: {  	v38 =	vld [tilespmem:s0+$0xFFFFFE70]  }
0x167: {  	v62 =	vld [tilespmem:s30+$0xFFFFFE80];
	s12 =	spop (v2sf);
	(v2sf) =	vpush v18, $0x2  }
0x168: {  	v63 =	vld [tilespmem:s30+$0xFFFFFEA0]  }
0x169: {  	v27 =	vld [tilespmem:s12+$0x7530]  }
0x16a: {  	v39 =	vmul.bf16 v23, v19;
	v40 =	vmul.bf16 v25, v21;
	v28 =	vld [tilespmem:s12+$0x7540]  }
0x16b: {  	v19 =	vmul.bf16 v25, v19;
	v21 =	vmul.bf16 v23, v21;
	v29 =	vld [tilespmem:s12+$0x7550]  }
0x16c: {  	v59 =	vmul.bf16 v24, v20;
	v42 =	vmul.bf16 v26, v22;
	v30 =	vld [tilespmem:s12+$0x7560]  }
0x16d: {  	v48 =	vld [tilespmem:s0+$0xFFFFFE80];
	v20 =	vmul.bf16 v26, v20;
	v22 =	vmul.bf16 v24, v22  }
0x16e: {  	v49 =	vld [tilespmem:s0+$0xFFFFFEA0];
	v61 =	vadd.bf16 v40, v39;
	v19 =	vsub.bf16 v19, v21  }
0x16f: {  	v50 =	vld [tilespmem:s0+$0xFFFFFEB0];
	v25 =	vadd.bf16 v42, v59;
	v20 =	vsub.bf16 v20, v22  }
0x170: {  	v22 =	vld [tilespmem:s30+$0xFFFFFE90];
	s31 =	spop (v2sf);
	v26 =	vmul.bf16 v61, v27;
	v19 =	vmul.bf16 v29, v19  }
0x171: {  	v41 =	vld [tilespmem:s31+$0x7530];
	v25 =	vmul.bf16 v25, v28;
	v20 =	vmul.bf16 v30, v20  }
0x172: {  	(v2sf) =	vpush v18, $0x3;
	v58 =	vld [tilespmem:s31+$0x7540]  }
0x173: {  	v43 =	vld [tilespmem:s31+$0x7550];
	v19 =	vadd.bf16 v19, v26;
	v20 =	vadd.bf16 v20, v25  }
0x174: {  	v60 =	vld [tilespmem:s31+$0x7560]  }
0x175: {  	v52 =	vmul.bf16 v35, v31;
	v28 =	vld [tilespmem:s30+$0xFFFFFEB0];
	v19 =	vadd.bf16 v20, v19  }
0x176: {  	v53 =	vmul.bf16 v37, v33;
	v31 =	vmul.bf16 v37, v31;
	v25 =	vld [tilespmem:s0+$0xFFFFFE90];
	s31 =	spop (v2sf)  }
0x177: {  	v33 =	vmul.bf16 v35, v33;
	v51 =	vunpack.i.u.bf16.f32 v19;
	v19 =	vunpack.i.l.bf16.f32 v19;
	v30 =	vld [tilespmem:s31+$0x7530]  }
0x178: {  	v55 =	vmul.bf16 v36, v32;
	v56 =	vmul.bf16 v38, v34;
	v19 =	vadd.f32 v19, v51;
	v44 =	vld [tilespmem:s31+$0x7540]  }
0x179: {  	v32 =	vmul.bf16 v38, v32;
	v34 =	vmul.bf16 v36, v34;
	v54 =	vld [tilespmem:s31+$0x7550]  }
0x17a: {  	v31 =	vsub.bf16 v31, v33;
	v57 =	vadd.bf16 v56, v55;
	v45 =	vld [tilespmem:s31+$0x7560];
	[tilespmem:$0x1E640] =	vst v19  }
0x17b: {  	v32 =	vsub.bf16 v32, v34;
	v19 =	vadd.bf16 v53, v52;
	v33 =	vld [tilespmem:s30+$0xFFFFFEC0]  }
0x17c: {  	v31 =	vmul.bf16 v43, v31;
	v23 =	vmul.bf16 v57, v58;
	v34 =	vld [tilespmem:s30+$0xFFFFFED0]  }
0x17d: {  	v24 =	vmul.bf16 v60, v32;
	v37 =	vld [tilespmem:s30+$0xFFFFFEE0];
	v19 =	vmul.bf16 v19, v41  }
0x17e: {  	(v2sf) =	vpush v18, $0x4;
	v32 =	vld [tilespmem:s30+$0xFFFFFEF0]  }
0x17f: {  	v23 =	vadd.bf16 v24, v23;
	v36 =	vld [tilespmem:s0+$0xFFFFFEC0];
	v19 =	vadd.bf16 v31, v19  }
0x180: {  	v24 =	vld [tilespmem:s0+$0xFFFFFED0]  }
0x181: {  	v21 =	vmul.bf16 v49, v62;
	s31 =	spop (v2sf);
	v58 =	vld [tilespmem:s0+$0xFFFFFEE0];
	v19 =	vadd.bf16 v23, v19  }
0x182: {  	v61 =	vmul.bf16 v49, v63;
	v60 =	vmul.bf16 v48, v62;
	v38 =	vld [tilespmem:s31+$0x7530]  }
0x183: {  	v62 =	vmul.bf16 v48, v63;
	v42 =	vld [tilespmem:s31+$0x7540];
	v59 =	vunpack.i.u.bf16.f32 v19;
	v19 =	vunpack.i.l.bf16.f32 v19  }
0x184: {  	v48 =	vmul.bf16 v50, v28;
	v47 =	vmul.bf16 v25, v22;
	v63 =	vld [tilespmem:s31+$0x7550];
	v19 =	vadd.f32 v19, v59  }
0x185: {  	v20 =	vmul.bf16 v50, v22;
	v50 =	vmul.bf16 v25, v28;
	v49 =	vld [tilespmem:s31+$0x7560]  }
0x186: {  	v21 =	vsub.bf16 v21, v62;
	v51 =	vadd.bf16 v48, v47;
	v23 =	vld [tilespmem:s0+$0xFFFFFEF0];
	[tilespmem:$0x1E650] =	vst v19  }
0x187: {  	v20 =	vsub.bf16 v20, v50;
	v19 =	vadd.bf16 v61, v60;
	v25 =	vld [tilespmem:s30+$0xFFFFFF00]  }
0x188: {  	v21 =	vmul.bf16 v54, v21;
	v26 =	vmul.bf16 v51, v44;
	v22 =	vld [tilespmem:s30+$0xFFFFFF10]  }
0x189: {  	(v2sf) =	vpush v18, $0x5;
	v20 =	vmul.bf16 v45, v20;
	v52 =	vld [tilespmem:s30+$0xFFFFFF20];
	v19 =	vmul.bf16 v19, v30  }
0x18a: {  	v29 =	vld [tilespmem:s30+$0xFFFFFF30]  }
0x18b: {  	v20 =	vadd.bf16 v20, v26;
	v53 =	vld [tilespmem:s0+$0xFFFFFF00];
	v19 =	vadd.bf16 v21, v19  }
0x18c: {  	v54 =	vld [tilespmem:s0+$0xFFFFFF20]  }
0x18d: {  	v56 =	vmul.bf16 v36, v33;
	s31 =	spop (v2sf);
	v21 =	vld [tilespmem:s0+$0xFFFFFF10];
	v19 =	vadd.bf16 v20, v19  }
0x18e: {  	v57 =	vmul.bf16 v58, v37;
	v31 =	vmul.bf16 v58, v33;
	v35 =	vld [tilespmem:s31+$0x7530]  }
0x18f: {  	v58 =	vmul.bf16 v36, v37;
	v44 =	vld [tilespmem:s31+$0x7540];
	v55 =	vunpack.i.u.bf16.f32 v19;
	v19 =	vunpack.i.l.bf16.f32 v19  }
0x190: {  	v59 =	vmul.bf16 v24, v34;
	v60 =	vmul.bf16 v23, v32;
	v36 =	vld [tilespmem:s31+$0x7550];
	v19 =	vadd.f32 v19, v55  }
0x191: {  	v24 =	vmul.bf16 v24, v32;
	v23 =	vmul.bf16 v23, v34;
	v61 =	vld [tilespmem:s31+$0x7560]  }
0x192: {  	v31 =	vsub.bf16 v31, v58;
	v62 =	vadd.bf16 v60, v59;
	v20 =	vld [tilespmem:s0+$0xFFFFFF30];
	[tilespmem:$0x1E660] =	vst v19  }
0x193: {  	v23 =	vsub.bf16 v23, v24;
	v19 =	vadd.bf16 v57, v56;
	v32 =	vld [tilespmem:s30+$0xFFFFFF40]  }
0x194: {  	v27 =	vmul.bf16 v63, v31;
	(v2sf) =	vpush v18, $0x6;
	v33 =	vmul.bf16 v62, v42;
	v24 =	vld [tilespmem:s30+$0xFFFFFF50]  }
0x195: {  	v23 =	vmul.bf16 v49, v23;
	v31 =	vld [tilespmem:s30+$0xFFFFFF60];
	v19 =	vmul.bf16 v19, v38  }
0x196: {  	v34 =	vld [tilespmem:s30+$0xFFFFFF70]  }
0x197: {  	v23 =	vadd.bf16 v23, v33;
	v63 =	vld [tilespmem:s0+$0xFFFFFF40];
	v19 =	vadd.bf16 v27, v19  }
0x198: {  	s31 =	spop (v2sf);
	v48 =	vld [tilespmem:s0+$0xFFFFFF60]  }
0x199: {  	v50 =	vmul.bf16 v53, v25;
	v42 =	vld [tilespmem:s31+$0x7540];
	v19 =	vadd.bf16 v23, v19  }
0x19a: {  	v51 =	vmul.bf16 v54, v52;
	v52 =	vmul.bf16 v53, v52;
	v53 =	vld [tilespmem:s31+$0x7550]  }
0x19b: {  	v25 =	vmul.bf16 v54, v25;
	v56 =	vld [tilespmem:s31+$0x7560];
	v49 =	vunpack.i.u.bf16.f32 v19;
	v19 =	vunpack.i.l.bf16.f32 v19  }
0x19c: {  	v54 =	vmul.bf16 v21, v22;
	v55 =	vmul.bf16 v20, v29;
	v38 =	vld [tilespmem:s31+$0x7530];
	v19 =	vadd.f32 v19, v49  }
0x19d: {  	v21 =	vmul.bf16 v21, v29;
	v20 =	vmul.bf16 v20, v22;
	v27 =	vld [tilespmem:s0+$0xFFFFFF50]  }
0x19e: {  	v57 =	vsub.bf16 v25, v52;
	v58 =	vadd.bf16 v55, v54;
	v23 =	vld [tilespmem:s0+$0xFFFFFF70];
	[tilespmem:$0x1E670] =	vst v19  }
0x19f: {  	v20 =	vsub.bf16 v20, v21;
	v19 =	vadd.bf16 v51, v50;
	v25 =	vld [tilespmem:s30+$0xFFFFFF80]  }
0x1a0: {  	v22 =	vmul.bf16 v36, v57;
	v26 =	vmul.bf16 v58, v44;
	v21 =	vld [tilespmem:s30+$0xFFFFFF90]  }
0x1a1: {  	(v2sf) =	vpush v18, $0x7;
	v20 =	vmul.bf16 v61, v20;
	v29 =	vld [tilespmem:s30+$0xFFFFFFA0];
	v19 =	vmul.bf16 v19, v35  }
0x1a2: {  	v30 =	vld [tilespmem:s30+$0xFFFFFFB0]  }
0x1a3: {  	v20 =	vadd.bf16 v20, v26;
	s31 =	spop (v2sf);
	v59 =	vld [tilespmem:s0+$0xFFFFFFA0];
	v19 =	vadd.bf16 v22, v19  }
0x1a4: {  	v36 =	vld [tilespmem:s31+$0x7530]  }
0x1a5: {  	v61 =	vmul.bf16 v63, v32;
	v44 =	vld [tilespmem:s31+$0x7540];
	v19 =	vadd.bf16 v20, v19  }
0x1a6: {  	v62 =	vmul.bf16 v48, v31;
	v32 =	vmul.bf16 v48, v32;
	v33 =	vld [tilespmem:s31+$0x7550]  }
0x1a7: {  	v31 =	vmul.bf16 v63, v31;
	v49 =	vld [tilespmem:s31+$0x7560];
	v60 =	vunpack.i.u.bf16.f32 v19;
	v19 =	vunpack.i.l.bf16.f32 v19  }
0x1a8: {  	v63 =	vmul.bf16 v27, v24;
	v48 =	vmul.bf16 v23, v34;
	v35 =	vld [tilespmem:s0+$0xFFFFFF80];
	v19 =	vadd.f32 v19, v60  }
0x1a9: {  	v23 =	vmul.bf16 v23, v24;
	v50 =	vmul.bf16 v27, v34;
	v22 =	vld [tilespmem:s0+$0xFFFFFF90]  }
0x1aa: {  	v51 =	vsub.bf16 v32, v31;
	v52 =	vadd.bf16 v48, v63;
	v20 =	vld [tilespmem:s0+$0xFFFFFFB0];
	[tilespmem:$0x1E680] =	vst v19  }
0x1ab: {  	v23 =	vsub.bf16 v23, v50;
	v19 =	vadd.bf16 v62, v61;
	v31 =	vld [tilespmem:s30+$0xFFFFFFC0]  }
0x1ac: {  	v27 =	vmul.bf16 v53, v51;
	v32 =	vmul.bf16 v52, v42;
	v24 =	vld [tilespmem:s30+$0xFFFFFFD0]  }
0x1ad: {  	(v2sf) =	vpush v18, $0x8;
	v23 =	vmul.bf16 v56, v23;
	v53 =	vld [tilespmem:s30+$0xFFFFFFE0];
	v19 =	vmul.bf16 v19, v38  }
0x1ae: {  	v34 =	vld [tilespmem:s30+$0xFFFFFFF0]  }
0x1af: {  	v23 =	vadd.bf16 v23, v32;
	v54 =	vld [tilespmem:s0+$0xFFFFFFC0];
	v19 =	vadd.bf16 v27, v19  }
0x1b0: {  	s31 =	spop (v2sf);
	v55 =	vld [tilespmem:s0+$0xFFFFFFE0]  }
0x1b1: {  	v58 =	vmul.bf16 v59, v29;
	v42 =	vld [tilespmem:s31+$0x7540];
	v19 =	vadd.bf16 v23, v19  }
0x1b2: {  	v57 =	vmul.bf16 v35, v25;
	v25 =	vmul.bf16 v59, v25;
	v60 =	vld [tilespmem:s31+$0x7550]  }
0x1b3: {  	v59 =	vmul.bf16 v35, v29;
	v63 =	vld [tilespmem:s31+$0x7560];
	v56 =	vunpack.i.u.bf16.f32 v19;
	v19 =	vunpack.i.l.bf16.f32 v19  }
0x1b4: {  	v61 =	vmul.bf16 v22, v21;
	v62 =	vmul.bf16 v20, v30;
	v38 =	vld [tilespmem:s31+$0x7530];
	v19 =	vadd.f32 v19, v56  }
0x1b5: {  	v20 =	vmul.bf16 v20, v21;
	v30 =	vmul.bf16 v22, v30;
	v27 =	vld [tilespmem:s0+$0xFFFFFFD0]  }
0x1b6: {  	v46 =	vsub.bf16 v25, v59;
	v47 =	vadd.bf16 v62, v61;
	v23 =	vld [tilespmem:s0+$0xFFFFFFF0];
	[tilespmem:$0x1E690] =	vst v19  }
0x1b7: {  	v20 =	vsub.bf16 v20, v30;
	v19 =	vadd.bf16 v58, v57;
	v25 =	vld [tilespmem:s30+$0x0]  }
0x1b8: {  	v22 =	vmul.bf16 v33, v46;
	v26 =	vmul.bf16 v47, v44;
	v21 =	vld [tilespmem:s30+$0x10]  }
0x1b9: {  	(v2sf) =	vpush v18, $0x9;
	v20 =	vmul.bf16 v49, v20;
	v30 =	vld [tilespmem:s30+$0x20];
	v19 =	vmul.bf16 v19, v36  }
0x1ba: {  	v33 =	vld [tilespmem:s30+$0x30]  }
0x1bb: {  	v20 =	vadd.bf16 v20, v26;
	v48 =	vld [tilespmem:s0+$0x0];
	v19 =	vadd.bf16 v22, v19  }
0x1bc: {  	s31 =	spop (v2sf);
	v49 =	vld [tilespmem:s0+$0x20]  }
0x1bd: {  	v51 =	vmul.bf16 v54, v31;
	v44 =	vld [tilespmem:s31+$0x7540];
	v19 =	vadd.bf16 v20, v19  }
0x1be: {  	v52 =	vmul.bf16 v55, v53;
	v28 =	vmul.bf16 v54, v53;
	v53 =	vld [tilespmem:s31+$0x7550]  }
0x1bf: {  	v31 =	vmul.bf16 v55, v31;
	v56 =	vld [tilespmem:s31+$0x7560];
	v50 =	vunpack.i.u.bf16.f32 v19;
	v19 =	vunpack.i.l.bf16.f32 v19  }
0x1c0: {  	v54 =	vmul.bf16 v27, v24;
	v55 =	vmul.bf16 v23, v34;
	v36 =	vld [tilespmem:s31+$0x7530];
	v19 =	vadd.f32 v19, v50  }
0x1c1: {  	v23 =	vmul.bf16 v23, v24;
	v57 =	vmul.bf16 v27, v34;
	v22 =	vld [tilespmem:s0+$0x10]  }
0x1c2: {  	v58 =	vsub.bf16 v31, v28;
	v59 =	vadd.bf16 v55, v54;
	v20 =	vld [tilespmem:s0+$0x30];
	[tilespmem:$0x1E6A0] =	vst v19  }
0x1c3: {  	v23 =	vsub.bf16 v23, v57;
	v19 =	vadd.bf16 v52, v51;
	v28 =	vld [tilespmem:s30+$0x40]  }
0x1c4: {  	v27 =	vmul.bf16 v60, v58;
	v31 =	vmul.bf16 v59, v42;
	v24 =	vld [tilespmem:s30+$0x50]  }
0x1c5: {  	(v2sf) =	vpush v18, $0xA;
	v23 =	vmul.bf16 v63, v23;
	v29 =	vld [tilespmem:s30+$0x60];
	v19 =	vmul.bf16 v19, v38  }
0x1c6: {  	v34 =	vld [tilespmem:s30+$0x70]  }
0x1c7: {  	v23 =	vadd.bf16 v23, v31;
	v37 =	vld [tilespmem:s0+$0x40];
	v19 =	vadd.bf16 v27, v19  }
0x1c8: {  	s31 =	spop (v2sf);
	v60 =	vld [tilespmem:s0+$0x60]  }
0x1c9: {  	v62 =	vmul.bf16 v48, v25;
	v42 =	vld [tilespmem:s31+$0x7540];
	v19 =	vadd.bf16 v23, v19  }
0x1ca: {  	v63 =	vmul.bf16 v49, v30;
	v46 =	vmul.bf16 v48, v30;
	v30 =	vld [tilespmem:s31+$0x7550]  }
0x1cb: {  	v25 =	vmul.bf16 v49, v25;
	v49 =	vld [tilespmem:s31+$0x7560];
	v61 =	vunpack.i.u.bf16.f32 v19;
	v19 =	vunpack.i.l.bf16.f32 v19  }
0x1cc: {  	v47 =	vmul.bf16 v22, v21;
	v48 =	vmul.bf16 v20, v33;
	v38 =	vld [tilespmem:s31+$0x7530];
	v19 =	vadd.f32 v19, v61  }
0x1cd: {  	v50 =	vmul.bf16 v22, v33;
	v20 =	vmul.bf16 v20, v21;
	v27 =	vld [tilespmem:s0+$0x50]  }
0x1ce: {  	v51 =	vsub.bf16 v25, v46;
	v52 =	vadd.bf16 v48, v47;
	v23 =	vld [tilespmem:s0+$0x70];
	[tilespmem:$0x1E6B0] =	vst v19  }
0x1cf: {  	v20 =	vsub.bf16 v20, v50;
	v19 =	vadd.bf16 v63, v62;
	v25 =	vld [tilespmem:s30+$0x80]  }
0x1d0: {  	v22 =	vmul.bf16 v53, v51;
	v26 =	vmul.bf16 v52, v44;
	v21 =	vld [tilespmem:s30+$0x90]  }
0x1d1: {  	(v2sf) =	vpush v18, $0xB;
	v20 =	vmul.bf16 v56, v20;
	v53 =	vld [tilespmem:s30+$0xA0];
	v19 =	vmul.bf16 v19, v36  }
0x1d2: {  	v33 =	vld [tilespmem:s30+$0xB0]  }
0x1d3: {  	v20 =	vadd.bf16 v20, v26;
	v54 =	vld [tilespmem:s0+$0x80];
	v19 =	vadd.bf16 v22, v19  }
0x1d4: {  	s31 =	spop (v2sf);
	v55 =	vld [tilespmem:s0+$0xA0]  }
0x1d5: {  	v57 =	vmul.bf16 v37, v28;
	v59 =	vld [tilespmem:s31+$0x7540];
	v19 =	vadd.bf16 v20, v19  }
0x1d6: {  	v58 =	vmul.bf16 v60, v29;
	v28 =	vmul.bf16 v60, v28;
	v60 =	vld [tilespmem:s31+$0x7550]  }
0x1d7: {  	v29 =	vmul.bf16 v37, v29;
	v63 =	vld [tilespmem:s31+$0x7560];
	v56 =	vunpack.i.u.bf16.f32 v19;
	v19 =	vunpack.i.l.bf16.f32 v19  }
0x1d8: {  	v61 =	vmul.bf16 v27, v24;
	v62 =	vmul.bf16 v23, v34;
	v36 =	vld [tilespmem:s31+$0x7530];
	v19 =	vadd.f32 v19, v56  }
0x1d9: {  	v23 =	vmul.bf16 v23, v24;
	v34 =	vmul.bf16 v27, v34;
	v22 =	vld [tilespmem:s0+$0x90]  }
0x1da: {  	v46 =	vsub.bf16 v28, v29;
	v47 =	vadd.bf16 v62, v61;
	v20 =	vld [tilespmem:s0+$0xB0];
	[tilespmem:$0x1E6C0] =	vst v19  }
0x1db: {  	v23 =	vsub.bf16 v23, v34;
	v19 =	vadd.bf16 v58, v57;
	v28 =	vld [tilespmem:s30+$0xC0]  }
0x1dc: {  	v27 =	vmul.bf16 v30, v46;
	v29 =	vmul.bf16 v47, v42;
	v24 =	vld [tilespmem:s30+$0xD0]  }
0x1dd: {  	(v2sf) =	vpush v18, $0xC;
	v23 =	vmul.bf16 v49, v23;
	v30 =	vld [tilespmem:s30+$0xE0];
	v19 =	vmul.bf16 v19, v38  }
0x1de: {  	v34 =	vld [tilespmem:s30+$0xF0]  }
0x1df: {  	v23 =	vadd.bf16 v23, v29;
	v37 =	vld [tilespmem:s0+$0xC0];
	v19 =	vadd.bf16 v27, v19  }
0x1e0: {  	s31 =	spop (v2sf);
	v48 =	vld [tilespmem:s0+$0xE0]  }
0x1e1: {  	v50 =	vmul.bf16 v54, v25;
	v42 =	vld [tilespmem:s31+$0x7540];
	v19 =	vadd.bf16 v23, v19  }
0x1e2: {  	v51 =	vmul.bf16 v55, v53;
	v25 =	vmul.bf16 v55, v25;
	v32 =	vld [tilespmem:s31+$0x7550]  }
0x1e3: {  	v52 =	vmul.bf16 v54, v53;
	v55 =	vld [tilespmem:s31+$0x7560];
	v49 =	vunpack.i.u.bf16.f32 v19;
	v19 =	vunpack.i.l.bf16.f32 v19  }
0x1e4: {  	v53 =	vmul.bf16 v22, v21;
	v54 =	vmul.bf16 v20, v33;
	v38 =	vld [tilespmem:s31+$0x7530];
	v19 =	vadd.f32 v19, v49  }
0x1e5: {  	v56 =	vmul.bf16 v22, v33;
	v20 =	vmul.bf16 v20, v21;
	v27 =	vld [tilespmem:s0+$0xD0]  }
0x1e6: {  	v57 =	vsub.bf16 v25, v52;
	v58 =	vadd.bf16 v54, v53;
	v23 =	vld [tilespmem:s0+$0xF0];
	[tilespmem:$0x1E6D0] =	vst v19  }
0x1e7: {  	v20 =	vsub.bf16 v20, v56;
	v19 =	vadd.bf16 v51, v50;
	v25 =	vld [tilespmem:s30+$0x100]  }
0x1e8: {  	v22 =	vmul.bf16 v60, v57;
	v26 =	vmul.bf16 v58, v59;
	v21 =	vld [tilespmem:s30+$0x110]  }
0x1e9: {  	(v2sf) =	vpush v18, $0xD;
	v20 =	vmul.bf16 v63, v20;
	v31 =	vld [tilespmem:s30+$0x120];
	v19 =	vmul.bf16 v19, v36  }
0x1ea: {  	v33 =	vld [tilespmem:s30+$0x130]  }
0x1eb: {  	v20 =	vadd.bf16 v20, v26;
	v59 =	vld [tilespmem:s0+$0x100];
	v19 =	vadd.bf16 v22, v19  }
0x1ec: {  	s31 =	spop (v2sf);
	v60 =	vld [tilespmem:s0+$0x120]  }
0x1ed: {  	v62 =	vmul.bf16 v37, v28;
	v63 =	vmul.bf16 v48, v30;
	v44 =	vld [tilespmem:s31+$0x7540];
	v19 =	vadd.bf16 v20, v19  }
0x1ee: {  	v28 =	vmul.bf16 v48, v28;
	v48 =	vmul.bf16 v37, v30;
	v30 =	vld [tilespmem:s31+$0x7550]  }
0x1ef: {  	v51 =	vld [tilespmem:s31+$0x7560];
	v61 =	vunpack.i.u.bf16.f32 v19;
	v19 =	vunpack.i.l.bf16.f32 v19  }
0x1f0: {  	v49 =	vmul.bf16 v27, v24;
	v50 =	vmul.bf16 v23, v34;
	v36 =	vld [tilespmem:s31+$0x7530];
	v19 =	vadd.f32 v19, v61  }
0x1f1: {  	v52 =	vmul.bf16 v27, v34;
	v23 =	vmul.bf16 v23, v24;
	v22 =	vld [tilespmem:s0+$0x110]  }
0x1f2: {  	v53 =	vsub.bf16 v28, v48;
	v54 =	vadd.bf16 v50, v49;
	v20 =	vld [tilespmem:s0+$0x130];
	[tilespmem:$0x1E6E0] =	vst v19  }
0x1f3: {  	v23 =	vsub.bf16 v23, v52;
	v19 =	vadd.bf16 v63, v62;
	v28 =	vld [tilespmem:s30+$0x140]  }
0x1f4: {  	v27 =	vmul.bf16 v32, v53;
	v29 =	vmul.bf16 v54, v42;
	v24 =	vld [tilespmem:s30+$0x150]  }
0x1f5: {  	v23 =	vmul.bf16 v55, v23;
	v32 =	vld [tilespmem:s30+$0x160];
	v19 =	vmul.bf16 v19, v38  }
0x1f6: {  	v34 =	vld [tilespmem:s30+$0x170]  }
0x1f7: {  	v23 =	vadd.bf16 v23, v29;
	v37 =	vld [tilespmem:s0+$0x140];
	v19 =	vadd.bf16 v27, v19  }
0x1f8: {  	(v2sf) =	vpush v18, $0xE;
	s31 =	spop (v2sf);
	v55 =	vld [tilespmem:s0+$0x160]  }
0x1f9: {  	v40 =	vld [tilespmem:s31+$0x7540];
	v19 =	vadd.bf16 v23, v19  }
0x1fa: {  	v57 =	vmul.bf16 v59, v25;
	v58 =	vmul.bf16 v60, v31;
	v43 =	vld [tilespmem:s31+$0x7550]  }
0x1fb: {  	v59 =	vmul.bf16 v59, v31;
	v31 =	vld [tilespmem:s31+$0x7560];
	v56 =	vunpack.i.u.bf16.f32 v19;
	v19 =	vunpack.i.l.bf16.f32 v19  }
0x1fc: {  	v25 =	vmul.bf16 v60, v25;
	v38 =	vld [tilespmem:s31+$0x7530];
	v19 =	vadd.f32 v19, v56  }
0x1fd: {  	v60 =	vmul.bf16 v22, v21;
	v61 =	vmul.bf16 v20, v33;
	v27 =	vld [tilespmem:s0+$0x150]  }
0x1fe: {  	v62 =	vmul.bf16 v22, v33;
	v23 =	vld [tilespmem:s0+$0x170];
	[tilespmem:$0x1E6F0] =	vst v19;
	v19 =	vmul.bf16 v20, v21  }
0x1ff: {  	v46 =	vadd.bf16 v58, v57;
	v25 =	vsub.bf16 v25, v59  }
0x200: {  	v47 =	vadd.bf16 v61, v60;
	v63 =	vld [tilespmem:s30+$0x180];
	v19 =	vsub.bf16 v19, v62  }
0x201: {  	v25 =	vmul.bf16 v30, v25;
	v22 =	vmul.bf16 v46, v36;
	v26 =	vld [tilespmem:s30+$0x190]  }
0x202: {  	v33 =	vmul.bf16 v47, v44;
	v48 =	vld [tilespmem:s30+$0x1A0];
	v19 =	vmul.bf16 v51, v19  }
0x203: {  	v30 =	vld [tilespmem:s30+$0x1B0]  }
0x204: {  	v22 =	vadd.bf16 v25, v22;
	v49 =	vld [tilespmem:s0+$0x180];
	v19 =	vadd.bf16 v19, v33  }
0x205: {  	(v2sf) =	vpush v18, $0xF;
	v36 =	vld [tilespmem:s0+$0x190]  }
0x206: {  	v50 =	vld [tilespmem:s0+$0x1A0];
	v19 =	vadd.bf16 v19, v22  }
0x207: {  	s31 =	spop (v2sf);
	v18 =	vld [tilespmem:s0+$0x1B0]  }
0x208: {  	v52 =	vld [tilespmem:s31+$0x7550];
	v51 =	vunpack.i.u.bf16.f32 v19;
	v19 =	vunpack.i.l.bf16.f32 v19  }
0x209: {  	v39 =	vld [tilespmem:s31+$0x7560];
	v19 =	vadd.f32 v19, v51  }
0x20a: {  	v53 =	vmul.bf16 v37, v28;
	v54 =	vmul.bf16 v55, v32;
	v33 =	vld [tilespmem:s31+$0x7540]  }
0x20b: {  	v21 =	vmul.bf16 v50, v63;
	v20 =	vmul.bf16 v49, v48;
	v22 =	vld [tilespmem:s31+$0x7530];
	[tilespmem:$0x1E700] =	vst v19  }
0x20c: {  	v56 =	vmul.bf16 v27, v24;
	v58 =	vmul.bf16 v27, v34;
	v29 =	vld [tilespmem:s30+$0x1C0]  }
0x20d: {  	v57 =	vmul.bf16 v23, v34;
	v23 =	vmul.bf16 v23, v24;
	v20 =	vsub.bf16 v21, v20;
	v45 =	vld [tilespmem:s30+$0x1D0]  }
0x20e: {  	v60 =	vmul.bf16 v49, v63;
	v61 =	vmul.bf16 v50, v48;
	v27 =	vld [tilespmem:s30+$0x1E0]  }
0x20f: {  	v59 =	vadd.bf16 v54, v53;
	v54 =	vmul.bf16 v36, v30;
	v20 =	vmul.bf16 v52, v20;
	v46 =	vld [tilespmem:s30+$0x1F0]  }
0x210: {  	v23 =	vsub.bf16 v23, v58;
	v52 =	vmul.bf16 v18, v30;
	v18 =	vmul.bf16 v18, v26;
	v62 =	vld [tilespmem:s0+$0x1C0]  }
0x211: {  	v19 =	vmul.bf16 v55, v28;
	v55 =	vmul.bf16 v37, v32;
	v47 =	vld [tilespmem:s0+$0x1E0]  }
0x212: {  	v23 =	vmul.bf16 v31, v23;
	v48 =	vadd.bf16 v61, v60;
	v49 =	vld [tilespmem:s0+$0x1D0]  }
0x213: {  	v63 =	vmul.bf16 v59, v38;
	v18 =	vsub.bf16 v18, v54;
	v50 =	vld [tilespmem:s0+$0x1F0];
	v19 =	vsub.bf16 v19, v55  }
0x214: {  	s31 =	spop (v2sf);
	v51 =	vmul.bf16 v36, v26;
	v22 =	vmul.bf16 v48, v22  }
0x215: {  	v53 =	vld [tilespmem:s31+$0x7530];
	v18 =	vmul.bf16 v39, v18;
	v19 =	vmul.bf16 v43, v19  }
0x216: {  	v32 =	vadd.bf16 v57, v56;
	v58 =	vld [tilespmem:s31+$0x7550];
	v56 =	vmul.bf16 v62, v29;
	v57 =	vmul.bf16 v47, v27  }
0x217: {  	v59 =	vld [tilespmem:s31+$0x7560];
	v24 =	vmul.bf16 v47, v29;
	v25 =	vmul.bf16 v62, v27  }
0x218: {  	v60 =	vadd.bf16 v52, v51;
	v55 =	vld [tilespmem:s31+$0x7540];
	v61 =	vmul.bf16 v49, v45;
	v62 =	vmul.bf16 v50, v46  }
0x219: {  	v19 =	vadd.bf16 v19, v63;
	v63 =	vmul.bf16 v50, v45;
	v21 =	vmul.bf16 v49, v46  }
0x21a: {  	v32 =	vmul.bf16 v32, v40;
	v28 =	vadd.bf16 v57, v56;
	v24 =	vsub.bf16 v24, v25  }
0x21b: {  	v29 =	vmul.bf16 v60, v33;
	v35 =	vadd.bf16 v62, v61;
	v21 =	vsub.bf16 v63, v21  }
0x21c: {  	v23 =	vadd.bf16 v23, v32;
	v36 =	vmul.bf16 v28, v53;
	v24 =	vmul.bf16 v58, v24  }
0x21d: {  	v20 =	vadd.bf16 v20, v22;
	v37 =	vmul.bf16 v35, v55;
	v21 =	vmul.bf16 v59, v21  }
0x21e: {  	v19 =	vadd.bf16 v23, v19;
	v18 =	vadd.bf16 v18, v29  }
0x21f: {  	v38 =	vadd.bf16 v24, v36;
	v21 =	vadd.bf16 v21, v37  }
0x220: {  	v18 =	vadd.bf16 v18, v20  }
0x221: {  	v39 =	vunpack.i.u.bf16.f32 v19;
	v19 =	vunpack.i.l.bf16.f32 v19;
	v21 =	vadd.bf16 v21, v38  }
0x222: {  	v19 =	vadd.f32 v19, v39;
	v40 =	vunpack.i.u.bf16.f32 v18;
	v18 =	vunpack.i.l.bf16.f32 v18  }
0x223: {  	v18 =	vadd.f32 v18, v40;
	v41 =	vunpack.i.u.bf16.f32 v21;
	v21 =	vunpack.i.l.bf16.f32 v21  }
0x224: {  	[tilespmem:$0x1E710] =	vst v19;
	v19 =	vadd.f32 v21, v41  }
0x225: {  	[tilespmem:$0x1E720] =	vst v18  }
0x226: {  	[tilespmem:$0x1E730] =	vst v19  }
0x227: {  	v18 =	vld.idx.msk [tilespmem:v0+s19+$0x0], $0xffff  }
0x228: {  	v19 =	vld.idx.msk [tilespmem:v1+s19+$0x0], $0xffff  }
0x229: {  	v42 =	vld.idx.msk [tilespmem:v2+s19+$0x0], $0xffff  }
0x22a: {  	v43 =	vld.idx.msk [tilespmem:v3+s19+$0x0], $0xffff  }
0x22b: {  	v44 =	vld.idx.msk [tilespmem:v4+s19+$0x0], $0xffff  }
0x22c: {  	v45 =	vld.idx.msk [tilespmem:v5+s19+$0x0], $0xffff  }
0x22d: {  	v46 =	vld.idx.msk [tilespmem:v6+s19+$0x0], $0xffff  }
0x22e: {  	v47 =	vld.idx.msk [tilespmem:v7+s19+$0x0], $0xffff  }
0x22f: {  	v48 =	vld.idx.msk [tilespmem:v8+s19+$0x0], $0xffff  }
0x230: {  	v49 =	vld.idx.msk [tilespmem:v9+s19+$0x0], $0xffff  }
0x231: {  	v50 =	vld.idx.msk [tilespmem:v10+s19+$0x0], $0xffff  }
0x232: {  	v51 =	vld.idx.msk [tilespmem:v11+s19+$0x0], $0xffff  }
0x233: {  	v52 =	vld.idx.msk [tilespmem:v12+s19+$0x0], $0xffff  }
0x234: {  	v53 =	vld.idx.msk [tilespmem:v13+s19+$0x0], $0xffff  }
0x235: {  	v54 =	vld.idx.msk [tilespmem:v14+s19+$0x0], $0xffff  }
0x236: {  	v55 =	vld.idx.msk [tilespmem:v15+s19+$0x0], $0xffff;
	_ =	sdelay $0x1  }
0x237: {  	v18 =	vadd.f32 v19, v18;
	v19 =	vadd.f32 v43, v42  }
0x238: {  	v56 =	vadd.f32 v45, v44;
	v57 =	vadd.f32 v47, v46  }
0x239: {  	v58 =	vadd.f32 v49, v48;
	v59 =	vadd.f32 v51, v50  }
0x23a: {  	v60 =	vadd.f32 v53, v52;
	v61 =	vadd.f32 v55, v54  }
0x23b: {  	v18 =	vadd.f32 v19, v18;
	v19 =	vadd.f32 v57, v56  }
0x23c: {  	v62 =	vadd.f32 v59, v58;
	v63 =	vadd.f32 v61, v60  }
0x23d: {  	p0 =	sne.s32 s29, $0x100  }
.Ltmp1:
0x23e: {  	v18 =	vadd.f32 v19, v18;
	v19 =	vadd.f32 v63, v62;
	(pc) =	sbr.rel @p0 .LBB2_5-.Ltmp1, $3  }
0x23f: {  	_ = 	snop  }
0x240: {  	v18 =	vadd.f32 v19, v18;
	_ =	sdelay $0x1  }
0x241: {  	s29 =	sadd.s32 $0x40, s29;
	s30 =	sadd.s32 $0x400, s30;
	s0 =	sadd.s32 $0x400, s0;
	[tilespmem:v17+s1+$0x0 ss:$0x1] =	vst.idx.msk $0xffff, v18  }
0x242: {  	s28 =	sadd.s32 $0x1, s28  }
0x243: {  	p0 =	sne.s32 s28, $0x3E  }
.Ltmp2:
0x244: {  	_ = 	snop;
	(pc) =	sbr.rel @p0 .LBB2_2-.Ltmp2, $3  }
0x245: {  	_ =	sdelay $0x1  }
0x246: {  	s26 =	sadd.s32 $0xA0, s26  }
0x247: {  	s23 =	sadd.s32 $0xA0, s23;
	s24 =	sadd.s32 $0xA0, s24;
	s25 =	sadd.s32 $0xA0, s25  }
0x248: {  	_ =	swait.ge [sflag:s18], $0x1400  }
0x249: {  	[sflag:s18] =	ssyncset.done $0x0  }
0x24a: {  	[sflag:s18] =	ssyncadd.s32 $0xFFFFEC00  }
0x24b: {  	_ =	swait.ge [sflag:s18], $0x1400  }
0x24c: {  	s0 =	simm.s32 $0x0;
	[sflag:s18] =	ssyncset.done $0x0  }
0x24d: {  	s23 =	simm.s32 $0x17130;
	s24 =	simm.s32 $0x18530;
	[sflag:s18] =	ssyncadd.s32 $0xFFFFEC00  }
.LBB2_8:
0x24e: {  	s1 =	sshra.s32 s0, $0x2  }
0x24f: {  	v16 =	vld [tilespmem:s1+$0x74E0];
	_ =	sdelay $0x4  }
0x250: {  	v16 =	vshll.u32 v16, $0x8  }
0x251: {  	v17 =	vld [tilespmem:s23+$0xFFFFFE00];
	v16 =	vshra.s32 v16, $0x2  }
0x252: {  	v18 =	vld [tilespmem:s23+$0xFFFFFE10];
	(v2sf) =	vpush v16, $0x0  }
0x253: {  	v19 =	vld [tilespmem:s23+$0xFFFFFE20]  }
0x254: {  	v20 =	vld [tilespmem:s23+$0xFFFFFE30]  }
0x255: {  	v21 =	vld [tilespmem:s24+$0xFFFFFE00]  }
0x256: {  	v22 =	vld [tilespmem:s24+$0xFFFFFE10]  }
0x257: {  	v23 =	vld [tilespmem:s24+$0xFFFFFE20]  }
0x258: {  	v24 =	vld [tilespmem:s24+$0xFFFFFE30]  }
0x259: {  	v29 =	vld [tilespmem:s23+$0xFFFFFE40]  }
0x25a: {  	v30 =	vld [tilespmem:s23+$0xFFFFFE50]  }
0x25b: {  	v31 =	vld [tilespmem:s23+$0xFFFFFE60];
	(v2sf) =	vpush v16, $0x1  }
0x25c: {  	v32 =	vld [tilespmem:s23+$0xFFFFFE70]  }
0x25d: {  	v33 =	vld [tilespmem:s24+$0xFFFFFE40]  }
0x25e: {  	v34 =	vld [tilespmem:s24+$0xFFFFFE50]  }
0x25f: {  	v35 =	vld [tilespmem:s24+$0xFFFFFE60]  }
0x260: {  	v36 =	vld [tilespmem:s24+$0xFFFFFE70]  }
0x261: {  	v51 =	vld [tilespmem:s23+$0xFFFFFE80];
	s12 =	spop (v2sf);
	(v2sf) =	vpush v16, $0x2  }
0x262: {  	v52 =	vld [tilespmem:s23+$0xFFFFFEA0]  }
0x263: {  	v25 =	vld [tilespmem:s12+$0x7530]  }
0x264: {  	v37 =	vmul.bf16 v21, v17;
	v38 =	vmul.bf16 v23, v19;
	v26 =	vld [tilespmem:s12+$0x7540]  }
0x265: {  	v17 =	vmul.bf16 v23, v17;
	v19 =	vmul.bf16 v21, v19;
	v27 =	vld [tilespmem:s12+$0x7550]  }
0x266: {  	v48 =	vmul.bf16 v22, v18;
	v40 =	vmul.bf16 v24, v20;
	v28 =	vld [tilespmem:s12+$0x7560]  }
0x267: {  	v53 =	vld [tilespmem:s24+$0xFFFFFE80];
	v18 =	vmul.bf16 v24, v18;
	v20 =	vmul.bf16 v22, v20  }
0x268: {  	v54 =	vld [tilespmem:s24+$0xFFFFFEA0];
	v50 =	vadd.bf16 v38, v37;
	v17 =	vsub.bf16 v17, v19  }
0x269: {  	v55 =	vld [tilespmem:s24+$0xFFFFFEB0];
	v23 =	vadd.bf16 v40, v48;
	v18 =	vsub.bf16 v18, v20  }
0x26a: {  	v20 =	vld [tilespmem:s23+$0xFFFFFE90];
	s29 =	spop (v2sf);
	v24 =	vmul.bf16 v50, v25;
	v17 =	vmul.bf16 v27, v17  }
0x26b: {  	v39 =	vld [tilespmem:s29+$0x7530];
	v23 =	vmul.bf16 v23, v26;
	v18 =	vmul.bf16 v28, v18  }
0x26c: {  	(v2sf) =	vpush v16, $0x3;
	v47 =	vld [tilespmem:s29+$0x7540]  }
0x26d: {  	v41 =	vld [tilespmem:s29+$0x7550];
	v17 =	vadd.bf16 v17, v24;
	v18 =	vadd.bf16 v18, v23  }
0x26e: {  	v49 =	vld [tilespmem:s29+$0x7560]  }
0x26f: {  	v57 =	vmul.bf16 v33, v29;
	v26 =	vld [tilespmem:s23+$0xFFFFFEB0];
	v17 =	vadd.bf16 v18, v17  }
0x270: {  	v58 =	vmul.bf16 v35, v31;
	v29 =	vmul.bf16 v35, v29;
	v23 =	vld [tilespmem:s24+$0xFFFFFE90];
	s30 =	spop (v2sf)  }
0x271: {  	v31 =	vmul.bf16 v33, v31;
	v56 =	vunpack.i.u.bf16.f32 v17;
	v17 =	vunpack.i.l.bf16.f32 v17;
	v28 =	vld [tilespmem:s30+$0x7530]  }
0x272: {  	v60 =	vmul.bf16 v34, v30;
	v61 =	vmul.bf16 v36, v32;
	v17 =	vadd.f32 v17, v56;
	v42 =	vld [tilespmem:s30+$0x7540]  }
0x273: {  	v30 =	vmul.bf16 v36, v30;
	v32 =	vmul.bf16 v34, v32;
	v59 =	vld [tilespmem:s30+$0x7550]  }
0x274: {  	v29 =	vsub.bf16 v29, v31;
	v62 =	vadd.bf16 v61, v60;
	v43 =	vld [tilespmem:s30+$0x7560];
	[tilespmem:$0x1E640] =	vst v17  }
0x275: {  	v30 =	vsub.bf16 v30, v32;
	v17 =	vadd.bf16 v58, v57;
	v31 =	vld [tilespmem:s23+$0xFFFFFEC0]  }
0x276: {  	v29 =	vmul.bf16 v41, v29;
	v21 =	vmul.bf16 v62, v47;
	v32 =	vld [tilespmem:s23+$0xFFFFFED0]  }
0x277: {  	v22 =	vmul.bf16 v49, v30;
	v35 =	vld [tilespmem:s23+$0xFFFFFEE0];
	v17 =	vmul.bf16 v17, v39  }
0x278: {  	(v2sf) =	vpush v16, $0x4;
	v30 =	vld [tilespmem:s23+$0xFFFFFEF0]  }
0x279: {  	v21 =	vadd.bf16 v22, v21;
	v63 =	vld [tilespmem:s24+$0xFFFFFEC0];
	v17 =	vadd.bf16 v29, v17  }
0x27a: {  	v22 =	vld [tilespmem:s24+$0xFFFFFED0]  }
0x27b: {  	v48 =	vmul.bf16 v54, v52;
	s31 =	spop (v2sf);
	v45 =	vld [tilespmem:s24+$0xFFFFFEE0];
	v17 =	vadd.bf16 v21, v17  }
0x27c: {  	v19 =	vmul.bf16 v54, v51;
	v47 =	vmul.bf16 v53, v51;
	v36 =	vld [tilespmem:s31+$0x7530]  }
0x27d: {  	v49 =	vmul.bf16 v53, v52;
	v40 =	vld [tilespmem:s31+$0x7540];
	v46 =	vunpack.i.u.bf16.f32 v17;
	v17 =	vunpack.i.l.bf16.f32 v17  }
0x27e: {  	v52 =	vmul.bf16 v55, v26;
	v51 =	vmul.bf16 v23, v20;
	v50 =	vld [tilespmem:s31+$0x7550];
	v17 =	vadd.f32 v17, v46  }
0x27f: {  	v18 =	vmul.bf16 v55, v20;
	v54 =	vmul.bf16 v23, v26;
	v53 =	vld [tilespmem:s31+$0x7560]  }
0x280: {  	v19 =	vsub.bf16 v19, v49;
	v56 =	vadd.bf16 v52, v51;
	v21 =	vld [tilespmem:s24+$0xFFFFFEF0];
	[tilespmem:$0x1E650] =	vst v17  }
0x281: {  	v18 =	vsub.bf16 v18, v54;
	v17 =	vadd.bf16 v48, v47;
	v55 =	vld [tilespmem:s23+$0xFFFFFF00]  }
0x282: {  	v19 =	vmul.bf16 v59, v19;
	v24 =	vmul.bf16 v56, v42;
	v20 =	vld [tilespmem:s23+$0xFFFFFF10]  }
0x283: {  	(v2sf) =	vpush v16, $0x5;
	v18 =	vmul.bf16 v43, v18;
	v57 =	vld [tilespmem:s23+$0xFFFFFF20];
	v17 =	vmul.bf16 v17, v28  }
0x284: {  	v27 =	vld [tilespmem:s23+$0xFFFFFF30]  }
0x285: {  	v18 =	vadd.bf16 v18, v24;
	v58 =	vld [tilespmem:s24+$0xFFFFFF00];
	v17 =	vadd.bf16 v19, v17  }
0x286: {  	v59 =	vld [tilespmem:s24+$0xFFFFFF20]  }
0x287: {  	v61 =	vmul.bf16 v63, v31;
	s25 =	spop (v2sf);
	v19 =	vld [tilespmem:s24+$0xFFFFFF10];
	v17 =	vadd.bf16 v18, v17  }
0x288: {  	v62 =	vmul.bf16 v45, v35;
	v29 =	vmul.bf16 v45, v31;
	v33 =	vld [tilespmem:s25+$0x7530]  }
0x289: {  	v63 =	vmul.bf16 v63, v35;
	v42 =	vld [tilespmem:s25+$0x7540];
	v60 =	vunpack.i.u.bf16.f32 v17;
	v17 =	vunpack.i.l.bf16.f32 v17  }
0x28a: {  	v46 =	vmul.bf16 v22, v32;
	v47 =	vmul.bf16 v21, v30;
	v45 =	vld [tilespmem:s25+$0x7550];
	v17 =	vadd.f32 v17, v60  }
0x28b: {  	v22 =	vmul.bf16 v22, v30;
	v21 =	vmul.bf16 v21, v32;
	v48 =	vld [tilespmem:s25+$0x7560]  }
0x28c: {  	v29 =	vsub.bf16 v29, v63;
	v49 =	vadd.bf16 v47, v46;
	v18 =	vld [tilespmem:s24+$0xFFFFFF30];
	[tilespmem:$0x1E660] =	vst v17  }
0x28d: {  	v21 =	vsub.bf16 v21, v22;
	v17 =	vadd.bf16 v62, v61;
	v30 =	vld [tilespmem:s23+$0xFFFFFF40]  }
0x28e: {  	v25 =	vmul.bf16 v50, v29;
	v31 =	vmul.bf16 v49, v40;
	v22 =	vld [tilespmem:s23+$0xFFFFFF50]  }
0x28f: {  	v21 =	vmul.bf16 v53, v21;
	v29 =	vld [tilespmem:s23+$0xFFFFFF60];
	v17 =	vmul.bf16 v17, v36  }
0x290: {  	(v2sf) =	vpush v16, $0x6;
	v32 =	vld [tilespmem:s23+$0xFFFFFF70]  }
0x291: {  	v21 =	vadd.bf16 v21, v31;
	v50 =	vld [tilespmem:s24+$0xFFFFFF40];
	v17 =	vadd.bf16 v25, v17  }
0x292: {  	s26 =	spop (v2sf);
	v51 =	vld [tilespmem:s24+$0xFFFFFF60]  }
0x293: {  	v53 =	vmul.bf16 v58, v55;
	v40 =	vld [tilespmem:s26+$0x7540];
	v17 =	vadd.bf16 v21, v17  }
0x294: {  	v54 =	vmul.bf16 v59, v57;
	v23 =	vmul.bf16 v59, v55;
	v56 =	vld [tilespmem:s26+$0x7550]  }
0x295: {  	v55 =	vmul.bf16 v58, v57;
	v59 =	vld [tilespmem:s26+$0x7560];
	v52 =	vunpack.i.u.bf16.f32 v17;
	v17 =	vunpack.i.l.bf16.f32 v17  }
0x296: {  	v57 =	vmul.bf16 v19, v20;
	v58 =	vmul.bf16 v18, v27;
	v36 =	vld [tilespmem:s26+$0x7530];
	v17 =	vadd.f32 v17, v52  }
0x297: {  	v19 =	vmul.bf16 v19, v27;
	v18 =	vmul.bf16 v18, v20;
	v25 =	vld [tilespmem:s24+$0xFFFFFF50]  }
0x298: {  	v60 =	vsub.bf16 v23, v55;
	v61 =	vadd.bf16 v58, v57;
	v21 =	vld [tilespmem:s24+$0xFFFFFF70];
	[tilespmem:$0x1E670] =	vst v17  }
0x299: {  	v18 =	vsub.bf16 v18, v19;
	v17 =	vadd.bf16 v54, v53;
	v23 =	vld [tilespmem:s23+$0xFFFFFF80]  }
0x29a: {  	v20 =	vmul.bf16 v45, v60;
	v24 =	vmul.bf16 v61, v42;
	v19 =	vld [tilespmem:s23+$0xFFFFFF90]  }
0x29b: {  	(v2sf) =	vpush v16, $0x7;
	v18 =	vmul.bf16 v48, v18;
	v62 =	vld [tilespmem:s23+$0xFFFFFFA0];
	v17 =	vmul.bf16 v17, v33  }
0x29c: {  	v28 =	vld [tilespmem:s23+$0xFFFFFFB0]  }
0x29d: {  	v18 =	vadd.bf16 v18, v24;
	v63 =	vld [tilespmem:s24+$0xFFFFFF80];
	v17 =	vadd.bf16 v20, v17  }
0x29e: {  	v45 =	vld [tilespmem:s24+$0xFFFFFFA0]  }
0x29f: {  	v48 =	vmul.bf16 v50, v30;
	s28 =	spop (v2sf);
	v46 =	vld [tilespmem:s24+$0xFFFFFFB0];
	v17 =	vadd.bf16 v18, v17  }
0x2a0: {  	v49 =	vmul.bf16 v51, v29;
	v30 =	vmul.bf16 v51, v30;
	v34 =	vld [tilespmem:s28+$0x7530]  }
0x2a1: {  	v29 =	vmul.bf16 v50, v29;
	v42 =	vld [tilespmem:s28+$0x7540];
	v47 =	vunpack.i.u.bf16.f32 v17;
	v17 =	vunpack.i.l.bf16.f32 v17  }
0x2a2: {  	v50 =	vmul.bf16 v25, v22;
	v51 =	vmul.bf16 v21, v32;
	v31 =	vld [tilespmem:s28+$0x7550];
	v17 =	vadd.f32 v17, v47  }
0x2a3: {  	v21 =	vmul.bf16 v21, v22;
	v53 =	vmul.bf16 v25, v32;
	v52 =	vld [tilespmem:s28+$0x7560]  }
0x2a4: {  	v54 =	vsub.bf16 v30, v29;
	v55 =	vadd.bf16 v51, v50;
	v20 =	vld [tilespmem:s24+$0xFFFFFF90];
	[tilespmem:$0x1E680] =	vst v17  }
0x2a5: {  	v21 =	vsub.bf16 v21, v53;
	v17 =	vadd.bf16 v49, v48;
	v29 =	vld [tilespmem:s23+$0xFFFFFFC0]  }
0x2a6: {  	v25 =	vmul.bf16 v56, v54;
	v30 =	vmul.bf16 v55, v40;
	v22 =	vld [tilespmem:s23+$0xFFFFFFD0]  }
0x2a7: {  	(v2sf) =	vpush v16, $0x8;
	v21 =	vmul.bf16 v59, v21;
	v26 =	vld [tilespmem:s23+$0xFFFFFFE0];
	v17 =	vmul.bf16 v17, v36  }
0x2a8: {  	v32 =	vld [tilespmem:s23+$0xFFFFFFF0]  }
0x2a9: {  	v21 =	vadd.bf16 v21, v30;
	v56 =	vld [tilespmem:s24+$0xFFFFFFC0];
	v17 =	vadd.bf16 v25, v17  }
0x2aa: {  	s29 =	spop (v2sf);
	v57 =	vld [tilespmem:s24+$0xFFFFFFE0]  }
0x2ab: {  	v59 =	vmul.bf16 v63, v23;
	v40 =	vld [tilespmem:s29+$0x7540];
	v17 =	vadd.bf16 v21, v17  }
0x2ac: {  	v60 =	vmul.bf16 v45, v62;
	v61 =	vmul.bf16 v63, v62;
	v62 =	vld [tilespmem:s29+$0x7550]  }
0x2ad: {  	v23 =	vmul.bf16 v45, v23;
	v45 =	vld [tilespmem:s29+$0x7560];
	v58 =	vunpack.i.u.bf16.f32 v17;
	v17 =	vunpack.i.l.bf16.f32 v17  }
0x2ae: {  	v44 =	vmul.bf16 v46, v28;
	v63 =	vmul.bf16 v20, v19;
	v36 =	vld [tilespmem:s29+$0x7530];
	v17 =	vadd.f32 v17, v58  }
0x2af: {  	v18 =	vmul.bf16 v46, v19;
	v46 =	vmul.bf16 v20, v28;
	v25 =	vld [tilespmem:s24+$0xFFFFFFD0]  }
0x2b0: {  	v47 =	vsub.bf16 v23, v61;
	v49 =	vadd.bf16 v44, v63;
	v21 =	vld [tilespmem:s24+$0xFFFFFFF0];
	[tilespmem:$0x1E690] =	vst v17  }
0x2b1: {  	v18 =	vsub.bf16 v18, v46;
	v17 =	vadd.bf16 v60, v59;
	v48 =	vld [tilespmem:s23+$0x0]  }
0x2b2: {  	v20 =	vmul.bf16 v31, v47;
	v24 =	vmul.bf16 v49, v42;
	v19 =	vld [tilespmem:s23+$0x10]  }
0x2b3: {  	(v2sf) =	vpush v16, $0x9;
	v18 =	vmul.bf16 v52, v18;
	v50 =	vld [tilespmem:s23+$0x20];
	v17 =	vmul.bf16 v17, v34  }
0x2b4: {  	v31 =	vld [tilespmem:s23+$0x30]  }
0x2b5: {  	v18 =	vadd.bf16 v18, v24;
	v51 =	vld [tilespmem:s24+$0x0];
	v17 =	vadd.bf16 v20, v17  }
0x2b6: {  	s30 =	spop (v2sf);
	v52 =	vld [tilespmem:s24+$0x20]  }
0x2b7: {  	v54 =	vmul.bf16 v56, v29;
	v42 =	vld [tilespmem:s30+$0x7540];
	v17 =	vadd.bf16 v18, v17  }
0x2b8: {  	v55 =	vmul.bf16 v57, v26;
	v29 =	vmul.bf16 v57, v29;
	v30 =	vld [tilespmem:s30+$0x7550]  }
0x2b9: {  	v26 =	vmul.bf16 v56, v26;
	v58 =	vld [tilespmem:s30+$0x7560];
	v53 =	vunpack.i.u.bf16.f32 v17;
	v17 =	vunpack.i.l.bf16.f32 v17  }
0x2ba: {  	v56 =	vmul.bf16 v25, v22;
	v57 =	vmul.bf16 v21, v32;
	v34 =	vld [tilespmem:s30+$0x7530];
	v17 =	vadd.f32 v17, v53  }
0x2bb: {  	v21 =	vmul.bf16 v21, v22;
	v59 =	vmul.bf16 v25, v32;
	v20 =	vld [tilespmem:s24+$0x10]  }
0x2bc: {  	v60 =	vsub.bf16 v29, v26;
	v61 =	vadd.bf16 v57, v56;
	v18 =	vld [tilespmem:s24+$0x30];
	[tilespmem:$0x1E6A0] =	vst v17  }
0x2bd: {  	v21 =	vsub.bf16 v21, v59;
	v17 =	vadd.bf16 v55, v54;
	v26 =	vld [tilespmem:s23+$0x40]  }
0x2be: {  	v25 =	vmul.bf16 v62, v60;
	v29 =	vmul.bf16 v61, v40;
	v22 =	vld [tilespmem:s23+$0x50]  }
0x2bf: {  	(v2sf) =	vpush v16, $0xA;
	v21 =	vmul.bf16 v45, v21;
	v27 =	vld [tilespmem:s23+$0x60];
	v17 =	vmul.bf16 v17, v36  }
0x2c0: {  	v32 =	vld [tilespmem:s23+$0x70]  }
0x2c1: {  	v21 =	vadd.bf16 v21, v29;
	v62 =	vld [tilespmem:s24+$0x40];
	v17 =	vadd.bf16 v25, v17  }
0x2c2: {  	s31 =	spop (v2sf);
	v63 =	vld [tilespmem:s24+$0x60]  }
0x2c3: {  	v46 =	vmul.bf16 v51, v48;
	v40 =	vld [tilespmem:s31+$0x7540];
	v17 =	vadd.bf16 v21, v17  }
0x2c4: {  	v47 =	vmul.bf16 v52, v50;
	v23 =	vmul.bf16 v52, v48;
	v49 =	vld [tilespmem:s31+$0x7550]  }
0x2c5: {  	v48 =	vmul.bf16 v51, v50;
	v52 =	vld [tilespmem:s31+$0x7560];
	v45 =	vunpack.i.u.bf16.f32 v17;
	v17 =	vunpack.i.l.bf16.f32 v17  }
0x2c6: {  	v50 =	vmul.bf16 v20, v19;
	v51 =	vmul.bf16 v18, v31;
	v36 =	vld [tilespmem:s31+$0x7530];
	v17 =	vadd.f32 v17, v45  }
0x2c7: {  	v53 =	vmul.bf16 v20, v31;
	v18 =	vmul.bf16 v18, v19;
	v25 =	vld [tilespmem:s24+$0x50]  }
0x2c8: {  	v54 =	vsub.bf16 v23, v48;
	v55 =	vadd.bf16 v51, v50;
	v21 =	vld [tilespmem:s24+$0x70];
	[tilespmem:$0x1E6B0] =	vst v17  }
0x2c9: {  	v18 =	vsub.bf16 v18, v53;
	v17 =	vadd.bf16 v47, v46;
	v23 =	vld [tilespmem:s23+$0x80]  }
0x2ca: {  	v20 =	vmul.bf16 v30, v54;
	v24 =	vmul.bf16 v55, v42;
	v19 =	vld [tilespmem:s23+$0x90]  }
0x2cb: {  	(v2sf) =	vpush v16, $0xB;
	v18 =	vmul.bf16 v58, v18;
	v56 =	vld [tilespmem:s23+$0xA0];
	v17 =	vmul.bf16 v17, v34  }
0x2cc: {  	v31 =	vld [tilespmem:s23+$0xB0]  }
0x2cd: {  	v18 =	vadd.bf16 v18, v24;
	v57 =	vld [tilespmem:s24+$0x80];
	v17 =	vadd.bf16 v20, v17  }
0x2ce: {  	s25 =	spop (v2sf);
	v58 =	vld [tilespmem:s24+$0xA0]  }
0x2cf: {  	v60 =	vmul.bf16 v62, v26;
	v42 =	vld [tilespmem:s25+$0x7540];
	v17 =	vadd.bf16 v18, v17  }
0x2d0: {  	v61 =	vmul.bf16 v63, v27;
	v26 =	vmul.bf16 v63, v26;
	v29 =	vld [tilespmem:s25+$0x7550]  }
0x2d1: {  	v27 =	vmul.bf16 v62, v27;
	v45 =	vld [tilespmem:s25+$0x7560];
	v59 =	vunpack.i.u.bf16.f32 v17;
	v17 =	vunpack.i.l.bf16.f32 v17  }
0x2d2: {  	v62 =	vmul.bf16 v25, v22;
	v63 =	vmul.bf16 v21, v32;
	v34 =	vld [tilespmem:s25+$0x7530];
	v17 =	vadd.f32 v17, v59  }
0x2d3: {  	v21 =	vmul.bf16 v21, v22;
	v46 =	vmul.bf16 v25, v32;
	v20 =	vld [tilespmem:s24+$0x90]  }
0x2d4: {  	v47 =	vsub.bf16 v26, v27;
	v48 =	vadd.bf16 v63, v62;
	v18 =	vld [tilespmem:s24+$0xB0];
	[tilespmem:$0x1E6C0] =	vst v17  }
0x2d5: {  	v21 =	vsub.bf16 v21, v46;
	v17 =	vadd.bf16 v61, v60;
	v26 =	vld [tilespmem:s23+$0xC0]  }
0x2d6: {  	v25 =	vmul.bf16 v49, v47;
	v27 =	vmul.bf16 v48, v40;
	v22 =	vld [tilespmem:s23+$0xD0]  }
0x2d7: {  	(v2sf) =	vpush v16, $0xC;
	v21 =	vmul.bf16 v52, v21;
	v49 =	vld [tilespmem:s23+$0xE0];
	v17 =	vmul.bf16 v17, v36  }
0x2d8: {  	v32 =	vld [tilespmem:s23+$0xF0]  }
0x2d9: {  	v21 =	vadd.bf16 v21, v27;
	v50 =	vld [tilespmem:s24+$0xC0];
	v17 =	vadd.bf16 v25, v17  }
0x2da: {  	s26 =	spop (v2sf);
	v51 =	vld [tilespmem:s24+$0xE0]  }
0x2db: {  	v53 =	vmul.bf16 v57, v23;
	v40 =	vld [tilespmem:s26+$0x7540];
	v17 =	vadd.bf16 v21, v17  }
0x2dc: {  	v54 =	vmul.bf16 v58, v56;
	v55 =	vmul.bf16 v57, v56;
	v56 =	vld [tilespmem:s26+$0x7550]  }
0x2dd: {  	v23 =	vmul.bf16 v58, v23;
	v59 =	vld [tilespmem:s26+$0x7560];
	v52 =	vunpack.i.u.bf16.f32 v17;
	v17 =	vunpack.i.l.bf16.f32 v17  }
0x2de: {  	v57 =	vmul.bf16 v20, v19;
	v58 =	vmul.bf16 v18, v31;
	v36 =	vld [tilespmem:s26+$0x7530];
	v17 =	vadd.f32 v17, v52  }
0x2df: {  	v18 =	vmul.bf16 v18, v19;
	v60 =	vmul.bf16 v20, v31;
	v25 =	vld [tilespmem:s24+$0xD0]  }
0x2e0: {  	v61 =	vsub.bf16 v23, v55;
	v62 =	vadd.bf16 v58, v57;
	v21 =	vld [tilespmem:s24+$0xF0];
	[tilespmem:$0x1E6D0] =	vst v17  }
0x2e1: {  	v18 =	vsub.bf16 v18, v60;
	v17 =	vadd.bf16 v54, v53;
	v23 =	vld [tilespmem:s23+$0x100]  }
0x2e2: {  	v20 =	vmul.bf16 v29, v61;
	v24 =	vmul.bf16 v62, v42;
	v19 =	vld [tilespmem:s23+$0x110]  }
0x2e3: {  	v18 =	vmul.bf16 v45, v18;
	v29 =	vld [tilespmem:s23+$0x120];
	v17 =	vmul.bf16 v17, v34  }
0x2e4: {  	(v2sf) =	vpush v16, $0xD;
	v31 =	vld [tilespmem:s23+$0x130]  }
0x2e5: {  	v18 =	vadd.bf16 v18, v24;
	v63 =	vld [tilespmem:s24+$0x100];
	v17 =	vadd.bf16 v20, v17  }
0x2e6: {  	s28 =	spop (v2sf);
	v45 =	vld [tilespmem:s24+$0x120]  }
0x2e7: {  	v47 =	vmul.bf16 v50, v26;
	v42 =	vld [tilespmem:s28+$0x7540];
	v17 =	vadd.bf16 v18, v17  }
0x2e8: {  	v48 =	vmul.bf16 v51, v49;
	v26 =	vmul.bf16 v51, v26;
	v28 =	vld [tilespmem:s28+$0x7550]  }
0x2e9: {  	v49 =	vmul.bf16 v50, v49;
	v52 =	vld [tilespmem:s28+$0x7560];
	v46 =	vunpack.i.u.bf16.f32 v17;
	v17 =	vunpack.i.l.bf16.f32 v17  }
0x2ea: {  	v50 =	vmul.bf16 v25, v22;
	v51 =	vmul.bf16 v21, v32;
	v34 =	vld [tilespmem:s28+$0x7530];
	v17 =	vadd.f32 v17, v46  }
0x2eb: {  	v21 =	vmul.bf16 v21, v22;
	v53 =	vmul.bf16 v25, v32;
	v20 =	vld [tilespmem:s24+$0x110]  }
0x2ec: {  	v54 =	vsub.bf16 v26, v49;
	v55 =	vadd.bf16 v51, v50;
	v18 =	vld [tilespmem:s24+$0x130];
	[tilespmem:$0x1E6E0] =	vst v17  }
0x2ed: {  	v21 =	vsub.bf16 v21, v53;
	v17 =	vadd.bf16 v48, v47;
	v26 =	vld [tilespmem:s23+$0x140]  }
0x2ee: {  	v25 =	vmul.bf16 v56, v54;
	v27 =	vmul.bf16 v55, v40;
	v22 =	vld [tilespmem:s23+$0x150]  }
0x2ef: {  	v21 =	vmul.bf16 v59, v21;
	v56 =	vld [tilespmem:s23+$0x160];
	v17 =	vmul.bf16 v17, v36  }
0x2f0: {  	v32 =	vld [tilespmem:s23+$0x170]  }
0x2f1: {  	v21 =	vadd.bf16 v21, v27;
	v57 =	vld [tilespmem:s24+$0x140];
	v17 =	vadd.bf16 v25, v17  }
0x2f2: {  	(v2sf) =	vpush v16, $0xE;
	v58 =	vld [tilespmem:s24+$0x160]  }
0x2f3: {  	s29 =	spop (v2sf);
	v59 =	vld [tilespmem:s24+$0x170];
	v17 =	vadd.bf16 v21, v17  }
0x2f4: {  	v61 =	vmul.bf16 v63, v23;
	v38 =	vld [tilespmem:s29+$0x7540]  }
0x2f5: {  	v62 =	vmul.bf16 v45, v29;
	v41 =	vld [tilespmem:s29+$0x7550];
	v60 =	vunpack.i.u.bf16.f32 v17;
	v17 =	vunpack.i.l.bf16.f32 v17  }
0x2f6: {  	v23 =	vmul.bf16 v45, v23;
	v63 =	vmul.bf16 v63, v29;
	v29 =	vld [tilespmem:s29+$0x7560];
	v17 =	vadd.f32 v17, v60  }
0x2f7: {  	v44 =	vmul.bf16 v20, v19;
	v46 =	vmul.bf16 v20, v31;
	v36 =	vld [tilespmem:s29+$0x7530]  }
0x2f8: {  	v45 =	vmul.bf16 v18, v31;
	v25 =	vld [tilespmem:s24+$0x150];
	[tilespmem:$0x1E6F0] =	vst v17;
	v17 =	vmul.bf16 v18, v19  }
0x2f9: {  	v23 =	vsub.bf16 v23, v63;
	v47 =	vadd.bf16 v62, v61  }
0x2fa: {  	v48 =	vadd.bf16 v45, v44;
	v19 =	vld [tilespmem:s23+$0x180];
	v17 =	vsub.bf16 v17, v46  }
0x2fb: {  	v23 =	vmul.bf16 v28, v23;
	v20 =	vmul.bf16 v47, v34;
	v24 =	vld [tilespmem:s23+$0x190]  }
0x2fc: {  	v31 =	vmul.bf16 v48, v42;
	v49 =	vld [tilespmem:s23+$0x1A0];
	v17 =	vmul.bf16 v52, v17  }
0x2fd: {  	v28 =	vld [tilespmem:s23+$0x1B0]  }
0x2fe: {  	v20 =	vadd.bf16 v23, v20;
	v50 =	vld [tilespmem:s24+$0x180];
	v17 =	vadd.bf16 v17, v31  }
0x2ff: {  	(v2sf) =	vpush v16, $0xF;
	v34 =	vld [tilespmem:s24+$0x190]  }
0x300: {  	v51 =	vld [tilespmem:s24+$0x1A0];
	v17 =	vadd.bf16 v17, v20  }
0x301: {  	s30 =	spop (v2sf);
	v16 =	vld [tilespmem:s24+$0x1B0]  }
0x302: {  	v53 =	vld [tilespmem:s30+$0x7550];
	v52 =	vunpack.i.u.bf16.f32 v17;
	v17 =	vunpack.i.l.bf16.f32 v17  }
0x303: {  	v54 =	vmul.bf16 v57, v26;
	v37 =	vld [tilespmem:s30+$0x7560];
	v17 =	vadd.f32 v17, v52  }
0x304: {  	v55 =	vmul.bf16 v58, v56;
	v31 =	vld [tilespmem:s30+$0x7540];
	v62 =	vmul.bf16 v50, v19  }
0x305: {  	v19 =	vmul.bf16 v51, v19;
	v18 =	vmul.bf16 v50, v49;
	v20 =	vld [tilespmem:s30+$0x7530];
	[tilespmem:$0x1E700] =	vst v17  }
0x306: {  	v56 =	vmul.bf16 v57, v56;
	v61 =	vadd.bf16 v55, v54;
	v27 =	vld [tilespmem:s23+$0x1C0]  }
0x307: {  	v21 =	vmul.bf16 v59, v22;
	v57 =	vmul.bf16 v25, v22;
	v18 =	vsub.bf16 v19, v18;
	v43 =	vld [tilespmem:s23+$0x1D0]  }
0x308: {  	v47 =	vmul.bf16 v61, v36;
	v63 =	vmul.bf16 v51, v49;
	v60 =	vld [tilespmem:s23+$0x1E0]  }
0x309: {  	v55 =	vmul.bf16 v34, v28;
	v18 =	vmul.bf16 v53, v18;
	v44 =	vld [tilespmem:s23+$0x1F0]  }
0x30a: {  	v53 =	vmul.bf16 v16, v28;
	v16 =	vmul.bf16 v16, v24;
	v46 =	vld [tilespmem:s24+$0x1C0]  }
0x30b: {  	v17 =	vmul.bf16 v58, v26;
	v58 =	vmul.bf16 v59, v32;
	v48 =	vld [tilespmem:s24+$0x1E0]  }
0x30c: {  	v49 =	vadd.bf16 v63, v62;
	v52 =	vmul.bf16 v34, v24;
	v16 =	vsub.bf16 v16, v55;
	v50 =	vld [tilespmem:s24+$0x1D0]  }
0x30d: {  	v59 =	vmul.bf16 v25, v32;
	v51 =	vld [tilespmem:s24+$0x1F0];
	v17 =	vsub.bf16 v17, v56;
	v30 =	vadd.bf16 v58, v57  }
0x30e: {  	s31 =	spop (v2sf);
	v20 =	vmul.bf16 v49, v20;
	v16 =	vmul.bf16 v37, v16  }
0x30f: {  	v54 =	vld [tilespmem:s31+$0x7530];
	v17 =	vmul.bf16 v41, v17;
	v30 =	vmul.bf16 v30, v38  }
0x310: {  	v56 =	vld [tilespmem:s31+$0x7540];
	v57 =	vmul.bf16 v46, v27;
	v58 =	vmul.bf16 v48, v60  }
0x311: {  	v21 =	vsub.bf16 v21, v59;
	v59 =	vld [tilespmem:s31+$0x7550];
	v22 =	vmul.bf16 v48, v27;
	v23 =	vmul.bf16 v46, v60  }
0x312: {  	v61 =	vadd.bf16 v53, v52;
	v60 =	vld [tilespmem:s31+$0x7560];
	v62 =	vmul.bf16 v50, v43;
	v63 =	vmul.bf16 v51, v44  }
0x313: {  	v17 =	vadd.bf16 v17, v47;
	v33 =	vmul.bf16 v51, v43;
	v19 =	vmul.bf16 v50, v44  }
0x314: {  	v21 =	vmul.bf16 v29, v21;
	v26 =	vadd.bf16 v58, v57;
	v22 =	vsub.bf16 v22, v23  }
0x315: {  	v27 =	vmul.bf16 v61, v31;
	v34 =	vadd.bf16 v63, v62;
	v19 =	vsub.bf16 v33, v19  }
0x316: {  	v21 =	vadd.bf16 v21, v30;
	v35 =	vmul.bf16 v26, v54;
	v22 =	vmul.bf16 v59, v22  }
0x317: {  	v18 =	vadd.bf16 v18, v20;
	v37 =	vmul.bf16 v34, v56;
	v19 =	vmul.bf16 v60, v19  }
0x318: {  	v17 =	vadd.bf16 v21, v17;
	v16 =	vadd.bf16 v16, v27  }
0x319: {  	v38 =	vadd.bf16 v22, v35;
	v19 =	vadd.bf16 v19, v37  }
0x31a: {  	v16 =	vadd.bf16 v16, v18  }
0x31b: {  	v39 =	vunpack.i.u.bf16.f32 v17;
	v17 =	vunpack.i.l.bf16.f32 v17;
	v19 =	vadd.bf16 v19, v38  }
0x31c: {  	v17 =	vadd.f32 v17, v39;
	v40 =	vunpack.i.u.bf16.f32 v16;
	v16 =	vunpack.i.l.bf16.f32 v16  }
0x31d: {  	v16 =	vadd.f32 v16, v40;
	v41 =	vunpack.i.u.bf16.f32 v19;
	v19 =	vunpack.i.l.bf16.f32 v19  }
0x31e: {  	[tilespmem:$0x1E710] =	vst v17;
	v17 =	vadd.f32 v19, v41  }
0x31f: {  	[tilespmem:$0x1E720] =	vst v16  }
0x320: {  	[tilespmem:$0x1E730] =	vst v17  }
0x321: {  	v16 =	vld.idx.msk [tilespmem:v0+s19+$0x0], $0xffff  }
0x322: {  	v17 =	vld.idx.msk [tilespmem:v1+s19+$0x0], $0xffff  }
0x323: {  	v42 =	vld.idx.msk [tilespmem:v2+s19+$0x0], $0xffff  }
0x324: {  	v43 =	vld.idx.msk [tilespmem:v3+s19+$0x0], $0xffff  }
0x325: {  	v44 =	vld.idx.msk [tilespmem:v4+s19+$0x0], $0xffff  }
0x326: {  	v45 =	vld.idx.msk [tilespmem:v5+s19+$0x0], $0xffff  }
0x327: {  	v46 =	vld.idx.msk [tilespmem:v6+s19+$0x0], $0xffff  }
0x328: {  	v47 =	vld.idx.msk [tilespmem:v7+s19+$0x0], $0xffff  }
0x329: {  	v48 =	vld.idx.msk [tilespmem:v8+s19+$0x0], $0xffff  }
0x32a: {  	v49 =	vld.idx.msk [tilespmem:v9+s19+$0x0], $0xffff  }
0x32b: {  	v50 =	vld.idx.msk [tilespmem:v10+s19+$0x0], $0xffff  }
0x32c: {  	v51 =	vld.idx.msk [tilespmem:v11+s19+$0x0], $0xffff  }
0x32d: {  	v52 =	vld.idx.msk [tilespmem:v12+s19+$0x0], $0xffff  }
0x32e: {  	v53 =	vld.idx.msk [tilespmem:v13+s19+$0x0], $0xffff  }
0x32f: {  	v54 =	vld.idx.msk [tilespmem:v14+s19+$0x0], $0xffff  }
0x330: {  	v55 =	vld.idx.msk [tilespmem:v15+s19+$0x0], $0xffff;
	_ =	sdelay $0x1  }
0x331: {  	v16 =	vadd.f32 v17, v16;
	v17 =	vadd.f32 v43, v42  }
0x332: {  	v56 =	vadd.f32 v45, v44;
	v57 =	vadd.f32 v47, v46  }
0x333: {  	v58 =	vadd.f32 v49, v48;
	v59 =	vadd.f32 v51, v50  }
0x334: {  	v60 =	vadd.f32 v53, v52;
	v61 =	vadd.f32 v55, v54  }
0x335: {  	v16 =	vadd.f32 v17, v16;
	v17 =	vadd.f32 v57, v56  }
0x336: {  	v62 =	vadd.f32 v59, v58;
	v63 =	vadd.f32 v61, v60  }
0x337: {  	p0 =	sne.s32 s0, $0x100  }
.Ltmp3:
0x338: {  	v16 =	vadd.f32 v17, v16;
	v17 =	vadd.f32 v63, v62;
	(pc) =	sbr.rel @p0 .LBB2_8-.Ltmp3, $3  }
0x339: {  	_ = 	snop  }
0x33a: {  	v16 =	vadd.f32 v17, v16;
	_ =	sdelay $0x1  }
0x33b: {  	s0 =	sadd.s32 $0x40, s0;
	s23 =	sadd.s32 $0x400, s23;
	s24 =	sadd.s32 $0x400, s24;
	[tilespmem:s1+$0x1E5F0] =	vst v16  }
0x33c: {  	s22 =	sadd.s32 $0x1, s22  }
0x33d: {  	p0 =	sne.s32 s22, s9  }
.Ltmp4:
0x33e: {  	_ = 	snop;
	(pc) =	sbr.rel @p0 .LBB2_1-.Ltmp4, $4  }
0x33f: {  	[hbm4b:s8+s2] =	stream.linear.scatter [tilespmem:s21], [sflag:$0x3], $0x2710, $0x38;
	[tilespmem:$0x1E740] =	vst v63  }
0x340: {  	_ =	swait.ge [sflag:s10], $0x2710  }
0x341: {  	[sflag:s10] =	ssyncset.done $0x0  }
0x342: {  	[sflag:s10] =	ssyncadd.s32 $0xFFFFD8F0  }
0x343: {  	_ =	sfence.sel $0x180000  }
0x344: {  	[bflag:$0x0] =	sbarrier.arrive $0xFFFF  }
0x345: {  	_ =	strace $0x90000047  }
0x346: {  	s0 =	stileid.u32;
	[bflag:$0x2] =	sbarrier.arrive $0xFFFF  }
0x347: {  	p0 =	sne.s32 s0, $0x0;
	s0 =	rddreg [dreg:$0x5]  }
0x348: {  	s0 =	sadd.s32 @!p0 $0x100000, s0  }
0x349: {  	[sflag:s0] =	ssyncadd.tile.s32 @!p0 $0x1;
	_ =	shalt  }
.Lfunc_end2:
_tile_overlayer_lowered:
.L_overlay_start_2:
0x34a: {  	(tag) =	ssettag $0x2  }
0x34b: {  	s0 =	rddreg [dreg:$0x0];
	s2 =	stileid.u32  }
0x34c: {  	s1 =	rddreg [dreg:$0x1];
	p0 =	sne.s32 s2, $0x0  }
0x34d: {  	s3 =	rddreg [dreg:$0x2];
	[bflag:$0x3] =	sbarrier.arrive $0xFFFF;
	s2 =	simm.s32 @!p0 $0x1C03  }
0x34e: {  	[timem:s3], [sflag:s2] =	dma.local @!p0 [hbm:s0], s1  }
0x34f: {  	s0 =	simm.s32 @!p0 $0x3  }
0x350: {  	_ =	swait.ge @!p0 [sflag:s0], s1  }
0x351: {  	s1 =	ssub.s32 @!p0 $0x0, s1;
	[sflag:s0] =	ssyncset.done @!p0 $0x0  }
0x352: {  	[sflag:s0] =	ssyncadd.s32 @!p0 s1  }
0x353: {  	[bflag:$0x3] =	sbarrier.arrive $0xFFFF  }
0x354: {  	_ =	shalt  }

</sc_bundles>
